<compile_context>
chip_gen: v7x
topology: tpu7x:2x2x1
jax: 0.10.2.dev20260603
libtpu: 0.0.44.dev20260713+nightly
codegen_flags: <defaults>
</compile_context>

<pallas_src>
import jax
import jax.numpy as jnp
from jax.experimental import pallas as pl
from jax.experimental.pallas import tpu as pltpu

V, D, H, E = 25, 64, 128, 48
BB = 256


def _graph_kernel(edge_ref, h_ref, xy_ref, wecat_ref, w2e_ref,
                  b2e_ref, w1n_ref, b1n_ref, w2n_ref, b2n_ref, gb_ref,
                  out_ref, pq_ref, agg_ref, cnt_ref):
    for v in range(V):
        cnt_ref[v] = 0.0
    for e in range(E):
        d = edge_ref[e, 0]
        cnt_ref[d] = cnt_ref[d] + 1.0

    wecat = wecat_ref[...]
    ones_col = jnp.ones((h_ref.shape[1], 1), jnp.float32)
    for v in range(V):
        hx = jnp.concatenate([h_ref[v], xy_ref[v], ones_col], axis=1)
        pq_ref[v] = jnp.dot(hx, wecat, preferred_element_type=jnp.float32)

    agg_ref[...] = jnp.zeros_like(agg_ref)

    w2e = w2e_ref[...]
    for e in range(E):
        d = edge_ref[e, 0]
        s = edge_ref[e, 1]
        hid = jnp.maximum(pq_ref[d, :, :H] + pq_ref[s, :, H:], 0.0)
        msg = jnp.dot(hid, w2e, preferred_element_type=jnp.float32)
        agg_ref[d] = agg_ref[d] + msg

    w1n = w1n_ref[...]
    b1n = b1n_ref[...]
    w2n = w2n_ref[...]
    b2n = b2n_ref[...]
    b2e = b2e_ref[...]
    gamma = gb_ref[0:1, :]
    beta = gb_ref[1:2, :]
    jmat = jnp.full((D, D), 1.0 / D, jnp.float32)
    for v in range(V):
        hv = h_ref[v]
        c = cnt_ref[v]
        recip = 1.0 / jnp.maximum(c, 1.0)
        has_nb = jnp.where(c > 0.0, 1.0, 0.0)
        aggv = agg_ref[v] * recip + b2e
        hid = jnp.maximum(
            jnp.dot(jnp.concatenate([hv, aggv], axis=1), w1n,
                    preferred_element_type=jnp.float32) + b1n, 0.0)
        delta = jnp.dot(hid, w2n, preferred_element_type=jnp.float32) + b2n
        x = hv + delta * has_nb
        mean_b = jnp.dot(x, jmat, preferred_element_type=jnp.float32)
        m2_b = jnp.dot(x * x, jmat, preferred_element_type=jnp.float32)
        var_b = m2_b - mean_b * mean_b
        out_ref[v] = ((x - mean_b) * jax.lax.rsqrt(var_b + 1e-5) * gamma
                      + beta)


def kernel(h, xy, joint_mask, edge_index, W1e, b1e, W2e, b2e,
           W1n, b1n, W2n, b2n, gamma, beta, interpret=False):
    del joint_mask
    B = h.shape[0]
    Wt = W1e[:D]
    Ws = W1e[D:2 * D]
    Wr = W1e[2 * D:]
    wecat = jnp.concatenate(
        [jnp.concatenate([Wt, -Wr, b1e.reshape(1, H)], axis=0),
         jnp.concatenate([Ws, Wr, jnp.zeros((1, H), jnp.float32)], axis=0)],
        axis=1)
    gb = jnp.stack([gamma, beta])
    ht = jnp.transpose(h, (1, 0, 2))
    xyt = jnp.transpose(xy, (1, 0, 2))

    grid_spec = pltpu.PrefetchScalarGridSpec(
        num_scalar_prefetch=1,
        grid=(B // BB,),
        in_specs=[
            pl.BlockSpec((V, BB, D), lambda i, e: (0, i, 0)),
            pl.BlockSpec((V, BB, 2), lambda i, e: (0, i, 0)),
            pl.BlockSpec((D + 3, 2 * H), lambda i, e: (0, 0)),
            pl.BlockSpec((H, D), lambda i, e: (0, 0)),
            pl.BlockSpec((1, D), lambda i, e: (0, 0)),
            pl.BlockSpec((2 * D, H), lambda i, e: (0, 0)),
            pl.BlockSpec((1, H), lambda i, e: (0, 0)),
            pl.BlockSpec((H, D), lambda i, e: (0, 0)),
            pl.BlockSpec((1, D), lambda i, e: (0, 0)),
            pl.BlockSpec((2, D), lambda i, e: (0, 0)),
        ],
        out_specs=pl.BlockSpec((V, BB, D), lambda i, e: (0, i, 0)),
        scratch_shapes=[
            pltpu.VMEM((V, BB, 2 * H), jnp.float32),
            pltpu.VMEM((V, BB, D), jnp.float32),
            pltpu.SMEM((32,), jnp.float32),
        ],
    )
    out_t = pl.pallas_call(
        _graph_kernel,
        grid_spec=grid_spec,
        out_shape=jax.ShapeDtypeStruct((V, B, D), h.dtype),
        interpret=interpret,
    )(edge_index, ht, xyt, wecat, W2e, b2e.reshape(1, D),
      W1n, b1n.reshape(1, H), W2n, b2n.reshape(1, D), gb)
    return jnp.transpose(out_t, (1, 0, 2))

# --- scband reference (transcript-rebuilt; emitter-appended) ---
"""Pipeline reference for scband-intraperson-graph-layer-39556648796606 (READ-ONLY COPY).

The authoritative reference and input builder live on the scoring server;
editing this copy changes nothing except your own understanding.
"""

import jax, jax.numpy as jnp
import numpy as np

B, V, D, H, E = 16384, 25, 64, 128, 48


def setup_inputs(seed: int = 0) -> dict:
    key = jax.random.key(seed)
    ks = jax.random.split(key, 8)
    h = jax.random.normal(ks[0], (B, V, D), dtype=jnp.float32)
    xy = jax.random.normal(ks[1], (B, V, 2), dtype=jnp.float32)
    joint_mask = jnp.ones((B, V), dtype=bool)
    edge_index = jax.random.randint(ks[2], (E, 2), 0, V, dtype=jnp.int32)
    W1e = jax.random.normal(ks[3], (2 * D + 2, H), dtype=jnp.float32) * 0.05
    b1e = jnp.zeros((H,), jnp.float32)
    W2e = jax.random.normal(ks[4], (H, D), dtype=jnp.float32) * 0.05
    b2e = jnp.zeros((D,), jnp.float32)
    W1n = jax.random.normal(ks[5], (2 * D, H), dtype=jnp.float32) * 0.05
    b1n = jnp.zeros((H,), jnp.float32)
    W2n = jax.random.normal(ks[6], (H, D), dtype=jnp.float32) * 0.05
    b2n = jnp.zeros((D,), jnp.float32)
    gamma = jnp.ones((D,), jnp.float32)
    beta = jnp.zeros((D,), jnp.float32)
    return {"h": h, "xy": xy, "joint_mask": joint_mask, "edge_index": edge_index,
            "W1e": W1e, "b1e": b1e, "W2e": W2e, "b2e": b2e,
            "W1n": W1n, "b1n": b1n, "W2n": W2n, "b2n": b2n,
            "gamma": gamma, "beta": beta}


def reference(h, xy, joint_mask, edge_index, W1e, b1e, W2e, b2e, W1n, b1n, W2n, b2n, gamma, beta):
    dst_idx = edge_index[:, 0]
    src_idx = edge_index[:, 1]
    target = jnp.take(h, dst_idx, axis=1)
    source = jnp.take(h, src_idx, axis=1)
    rel = jnp.take(xy, src_idx, axis=1) - jnp.take(xy, dst_idx, axis=1)
    edge_valid = jnp.take(joint_mask, dst_idx, axis=1) & jnp.take(joint_mask, src_idx, axis=1)
    msg_in = jnp.concatenate([target, source, rel], axis=-1)
    msg = jnp.maximum(msg_in @ W1e + b1e, 0.0) @ W2e + b2e
    msg = msg * edge_valid[..., None].astype(jnp.float32)
    agg = jnp.zeros_like(h).at[:, dst_idx].add(msg)
    denom = jnp.zeros((h.shape[0], h.shape[1], 1), h.dtype).at[:, dst_idx].add(edge_valid[..., None].astype(jnp.float32))
    agg = agg / jnp.clip(denom, 1.0, None)
    delta = jnp.maximum(jnp.concatenate([h, agg], axis=-1) @ W1n + b1n, 0.0) @ W2n + b2n
    has_neighbors = (denom > 0).astype(jnp.float32)
    x = h + delta * has_neighbors
    mean = jnp.mean(x, axis=-1, keepdims=True)
    var = jnp.var(x, axis=-1, keepdims=True)
    out = (x - mean) / jnp.sqrt(var + 1e-5) * gamma + beta
    return out * joint_mask[..., None].astype(jnp.float32)

if __name__ == "__main__":
    import jax
    _d = setup_inputs()
    print(jax.jit(kernel)(*tuple(_d.values())))

</pallas_src>

<mosaic_0001>
module attributes {stable_mosaic.version = 14 : i64} {
  func.func @_graph_kernel(%arg0: i32, %arg1: memref<48x2xi32, #tpu.memory_space<smem>>, %arg2: memref<25x256x64xf32, #tpu.memory_space<vmem>>, %arg3: memref<25x256x2xf32, #tpu.memory_space<vmem>>, %arg4: memref<67x256xf32, #tpu.memory_space<vmem>>, %arg5: memref<128x64xf32, #tpu.memory_space<vmem>>, %arg6: memref<1x64xf32, #tpu.memory_space<vmem>>, %arg7: memref<128x128xf32, #tpu.memory_space<vmem>>, %arg8: memref<1x128xf32, #tpu.memory_space<vmem>>, %arg9: memref<128x64xf32, #tpu.memory_space<vmem>>, %arg10: memref<1x64xf32, #tpu.memory_space<vmem>>, %arg11: memref<2x64xf32, #tpu.memory_space<vmem>>, %arg12: memref<25x256x64xf32, #tpu.memory_space<vmem>>, %arg13: memref<25x256x256xf32, #tpu.memory_space<vmem>>, %arg14: memref<25x256x64xf32, #tpu.memory_space<vmem>>, %arg15: memref<32xf32, #tpu.memory_space<smem>>) attributes {dimension_semantics = [#tpu.dimension_semantics<arbitrary>], iteration_bounds = array<i64: 64>, scalar_prefetch = 1 : i64, scratch_operands = 3 : i64, tpu.core_type = #tpu.core_type<tc>, window_params = [{transform_indices = @transform_0, window_bounds = array<i64: 25, 256, 64>}, {transform_indices = @transform_1, window_bounds = array<i64: 25, 256, 2>}, {pipeline_mode = #tpu.pipeline_mode<synchronous>, transform_indices = @transform_2, window_bounds = array<i64: 67, 256>}, {pipeline_mode = #tpu.pipeline_mode<synchronous>, transform_indices = @transform_3, window_bounds = array<i64: 128, 64>}, {pipeline_mode = #tpu.pipeline_mode<synchronous>, transform_indices = @transform_4, window_bounds = array<i64: 1, 64>}, {pipeline_mode = #tpu.pipeline_mode<synchronous>, transform_indices = @transform_5, window_bounds = array<i64: 128, 128>}, {pipeline_mode = #tpu.pipeline_mode<synchronous>, transform_indices = @transform_6, window_bounds = array<i64: 1, 128>}, {pipeline_mode = #tpu.pipeline_mode<synchronous>, transform_indices = @transform_7, window_bounds = array<i64: 128, 64>}, {pipeline_mode = #tpu.pipeline_mode<synchronous>, transform_indices = @transform_8, window_bounds = array<i64: 1, 64>}, {pipeline_mode = #tpu.pipeline_mode<synchronous>, transform_indices = @transform_9, window_bounds = array<i64: 2, 64>}, {transform_indices = @transform_10, window_bounds = array<i64: 25, 256, 64>}]} {
    %swap3A = arith.constant 0.000000e+00 : f32
    %swap3A_0 = arith.constant 0 : index
    %swap3A_1 = memref.load %arg15[%swap3A_0] : memref<32xf32, #tpu.memory_space<smem>>
    memref.store %swap3A, %arg15[%swap3A_0] : memref<32xf32, #tpu.memory_space<smem>>
    %swap3A_2 = arith.constant 0.000000e+00 : f32
    %swap3A_3 = arith.constant 1 : index
    %swap3A_4 = memref.load %arg15[%swap3A_3] : memref<32xf32, #tpu.memory_space<smem>>
    memref.store %swap3A_2, %arg15[%swap3A_3] : memref<32xf32, #tpu.memory_space<smem>>
    %swap3A_5 = arith.constant 0.000000e+00 : f32
    %swap3A_6 = arith.constant 2 : index
    %swap3A_7 = memref.load %arg15[%swap3A_6] : memref<32xf32, #tpu.memory_space<smem>>
    memref.store %swap3A_5, %arg15[%swap3A_6] : memref<32xf32, #tpu.memory_space<smem>>
    %swap3A_8 = arith.constant 0.000000e+00 : f32
    %swap3A_9 = arith.constant 3 : index
    %swap3A_10 = memref.load %arg15[%swap3A_9] : memref<32xf32, #tpu.memory_space<smem>>
    memref.store %swap3A_8, %arg15[%swap3A_9] : memref<32xf32, #tpu.memory_space<smem>>
    %swap3A_11 = arith.constant 0.000000e+00 : f32
    %swap3A_12 = arith.constant 4 : index
    %swap3A_13 = memref.load %arg15[%swap3A_12] : memref<32xf32, #tpu.memory_space<smem>>
    memref.store %swap3A_11, %arg15[%swap3A_12] : memref<32xf32, #tpu.memory_space<smem>>
    %swap3A_14 = arith.constant 0.000000e+00 : f32
    %swap3A_15 = arith.constant 5 : index
    %swap3A_16 = memref.load %arg15[%swap3A_15] : memref<32xf32, #tpu.memory_space<smem>>
    memref.store %swap3A_14, %arg15[%swap3A_15] : memref<32xf32, #tpu.memory_space<smem>>
    %swap3A_17 = arith.constant 0.000000e+00 : f32
    %swap3A_18 = arith.constant 6 : index
    %swap3A_19 = memref.load %arg15[%swap3A_18] : memref<32xf32, #tpu.memory_space<smem>>
    memref.store %swap3A_17, %arg15[%swap3A_18] : memref<32xf32, #tpu.memory_space<smem>>
    %swap3A_20 = arith.constant 0.000000e+00 : f32
    %swap3A_21 = arith.constant 7 : index
    %swap3A_22 = memref.load %arg15[%swap3A_21] : memref<32xf32, #tpu.memory_space<smem>>
    memref.store %swap3A_20, %arg15[%swap3A_21] : memref<32xf32, #tpu.memory_space<smem>>
    %swap3A_23 = arith.constant 0.000000e+00 : f32
    %swap3A_24 = arith.constant 8 : index
    %swap3A_25 = memref.load %arg15[%swap3A_24] : memref<32xf32, #tpu.memory_space<smem>>
    memref.store %swap3A_23, %arg15[%swap3A_24] : memref<32xf32, #tpu.memory_space<smem>>
    %swap3A_26 = arith.constant 0.000000e+00 : f32
    %swap3A_27 = arith.constant 9 : index
    %swap3A_28 = memref.load %arg15[%swap3A_27] : memref<32xf32, #tpu.memory_space<smem>>
    memref.store %swap3A_26, %arg15[%swap3A_27] : memref<32xf32, #tpu.memory_space<smem>>
    %swap3A_29 = arith.constant 0.000000e+00 : f32
    %swap3A_30 = arith.constant 10 : index
    %swap3A_31 = memref.load %arg15[%swap3A_30] : memref<32xf32, #tpu.memory_space<smem>>
    memref.store %swap3A_29, %arg15[%swap3A_30] : memref<32xf32, #tpu.memory_space<smem>>
    %swap3A_32 = arith.constant 0.000000e+00 : f32
    %swap3A_33 = arith.constant 11 : index
    %swap3A_34 = memref.load %arg15[%swap3A_33] : memref<32xf32, #tpu.memory_space<smem>>
    memref.store %swap3A_32, %arg15[%swap3A_33] : memref<32xf32, #tpu.memory_space<smem>>
    %swap3A_35 = arith.constant 0.000000e+00 : f32
    %swap3A_36 = arith.constant 12 : index
    %swap3A_37 = memref.load %arg15[%swap3A_36] : memref<32xf32, #tpu.memory_space<smem>>
    memref.store %swap3A_35, %arg15[%swap3A_36] : memref<32xf32, #tpu.memory_space<smem>>
    %swap3A_38 = arith.constant 0.000000e+00 : f32
    %swap3A_39 = arith.constant 13 : index
    %swap3A_40 = memref.load %arg15[%swap3A_39] : memref<32xf32, #tpu.memory_space<smem>>
    memref.store %swap3A_38, %arg15[%swap3A_39] : memref<32xf32, #tpu.memory_space<smem>>
    %swap3A_41 = arith.constant 0.000000e+00 : f32
    %swap3A_42 = arith.constant 14 : index
    %swap3A_43 = memref.load %arg15[%swap3A_42] : memref<32xf32, #tpu.memory_space<smem>>
    memref.store %swap3A_41, %arg15[%swap3A_42] : memref<32xf32, #tpu.memory_space<smem>>
    %swap3A_44 = arith.constant 0.000000e+00 : f32
    %swap3A_45 = arith.constant 15 : index
    %swap3A_46 = memref.load %arg15[%swap3A_45] : memref<32xf32, #tpu.memory_space<smem>>
    memref.store %swap3A_44, %arg15[%swap3A_45] : memref<32xf32, #tpu.memory_space<smem>>
    %swap3A_47 = arith.constant 0.000000e+00 : f32
    %swap3A_48 = arith.constant 16 : index
    %swap3A_49 = memref.load %arg15[%swap3A_48] : memref<32xf32, #tpu.memory_space<smem>>
    memref.store %swap3A_47, %arg15[%swap3A_48] : memref<32xf32, #tpu.memory_space<smem>>
    %swap3A_50 = arith.constant 0.000000e+00 : f32
    %swap3A_51 = arith.constant 17 : index
    %swap3A_52 = memref.load %arg15[%swap3A_51] : memref<32xf32, #tpu.memory_space<smem>>
    memref.store %swap3A_50, %arg15[%swap3A_51] : memref<32xf32, #tpu.memory_space<smem>>
    %swap3A_53 = arith.constant 0.000000e+00 : f32
    %swap3A_54 = arith.constant 18 : index
    %swap3A_55 = memref.load %arg15[%swap3A_54] : memref<32xf32, #tpu.memory_space<smem>>
    memref.store %swap3A_53, %arg15[%swap3A_54] : memref<32xf32, #tpu.memory_space<smem>>
    %swap3A_56 = arith.constant 0.000000e+00 : f32
    %swap3A_57 = arith.constant 19 : index
    %swap3A_58 = memref.load %arg15[%swap3A_57] : memref<32xf32, #tpu.memory_space<smem>>
    memref.store %swap3A_56, %arg15[%swap3A_57] : memref<32xf32, #tpu.memory_space<smem>>
    %swap3A_59 = arith.constant 0.000000e+00 : f32
    %swap3A_60 = arith.constant 20 : index
    %swap3A_61 = memref.load %arg15[%swap3A_60] : memref<32xf32, #tpu.memory_space<smem>>
    memref.store %swap3A_59, %arg15[%swap3A_60] : memref<32xf32, #tpu.memory_space<smem>>
    %swap3A_62 = arith.constant 0.000000e+00 : f32
    %swap3A_63 = arith.constant 21 : index
    %swap3A_64 = memref.load %arg15[%swap3A_63] : memref<32xf32, #tpu.memory_space<smem>>
    memref.store %swap3A_62, %arg15[%swap3A_63] : memref<32xf32, #tpu.memory_space<smem>>
    %swap3A_65 = arith.constant 0.000000e+00 : f32
    %swap3A_66 = arith.constant 22 : index
    %swap3A_67 = memref.load %arg15[%swap3A_66] : memref<32xf32, #tpu.memory_space<smem>>
    memref.store %swap3A_65, %arg15[%swap3A_66] : memref<32xf32, #tpu.memory_space<smem>>
    %swap3A_68 = arith.constant 0.000000e+00 : f32
    %swap3A_69 = arith.constant 23 : index
    %swap3A_70 = memref.load %arg15[%swap3A_69] : memref<32xf32, #tpu.memory_space<smem>>
    memref.store %swap3A_68, %arg15[%swap3A_69] : memref<32xf32, #tpu.memory_space<smem>>
    %swap3A_71 = arith.constant 0.000000e+00 : f32
    %swap3A_72 = arith.constant 24 : index
    %swap3A_73 = memref.load %arg15[%swap3A_72] : memref<32xf32, #tpu.memory_space<smem>>
    memref.store %swap3A_71, %arg15[%swap3A_72] : memref<32xf32, #tpu.memory_space<smem>>
    %get3A = arith.constant 0 : index
    %get3A_74 = arith.constant 0 : index
    %get3A_75 = memref.load %arg1[%get3A, %get3A_74] : memref<48x2xi32, #tpu.memory_space<smem>>
    %get3A_76 = arith.index_cast %get3A_75 : i32 to index
    %get3A_77 = memref.load %arg15[%get3A_76] : memref<32xf32, #tpu.memory_space<smem>>
    %add3A = arith.constant 1.000000e+00 : f32
    %add3A_78 = arith.addf %get3A_77, %add3A : f32
    %swap3A_79 = arith.index_cast %get3A_75 : i32 to index
    %swap3A_80 = memref.load %arg15[%swap3A_79] : memref<32xf32, #tpu.memory_space<smem>>
    memref.store %add3A_78, %arg15[%swap3A_79] : memref<32xf32, #tpu.memory_space<smem>>
    %get3A_81 = arith.constant 1 : index
    %get3A_82 = arith.constant 0 : index
    %get3A_83 = memref.load %arg1[%get3A_81, %get3A_82] : memref<48x2xi32, #tpu.memory_space<smem>>
    %get3A_84 = arith.index_cast %get3A_83 : i32 to index
    %get3A_85 = memref.load %arg15[%get3A_84] : memref<32xf32, #tpu.memory_space<smem>>
    %add3A_86 = arith.constant 1.000000e+00 : f32
    %add3A_87 = arith.addf %get3A_85, %add3A_86 : f32
    %swap3A_88 = arith.index_cast %get3A_83 : i32 to index
    %swap3A_89 = memref.load %arg15[%swap3A_88] : memref<32xf32, #tpu.memory_space<smem>>
    memref.store %add3A_87, %arg15[%swap3A_88] : memref<32xf32, #tpu.memory_space<smem>>
    %get3A_90 = arith.constant 2 : index
    %get3A_91 = arith.constant 0 : index
    %get3A_92 = memref.load %arg1[%get3A_90, %get3A_91] : memref<48x2xi32, #tpu.memory_space<smem>>
    %get3A_93 = arith.index_cast %get3A_92 : i32 to index
    %get3A_94 = memref.load %arg15[%get3A_93] : memref<32xf32, #tpu.memory_space<smem>>
    %add3A_95 = arith.constant 1.000000e+00 : f32
    %add3A_96 = arith.addf %get3A_94, %add3A_95 : f32
    %swap3A_97 = arith.index_cast %get3A_92 : i32 to index
    %swap3A_98 = memref.load %arg15[%swap3A_97] : memref<32xf32, #tpu.memory_space<smem>>
    memref.store %add3A_96, %arg15[%swap3A_97] : memref<32xf32, #tpu.memory_space<smem>>
    %get3A_99 = arith.constant 3 : index
    %get3A_100 = arith.constant 0 : index
    %get3A_101 = memref.load %arg1[%get3A_99, %get3A_100] : memref<48x2xi32, #tpu.memory_space<smem>>
    %get3A_102 = arith.index_cast %get3A_101 : i32 to index
    %get3A_103 = memref.load %arg15[%get3A_102] : memref<32xf32, #tpu.memory_space<smem>>
    %add3A_104 = arith.constant 1.000000e+00 : f32
    %add3A_105 = arith.addf %get3A_103, %add3A_104 : f32
    %swap3A_106 = arith.index_cast %get3A_101 : i32 to index
    %swap3A_107 = memref.load %arg15[%swap3A_106] : memref<32xf32, #tpu.memory_space<smem>>
    memref.store %add3A_105, %arg15[%swap3A_106] : memref<32xf32, #tpu.memory_space<smem>>
    %get3A_108 = arith.constant 4 : index
    %get3A_109 = arith.constant 0 : index
    %get3A_110 = memref.load %arg1[%get3A_108, %get3A_109] : memref<48x2xi32, #tpu.memory_space<smem>>
    %get3A_111 = arith.index_cast %get3A_110 : i32 to index
    %get3A_112 = memref.load %arg15[%get3A_111] : memref<32xf32, #tpu.memory_space<smem>>
    %add3A_113 = arith.constant 1.000000e+00 : f32
    %add3A_114 = arith.addf %get3A_112, %add3A_113 : f32
    %swap3A_115 = arith.index_cast %get3A_110 : i32 to index
    %swap3A_116 = memref.load %arg15[%swap3A_115] : memref<32xf32, #tpu.memory_space<smem>>
    memref.store %add3A_114, %arg15[%swap3A_115] : memref<32xf32, #tpu.memory_space<smem>>
    %get3A_117 = arith.constant 5 : index
    %get3A_118 = arith.constant 0 : index
    %get3A_119 = memref.load %arg1[%get3A_117, %get3A_118] : memref<48x2xi32, #tpu.memory_space<smem>>
    %get3A_120 = arith.index_cast %get3A_119 : i32 to index
    %get3A_121 = memref.load %arg15[%get3A_120] : memref<32xf32, #tpu.memory_space<smem>>
    %add3A_122 = arith.constant 1.000000e+00 : f32
    %add3A_123 = arith.addf %get3A_121, %add3A_122 : f32
    %swap3A_124 = arith.index_cast %get3A_119 : i32 to index
    %swap3A_125 = memref.load %arg15[%swap3A_124] : memref<32xf32, #tpu.memory_space<smem>>
    memref.store %add3A_123, %arg15[%swap3A_124] : memref<32xf32, #tpu.memory_space<smem>>
    %get3A_126 = arith.constant 6 : index
    %get3A_127 = arith.constant 0 : index
    %get3A_128 = memref.load %arg1[%get3A_126, %get3A_127] : memref<48x2xi32, #tpu.memory_space<smem>>
    %get3A_129 = arith.index_cast %get3A_128 : i32 to index
    %get3A_130 = memref.load %arg15[%get3A_129] : memref<32xf32, #tpu.memory_space<smem>>
    %add3A_131 = arith.constant 1.000000e+00 : f32
    %add3A_132 = arith.addf %get3A_130, %add3A_131 : f32
    %swap3A_133 = arith.index_cast %get3A_128 : i32 to index
    %swap3A_134 = memref.load %arg15[%swap3A_133] : memref<32xf32, #tpu.memory_space<smem>>
    memref.store %add3A_132, %arg15[%swap3A_133] : memref<32xf32, #tpu.memory_space<smem>>
    %get3A_135 = arith.constant 7 : index
    %get3A_136 = arith.constant 0 : index
    %get3A_137 = memref.load %arg1[%get3A_135, %get3A_136] : memref<48x2xi32, #tpu.memory_space<smem>>
    %get3A_138 = arith.index_cast %get3A_137 : i32 to index
    %get3A_139 = memref.load %arg15[%get3A_138] : memref<32xf32, #tpu.memory_space<smem>>
    %add3A_140 = arith.constant 1.000000e+00 : f32
    %add3A_141 = arith.addf %get3A_139, %add3A_140 : f32
    %swap3A_142 = arith.index_cast %get3A_137 : i32 to index
    %swap3A_143 = memref.load %arg15[%swap3A_142] : memref<32xf32, #tpu.memory_space<smem>>
    memref.store %add3A_141, %arg15[%swap3A_142] : memref<32xf32, #tpu.memory_space<smem>>
    %get3A_144 = arith.constant 8 : index
    %get3A_145 = arith.constant 0 : index
    %get3A_146 = memref.load %arg1[%get3A_144, %get3A_145] : memref<48x2xi32, #tpu.memory_space<smem>>
    %get3A_147 = arith.index_cast %get3A_146 : i32 to index
    %get3A_148 = memref.load %arg15[%get3A_147] : memref<32xf32, #tpu.memory_space<smem>>
    %add3A_149 = arith.constant 1.000000e+00 : f32
    %add3A_150 = arith.addf %get3A_148, %add3A_149 : f32
    %swap3A_151 = arith.index_cast %get3A_146 : i32 to index
    %swap3A_152 = memref.load %arg15[%swap3A_151] : memref<32xf32, #tpu.memory_space<smem>>
    memref.store %add3A_150, %arg15[%swap3A_151] : memref<32xf32, #tpu.memory_space<smem>>
    %get3A_153 = arith.constant 9 : index
    %get3A_154 = arith.constant 0 : index
    %get3A_155 = memref.load %arg1[%get3A_153, %get3A_154] : memref<48x2xi32, #tpu.memory_space<smem>>
    %get3A_156 = arith.index_cast %get3A_155 : i32 to index
    %get3A_157 = memref.load %arg15[%get3A_156] : memref<32xf32, #tpu.memory_space<smem>>
    %add3A_158 = arith.constant 1.000000e+00 : f32
    %add3A_159 = arith.addf %get3A_157, %add3A_158 : f32
    %swap3A_160 = arith.index_cast %get3A_155 : i32 to index
    %swap3A_161 = memref.load %arg15[%swap3A_160] : memref<32xf32, #tpu.memory_space<smem>>
    memref.store %add3A_159, %arg15[%swap3A_160] : memref<32xf32, #tpu.memory_space<smem>>
    %get3A_162 = arith.constant 10 : index
    %get3A_163 = arith.constant 0 : index
    %get3A_164 = memref.load %arg1[%get3A_162, %get3A_163] : memref<48x2xi32, #tpu.memory_space<smem>>
    %get3A_165 = arith.index_cast %get3A_164 : i32 to index
    %get3A_166 = memref.load %arg15[%get3A_165] : memref<32xf32, #tpu.memory_space<smem>>
    %add3A_167 = arith.constant 1.000000e+00 : f32
    %add3A_168 = arith.addf %get3A_166, %add3A_167 : f32
    %swap3A_169 = arith.index_cast %get3A_164 : i32 to index
    %swap3A_170 = memref.load %arg15[%swap3A_169] : memref<32xf32, #tpu.memory_space<smem>>
    memref.store %add3A_168, %arg15[%swap3A_169] : memref<32xf32, #tpu.memory_space<smem>>
    %get3A_171 = arith.constant 11 : index
    %get3A_172 = arith.constant 0 : index
    %get3A_173 = memref.load %arg1[%get3A_171, %get3A_172] : memref<48x2xi32, #tpu.memory_space<smem>>
    %get3A_174 = arith.index_cast %get3A_173 : i32 to index
    %get3A_175 = memref.load %arg15[%get3A_174] : memref<32xf32, #tpu.memory_space<smem>>
    %add3A_176 = arith.constant 1.000000e+00 : f32
    %add3A_177 = arith.addf %get3A_175, %add3A_176 : f32
    %swap3A_178 = arith.index_cast %get3A_173 : i32 to index
    %swap3A_179 = memref.load %arg15[%swap3A_178] : memref<32xf32, #tpu.memory_space<smem>>
    memref.store %add3A_177, %arg15[%swap3A_178] : memref<32xf32, #tpu.memory_space<smem>>
    %get3A_180 = arith.constant 12 : index
    %get3A_181 = arith.constant 0 : index
    %get3A_182 = memref.load %arg1[%get3A_180, %get3A_181] : memref<48x2xi32, #tpu.memory_space<smem>>
    %get3A_183 = arith.index_cast %get3A_182 : i32 to index
    %get3A_184 = memref.load %arg15[%get3A_183] : memref<32xf32, #tpu.memory_space<smem>>
    %add3A_185 = arith.constant 1.000000e+00 : f32
    %add3A_186 = arith.addf %get3A_184, %add3A_185 : f32
    %swap3A_187 = arith.index_cast %get3A_182 : i32 to index
    %swap3A_188 = memref.load %arg15[%swap3A_187] : memref<32xf32, #tpu.memory_space<smem>>
    memref.store %add3A_186, %arg15[%swap3A_187] : memref<32xf32, #tpu.memory_space<smem>>
    %get3A_189 = arith.constant 13 : index
    %get3A_190 = arith.constant 0 : index
    %get3A_191 = memref.load %arg1[%get3A_189, %get3A_190] : memref<48x2xi32, #tpu.memory_space<smem>>
    %get3A_192 = arith.index_cast %get3A_191 : i32 to index
    %get3A_193 = memref.load %arg15[%get3A_192] : memref<32xf32, #tpu.memory_space<smem>>
    %add3A_194 = arith.constant 1.000000e+00 : f32
    %add3A_195 = arith.addf %get3A_193, %add3A_194 : f32
    %swap3A_196 = arith.index_cast %get3A_191 : i32 to index
    %swap3A_197 = memref.load %arg15[%swap3A_196] : memref<32xf32, #tpu.memory_space<smem>>
    memref.store %add3A_195, %arg15[%swap3A_196] : memref<32xf32, #tpu.memory_space<smem>>
    %get3A_198 = arith.constant 14 : index
    %get3A_199 = arith.constant 0 : index
    %get3A_200 = memref.load %arg1[%get3A_198, %get3A_199] : memref<48x2xi32, #tpu.memory_space<smem>>
    %get3A_201 = arith.index_cast %get3A_200 : i32 to index
    %get3A_202 = memref.load %arg15[%get3A_201] : memref<32xf32, #tpu.memory_space<smem>>
    %add3A_203 = arith.constant 1.000000e+00 : f32
    %add3A_204 = arith.addf %get3A_202, %add3A_203 : f32
    %swap3A_205 = arith.index_cast %get3A_200 : i32 to index
    %swap3A_206 = memref.load %arg15[%swap3A_205] : memref<32xf32, #tpu.memory_space<smem>>
    memref.store %add3A_204, %arg15[%swap3A_205] : memref<32xf32, #tpu.memory_space<smem>>
    %get3A_207 = arith.constant 15 : index
    %get3A_208 = arith.constant 0 : index
    %get3A_209 = memref.load %arg1[%get3A_207, %get3A_208] : memref<48x2xi32, #tpu.memory_space<smem>>
    %get3A_210 = arith.index_cast %get3A_209 : i32 to index
    %get3A_211 = memref.load %arg15[%get3A_210] : memref<32xf32, #tpu.memory_space<smem>>
    %add3A_212 = arith.constant 1.000000e+00 : f32
    %add3A_213 = arith.addf %get3A_211, %add3A_212 : f32
    %swap3A_214 = arith.index_cast %get3A_209 : i32 to index
    %swap3A_215 = memref.load %arg15[%swap3A_214] : memref<32xf32, #tpu.memory_space<smem>>
    memref.store %add3A_213, %arg15[%swap3A_214] : memref<32xf32, #tpu.memory_space<smem>>
    %get3A_216 = arith.constant 16 : index
    %get3A_217 = arith.constant 0 : index
    %get3A_218 = memref.load %arg1[%get3A_216, %get3A_217] : memref<48x2xi32, #tpu.memory_space<smem>>
    %get3A_219 = arith.index_cast %get3A_218 : i32 to index
    %get3A_220 = memref.load %arg15[%get3A_219] : memref<32xf32, #tpu.memory_space<smem>>
    %add3A_221 = arith.constant 1.000000e+00 : f32
    %add3A_222 = arith.addf %get3A_220, %add3A_221 : f32
    %swap3A_223 = arith.index_cast %get3A_218 : i32 to index
    %swap3A_224 = memref.load %arg15[%swap3A_223] : memref<32xf32, #tpu.memory_space<smem>>
    memref.store %add3A_222, %arg15[%swap3A_223] : memref<32xf32, #tpu.memory_space<smem>>
    %get3A_225 = arith.constant 17 : index
    %get3A_226 = arith.constant 0 : index
    %get3A_227 = memref.load %arg1[%get3A_225, %get3A_226] : memref<48x2xi32, #tpu.memory_space<smem>>
    %get3A_228 = arith.index_cast %get3A_227 : i32 to index
    %get3A_229 = memref.load %arg15[%get3A_228] : memref<32xf32, #tpu.memory_space<smem>>
    %add3A_230 = arith.constant 1.000000e+00 : f32
    %add3A_231 = arith.addf %get3A_229, %add3A_230 : f32
    %swap3A_232 = arith.index_cast %get3A_227 : i32 to index
    %swap3A_233 = memref.load %arg15[%swap3A_232] : memref<32xf32, #tpu.memory_space<smem>>
    memref.store %add3A_231, %arg15[%swap3A_232] : memref<32xf32, #tpu.memory_space<smem>>
    %get3A_234 = arith.constant 18 : index
    %get3A_235 = arith.constant 0 : index
    %get3A_236 = memref.load %arg1[%get3A_234, %get3A_235] : memref<48x2xi32, #tpu.memory_space<smem>>
    %get3A_237 = arith.index_cast %get3A_236 : i32 to index
    %get3A_238 = memref.load %arg15[%get3A_237] : memref<32xf32, #tpu.memory_space<smem>>
    %add3A_239 = arith.constant 1.000000e+00 : f32
    %add3A_240 = arith.addf %get3A_238, %add3A_239 : f32
    %swap3A_241 = arith.index_cast %get3A_236 : i32 to index
    %swap3A_242 = memref.load %arg15[%swap3A_241] : memref<32xf32, #tpu.memory_space<smem>>
    memref.store %add3A_240, %arg15[%swap3A_241] : memref<32xf32, #tpu.memory_space<smem>>
    %get3A_243 = arith.constant 19 : index
    %get3A_244 = arith.constant 0 : index
    %get3A_245 = memref.load %arg1[%get3A_243, %get3A_244] : memref<48x2xi32, #tpu.memory_space<smem>>
    %get3A_246 = arith.index_cast %get3A_245 : i32 to index
    %get3A_247 = memref.load %arg15[%get3A_246] : memref<32xf32, #tpu.memory_space<smem>>
    %add3A_248 = arith.constant 1.000000e+00 : f32
    %add3A_249 = arith.addf %get3A_247, %add3A_248 : f32
    %swap3A_250 = arith.index_cast %get3A_245 : i32 to index
    %swap3A_251 = memref.load %arg15[%swap3A_250] : memref<32xf32, #tpu.memory_space<smem>>
    memref.store %add3A_249, %arg15[%swap3A_250] : memref<32xf32, #tpu.memory_space<smem>>
    %get3A_252 = arith.constant 20 : index
    %get3A_253 = arith.constant 0 : index
    %get3A_254 = memref.load %arg1[%get3A_252, %get3A_253] : memref<48x2xi32, #tpu.memory_space<smem>>
    %get3A_255 = arith.index_cast %get3A_254 : i32 to index
    %get3A_256 = memref.load %arg15[%get3A_255] : memref<32xf32, #tpu.memory_space<smem>>
    %add3A_257 = arith.constant 1.000000e+00 : f32
    %add3A_258 = arith.addf %get3A_256, %add3A_257 : f32
    %swap3A_259 = arith.index_cast %get3A_254 : i32 to index
    %swap3A_260 = memref.load %arg15[%swap3A_259] : memref<32xf32, #tpu.memory_space<smem>>
    memref.store %add3A_258, %arg15[%swap3A_259] : memref<32xf32, #tpu.memory_space<smem>>
    %get3A_261 = arith.constant 21 : index
    %get3A_262 = arith.constant 0 : index
    %get3A_263 = memref.load %arg1[%get3A_261, %get3A_262] : memref<48x2xi32, #tpu.memory_space<smem>>
    %get3A_264 = arith.index_cast %get3A_263 : i32 to index
    %get3A_265 = memref.load %arg15[%get3A_264] : memref<32xf32, #tpu.memory_space<smem>>
    %add3A_266 = arith.constant 1.000000e+00 : f32
    %add3A_267 = arith.addf %get3A_265, %add3A_266 : f32
    %swap3A_268 = arith.index_cast %get3A_263 : i32 to index
    %swap3A_269 = memref.load %arg15[%swap3A_268] : memref<32xf32, #tpu.memory_space<smem>>
    memref.store %add3A_267, %arg15[%swap3A_268] : memref<32xf32, #tpu.memory_space<smem>>
    %get3A_270 = arith.constant 22 : index
    %get3A_271 = arith.constant 0 : index
    %get3A_272 = memref.load %arg1[%get3A_270, %get3A_271] : memref<48x2xi32, #tpu.memory_space<smem>>
    %get3A_273 = arith.index_cast %get3A_272 : i32 to index
    %get3A_274 = memref.load %arg15[%get3A_273] : memref<32xf32, #tpu.memory_space<smem>>
    %add3A_275 = arith.constant 1.000000e+00 : f32
    %add3A_276 = arith.addf %get3A_274, %add3A_275 : f32
    %swap3A_277 = arith.index_cast %get3A_272 : i32 to index
    %swap3A_278 = memref.load %arg15[%swap3A_277] : memref<32xf32, #tpu.memory_space<smem>>
    memref.store %add3A_276, %arg15[%swap3A_277] : memref<32xf32, #tpu.memory_space<smem>>
    %get3A_279 = arith.constant 23 : index
    %get3A_280 = arith.constant 0 : index
    %get3A_281 = memref.load %arg1[%get3A_279, %get3A_280] : memref<48x2xi32, #tpu.memory_space<smem>>
    %get3A_282 = arith.index_cast %get3A_281 : i32 to index
    %get3A_283 = memref.load %arg15[%get3A_282] : memref<32xf32, #tpu.memory_space<smem>>
    %add3A_284 = arith.constant 1.000000e+00 : f32
    %add3A_285 = arith.addf %get3A_283, %add3A_284 : f32
    %swap3A_286 = arith.index_cast %get3A_281 : i32 to index
    %swap3A_287 = memref.load %arg15[%swap3A_286] : memref<32xf32, #tpu.memory_space<smem>>
    memref.store %add3A_285, %arg15[%swap3A_286] : memref<32xf32, #tpu.memory_space<smem>>
    %get3A_288 = arith.constant 24 : index
    %get3A_289 = arith.constant 0 : index
    %get3A_290 = memref.load %arg1[%get3A_288, %get3A_289] : memref<48x2xi32, #tpu.memory_space<smem>>
    %get3A_291 = arith.index_cast %get3A_290 : i32 to index
    %get3A_292 = memref.load %arg15[%get3A_291] : memref<32xf32, #tpu.memory_space<smem>>
    %add3A_293 = arith.constant 1.000000e+00 : f32
    %add3A_294 = arith.addf %get3A_292, %add3A_293 : f32
    %swap3A_295 = arith.index_cast %get3A_290 : i32 to index
    %swap3A_296 = memref.load %arg15[%swap3A_295] : memref<32xf32, #tpu.memory_space<smem>>
    memref.store %add3A_294, %arg15[%swap3A_295] : memref<32xf32, #tpu.memory_space<smem>>
    %get3A_297 = arith.constant 25 : index
    %get3A_298 = arith.constant 0 : index
    %get3A_299 = memref.load %arg1[%get3A_297, %get3A_298] : memref<48x2xi32, #tpu.memory_space<smem>>
    %get3A_300 = arith.index_cast %get3A_299 : i32 to index
    %get3A_301 = memref.load %arg15[%get3A_300] : memref<32xf32, #tpu.memory_space<smem>>
    %add3A_302 = arith.constant 1.000000e+00 : f32
    %add3A_303 = arith.addf %get3A_301, %add3A_302 : f32
    %swap3A_304 = arith.index_cast %get3A_299 : i32 to index
    %swap3A_305 = memref.load %arg15[%swap3A_304] : memref<32xf32, #tpu.memory_space<smem>>
    memref.store %add3A_303, %arg15[%swap3A_304] : memref<32xf32, #tpu.memory_space<smem>>
    %get3A_306 = arith.constant 26 : index
    %get3A_307 = arith.constant 0 : index
    %get3A_308 = memref.load %arg1[%get3A_306, %get3A_307] : memref<48x2xi32, #tpu.memory_space<smem>>
    %get3A_309 = arith.index_cast %get3A_308 : i32 to index
    %get3A_310 = memref.load %arg15[%get3A_309] : memref<32xf32, #tpu.memory_space<smem>>
    %add3A_311 = arith.constant 1.000000e+00 : f32
    %add3A_312 = arith.addf %get3A_310, %add3A_311 : f32
    %swap3A_313 = arith.index_cast %get3A_308 : i32 to index
    %swap3A_314 = memref.load %arg15[%swap3A_313] : memref<32xf32, #tpu.memory_space<smem>>
    memref.store %add3A_312, %arg15[%swap3A_313] : memref<32xf32, #tpu.memory_space<smem>>
    %get3A_315 = arith.constant 27 : index
    %get3A_316 = arith.constant 0 : index
    %get3A_317 = memref.load %arg1[%get3A_315, %get3A_316] : memref<48x2xi32, #tpu.memory_space<smem>>
    %get3A_318 = arith.index_cast %get3A_317 : i32 to index
    %get3A_319 = memref.load %arg15[%get3A_318] : memref<32xf32, #tpu.memory_space<smem>>
    %add3A_320 = arith.constant 1.000000e+00 : f32
    %add3A_321 = arith.addf %get3A_319, %add3A_320 : f32
    %swap3A_322 = arith.index_cast %get3A_317 : i32 to index
    %swap3A_323 = memref.load %arg15[%swap3A_322] : memref<32xf32, #tpu.memory_space<smem>>
    memref.store %add3A_321, %arg15[%swap3A_322] : memref<32xf32, #tpu.memory_space<smem>>
    %get3A_324 = arith.constant 28 : index
    %get3A_325 = arith.constant 0 : index
    %get3A_326 = memref.load %arg1[%get3A_324, %get3A_325] : memref<48x2xi32, #tpu.memory_space<smem>>
    %get3A_327 = arith.index_cast %get3A_326 : i32 to index
    %get3A_328 = memref.load %arg15[%get3A_327] : memref<32xf32, #tpu.memory_space<smem>>
    %add3A_329 = arith.constant 1.000000e+00 : f32
    %add3A_330 = arith.addf %get3A_328, %add3A_329 : f32
    %swap3A_331 = arith.index_cast %get3A_326 : i32 to index
    %swap3A_332 = memref.load %arg15[%swap3A_331] : memref<32xf32, #tpu.memory_space<smem>>
    memref.store %add3A_330, %arg15[%swap3A_331] : memref<32xf32, #tpu.memory_space<smem>>
    %get3A_333 = arith.constant 29 : index
    %get3A_334 = arith.constant 0 : index
    %get3A_335 = memref.load %arg1[%get3A_333, %get3A_334] : memref<48x2xi32, #tpu.memory_space<smem>>
    %get3A_336 = arith.index_cast %get3A_335 : i32 to index
    %get3A_337 = memref.load %arg15[%get3A_336] : memref<32xf32, #tpu.memory_space<smem>>
    %add3A_338 = arith.constant 1.000000e+00 : f32
    %add3A_339 = arith.addf %get3A_337, %add3A_338 : f32
    %swap3A_340 = arith.index_cast %get3A_335 : i32 to index
    %swap3A_341 = memref.load %arg15[%swap3A_340] : memref<32xf32, #tpu.memory_space<smem>>
    memref.store %add3A_339, %arg15[%swap3A_340] : memref<32xf32, #tpu.memory_space<smem>>
    %get3A_342 = arith.constant 30 : index
    %get3A_343 = arith.constant 0 : index
    %get3A_344 = memref.load %arg1[%get3A_342, %get3A_343] : memref<48x2xi32, #tpu.memory_space<smem>>
    %get3A_345 = arith.index_cast %get3A_344 : i32 to index
    %get3A_346 = memref.load %arg15[%get3A_345] : memref<32xf32, #tpu.memory_space<smem>>
    %add3A_347 = arith.constant 1.000000e+00 : f32
    %add3A_348 = arith.addf %get3A_346, %add3A_347 : f32
    %swap3A_349 = arith.index_cast %get3A_344 : i32 to index
    %swap3A_350 = memref.load %arg15[%swap3A_349] : memref<32xf32, #tpu.memory_space<smem>>
    memref.store %add3A_348, %arg15[%swap3A_349] : memref<32xf32, #tpu.memory_space<smem>>
    %get3A_351 = arith.constant 31 : index
    %get3A_352 = arith.constant 0 : index
    %get3A_353 = memref.load %arg1[%get3A_351, %get3A_352] : memref<48x2xi32, #tpu.memory_space<smem>>
    %get3A_354 = arith.index_cast %get3A_353 : i32 to index
    %get3A_355 = memref.load %arg15[%get3A_354] : memref<32xf32, #tpu.memory_space<smem>>
    %add3A_356 = arith.constant 1.000000e+00 : f32
    %add3A_357 = arith.addf %get3A_355, %add3A_356 : f32
    %swap3A_358 = arith.index_cast %get3A_353 : i32 to index
    %swap3A_359 = memref.load %arg15[%swap3A_358] : memref<32xf32, #tpu.memory_space<smem>>
    memref.store %add3A_357, %arg15[%swap3A_358] : memref<32xf32, #tpu.memory_space<smem>>
    %get3A_360 = arith.constant 32 : index
    %get3A_361 = arith.constant 0 : index
    %get3A_362 = memref.load %arg1[%get3A_360, %get3A_361] : memref<48x2xi32, #tpu.memory_space<smem>>
    %get3A_363 = arith.index_cast %get3A_362 : i32 to index
    %get3A_364 = memref.load %arg15[%get3A_363] : memref<32xf32, #tpu.memory_space<smem>>
    %add3A_365 = arith.constant 1.000000e+00 : f32
    %add3A_366 = arith.addf %get3A_364, %add3A_365 : f32
    %swap3A_367 = arith.index_cast %get3A_362 : i32 to index
    %swap3A_368 = memref.load %arg15[%swap3A_367] : memref<32xf32, #tpu.memory_space<smem>>
    memref.store %add3A_366, %arg15[%swap3A_367] : memref<32xf32, #tpu.memory_space<smem>>
    %get3A_369 = arith.constant 33 : index
    %get3A_370 = arith.constant 0 : index
    %get3A_371 = memref.load %arg1[%get3A_369, %get3A_370] : memref<48x2xi32, #tpu.memory_space<smem>>
    %get3A_372 = arith.index_cast %get3A_371 : i32 to index
    %get3A_373 = memref.load %arg15[%get3A_372] : memref<32xf32, #tpu.memory_space<smem>>
    %add3A_374 = arith.constant 1.000000e+00 : f32
    %add3A_375 = arith.addf %get3A_373, %add3A_374 : f32
    %swap3A_376 = arith.index_cast %get3A_371 : i32 to index
    %swap3A_377 = memref.load %arg15[%swap3A_376] : memref<32xf32, #tpu.memory_space<smem>>
    memref.store %add3A_375, %arg15[%swap3A_376] : memref<32xf32, #tpu.memory_space<smem>>
    %get3A_378 = arith.constant 34 : index
    %get3A_379 = arith.constant 0 : index
    %get3A_380 = memref.load %arg1[%get3A_378, %get3A_379] : memref<48x2xi32, #tpu.memory_space<smem>>
    %get3A_381 = arith.index_cast %get3A_380 : i32 to index
    %get3A_382 = memref.load %arg15[%get3A_381] : memref<32xf32, #tpu.memory_space<smem>>
    %add3A_383 = arith.constant 1.000000e+00 : f32
    %add3A_384 = arith.addf %get3A_382, %add3A_383 : f32
    %swap3A_385 = arith.index_cast %get3A_380 : i32 to index
    %swap3A_386 = memref.load %arg15[%swap3A_385] : memref<32xf32, #tpu.memory_space<smem>>
    memref.store %add3A_384, %arg15[%swap3A_385] : memref<32xf32, #tpu.memory_space<smem>>
    %get3A_387 = arith.constant 35 : index
    %get3A_388 = arith.constant 0 : index
    %get3A_389 = memref.load %arg1[%get3A_387, %get3A_388] : memref<48x2xi32, #tpu.memory_space<smem>>
    %get3A_390 = arith.index_cast %get3A_389 : i32 to index
    %get3A_391 = memref.load %arg15[%get3A_390] : memref<32xf32, #tpu.memory_space<smem>>
    %add3A_392 = arith.constant 1.000000e+00 : f32
    %add3A_393 = arith.addf %get3A_391, %add3A_392 : f32
    %swap3A_394 = arith.index_cast %get3A_389 : i32 to index
    %swap3A_395 = memref.load %arg15[%swap3A_394] : memref<32xf32, #tpu.memory_space<smem>>
    memref.store %add3A_393, %arg15[%swap3A_394] : memref<32xf32, #tpu.memory_space<smem>>
    %get3A_396 = arith.constant 36 : index
    %get3A_397 = arith.constant 0 : index
    %get3A_398 = memref.load %arg1[%get3A_396, %get3A_397] : memref<48x2xi32, #tpu.memory_space<smem>>
    %get3A_399 = arith.index_cast %get3A_398 : i32 to index
    %get3A_400 = memref.load %arg15[%get3A_399] : memref<32xf32, #tpu.memory_space<smem>>
    %add3A_401 = arith.constant 1.000000e+00 : f32
    %add3A_402 = arith.addf %get3A_400, %add3A_401 : f32
    %swap3A_403 = arith.index_cast %get3A_398 : i32 to index
    %swap3A_404 = memref.load %arg15[%swap3A_403] : memref<32xf32, #tpu.memory_space<smem>>
    memref.store %add3A_402, %arg15[%swap3A_403] : memref<32xf32, #tpu.memory_space<smem>>
    %get3A_405 = arith.constant 37 : index
    %get3A_406 = arith.constant 0 : index
    %get3A_407 = memref.load %arg1[%get3A_405, %get3A_406] : memref<48x2xi32, #tpu.memory_space<smem>>
    %get3A_408 = arith.index_cast %get3A_407 : i32 to index
    %get3A_409 = memref.load %arg15[%get3A_408] : memref<32xf32, #tpu.memory_space<smem>>
    %add3A_410 = arith.constant 1.000000e+00 : f32
    %add3A_411 = arith.addf %get3A_409, %add3A_410 : f32
    %swap3A_412 = arith.index_cast %get3A_407 : i32 to index
    %swap3A_413 = memref.load %arg15[%swap3A_412] : memref<32xf32, #tpu.memory_space<smem>>
    memref.store %add3A_411, %arg15[%swap3A_412] : memref<32xf32, #tpu.memory_space<smem>>
    %get3A_414 = arith.constant 38 : index
    %get3A_415 = arith.constant 0 : index
    %get3A_416 = memref.load %arg1[%get3A_414, %get3A_415] : memref<48x2xi32, #tpu.memory_space<smem>>
    %get3A_417 = arith.index_cast %get3A_416 : i32 to index
    %get3A_418 = memref.load %arg15[%get3A_417] : memref<32xf32, #tpu.memory_space<smem>>
    %add3A_419 = arith.constant 1.000000e+00 : f32
    %add3A_420 = arith.addf %get3A_418, %add3A_419 : f32
    %swap3A_421 = arith.index_cast %get3A_416 : i32 to index
    %swap3A_422 = memref.load %arg15[%swap3A_421] : memref<32xf32, #tpu.memory_space<smem>>
    memref.store %add3A_420, %arg15[%swap3A_421] : memref<32xf32, #tpu.memory_space<smem>>
    %get3A_423 = arith.constant 39 : index
    %get3A_424 = arith.constant 0 : index
    %get3A_425 = memref.load %arg1[%get3A_423, %get3A_424] : memref<48x2xi32, #tpu.memory_space<smem>>
    %get3A_426 = arith.index_cast %get3A_425 : i32 to index
    %get3A_427 = memref.load %arg15[%get3A_426] : memref<32xf32, #tpu.memory_space<smem>>
    %add3A_428 = arith.constant 1.000000e+00 : f32
    %add3A_429 = arith.addf %get3A_427, %add3A_428 : f32
    %swap3A_430 = arith.index_cast %get3A_425 : i32 to index
    %swap3A_431 = memref.load %arg15[%swap3A_430] : memref<32xf32, #tpu.memory_space<smem>>
    memref.store %add3A_429, %arg15[%swap3A_430] : memref<32xf32, #tpu.memory_space<smem>>
    %get3A_432 = arith.constant 40 : index
    %get3A_433 = arith.constant 0 : index
    %get3A_434 = memref.load %arg1[%get3A_432, %get3A_433] : memref<48x2xi32, #tpu.memory_space<smem>>
    %get3A_435 = arith.index_cast %get3A_434 : i32 to index
    %get3A_436 = memref.load %arg15[%get3A_435] : memref<32xf32, #tpu.memory_space<smem>>
    %add3A_437 = arith.constant 1.000000e+00 : f32
    %add3A_438 = arith.addf %get3A_436, %add3A_437 : f32
    %swap3A_439 = arith.index_cast %get3A_434 : i32 to index
    %swap3A_440 = memref.load %arg15[%swap3A_439] : memref<32xf32, #tpu.memory_space<smem>>
    memref.store %add3A_438, %arg15[%swap3A_439] : memref<32xf32, #tpu.memory_space<smem>>
    %get3A_441 = arith.constant 41 : index
    %get3A_442 = arith.constant 0 : index
    %get3A_443 = memref.load %arg1[%get3A_441, %get3A_442] : memref<48x2xi32, #tpu.memory_space<smem>>
    %get3A_444 = arith.index_cast %get3A_443 : i32 to index
    %get3A_445 = memref.load %arg15[%get3A_444] : memref<32xf32, #tpu.memory_space<smem>>
    %add3A_446 = arith.constant 1.000000e+00 : f32
    %add3A_447 = arith.addf %get3A_445, %add3A_446 : f32
    %swap3A_448 = arith.index_cast %get3A_443 : i32 to index
    %swap3A_449 = memref.load %arg15[%swap3A_448] : memref<32xf32, #tpu.memory_space<smem>>
    memref.store %add3A_447, %arg15[%swap3A_448] : memref<32xf32, #tpu.memory_space<smem>>
    %get3A_450 = arith.constant 42 : index
    %get3A_451 = arith.constant 0 : index
    %get3A_452 = memref.load %arg1[%get3A_450, %get3A_451] : memref<48x2xi32, #tpu.memory_space<smem>>
    %get3A_453 = arith.index_cast %get3A_452 : i32 to index
    %get3A_454 = memref.load %arg15[%get3A_453] : memref<32xf32, #tpu.memory_space<smem>>
    %add3A_455 = arith.constant 1.000000e+00 : f32
    %add3A_456 = arith.addf %get3A_454, %add3A_455 : f32
    %swap3A_457 = arith.index_cast %get3A_452 : i32 to index
    %swap3A_458 = memref.load %arg15[%swap3A_457] : memref<32xf32, #tpu.memory_space<smem>>
    memref.store %add3A_456, %arg15[%swap3A_457] : memref<32xf32, #tpu.memory_space<smem>>
    %get3A_459 = arith.constant 43 : index
    %get3A_460 = arith.constant 0 : index
    %get3A_461 = memref.load %arg1[%get3A_459, %get3A_460] : memref<48x2xi32, #tpu.memory_space<smem>>
    %get3A_462 = arith.index_cast %get3A_461 : i32 to index
    %get3A_463 = memref.load %arg15[%get3A_462] : memref<32xf32, #tpu.memory_space<smem>>
    %add3A_464 = arith.constant 1.000000e+00 : f32
    %add3A_465 = arith.addf %get3A_463, %add3A_464 : f32
    %swap3A_466 = arith.index_cast %get3A_461 : i32 to index
    %swap3A_467 = memref.load %arg15[%swap3A_466] : memref<32xf32, #tpu.memory_space<smem>>
    memref.store %add3A_465, %arg15[%swap3A_466] : memref<32xf32, #tpu.memory_space<smem>>
    %get3A_468 = arith.constant 44 : index
    %get3A_469 = arith.constant 0 : index
    %get3A_470 = memref.load %arg1[%get3A_468, %get3A_469] : memref<48x2xi32, #tpu.memory_space<smem>>
    %get3A_471 = arith.index_cast %get3A_470 : i32 to index
    %get3A_472 = memref.load %arg15[%get3A_471] : memref<32xf32, #tpu.memory_space<smem>>
    %add3A_473 = arith.constant 1.000000e+00 : f32
    %add3A_474 = arith.addf %get3A_472, %add3A_473 : f32
    %swap3A_475 = arith.index_cast %get3A_470 : i32 to index
    %swap3A_476 = memref.load %arg15[%swap3A_475] : memref<32xf32, #tpu.memory_space<smem>>
    memref.store %add3A_474, %arg15[%swap3A_475] : memref<32xf32, #tpu.memory_space<smem>>
    %get3A_477 = arith.constant 45 : index
    %get3A_478 = arith.constant 0 : index
    %get3A_479 = memref.load %arg1[%get3A_477, %get3A_478] : memref<48x2xi32, #tpu.memory_space<smem>>
    %get3A_480 = arith.index_cast %get3A_479 : i32 to index
    %get3A_481 = memref.load %arg15[%get3A_480] : memref<32xf32, #tpu.memory_space<smem>>
    %add3A_482 = arith.constant 1.000000e+00 : f32
    %add3A_483 = arith.addf %get3A_481, %add3A_482 : f32
    %swap3A_484 = arith.index_cast %get3A_479 : i32 to index
    %swap3A_485 = memref.load %arg15[%swap3A_484] : memref<32xf32, #tpu.memory_space<smem>>
    memref.store %add3A_483, %arg15[%swap3A_484] : memref<32xf32, #tpu.memory_space<smem>>
    %get3A_486 = arith.constant 46 : index
    %get3A_487 = arith.constant 0 : index
    %get3A_488 = memref.load %arg1[%get3A_486, %get3A_487] : memref<48x2xi32, #tpu.memory_space<smem>>
    %get3A_489 = arith.index_cast %get3A_488 : i32 to index
    %get3A_490 = memref.load %arg15[%get3A_489] : memref<32xf32, #tpu.memory_space<smem>>
    %add3A_491 = arith.constant 1.000000e+00 : f32
    %add3A_492 = arith.addf %get3A_490, %add3A_491 : f32
    %swap3A_493 = arith.index_cast %get3A_488 : i32 to index
    %swap3A_494 = memref.load %arg15[%swap3A_493] : memref<32xf32, #tpu.memory_space<smem>>
    memref.store %add3A_492, %arg15[%swap3A_493] : memref<32xf32, #tpu.memory_space<smem>>
    %get3A_495 = arith.constant 47 : index
    %get3A_496 = arith.constant 0 : index
    %get3A_497 = memref.load %arg1[%get3A_495, %get3A_496] : memref<48x2xi32, #tpu.memory_space<smem>>
    %get3A_498 = arith.index_cast %get3A_497 : i32 to index
    %get3A_499 = memref.load %arg15[%get3A_498] : memref<32xf32, #tpu.memory_space<smem>>
    %add3A_500 = arith.constant 1.000000e+00 : f32
    %add3A_501 = arith.addf %get3A_499, %add3A_500 : f32
    %swap3A_502 = arith.index_cast %get3A_497 : i32 to index
    %swap3A_503 = memref.load %arg15[%swap3A_502] : memref<32xf32, #tpu.memory_space<smem>>
    memref.store %add3A_501, %arg15[%swap3A_502] : memref<32xf32, #tpu.memory_space<smem>>
    %get3A_504 = arith.constant 0 : index
    %get3A_505 = arith.constant 0 : index
    %get3A_506 = vector.load %arg4[%get3A_504, %get3A_505] : memref<67x256xf32, #tpu.memory_space<vmem>>, vector<67x256xf32>
    %broadcast_in_dim3A = arith.constant 1.000000e+00 : f32
    %broadcast_in_dim3A_507 = vector.broadcast %broadcast_in_dim3A : f32 to vector<256x1xf32>
    %get3A_508 = arith.constant 0 : index
    %get3A_509 = arith.constant 0 : index
    %get3A_510 = arith.constant 0 : index
    %get3A_511 = vector.load %arg2[%get3A_508, %get3A_509, %get3A_510] : memref<25x256x64xf32, #tpu.memory_space<vmem>>, vector<1x256x64xf32>
    %get3A_512 = vector.shape_cast %get3A_511 : vector<1x256x64xf32> to vector<256x64xf32>
    %get3A_513 = arith.constant 0 : index
    %get3A_514 = arith.constant 0 : index
    %get3A_515 = arith.constant 0 : index
    %get3A_516 = vector.load %arg3[%get3A_513, %get3A_514, %get3A_515] : memref<25x256x2xf32, #tpu.memory_space<vmem>>, vector<1x256x2xf32>
    %get3A_517 = vector.shape_cast %get3A_516 : vector<1x256x2xf32> to vector<256x2xf32>
    %concatenate3A = tpu.concatenate %get3A_512, %get3A_517, %broadcast_in_dim3A_507 in 1 : vector<256x64xf32>, vector<256x2xf32>, vector<256x1xf32> -> vector<256x67xf32>
    %dot_general3A = arith.constant dense<0.000000e+00> : vector<256x256xf32>
    %dot_general3A_518 = tpu.matmul %concatenate3A, %get3A_506, %dot_general3A {dimension_numbers = #tpu.dot_dimension_numbers<[1], [0], [0], [1], [0, 0, 1, 1], [], []>, transpose_lhs_hint = false} : vector<256x67xf32>, vector<67x256xf32>, vector<256x256xf32> -> vector<256x256xf32>
    %swap3A_519 = arith.constant 0 : index
    %swap3A_520 = arith.constant 0 : index
    %swap3A_521 = arith.constant 0 : index
    %swap3A_522 = vector.load %arg13[%swap3A_519, %swap3A_520, %swap3A_521] : memref<25x256x256xf32, #tpu.memory_space<vmem>>, vector<1x256x256xf32>
    %swap3A_523 = vector.shape_cast %swap3A_522 : vector<1x256x256xf32> to vector<256x256xf32>
    %swap3A_524 = vector.shape_cast %dot_general3A_518 : vector<256x256xf32> to vector<1x256x256xf32>
    tpu.vector_store %arg13[%swap3A_519, %swap3A_520, %swap3A_521], %swap3A_524 {strides = array<i32>} : memref<25x256x256xf32, #tpu.memory_space<vmem>>, vector<1x256x256xf32>,
    %get3A_525 = arith.constant 1 : index
    %get3A_526 = arith.constant 0 : index
    %get3A_527 = arith.constant 0 : index
    %get3A_528 = vector.load %arg2[%get3A_525, %get3A_526, %get3A_527] : memref<25x256x64xf32, #tpu.memory_space<vmem>>, vector<1x256x64xf32>
    %get3A_529 = vector.shape_cast %get3A_528 : vector<1x256x64xf32> to vector<256x64xf32>
    %get3A_530 = arith.constant 1 : index
    %get3A_531 = arith.constant 0 : index
    %get3A_532 = arith.constant 0 : index
    %get3A_533 = vector.load %arg3[%get3A_530, %get3A_531, %get3A_532] : memref<25x256x2xf32, #tpu.memory_space<vmem>>, vector<1x256x2xf32>
    %get3A_534 = vector.shape_cast %get3A_533 : vector<1x256x2xf32> to vector<256x2xf32>
    %concatenate3A_535 = tpu.concatenate %get3A_529, %get3A_534, %broadcast_in_dim3A_507 in 1 : vector<256x64xf32>, vector<256x2xf32>, vector<256x1xf32> -> vector<256x67xf32>
    %dot_general3A_536 = arith.constant dense<0.000000e+00> : vector<256x256xf32>
    %dot_general3A_537 = tpu.matmul %concatenate3A_535, %get3A_506, %dot_general3A_536 {dimension_numbers = #tpu.dot_dimension_numbers<[1], [0], [0], [1], [0, 0, 1, 1], [], []>, transpose_lhs_hint = false} : vector<256x67xf32>, vector<67x256xf32>, vector<256x256xf32> -> vector<256x256xf32>
    %swap3A_538 = arith.constant 1 : index
    %swap3A_539 = arith.constant 0 : index
    %swap3A_540 = arith.constant 0 : index
    %swap3A_541 = vector.load %arg13[%swap3A_538, %swap3A_539, %swap3A_540] : memref<25x256x256xf32, #tpu.memory_space<vmem>>, vector<1x256x256xf32>
    %swap3A_542 = vector.shape_cast %swap3A_541 : vector<1x256x256xf32> to vector<256x256xf32>
    %swap3A_543 = vector.shape_cast %dot_general3A_537 : vector<256x256xf32> to vector<1x256x256xf32>
    tpu.vector_store %arg13[%swap3A_538, %swap3A_539, %swap3A_540], %swap3A_543 {strides = array<i32>} : memref<25x256x256xf32, #tpu.memory_space<vmem>>, vector<1x256x256xf32>,
    %get3A_544 = arith.constant 2 : index
    %get3A_545 = arith.constant 0 : index
    %get3A_546 = arith.constant 0 : index
    %get3A_547 = vector.load %arg2[%get3A_544, %get3A_545, %get3A_546] : memref<25x256x64xf32, #tpu.memory_space<vmem>>, vector<1x256x64xf32>
    %get3A_548 = vector.shape_cast %get3A_547 : vector<1x256x64xf32> to vector<256x64xf32>
    %get3A_549 = arith.constant 2 : index
    %get3A_550 = arith.constant 0 : index
    %get3A_551 = arith.constant 0 : index
    %get3A_552 = vector.load %arg3[%get3A_549, %get3A_550, %get3A_551] : memref<25x256x2xf32, #tpu.memory_space<vmem>>, vector<1x256x2xf32>
    %get3A_553 = vector.shape_cast %get3A_552 : vector<1x256x2xf32> to vector<256x2xf32>
    %concatenate3A_554 = tpu.concatenate %get3A_548, %get3A_553, %broadcast_in_dim3A_507 in 1 : vector<256x64xf32>, vector<256x2xf32>, vector<256x1xf32> -> vector<256x67xf32>
    %dot_general3A_555 = arith.constant dense<0.000000e+00> : vector<256x256xf32>
    %dot_general3A_556 = tpu.matmul %concatenate3A_554, %get3A_506, %dot_general3A_555 {dimension_numbers = #tpu.dot_dimension_numbers<[1], [0], [0], [1], [0, 0, 1, 1], [], []>, transpose_lhs_hint = false} : vector<256x67xf32>, vector<67x256xf32>, vector<256x256xf32> -> vector<256x256xf32>
    %swap3A_557 = arith.constant 2 : index
    %swap3A_558 = arith.constant 0 : index
    %swap3A_559 = arith.constant 0 : index
    %swap3A_560 = vector.load %arg13[%swap3A_557, %swap3A_558, %swap3A_559] : memref<25x256x256xf32, #tpu.memory_space<vmem>>, vector<1x256x256xf32>
    %swap3A_561 = vector.shape_cast %swap3A_560 : vector<1x256x256xf32> to vector<256x256xf32>
    %swap3A_562 = vector.shape_cast %dot_general3A_556 : vector<256x256xf32> to vector<1x256x256xf32>
    tpu.vector_store %arg13[%swap3A_557, %swap3A_558, %swap3A_559], %swap3A_562 {strides = array<i32>} : memref<25x256x256xf32, #tpu.memory_space<vmem>>, vector<1x256x256xf32>,
    %get3A_563 = arith.constant 3 : index
    %get3A_564 = arith.constant 0 : index
    %get3A_565 = arith.constant 0 : index
    %get3A_566 = vector.load %arg2[%get3A_563, %get3A_564, %get3A_565] : memref<25x256x64xf32, #tpu.memory_space<vmem>>, vector<1x256x64xf32>
    %get3A_567 = vector.shape_cast %get3A_566 : vector<1x256x64xf32> to vector<256x64xf32>
    %get3A_568 = arith.constant 3 : index
    %get3A_569 = arith.constant 0 : index
    %get3A_570 = arith.constant 0 : index
    %get3A_571 = vector.load %arg3[%get3A_568, %get3A_569, %get3A_570] : memref<25x256x2xf32, #tpu.memory_space<vmem>>, vector<1x256x2xf32>
    %get3A_572 = vector.shape_cast %get3A_571 : vector<1x256x2xf32> to vector<256x2xf32>
    %concatenate3A_573 = tpu.concatenate %get3A_567, %get3A_572, %broadcast_in_dim3A_507 in 1 : vector<256x64xf32>, vector<256x2xf32>, vector<256x1xf32> -> vector<256x67xf32>
    %dot_general3A_574 = arith.constant dense<0.000000e+00> : vector<256x256xf32>
    %dot_general3A_575 = tpu.matmul %concatenate3A_573, %get3A_506, %dot_general3A_574 {dimension_numbers = #tpu.dot_dimension_numbers<[1], [0], [0], [1], [0, 0, 1, 1], [], []>, transpose_lhs_hint = false} : vector<256x67xf32>, vector<67x256xf32>, vector<256x256xf32> -> vector<256x256xf32>
    %swap3A_576 = arith.constant 3 : index
    %swap3A_577 = arith.constant 0 : index
    %swap3A_578 = arith.constant 0 : index
    %swap3A_579 = vector.load %arg13[%swap3A_576, %swap3A_577, %swap3A_578] : memref<25x256x256xf32, #tpu.memory_space<vmem>>, vector<1x256x256xf32>
    %swap3A_580 = vector.shape_cast %swap3A_579 : vector<1x256x256xf32> to vector<256x256xf32>
    %swap3A_581 = vector.shape_cast %dot_general3A_575 : vector<256x256xf32> to vector<1x256x256xf32>
    tpu.vector_store %arg13[%swap3A_576, %swap3A_577, %swap3A_578], %swap3A_581 {strides = array<i32>} : memref<25x256x256xf32, #tpu.memory_space<vmem>>, vector<1x256x256xf32>,
    %get3A_582 = arith.constant 4 : index
    %get3A_583 = arith.constant 0 : index
    %get3A_584 = arith.constant 0 : index
    %get3A_585 = vector.load %arg2[%get3A_582, %get3A_583, %get3A_584] : memref<25x256x64xf32, #tpu.memory_space<vmem>>, vector<1x256x64xf32>
    %get3A_586 = vector.shape_cast %get3A_585 : vector<1x256x64xf32> to vector<256x64xf32>
    %get3A_587 = arith.constant 4 : index
    %get3A_588 = arith.constant 0 : index
    %get3A_589 = arith.constant 0 : index
    %get3A_590 = vector.load %arg3[%get3A_587, %get3A_588, %get3A_589] : memref<25x256x2xf32, #tpu.memory_space<vmem>>, vector<1x256x2xf32>
    %get3A_591 = vector.shape_cast %get3A_590 : vector<1x256x2xf32> to vector<256x2xf32>
    %concatenate3A_592 = tpu.concatenate %get3A_586, %get3A_591, %broadcast_in_dim3A_507 in 1 : vector<256x64xf32>, vector<256x2xf32>, vector<256x1xf32> -> vector<256x67xf32>
    %dot_general3A_593 = arith.constant dense<0.000000e+00> : vector<256x256xf32>
    %dot_general3A_594 = tpu.matmul %concatenate3A_592, %get3A_506, %dot_general3A_593 {dimension_numbers = #tpu.dot_dimension_numbers<[1], [0], [0], [1], [0, 0, 1, 1], [], []>, transpose_lhs_hint = false} : vector<256x67xf32>, vector<67x256xf32>, vector<256x256xf32> -> vector<256x256xf32>
    %swap3A_595 = arith.constant 4 : index
    %swap3A_596 = arith.constant 0 : index
    %swap3A_597 = arith.constant 0 : index
    %swap3A_598 = vector.load %arg13[%swap3A_595, %swap3A_596, %swap3A_597] : memref<25x256x256xf32, #tpu.memory_space<vmem>>, vector<1x256x256xf32>
    %swap3A_599 = vector.shape_cast %swap3A_598 : vector<1x256x256xf32> to vector<256x256xf32>
    %swap3A_600 = vector.shape_cast %dot_general3A_594 : vector<256x256xf32> to vector<1x256x256xf32>
    tpu.vector_store %arg13[%swap3A_595, %swap3A_596, %swap3A_597], %swap3A_600 {strides = array<i32>} : memref<25x256x256xf32, #tpu.memory_space<vmem>>, vector<1x256x256xf32>,
    %get3A_601 = arith.constant 5 : index
    %get3A_602 = arith.constant 0 : index
    %get3A_603 = arith.constant 0 : index
    %get3A_604 = vector.load %arg2[%get3A_601, %get3A_602, %get3A_603] : memref<25x256x64xf32, #tpu.memory_space<vmem>>, vector<1x256x64xf32>
    %get3A_605 = vector.shape_cast %get3A_604 : vector<1x256x64xf32> to vector<256x64xf32>
    %get3A_606 = arith.constant 5 : index
    %get3A_607 = arith.constant 0 : index
    %get3A_608 = arith.constant 0 : index
    %get3A_609 = vector.load %arg3[%get3A_606, %get3A_607, %get3A_608] : memref<25x256x2xf32, #tpu.memory_space<vmem>>, vector<1x256x2xf32>
    %get3A_610 = vector.shape_cast %get3A_609 : vector<1x256x2xf32> to vector<256x2xf32>
    %concatenate3A_611 = tpu.concatenate %get3A_605, %get3A_610, %broadcast_in_dim3A_507 in 1 : vector<256x64xf32>, vector<256x2xf32>, vector<256x1xf32> -> vector<256x67xf32>
    %dot_general3A_612 = arith.constant dense<0.000000e+00> : vector<256x256xf32>
    %dot_general3A_613 = tpu.matmul %concatenate3A_611, %get3A_506, %dot_general3A_612 {dimension_numbers = #tpu.dot_dimension_numbers<[1], [0], [0], [1], [0, 0, 1, 1], [], []>, transpose_lhs_hint = false} : vector<256x67xf32>, vector<67x256xf32>, vector<256x256xf32> -> vector<256x256xf32>
    %swap3A_614 = arith.constant 5 : index
    %swap3A_615 = arith.constant 0 : index
    %swap3A_616 = arith.constant 0 : index
    %swap3A_617 = vector.load %arg13[%swap3A_614, %swap3A_615, %swap3A_616] : memref<25x256x256xf32, #tpu.memory_space<vmem>>, vector<1x256x256xf32>
    %swap3A_618 = vector.shape_cast %swap3A_617 : vector<1x256x256xf32> to vector<256x256xf32>
    %swap3A_619 = vector.shape_cast %dot_general3A_613 : vector<256x256xf32> to vector<1x256x256xf32>
    tpu.vector_store %arg13[%swap3A_614, %swap3A_615, %swap3A_616], %swap3A_619 {strides = array<i32>} : memref<25x256x256xf32, #tpu.memory_space<vmem>>, vector<1x256x256xf32>,
    %get3A_620 = arith.constant 6 : index
    %get3A_621 = arith.constant 0 : index
    %get3A_622 = arith.constant 0 : index
    %get3A_623 = vector.load %arg2[%get3A_620, %get3A_621, %get3A_622] : memref<25x256x64xf32, #tpu.memory_space<vmem>>, vector<1x256x64xf32>
    %get3A_624 = vector.shape_cast %get3A_623 : vector<1x256x64xf32> to vector<256x64xf32>
    %get3A_625 = arith.constant 6 : index
    %get3A_626 = arith.constant 0 : index
    %get3A_627 = arith.constant 0 : index
    %get3A_628 = vector.load %arg3[%get3A_625, %get3A_626, %get3A_627] : memref<25x256x2xf32, #tpu.memory_space<vmem>>, vector<1x256x2xf32>
    %get3A_629 = vector.shape_cast %get3A_628 : vector<1x256x2xf32> to vector<256x2xf32>
    %concatenate3A_630 = tpu.concatenate %get3A_624, %get3A_629, %broadcast_in_dim3A_507 in 1 : vector<256x64xf32>, vector<256x2xf32>, vector<256x1xf32> -> vector<256x67xf32>
    %dot_general3A_631 = arith.constant dense<0.000000e+00> : vector<256x256xf32>
    %dot_general3A_632 = tpu.matmul %concatenate3A_630, %get3A_506, %dot_general3A_631 {dimension_numbers = #tpu.dot_dimension_numbers<[1], [0], [0], [1], [0, 0, 1, 1], [], []>, transpose_lhs_hint = false} : vector<256x67xf32>, vector<67x256xf32>, vector<256x256xf32> -> vector<256x256xf32>
    %swap3A_633 = arith.constant 6 : index
    %swap3A_634 = arith.constant 0 : index
    %swap3A_635 = arith.constant 0 : index
    %swap3A_636 = vector.load %arg13[%swap3A_633, %swap3A_634, %swap3A_635] : memref<25x256x256xf32, #tpu.memory_space<vmem>>, vector<1x256x256xf32>
    %swap3A_637 = vector.shape_cast %swap3A_636 : vector<1x256x256xf32> to vector<256x256xf32>
    %swap3A_638 = vector.shape_cast %dot_general3A_632 : vector<256x256xf32> to vector<1x256x256xf32>
    tpu.vector_store %arg13[%swap3A_633, %swap3A_634, %swap3A_635], %swap3A_638 {strides = array<i32>} : memref<25x256x256xf32, #tpu.memory_space<vmem>>, vector<1x256x256xf32>,
    %get3A_639 = arith.constant 7 : index
    %get3A_640 = arith.constant 0 : index
    %get3A_641 = arith.constant 0 : index
    %get3A_642 = vector.load %arg2[%get3A_639, %get3A_640, %get3A_641] : memref<25x256x64xf32, #tpu.memory_space<vmem>>, vector<1x256x64xf32>
    %get3A_643 = vector.shape_cast %get3A_642 : vector<1x256x64xf32> to vector<256x64xf32>
    %get3A_644 = arith.constant 7 : index
    %get3A_645 = arith.constant 0 : index
    %get3A_646 = arith.constant 0 : index
    %get3A_647 = vector.load %arg3[%get3A_644, %get3A_645, %get3A_646] : memref<25x256x2xf32, #tpu.memory_space<vmem>>, vector<1x256x2xf32>
    %get3A_648 = vector.shape_cast %get3A_647 : vector<1x256x2xf32> to vector<256x2xf32>
    %concatenate3A_649 = tpu.concatenate %get3A_643, %get3A_648, %broadcast_in_dim3A_507 in 1 : vector<256x64xf32>, vector<256x2xf32>, vector<256x1xf32> -> vector<256x67xf32>
    %dot_general3A_650 = arith.constant dense<0.000000e+00> : vector<256x256xf32>
    %dot_general3A_651 = tpu.matmul %concatenate3A_649, %get3A_506, %dot_general3A_650 {dimension_numbers = #tpu.dot_dimension_numbers<[1], [0], [0], [1], [0, 0, 1, 1], [], []>, transpose_lhs_hint = false} : vector<256x67xf32>, vector<67x256xf32>, vector<256x256xf32> -> vector<256x256xf32>
    %swap3A_652 = arith.constant 7 : index
    %swap3A_653 = arith.constant 0 : index
    %swap3A_654 = arith.constant 0 : index
    %swap3A_655 = vector.load %arg13[%swap3A_652, %swap3A_653, %swap3A_654] : memref<25x256x256xf32, #tpu.memory_space<vmem>>, vector<1x256x256xf32>
    %swap3A_656 = vector.shape_cast %swap3A_655 : vector<1x256x256xf32> to vector<256x256xf32>
    %swap3A_657 = vector.shape_cast %dot_general3A_651 : vector<256x256xf32> to vector<1x256x256xf32>
    tpu.vector_store %arg13[%swap3A_652, %swap3A_653, %swap3A_654], %swap3A_657 {strides = array<i32>} : memref<25x256x256xf32, #tpu.memory_space<vmem>>, vector<1x256x256xf32>,
    %get3A_658 = arith.constant 8 : index
    %get3A_659 = arith.constant 0 : index
    %get3A_660 = arith.constant 0 : index
    %get3A_661 = vector.load %arg2[%get3A_658, %get3A_659, %get3A_660] : memref<25x256x64xf32, #tpu.memory_space<vmem>>, vector<1x256x64xf32>
    %get3A_662 = vector.shape_cast %get3A_661 : vector<1x256x64xf32> to vector<256x64xf32>
    %get3A_663 = arith.constant 8 : index
    %get3A_664 = arith.constant 0 : index
    %get3A_665 = arith.constant 0 : index
    %get3A_666 = vector.load %arg3[%get3A_663, %get3A_664, %get3A_665] : memref<25x256x2xf32, #tpu.memory_space<vmem>>, vector<1x256x2xf32>
    %get3A_667 = vector.shape_cast %get3A_666 : vector<1x256x2xf32> to vector<256x2xf32>
    %concatenate3A_668 = tpu.concatenate %get3A_662, %get3A_667, %broadcast_in_dim3A_507 in 1 : vector<256x64xf32>, vector<256x2xf32>, vector<256x1xf32> -> vector<256x67xf32>
    %dot_general3A_669 = arith.constant dense<0.000000e+00> : vector<256x256xf32>
    %dot_general3A_670 = tpu.matmul %concatenate3A_668, %get3A_506, %dot_general3A_669 {dimension_numbers = #tpu.dot_dimension_numbers<[1], [0], [0], [1], [0, 0, 1, 1], [], []>, transpose_lhs_hint = false} : vector<256x67xf32>, vector<67x256xf32>, vector<256x256xf32> -> vector<256x256xf32>
    %swap3A_671 = arith.constant 8 : index
    %swap3A_672 = arith.constant 0 : index
    %swap3A_673 = arith.constant 0 : index
    %swap3A_674 = vector.load %arg13[%swap3A_671, %swap3A_672, %swap3A_673] : memref<25x256x256xf32, #tpu.memory_space<vmem>>, vector<1x256x256xf32>
    %swap3A_675 = vector.shape_cast %swap3A_674 : vector<1x256x256xf32> to vector<256x256xf32>
    %swap3A_676 = vector.shape_cast %dot_general3A_670 : vector<256x256xf32> to vector<1x256x256xf32>
    tpu.vector_store %arg13[%swap3A_671, %swap3A_672, %swap3A_673], %swap3A_676 {strides = array<i32>} : memref<25x256x256xf32, #tpu.memory_space<vmem>>, vector<1x256x256xf32>,
    %get3A_677 = arith.constant 9 : index
    %get3A_678 = arith.constant 0 : index
    %get3A_679 = arith.constant 0 : index
    %get3A_680 = vector.load %arg2[%get3A_677, %get3A_678, %get3A_679] : memref<25x256x64xf32, #tpu.memory_space<vmem>>, vector<1x256x64xf32>
    %get3A_681 = vector.shape_cast %get3A_680 : vector<1x256x64xf32> to vector<256x64xf32>
    %get3A_682 = arith.constant 9 : index
    %get3A_683 = arith.constant 0 : index
    %get3A_684 = arith.constant 0 : index
    %get3A_685 = vector.load %arg3[%get3A_682, %get3A_683, %get3A_684] : memref<25x256x2xf32, #tpu.memory_space<vmem>>, vector<1x256x2xf32>
    %get3A_686 = vector.shape_cast %get3A_685 : vector<1x256x2xf32> to vector<256x2xf32>
    %concatenate3A_687 = tpu.concatenate %get3A_681, %get3A_686, %broadcast_in_dim3A_507 in 1 : vector<256x64xf32>, vector<256x2xf32>, vector<256x1xf32> -> vector<256x67xf32>
    %dot_general3A_688 = arith.constant dense<0.000000e+00> : vector<256x256xf32>
    %dot_general3A_689 = tpu.matmul %concatenate3A_687, %get3A_506, %dot_general3A_688 {dimension_numbers = #tpu.dot_dimension_numbers<[1], [0], [0], [1], [0, 0, 1, 1], [], []>, transpose_lhs_hint = false} : vector<256x67xf32>, vector<67x256xf32>, vector<256x256xf32> -> vector<256x256xf32>
    %swap3A_690 = arith.constant 9 : index
    %swap3A_691 = arith.constant 0 : index
    %swap3A_692 = arith.constant 0 : index
    %swap3A_693 = vector.load %arg13[%swap3A_690, %swap3A_691, %swap3A_692] : memref<25x256x256xf32, #tpu.memory_space<vmem>>, vector<1x256x256xf32>
    %swap3A_694 = vector.shape_cast %swap3A_693 : vector<1x256x256xf32> to vector<256x256xf32>
    %swap3A_695 = vector.shape_cast %dot_general3A_689 : vector<256x256xf32> to vector<1x256x256xf32>
    tpu.vector_store %arg13[%swap3A_690, %swap3A_691, %swap3A_692], %swap3A_695 {strides = array<i32>} : memref<25x256x256xf32, #tpu.memory_space<vmem>>, vector<1x256x256xf32>,
    %get3A_696 = arith.constant 10 : index
    %get3A_697 = arith.constant 0 : index
    %get3A_698 = arith.constant 0 : index
    %get3A_699 = vector.load %arg2[%get3A_696, %get3A_697, %get3A_698] : memref<25x256x64xf32, #tpu.memory_space<vmem>>, vector<1x256x64xf32>
    %get3A_700 = vector.shape_cast %get3A_699 : vector<1x256x64xf32> to vector<256x64xf32>
    %get3A_701 = arith.constant 10 : index
    %get3A_702 = arith.constant 0 : index
    %get3A_703 = arith.constant 0 : index
    %get3A_704 = vector.load %arg3[%get3A_701, %get3A_702, %get3A_703] : memref<25x256x2xf32, #tpu.memory_space<vmem>>, vector<1x256x2xf32>
    %get3A_705 = vector.shape_cast %get3A_704 : vector<1x256x2xf32> to vector<256x2xf32>
    %concatenate3A_706 = tpu.concatenate %get3A_700, %get3A_705, %broadcast_in_dim3A_507 in 1 : vector<256x64xf32>, vector<256x2xf32>, vector<256x1xf32> -> vector<256x67xf32>
    %dot_general3A_707 = arith.constant dense<0.000000e+00> : vector<256x256xf32>
    %dot_general3A_708 = tpu.matmul %concatenate3A_706, %get3A_506, %dot_general3A_707 {dimension_numbers = #tpu.dot_dimension_numbers<[1], [0], [0], [1], [0, 0, 1, 1], [], []>, transpose_lhs_hint = false} : vector<256x67xf32>, vector<67x256xf32>, vector<256x256xf32> -> vector<256x256xf32>
    %swap3A_709 = arith.constant 10 : index
    %swap3A_710 = arith.constant 0 : index
    %swap3A_711 = arith.constant 0 : index
    %swap3A_712 = vector.load %arg13[%swap3A_709, %swap3A_710, %swap3A_711] : memref<25x256x256xf32, #tpu.memory_space<vmem>>, vector<1x256x256xf32>
    %swap3A_713 = vector.shape_cast %swap3A_712 : vector<1x256x256xf32> to vector<256x256xf32>
    %swap3A_714 = vector.shape_cast %dot_general3A_708 : vector<256x256xf32> to vector<1x256x256xf32>
    tpu.vector_store %arg13[%swap3A_709, %swap3A_710, %swap3A_711], %swap3A_714 {strides = array<i32>} : memref<25x256x256xf32, #tpu.memory_space<vmem>>, vector<1x256x256xf32>,
    %get3A_715 = arith.constant 11 : index
    %get3A_716 = arith.constant 0 : index
    %get3A_717 = arith.constant 0 : index
    %get3A_718 = vector.load %arg2[%get3A_715, %get3A_716, %get3A_717] : memref<25x256x64xf32, #tpu.memory_space<vmem>>, vector<1x256x64xf32>
    %get3A_719 = vector.shape_cast %get3A_718 : vector<1x256x64xf32> to vector<256x64xf32>
    %get3A_720 = arith.constant 11 : index
    %get3A_721 = arith.constant 0 : index
    %get3A_722 = arith.constant 0 : index
    %get3A_723 = vector.load %arg3[%get3A_720, %get3A_721, %get3A_722] : memref<25x256x2xf32, #tpu.memory_space<vmem>>, vector<1x256x2xf32>
    %get3A_724 = vector.shape_cast %get3A_723 : vector<1x256x2xf32> to vector<256x2xf32>
    %concatenate3A_725 = tpu.concatenate %get3A_719, %get3A_724, %broadcast_in_dim3A_507 in 1 : vector<256x64xf32>, vector<256x2xf32>, vector<256x1xf32> -> vector<256x67xf32>
    %dot_general3A_726 = arith.constant dense<0.000000e+00> : vector<256x256xf32>
    %dot_general3A_727 = tpu.matmul %concatenate3A_725, %get3A_506, %dot_general3A_726 {dimension_numbers = #tpu.dot_dimension_numbers<[1], [0], [0], [1], [0, 0, 1, 1], [], []>, transpose_lhs_hint = false} : vector<256x67xf32>, vector<67x256xf32>, vector<256x256xf32> -> vector<256x256xf32>
    %swap3A_728 = arith.constant 11 : index
    %swap3A_729 = arith.constant 0 : index
    %swap3A_730 = arith.constant 0 : index
    %swap3A_731 = vector.load %arg13[%swap3A_728, %swap3A_729, %swap3A_730] : memref<25x256x256xf32, #tpu.memory_space<vmem>>, vector<1x256x256xf32>
    %swap3A_732 = vector.shape_cast %swap3A_731 : vector<1x256x256xf32> to vector<256x256xf32>
    %swap3A_733 = vector.shape_cast %dot_general3A_727 : vector<256x256xf32> to vector<1x256x256xf32>
    tpu.vector_store %arg13[%swap3A_728, %swap3A_729, %swap3A_730], %swap3A_733 {strides = array<i32>} : memref<25x256x256xf32, #tpu.memory_space<vmem>>, vector<1x256x256xf32>,
    %get3A_734 = arith.constant 12 : index
    %get3A_735 = arith.constant 0 : index
    %get3A_736 = arith.constant 0 : index
    %get3A_737 = vector.load %arg2[%get3A_734, %get3A_735, %get3A_736] : memref<25x256x64xf32, #tpu.memory_space<vmem>>, vector<1x256x64xf32>
    %get3A_738 = vector.shape_cast %get3A_737 : vector<1x256x64xf32> to vector<256x64xf32>
    %get3A_739 = arith.constant 12 : index
    %get3A_740 = arith.constant 0 : index
    %get3A_741 = arith.constant 0 : index
    %get3A_742 = vector.load %arg3[%get3A_739, %get3A_740, %get3A_741] : memref<25x256x2xf32, #tpu.memory_space<vmem>>, vector<1x256x2xf32>
    %get3A_743 = vector.shape_cast %get3A_742 : vector<1x256x2xf32> to vector<256x2xf32>
    %concatenate3A_744 = tpu.concatenate %get3A_738, %get3A_743, %broadcast_in_dim3A_507 in 1 : vector<256x64xf32>, vector<256x2xf32>, vector<256x1xf32> -> vector<256x67xf32>
    %dot_general3A_745 = arith.constant dense<0.000000e+00> : vector<256x256xf32>
    %dot_general3A_746 = tpu.matmul %concatenate3A_744, %get3A_506, %dot_general3A_745 {dimension_numbers = #tpu.dot_dimension_numbers<[1], [0], [0], [1], [0, 0, 1, 1], [], []>, transpose_lhs_hint = false} : vector<256x67xf32>, vector<67x256xf32>, vector<256x256xf32> -> vector<256x256xf32>
    %swap3A_747 = arith.constant 12 : index
    %swap3A_748 = arith.constant 0 : index
    %swap3A_749 = arith.constant 0 : index
    %swap3A_750 = vector.load %arg13[%swap3A_747, %swap3A_748, %swap3A_749] : memref<25x256x256xf32, #tpu.memory_space<vmem>>, vector<1x256x256xf32>
    %swap3A_751 = vector.shape_cast %swap3A_750 : vector<1x256x256xf32> to vector<256x256xf32>
    %swap3A_752 = vector.shape_cast %dot_general3A_746 : vector<256x256xf32> to vector<1x256x256xf32>
    tpu.vector_store %arg13[%swap3A_747, %swap3A_748, %swap3A_749], %swap3A_752 {strides = array<i32>} : memref<25x256x256xf32, #tpu.memory_space<vmem>>, vector<1x256x256xf32>,
    %get3A_753 = arith.constant 13 : index
    %get3A_754 = arith.constant 0 : index
    %get3A_755 = arith.constant 0 : index
    %get3A_756 = vector.load %arg2[%get3A_753, %get3A_754, %get3A_755] : memref<25x256x64xf32, #tpu.memory_space<vmem>>, vector<1x256x64xf32>
    %get3A_757 = vector.shape_cast %get3A_756 : vector<1x256x64xf32> to vector<256x64xf32>
    %get3A_758 = arith.constant 13 : index
    %get3A_759 = arith.constant 0 : index
    %get3A_760 = arith.constant 0 : index
    %get3A_761 = vector.load %arg3[%get3A_758, %get3A_759, %get3A_760] : memref<25x256x2xf32, #tpu.memory_space<vmem>>, vector<1x256x2xf32>
    %get3A_762 = vector.shape_cast %get3A_761 : vector<1x256x2xf32> to vector<256x2xf32>
    %concatenate3A_763 = tpu.concatenate %get3A_757, %get3A_762, %broadcast_in_dim3A_507 in 1 : vector<256x64xf32>, vector<256x2xf32>, vector<256x1xf32> -> vector<256x67xf32>
    %dot_general3A_764 = arith.constant dense<0.000000e+00> : vector<256x256xf32>
    %dot_general3A_765 = tpu.matmul %concatenate3A_763, %get3A_506, %dot_general3A_764 {dimension_numbers = #tpu.dot_dimension_numbers<[1], [0], [0], [1], [0, 0, 1, 1], [], []>, transpose_lhs_hint = false} : vector<256x67xf32>, vector<67x256xf32>, vector<256x256xf32> -> vector<256x256xf32>
    %swap3A_766 = arith.constant 13 : index
    %swap3A_767 = arith.constant 0 : index
    %swap3A_768 = arith.constant 0 : index
    %swap3A_769 = vector.load %arg13[%swap3A_766, %swap3A_767, %swap3A_768] : memref<25x256x256xf32, #tpu.memory_space<vmem>>, vector<1x256x256xf32>
    %swap3A_770 = vector.shape_cast %swap3A_769 : vector<1x256x256xf32> to vector<256x256xf32>
    %swap3A_771 = vector.shape_cast %dot_general3A_765 : vector<256x256xf32> to vector<1x256x256xf32>
    tpu.vector_store %arg13[%swap3A_766, %swap3A_767, %swap3A_768], %swap3A_771 {strides = array<i32>} : memref<25x256x256xf32, #tpu.memory_space<vmem>>, vector<1x256x256xf32>,
    %get3A_772 = arith.constant 14 : index
    %get3A_773 = arith.constant 0 : index
    %get3A_774 = arith.constant 0 : index
    %get3A_775 = vector.load %arg2[%get3A_772, %get3A_773, %get3A_774] : memref<25x256x64xf32, #tpu.memory_space<vmem>>, vector<1x256x64xf32>
    %get3A_776 = vector.shape_cast %get3A_775 : vector<1x256x64xf32> to vector<256x64xf32>
    %get3A_777 = arith.constant 14 : index
    %get3A_778 = arith.constant 0 : index
    %get3A_779 = arith.constant 0 : index
    %get3A_780 = vector.load %arg3[%get3A_777, %get3A_778, %get3A_779] : memref<25x256x2xf32, #tpu.memory_space<vmem>>, vector<1x256x2xf32>
    %get3A_781 = vector.shape_cast %get3A_780 : vector<1x256x2xf32> to vector<256x2xf32>
    %concatenate3A_782 = tpu.concatenate %get3A_776, %get3A_781, %broadcast_in_dim3A_507 in 1 : vector<256x64xf32>, vector<256x2xf32>, vector<256x1xf32> -> vector<256x67xf32>
    %dot_general3A_783 = arith.constant dense<0.000000e+00> : vector<256x256xf32>
    %dot_general3A_784 = tpu.matmul %concatenate3A_782, %get3A_506, %dot_general3A_783 {dimension_numbers = #tpu.dot_dimension_numbers<[1], [0], [0], [1], [0, 0, 1, 1], [], []>, transpose_lhs_hint = false} : vector<256x67xf32>, vector<67x256xf32>, vector<256x256xf32> -> vector<256x256xf32>
    %swap3A_785 = arith.constant 14 : index
    %swap3A_786 = arith.constant 0 : index
    %swap3A_787 = arith.constant 0 : index
    %swap3A_788 = vector.load %arg13[%swap3A_785, %swap3A_786, %swap3A_787] : memref<25x256x256xf32, #tpu.memory_space<vmem>>, vector<1x256x256xf32>
    %swap3A_789 = vector.shape_cast %swap3A_788 : vector<1x256x256xf32> to vector<256x256xf32>
    %swap3A_790 = vector.shape_cast %dot_general3A_784 : vector<256x256xf32> to vector<1x256x256xf32>
    tpu.vector_store %arg13[%swap3A_785, %swap3A_786, %swap3A_787], %swap3A_790 {strides = array<i32>} : memref<25x256x256xf32, #tpu.memory_space<vmem>>, vector<1x256x256xf32>,
    %get3A_791 = arith.constant 15 : index
    %get3A_792 = arith.constant 0 : index
    %get3A_793 = arith.constant 0 : index
    %get3A_794 = vector.load %arg2[%get3A_791, %get3A_792, %get3A_793] : memref<25x256x64xf32, #tpu.memory_space<vmem>>, vector<1x256x64xf32>
    %get3A_795 = vector.shape_cast %get3A_794 : vector<1x256x64xf32> to vector<256x64xf32>
    %get3A_796 = arith.constant 15 : index
    %get3A_797 = arith.constant 0 : index
    %get3A_798 = arith.constant 0 : index
    %get3A_799 = vector.load %arg3[%get3A_796, %get3A_797, %get3A_798] : memref<25x256x2xf32, #tpu.memory_space<vmem>>, vector<1x256x2xf32>
    %get3A_800 = vector.shape_cast %get3A_799 : vector<1x256x2xf32> to vector<256x2xf32>
    %concatenate3A_801 = tpu.concatenate %get3A_795, %get3A_800, %broadcast_in_dim3A_507 in 1 : vector<256x64xf32>, vector<256x2xf32>, vector<256x1xf32> -> vector<256x67xf32>
    %dot_general3A_802 = arith.constant dense<0.000000e+00> : vector<256x256xf32>
    %dot_general3A_803 = tpu.matmul %concatenate3A_801, %get3A_506, %dot_general3A_802 {dimension_numbers = #tpu.dot_dimension_numbers<[1], [0], [0], [1], [0, 0, 1, 1], [], []>, transpose_lhs_hint = false} : vector<256x67xf32>, vector<67x256xf32>, vector<256x256xf32> -> vector<256x256xf32>
    %swap3A_804 = arith.constant 15 : index
    %swap3A_805 = arith.constant 0 : index
    %swap3A_806 = arith.constant 0 : index
    %swap3A_807 = vector.load %arg13[%swap3A_804, %swap3A_805, %swap3A_806] : memref<25x256x256xf32, #tpu.memory_space<vmem>>, vector<1x256x256xf32>
    %swap3A_808 = vector.shape_cast %swap3A_807 : vector<1x256x256xf32> to vector<256x256xf32>
    %swap3A_809 = vector.shape_cast %dot_general3A_803 : vector<256x256xf32> to vector<1x256x256xf32>
    tpu.vector_store %arg13[%swap3A_804, %swap3A_805, %swap3A_806], %swap3A_809 {strides = array<i32>} : memref<25x256x256xf32, #tpu.memory_space<vmem>>, vector<1x256x256xf32>,
    %get3A_810 = arith.constant 16 : index
    %get3A_811 = arith.constant 0 : index
    %get3A_812 = arith.constant 0 : index
    %get3A_813 = vector.load %arg2[%get3A_810, %get3A_811, %get3A_812] : memref<25x256x64xf32, #tpu.memory_space<vmem>>, vector<1x256x64xf32>
    %get3A_814 = vector.shape_cast %get3A_813 : vector<1x256x64xf32> to vector<256x64xf32>
    %get3A_815 = arith.constant 16 : index
    %get3A_816 = arith.constant 0 : index
    %get3A_817 = arith.constant 0 : index
    %get3A_818 = vector.load %arg3[%get3A_815, %get3A_816, %get3A_817] : memref<25x256x2xf32, #tpu.memory_space<vmem>>, vector<1x256x2xf32>
    %get3A_819 = vector.shape_cast %get3A_818 : vector<1x256x2xf32> to vector<256x2xf32>
    %concatenate3A_820 = tpu.concatenate %get3A_814, %get3A_819, %broadcast_in_dim3A_507 in 1 : vector<256x64xf32>, vector<256x2xf32>, vector<256x1xf32> -> vector<256x67xf32>
    %dot_general3A_821 = arith.constant dense<0.000000e+00> : vector<256x256xf32>
    %dot_general3A_822 = tpu.matmul %concatenate3A_820, %get3A_506, %dot_general3A_821 {dimension_numbers = #tpu.dot_dimension_numbers<[1], [0], [0], [1], [0, 0, 1, 1], [], []>, transpose_lhs_hint = false} : vector<256x67xf32>, vector<67x256xf32>, vector<256x256xf32> -> vector<256x256xf32>
    %swap3A_823 = arith.constant 16 : index
    %swap3A_824 = arith.constant 0 : index
    %swap3A_825 = arith.constant 0 : index
    %swap3A_826 = vector.load %arg13[%swap3A_823, %swap3A_824, %swap3A_825] : memref<25x256x256xf32, #tpu.memory_space<vmem>>, vector<1x256x256xf32>
    %swap3A_827 = vector.shape_cast %swap3A_826 : vector<1x256x256xf32> to vector<256x256xf32>
    %swap3A_828 = vector.shape_cast %dot_general3A_822 : vector<256x256xf32> to vector<1x256x256xf32>
    tpu.vector_store %arg13[%swap3A_823, %swap3A_824, %swap3A_825], %swap3A_828 {strides = array<i32>} : memref<25x256x256xf32, #tpu.memory_space<vmem>>, vector<1x256x256xf32>,
    %get3A_829 = arith.constant 17 : index
    %get3A_830 = arith.constant 0 : index
    %get3A_831 = arith.constant 0 : index
    %get3A_832 = vector.load %arg2[%get3A_829, %get3A_830, %get3A_831] : memref<25x256x64xf32, #tpu.memory_space<vmem>>, vector<1x256x64xf32>
    %get3A_833 = vector.shape_cast %get3A_832 : vector<1x256x64xf32> to vector<256x64xf32>
    %get3A_834 = arith.constant 17 : index
    %get3A_835 = arith.constant 0 : index
    %get3A_836 = arith.constant 0 : index
    %get3A_837 = vector.load %arg3[%get3A_834, %get3A_835, %get3A_836] : memref<25x256x2xf32, #tpu.memory_space<vmem>>, vector<1x256x2xf32>
    %get3A_838 = vector.shape_cast %get3A_837 : vector<1x256x2xf32> to vector<256x2xf32>
    %concatenate3A_839 = tpu.concatenate %get3A_833, %get3A_838, %broadcast_in_dim3A_507 in 1 : vector<256x64xf32>, vector<256x2xf32>, vector<256x1xf32> -> vector<256x67xf32>
    %dot_general3A_840 = arith.constant dense<0.000000e+00> : vector<256x256xf32>
    %dot_general3A_841 = tpu.matmul %concatenate3A_839, %get3A_506, %dot_general3A_840 {dimension_numbers = #tpu.dot_dimension_numbers<[1], [0], [0], [1], [0, 0, 1, 1], [], []>, transpose_lhs_hint = false} : vector<256x67xf32>, vector<67x256xf32>, vector<256x256xf32> -> vector<256x256xf32>
    %swap3A_842 = arith.constant 17 : index
    %swap3A_843 = arith.constant 0 : index
    %swap3A_844 = arith.constant 0 : index
    %swap3A_845 = vector.load %arg13[%swap3A_842, %swap3A_843, %swap3A_844] : memref<25x256x256xf32, #tpu.memory_space<vmem>>, vector<1x256x256xf32>
    %swap3A_846 = vector.shape_cast %swap3A_845 : vector<1x256x256xf32> to vector<256x256xf32>
    %swap3A_847 = vector.shape_cast %dot_general3A_841 : vector<256x256xf32> to vector<1x256x256xf32>
    tpu.vector_store %arg13[%swap3A_842, %swap3A_843, %swap3A_844], %swap3A_847 {strides = array<i32>} : memref<25x256x256xf32, #tpu.memory_space<vmem>>, vector<1x256x256xf32>,
    %get3A_848 = arith.constant 18 : index
    %get3A_849 = arith.constant 0 : index
    %get3A_850 = arith.constant 0 : index
    %get3A_851 = vector.load %arg2[%get3A_848, %get3A_849, %get3A_850] : memref<25x256x64xf32, #tpu.memory_space<vmem>>, vector<1x256x64xf32>
    %get3A_852 = vector.shape_cast %get3A_851 : vector<1x256x64xf32> to vector<256x64xf32>
    %get3A_853 = arith.constant 18 : index
    %get3A_854 = arith.constant 0 : index
    %get3A_855 = arith.constant 0 : index
    %get3A_856 = vector.load %arg3[%get3A_853, %get3A_854, %get3A_855] : memref<25x256x2xf32, #tpu.memory_space<vmem>>, vector<1x256x2xf32>
    %get3A_857 = vector.shape_cast %get3A_856 : vector<1x256x2xf32> to vector<256x2xf32>
    %concatenate3A_858 = tpu.concatenate %get3A_852, %get3A_857, %broadcast_in_dim3A_507 in 1 : vector<256x64xf32>, vector<256x2xf32>, vector<256x1xf32> -> vector<256x67xf32>
    %dot_general3A_859 = arith.constant dense<0.000000e+00> : vector<256x256xf32>
    %dot_general3A_860 = tpu.matmul %concatenate3A_858, %get3A_506, %dot_general3A_859 {dimension_numbers = #tpu.dot_dimension_numbers<[1], [0], [0], [1], [0, 0, 1, 1], [], []>, transpose_lhs_hint = false} : vector<256x67xf32>, vector<67x256xf32>, vector<256x256xf32> -> vector<256x256xf32>
    %swap3A_861 = arith.constant 18 : index
    %swap3A_862 = arith.constant 0 : index
    %swap3A_863 = arith.constant 0 : index
    %swap3A_864 = vector.load %arg13[%swap3A_861, %swap3A_862, %swap3A_863] : memref<25x256x256xf32, #tpu.memory_space<vmem>>, vector<1x256x256xf32>
    %swap3A_865 = vector.shape_cast %swap3A_864 : vector<1x256x256xf32> to vector<256x256xf32>
    %swap3A_866 = vector.shape_cast %dot_general3A_860 : vector<256x256xf32> to vector<1x256x256xf32>
    tpu.vector_store %arg13[%swap3A_861, %swap3A_862, %swap3A_863], %swap3A_866 {strides = array<i32>} : memref<25x256x256xf32, #tpu.memory_space<vmem>>, vector<1x256x256xf32>,
    %get3A_867 = arith.constant 19 : index
    %get3A_868 = arith.constant 0 : index
    %get3A_869 = arith.constant 0 : index
    %get3A_870 = vector.load %arg2[%get3A_867, %get3A_868, %get3A_869] : memref<25x256x64xf32, #tpu.memory_space<vmem>>, vector<1x256x64xf32>
    %get3A_871 = vector.shape_cast %get3A_870 : vector<1x256x64xf32> to vector<256x64xf32>
    %get3A_872 = arith.constant 19 : index
    %get3A_873 = arith.constant 0 : index
    %get3A_874 = arith.constant 0 : index
    %get3A_875 = vector.load %arg3[%get3A_872, %get3A_873, %get3A_874] : memref<25x256x2xf32, #tpu.memory_space<vmem>>, vector<1x256x2xf32>
    %get3A_876 = vector.shape_cast %get3A_875 : vector<1x256x2xf32> to vector<256x2xf32>
    %concatenate3A_877 = tpu.concatenate %get3A_871, %get3A_876, %broadcast_in_dim3A_507 in 1 : vector<256x64xf32>, vector<256x2xf32>, vector<256x1xf32> -> vector<256x67xf32>
    %dot_general3A_878 = arith.constant dense<0.000000e+00> : vector<256x256xf32>
    %dot_general3A_879 = tpu.matmul %concatenate3A_877, %get3A_506, %dot_general3A_878 {dimension_numbers = #tpu.dot_dimension_numbers<[1], [0], [0], [1], [0, 0, 1, 1], [], []>, transpose_lhs_hint = false} : vector<256x67xf32>, vector<67x256xf32>, vector<256x256xf32> -> vector<256x256xf32>
    %swap3A_880 = arith.constant 19 : index
    %swap3A_881 = arith.constant 0 : index
    %swap3A_882 = arith.constant 0 : index
    %swap3A_883 = vector.load %arg13[%swap3A_880, %swap3A_881, %swap3A_882] : memref<25x256x256xf32, #tpu.memory_space<vmem>>, vector<1x256x256xf32>
    %swap3A_884 = vector.shape_cast %swap3A_883 : vector<1x256x256xf32> to vector<256x256xf32>
    %swap3A_885 = vector.shape_cast %dot_general3A_879 : vector<256x256xf32> to vector<1x256x256xf32>
    tpu.vector_store %arg13[%swap3A_880, %swap3A_881, %swap3A_882], %swap3A_885 {strides = array<i32>} : memref<25x256x256xf32, #tpu.memory_space<vmem>>, vector<1x256x256xf32>,
    %get3A_886 = arith.constant 20 : index
    %get3A_887 = arith.constant 0 : index
    %get3A_888 = arith.constant 0 : index
    %get3A_889 = vector.load %arg2[%get3A_886, %get3A_887, %get3A_888] : memref<25x256x64xf32, #tpu.memory_space<vmem>>, vector<1x256x64xf32>
    %get3A_890 = vector.shape_cast %get3A_889 : vector<1x256x64xf32> to vector<256x64xf32>
    %get3A_891 = arith.constant 20 : index
    %get3A_892 = arith.constant 0 : index
    %get3A_893 = arith.constant 0 : index
    %get3A_894 = vector.load %arg3[%get3A_891, %get3A_892, %get3A_893] : memref<25x256x2xf32, #tpu.memory_space<vmem>>, vector<1x256x2xf32>
    %get3A_895 = vector.shape_cast %get3A_894 : vector<1x256x2xf32> to vector<256x2xf32>
    %concatenate3A_896 = tpu.concatenate %get3A_890, %get3A_895, %broadcast_in_dim3A_507 in 1 : vector<256x64xf32>, vector<256x2xf32>, vector<256x1xf32> -> vector<256x67xf32>
    %dot_general3A_897 = arith.constant dense<0.000000e+00> : vector<256x256xf32>
    %dot_general3A_898 = tpu.matmul %concatenate3A_896, %get3A_506, %dot_general3A_897 {dimension_numbers = #tpu.dot_dimension_numbers<[1], [0], [0], [1], [0, 0, 1, 1], [], []>, transpose_lhs_hint = false} : vector<256x67xf32>, vector<67x256xf32>, vector<256x256xf32> -> vector<256x256xf32>
    %swap3A_899 = arith.constant 20 : index
    %swap3A_900 = arith.constant 0 : index
    %swap3A_901 = arith.constant 0 : index
    %swap3A_902 = vector.load %arg13[%swap3A_899, %swap3A_900, %swap3A_901] : memref<25x256x256xf32, #tpu.memory_space<vmem>>, vector<1x256x256xf32>
    %swap3A_903 = vector.shape_cast %swap3A_902 : vector<1x256x256xf32> to vector<256x256xf32>
    %swap3A_904 = vector.shape_cast %dot_general3A_898 : vector<256x256xf32> to vector<1x256x256xf32>
    tpu.vector_store %arg13[%swap3A_899, %swap3A_900, %swap3A_901], %swap3A_904 {strides = array<i32>} : memref<25x256x256xf32, #tpu.memory_space<vmem>>, vector<1x256x256xf32>,
    %get3A_905 = arith.constant 21 : index
    %get3A_906 = arith.constant 0 : index
    %get3A_907 = arith.constant 0 : index
    %get3A_908 = vector.load %arg2[%get3A_905, %get3A_906, %get3A_907] : memref<25x256x64xf32, #tpu.memory_space<vmem>>, vector<1x256x64xf32>
    %get3A_909 = vector.shape_cast %get3A_908 : vector<1x256x64xf32> to vector<256x64xf32>
    %get3A_910 = arith.constant 21 : index
    %get3A_911 = arith.constant 0 : index
    %get3A_912 = arith.constant 0 : index
    %get3A_913 = vector.load %arg3[%get3A_910, %get3A_911, %get3A_912] : memref<25x256x2xf32, #tpu.memory_space<vmem>>, vector<1x256x2xf32>
    %get3A_914 = vector.shape_cast %get3A_913 : vector<1x256x2xf32> to vector<256x2xf32>
    %concatenate3A_915 = tpu.concatenate %get3A_909, %get3A_914, %broadcast_in_dim3A_507 in 1 : vector<256x64xf32>, vector<256x2xf32>, vector<256x1xf32> -> vector<256x67xf32>
    %dot_general3A_916 = arith.constant dense<0.000000e+00> : vector<256x256xf32>
    %dot_general3A_917 = tpu.matmul %concatenate3A_915, %get3A_506, %dot_general3A_916 {dimension_numbers = #tpu.dot_dimension_numbers<[1], [0], [0], [1], [0, 0, 1, 1], [], []>, transpose_lhs_hint = false} : vector<256x67xf32>, vector<67x256xf32>, vector<256x256xf32> -> vector<256x256xf32>
    %swap3A_918 = arith.constant 21 : index
    %swap3A_919 = arith.constant 0 : index
    %swap3A_920 = arith.constant 0 : index
    %swap3A_921 = vector.load %arg13[%swap3A_918, %swap3A_919, %swap3A_920] : memref<25x256x256xf32, #tpu.memory_space<vmem>>, vector<1x256x256xf32>
    %swap3A_922 = vector.shape_cast %swap3A_921 : vector<1x256x256xf32> to vector<256x256xf32>
    %swap3A_923 = vector.shape_cast %dot_general3A_917 : vector<256x256xf32> to vector<1x256x256xf32>
    tpu.vector_store %arg13[%swap3A_918, %swap3A_919, %swap3A_920], %swap3A_923 {strides = array<i32>} : memref<25x256x256xf32, #tpu.memory_space<vmem>>, vector<1x256x256xf32>,
    %get3A_924 = arith.constant 22 : index
    %get3A_925 = arith.constant 0 : index
    %get3A_926 = arith.constant 0 : index
    %get3A_927 = vector.load %arg2[%get3A_924, %get3A_925, %get3A_926] : memref<25x256x64xf32, #tpu.memory_space<vmem>>, vector<1x256x64xf32>
    %get3A_928 = vector.shape_cast %get3A_927 : vector<1x256x64xf32> to vector<256x64xf32>
    %get3A_929 = arith.constant 22 : index
    %get3A_930 = arith.constant 0 : index
    %get3A_931 = arith.constant 0 : index
    %get3A_932 = vector.load %arg3[%get3A_929, %get3A_930, %get3A_931] : memref<25x256x2xf32, #tpu.memory_space<vmem>>, vector<1x256x2xf32>
    %get3A_933 = vector.shape_cast %get3A_932 : vector<1x256x2xf32> to vector<256x2xf32>
    %concatenate3A_934 = tpu.concatenate %get3A_928, %get3A_933, %broadcast_in_dim3A_507 in 1 : vector<256x64xf32>, vector<256x2xf32>, vector<256x1xf32> -> vector<256x67xf32>
    %dot_general3A_935 = arith.constant dense<0.000000e+00> : vector<256x256xf32>
    %dot_general3A_936 = tpu.matmul %concatenate3A_934, %get3A_506, %dot_general3A_935 {dimension_numbers = #tpu.dot_dimension_numbers<[1], [0], [0], [1], [0, 0, 1, 1], [], []>, transpose_lhs_hint = false} : vector<256x67xf32>, vector<67x256xf32>, vector<256x256xf32> -> vector<256x256xf32>
    %swap3A_937 = arith.constant 22 : index
    %swap3A_938 = arith.constant 0 : index
    %swap3A_939 = arith.constant 0 : index
    %swap3A_940 = vector.load %arg13[%swap3A_937, %swap3A_938, %swap3A_939] : memref<25x256x256xf32, #tpu.memory_space<vmem>>, vector<1x256x256xf32>
    %swap3A_941 = vector.shape_cast %swap3A_940 : vector<1x256x256xf32> to vector<256x256xf32>
    %swap3A_942 = vector.shape_cast %dot_general3A_936 : vector<256x256xf32> to vector<1x256x256xf32>
    tpu.vector_store %arg13[%swap3A_937, %swap3A_938, %swap3A_939], %swap3A_942 {strides = array<i32>} : memref<25x256x256xf32, #tpu.memory_space<vmem>>, vector<1x256x256xf32>,
    %get3A_943 = arith.constant 23 : index
    %get3A_944 = arith.constant 0 : index
    %get3A_945 = arith.constant 0 : index
    %get3A_946 = vector.load %arg2[%get3A_943, %get3A_944, %get3A_945] : memref<25x256x64xf32, #tpu.memory_space<vmem>>, vector<1x256x64xf32>
    %get3A_947 = vector.shape_cast %get3A_946 : vector<1x256x64xf32> to vector<256x64xf32>
    %get3A_948 = arith.constant 23 : index
    %get3A_949 = arith.constant 0 : index
    %get3A_950 = arith.constant 0 : index
    %get3A_951 = vector.load %arg3[%get3A_948, %get3A_949, %get3A_950] : memref<25x256x2xf32, #tpu.memory_space<vmem>>, vector<1x256x2xf32>
    %get3A_952 = vector.shape_cast %get3A_951 : vector<1x256x2xf32> to vector<256x2xf32>
    %concatenate3A_953 = tpu.concatenate %get3A_947, %get3A_952, %broadcast_in_dim3A_507 in 1 : vector<256x64xf32>, vector<256x2xf32>, vector<256x1xf32> -> vector<256x67xf32>
    %dot_general3A_954 = arith.constant dense<0.000000e+00> : vector<256x256xf32>
    %dot_general3A_955 = tpu.matmul %concatenate3A_953, %get3A_506, %dot_general3A_954 {dimension_numbers = #tpu.dot_dimension_numbers<[1], [0], [0], [1], [0, 0, 1, 1], [], []>, transpose_lhs_hint = false} : vector<256x67xf32>, vector<67x256xf32>, vector<256x256xf32> -> vector<256x256xf32>
    %swap3A_956 = arith.constant 23 : index
    %swap3A_957 = arith.constant 0 : index
    %swap3A_958 = arith.constant 0 : index
    %swap3A_959 = vector.load %arg13[%swap3A_956, %swap3A_957, %swap3A_958] : memref<25x256x256xf32, #tpu.memory_space<vmem>>, vector<1x256x256xf32>
    %swap3A_960 = vector.shape_cast %swap3A_959 : vector<1x256x256xf32> to vector<256x256xf32>
    %swap3A_961 = vector.shape_cast %dot_general3A_955 : vector<256x256xf32> to vector<1x256x256xf32>
    tpu.vector_store %arg13[%swap3A_956, %swap3A_957, %swap3A_958], %swap3A_961 {strides = array<i32>} : memref<25x256x256xf32, #tpu.memory_space<vmem>>, vector<1x256x256xf32>,
    %get3A_962 = arith.constant 24 : index
    %get3A_963 = arith.constant 0 : index
    %get3A_964 = arith.constant 0 : index
    %get3A_965 = vector.load %arg2[%get3A_962, %get3A_963, %get3A_964] : memref<25x256x64xf32, #tpu.memory_space<vmem>>, vector<1x256x64xf32>
    %get3A_966 = vector.shape_cast %get3A_965 : vector<1x256x64xf32> to vector<256x64xf32>
    %get3A_967 = arith.constant 24 : index
    %get3A_968 = arith.constant 0 : index
    %get3A_969 = arith.constant 0 : index
    %get3A_970 = vector.load %arg3[%get3A_967, %get3A_968, %get3A_969] : memref<25x256x2xf32, #tpu.memory_space<vmem>>, vector<1x256x2xf32>
    %get3A_971 = vector.shape_cast %get3A_970 : vector<1x256x2xf32> to vector<256x2xf32>
    %concatenate3A_972 = tpu.concatenate %get3A_966, %get3A_971, %broadcast_in_dim3A_507 in 1 : vector<256x64xf32>, vector<256x2xf32>, vector<256x1xf32> -> vector<256x67xf32>
    %dot_general3A_973 = arith.constant dense<0.000000e+00> : vector<256x256xf32>
    %dot_general3A_974 = tpu.matmul %concatenate3A_972, %get3A_506, %dot_general3A_973 {dimension_numbers = #tpu.dot_dimension_numbers<[1], [0], [0], [1], [0, 0, 1, 1], [], []>, transpose_lhs_hint = false} : vector<256x67xf32>, vector<67x256xf32>, vector<256x256xf32> -> vector<256x256xf32>
    %swap3A_975 = arith.constant 24 : index
    %swap3A_976 = arith.constant 0 : index
    %swap3A_977 = arith.constant 0 : index
    %swap3A_978 = vector.load %arg13[%swap3A_975, %swap3A_976, %swap3A_977] : memref<25x256x256xf32, #tpu.memory_space<vmem>>, vector<1x256x256xf32>
    %swap3A_979 = vector.shape_cast %swap3A_978 : vector<1x256x256xf32> to vector<256x256xf32>
    %swap3A_980 = vector.shape_cast %dot_general3A_974 : vector<256x256xf32> to vector<1x256x256xf32>
    tpu.vector_store %arg13[%swap3A_975, %swap3A_976, %swap3A_977], %swap3A_980 {strides = array<i32>} : memref<25x256x256xf32, #tpu.memory_space<vmem>>, vector<1x256x256xf32>,
    %broadcast_in_dim3A_981 = arith.constant 0.000000e+00 : f32
    %broadcast_in_dim3A_982 = vector.broadcast %broadcast_in_dim3A_981 : f32 to vector<25x256x64xf32>
    %swap3A_983 = arith.constant 0 : index
    %swap3A_984 = arith.constant 0 : index
    %swap3A_985 = arith.constant 0 : index
    %swap3A_986 = vector.load %arg14[%swap3A_983, %swap3A_984, %swap3A_985] : memref<25x256x64xf32, #tpu.memory_space<vmem>>, vector<25x256x64xf32>
    tpu.vector_store %arg14[%swap3A_983, %swap3A_984, %swap3A_985], %broadcast_in_dim3A_982 {strides = array<i32>} : memref<25x256x64xf32, #tpu.memory_space<vmem>>, vector<25x256x64xf32>,
    %get3A_987 = arith.constant 0 : index
    %get3A_988 = arith.constant 0 : index
    %get3A_989 = vector.load %arg5[%get3A_987, %get3A_988] : memref<128x64xf32, #tpu.memory_space<vmem>>, vector<128x64xf32>
    %get3A_990 = arith.constant 0 : index
    %get3A_991 = arith.constant 0 : index
    %get3A_992 = memref.load %arg1[%get3A_990, %get3A_991] : memref<48x2xi32, #tpu.memory_space<smem>>
    %get3A_993 = arith.constant 0 : index
    %get3A_994 = arith.constant 1 : index
    %get3A_995 = memref.load %arg1[%get3A_993, %get3A_994] : memref<48x2xi32, #tpu.memory_space<smem>>
    %get3A_996 = arith.index_cast %get3A_992 : i32 to index
    %get3A_997 = arith.constant 0 : index
    %get3A_998 = arith.constant 0 : index
    %get3A_999 = vector.load %arg13[%get3A_996, %get3A_997, %get3A_998] : memref<25x256x256xf32, #tpu.memory_space<vmem>>, vector<1x256x128xf32>
    %get3A_1000 = vector.shape_cast %get3A_999 : vector<1x256x128xf32> to vector<256x128xf32>
    %get3A_1001 = arith.index_cast %get3A_995 : i32 to index
    %get3A_1002 = arith.constant 0 : index
    %get3A_1003 = arith.constant 128 : index
    %get3A_1004 = vector.load %arg13[%get3A_1001, %get3A_1002, %get3A_1003] : memref<25x256x256xf32, #tpu.memory_space<vmem>>, vector<1x256x128xf32>
    %get3A_1005 = vector.shape_cast %get3A_1004 : vector<1x256x128xf32> to vector<256x128xf32>
    %add3A_1006 = arith.addf %get3A_1000, %get3A_1005 : vector<256x128xf32>
    %max3A = arith.constant 0.000000e+00 : f32
    %max3A_1007 = vector.broadcast %max3A : f32 to vector<256x128xf32>
    %max3A_1008 = arith.maximumf %add3A_1006, %max3A_1007 : vector<256x128xf32>
    %dot_general3A_1009 = arith.constant dense<0.000000e+00> : vector<256x64xf32>
    %dot_general3A_1010 = tpu.matmul %max3A_1008, %get3A_989, %dot_general3A_1009 {dimension_numbers = #tpu.dot_dimension_numbers<[1], [0], [0], [1], [0, 0, 1, 1], [], []>, transpose_lhs_hint = false} : vector<256x128xf32>, vector<128x64xf32>, vector<256x64xf32> -> vector<256x64xf32>
    %get3A_1011 = arith.index_cast %get3A_992 : i32 to index
    %get3A_1012 = arith.constant 0 : index
    %get3A_1013 = arith.constant 0 : index
    %get3A_1014 = vector.load %arg14[%get3A_1011, %get3A_1012, %get3A_1013] : memref<25x256x64xf32, #tpu.memory_space<vmem>>, vector<1x256x64xf32>
    %get3A_1015 = vector.shape_cast %get3A_1014 : vector<1x256x64xf32> to vector<256x64xf32>
    %add3A_1016 = arith.addf %get3A_1015, %dot_general3A_1010 : vector<256x64xf32>
    %swap3A_1017 = arith.index_cast %get3A_992 : i32 to index
    %swap3A_1018 = arith.constant 0 : index
    %swap3A_1019 = arith.constant 0 : index
    %swap3A_1020 = vector.load %arg14[%swap3A_1017, %swap3A_1018, %swap3A_1019] : memref<25x256x64xf32, #tpu.memory_space<vmem>>, vector<1x256x64xf32>
    %swap3A_1021 = vector.shape_cast %swap3A_1020 : vector<1x256x64xf32> to vector<256x64xf32>
    %swap3A_1022 = vector.shape_cast %add3A_1016 : vector<256x64xf32> to vector<1x256x64xf32>
    tpu.vector_store %arg14[%swap3A_1017, %swap3A_1018, %swap3A_1019], %swap3A_1022 {strides = array<i32>} : memref<25x256x64xf32, #tpu.memory_space<vmem>>, vector<1x256x64xf32>,
    %get3A_1023 = arith.constant 1 : index
    %get3A_1024 = arith.constant 0 : index
    %get3A_1025 = memref.load %arg1[%get3A_1023, %get3A_1024] : memref<48x2xi32, #tpu.memory_space<smem>>
    %get3A_1026 = arith.constant 1 : index
    %get3A_1027 = arith.constant 1 : index
    %get3A_1028 = memref.load %arg1[%get3A_1026, %get3A_1027] : memref<48x2xi32, #tpu.memory_space<smem>>
    %get3A_1029 = arith.index_cast %get3A_1025 : i32 to index
    %get3A_1030 = arith.constant 0 : index
    %get3A_1031 = arith.constant 0 : index
    %get3A_1032 = vector.load %arg13[%get3A_1029, %get3A_1030, %get3A_1031] : memref<25x256x256xf32, #tpu.memory_space<vmem>>, vector<1x256x128xf32>
    %get3A_1033 = vector.shape_cast %get3A_1032 : vector<1x256x128xf32> to vector<256x128xf32>
    %get3A_1034 = arith.index_cast %get3A_1028 : i32 to index
    %get3A_1035 = arith.constant 0 : index
    %get3A_1036 = arith.constant 128 : index
    %get3A_1037 = vector.load %arg13[%get3A_1034, %get3A_1035, %get3A_1036] : memref<25x256x256xf32, #tpu.memory_space<vmem>>, vector<1x256x128xf32>
    %get3A_1038 = vector.shape_cast %get3A_1037 : vector<1x256x128xf32> to vector<256x128xf32>
    %add3A_1039 = arith.addf %get3A_1033, %get3A_1038 : vector<256x128xf32>
    %max3A_1040 = arith.constant 0.000000e+00 : f32
    %max3A_1041 = vector.broadcast %max3A_1040 : f32 to vector<256x128xf32>
    %max3A_1042 = arith.maximumf %add3A_1039, %max3A_1041 : vector<256x128xf32>
    %dot_general3A_1043 = arith.constant dense<0.000000e+00> : vector<256x64xf32>
    %dot_general3A_1044 = tpu.matmul %max3A_1042, %get3A_989, %dot_general3A_1043 {dimension_numbers = #tpu.dot_dimension_numbers<[1], [0], [0], [1], [0, 0, 1, 1], [], []>, transpose_lhs_hint = false} : vector<256x128xf32>, vector<128x64xf32>, vector<256x64xf32> -> vector<256x64xf32>
    %get3A_1045 = arith.index_cast %get3A_1025 : i32 to index
    %get3A_1046 = arith.constant 0 : index
    %get3A_1047 = arith.constant 0 : index
    %get3A_1048 = vector.load %arg14[%get3A_1045, %get3A_1046, %get3A_1047] : memref<25x256x64xf32, #tpu.memory_space<vmem>>, vector<1x256x64xf32>
    %get3A_1049 = vector.shape_cast %get3A_1048 : vector<1x256x64xf32> to vector<256x64xf32>
    %add3A_1050 = arith.addf %get3A_1049, %dot_general3A_1044 : vector<256x64xf32>
    %swap3A_1051 = arith.index_cast %get3A_1025 : i32 to index
    %swap3A_1052 = arith.constant 0 : index
    %swap3A_1053 = arith.constant 0 : index
    %swap3A_1054 = vector.load %arg14[%swap3A_1051, %swap3A_1052, %swap3A_1053] : memref<25x256x64xf32, #tpu.memory_space<vmem>>, vector<1x256x64xf32>
    %swap3A_1055 = vector.shape_cast %swap3A_1054 : vector<1x256x64xf32> to vector<256x64xf32>
    %swap3A_1056 = vector.shape_cast %add3A_1050 : vector<256x64xf32> to vector<1x256x64xf32>
    tpu.vector_store %arg14[%swap3A_1051, %swap3A_1052, %swap3A_1053], %swap3A_1056 {strides = array<i32>} : memref<25x256x64xf32, #tpu.memory_space<vmem>>, vector<1x256x64xf32>,
    %get3A_1057 = arith.constant 2 : index
    %get3A_1058 = arith.constant 0 : index
    %get3A_1059 = memref.load %arg1[%get3A_1057, %get3A_1058] : memref<48x2xi32, #tpu.memory_space<smem>>
    %get3A_1060 = arith.constant 2 : index
    %get3A_1061 = arith.constant 1 : index
    %get3A_1062 = memref.load %arg1[%get3A_1060, %get3A_1061] : memref<48x2xi32, #tpu.memory_space<smem>>
    %get3A_1063 = arith.index_cast %get3A_1059 : i32 to index
    %get3A_1064 = arith.constant 0 : index
    %get3A_1065 = arith.constant 0 : index
    %get3A_1066 = vector.load %arg13[%get3A_1063, %get3A_1064, %get3A_1065] : memref<25x256x256xf32, #tpu.memory_space<vmem>>, vector<1x256x128xf32>
    %get3A_1067 = vector.shape_cast %get3A_1066 : vector<1x256x128xf32> to vector<256x128xf32>
    %get3A_1068 = arith.index_cast %get3A_1062 : i32 to index
    %get3A_1069 = arith.constant 0 : index
    %get3A_1070 = arith.constant 128 : index
    %get3A_1071 = vector.load %arg13[%get3A_1068, %get3A_1069, %get3A_1070] : memref<25x256x256xf32, #tpu.memory_space<vmem>>, vector<1x256x128xf32>
    %get3A_1072 = vector.shape_cast %get3A_1071 : vector<1x256x128xf32> to vector<256x128xf32>
    %add3A_1073 = arith.addf %get3A_1067, %get3A_1072 : vector<256x128xf32>
    %max3A_1074 = arith.constant 0.000000e+00 : f32
    %max3A_1075 = vector.broadcast %max3A_1074 : f32 to vector<256x128xf32>
    %max3A_1076 = arith.maximumf %add3A_1073, %max3A_1075 : vector<256x128xf32>
    %dot_general3A_1077 = arith.constant dense<0.000000e+00> : vector<256x64xf32>
    %dot_general3A_1078 = tpu.matmul %max3A_1076, %get3A_989, %dot_general3A_1077 {dimension_numbers = #tpu.dot_dimension_numbers<[1], [0], [0], [1], [0, 0, 1, 1], [], []>, transpose_lhs_hint = false} : vector<256x128xf32>, vector<128x64xf32>, vector<256x64xf32> -> vector<256x64xf32>
    %get3A_1079 = arith.index_cast %get3A_1059 : i32 to index
    %get3A_1080 = arith.constant 0 : index
    %get3A_1081 = arith.constant 0 : index
    %get3A_1082 = vector.load %arg14[%get3A_1079, %get3A_1080, %get3A_1081] : memref<25x256x64xf32, #tpu.memory_space<vmem>>, vector<1x256x64xf32>
    %get3A_1083 = vector.shape_cast %get3A_1082 : vector<1x256x64xf32> to vector<256x64xf32>
    %add3A_1084 = arith.addf %get3A_1083, %dot_general3A_1078 : vector<256x64xf32>
    %swap3A_1085 = arith.index_cast %get3A_1059 : i32 to index
    %swap3A_1086 = arith.constant 0 : index
    %swap3A_1087 = arith.constant 0 : index
    %swap3A_1088 = vector.load %arg14[%swap3A_1085, %swap3A_1086, %swap3A_1087] : memref<25x256x64xf32, #tpu.memory_space<vmem>>, vector<1x256x64xf32>
    %swap3A_1089 = vector.shape_cast %swap3A_1088 : vector<1x256x64xf32> to vector<256x64xf32>
    %swap3A_1090 = vector.shape_cast %add3A_1084 : vector<256x64xf32> to vector<1x256x64xf32>
    tpu.vector_store %arg14[%swap3A_1085, %swap3A_1086, %swap3A_1087], %swap3A_1090 {strides = array<i32>} : memref<25x256x64xf32, #tpu.memory_space<vmem>>, vector<1x256x64xf32>,
    %get3A_1091 = arith.constant 3 : index
    %get3A_1092 = arith.constant 0 : index
    %get3A_1093 = memref.load %arg1[%get3A_1091, %get3A_1092] : memref<48x2xi32, #tpu.memory_space<smem>>
    %get3A_1094 = arith.constant 3 : index
    %get3A_1095 = arith.constant 1 : index
    %get3A_1096 = memref.load %arg1[%get3A_1094, %get3A_1095] : memref<48x2xi32, #tpu.memory_space<smem>>
    %get3A_1097 = arith.index_cast %get3A_1093 : i32 to index
    %get3A_1098 = arith.constant 0 : index
    %get3A_1099 = arith.constant 0 : index
    %get3A_1100 = vector.load %arg13[%get3A_1097, %get3A_1098, %get3A_1099] : memref<25x256x256xf32, #tpu.memory_space<vmem>>, vector<1x256x128xf32>
    %get3A_1101 = vector.shape_cast %get3A_1100 : vector<1x256x128xf32> to vector<256x128xf32>
    %get3A_1102 = arith.index_cast %get3A_1096 : i32 to index
    %get3A_1103 = arith.constant 0 : index
    %get3A_1104 = arith.constant 128 : index
    %get3A_1105 = vector.load %arg13[%get3A_1102, %get3A_1103, %get3A_1104] : memref<25x256x256xf32, #tpu.memory_space<vmem>>, vector<1x256x128xf32>
    %get3A_1106 = vector.shape_cast %get3A_1105 : vector<1x256x128xf32> to vector<256x128xf32>
    %add3A_1107 = arith.addf %get3A_1101, %get3A_1106 : vector<256x128xf32>
    %max3A_1108 = arith.constant 0.000000e+00 : f32
    %max3A_1109 = vector.broadcast %max3A_1108 : f32 to vector<256x128xf32>
    %max3A_1110 = arith.maximumf %add3A_1107, %max3A_1109 : vector<256x128xf32>
    %dot_general3A_1111 = arith.constant dense<0.000000e+00> : vector<256x64xf32>
    %dot_general3A_1112 = tpu.matmul %max3A_1110, %get3A_989, %dot_general3A_1111 {dimension_numbers = #tpu.dot_dimension_numbers<[1], [0], [0], [1], [0, 0, 1, 1], [], []>, transpose_lhs_hint = false} : vector<256x128xf32>, vector<128x64xf32>, vector<256x64xf32> -> vector<256x64xf32>
    %get3A_1113 = arith.index_cast %get3A_1093 : i32 to index
    %get3A_1114 = arith.constant 0 : index
    %get3A_1115 = arith.constant 0 : index
    %get3A_1116 = vector.load %arg14[%get3A_1113, %get3A_1114, %get3A_1115] : memref<25x256x64xf32, #tpu.memory_space<vmem>>, vector<1x256x64xf32>
    %get3A_1117 = vector.shape_cast %get3A_1116 : vector<1x256x64xf32> to vector<256x64xf32>
    %add3A_1118 = arith.addf %get3A_1117, %dot_general3A_1112 : vector<256x64xf32>
    %swap3A_1119 = arith.index_cast %get3A_1093 : i32 to index
    %swap3A_1120 = arith.constant 0 : index
    %swap3A_1121 = arith.constant 0 : index
    %swap3A_1122 = vector.load %arg14[%swap3A_1119, %swap3A_1120, %swap3A_1121] : memref<25x256x64xf32, #tpu.memory_space<vmem>>, vector<1x256x64xf32>
    %swap3A_1123 = vector.shape_cast %swap3A_1122 : vector<1x256x64xf32> to vector<256x64xf32>
    %swap3A_1124 = vector.shape_cast %add3A_1118 : vector<256x64xf32> to vector<1x256x64xf32>
    tpu.vector_store %arg14[%swap3A_1119, %swap3A_1120, %swap3A_1121], %swap3A_1124 {strides = array<i32>} : memref<25x256x64xf32, #tpu.memory_space<vmem>>, vector<1x256x64xf32>,
    %get3A_1125 = arith.constant 4 : index
    %get3A_1126 = arith.constant 0 : index
    %get3A_1127 = memref.load %arg1[%get3A_1125, %get3A_1126] : memref<48x2xi32, #tpu.memory_space<smem>>
    %get3A_1128 = arith.constant 4 : index
    %get3A_1129 = arith.constant 1 : index
    %get3A_1130 = memref.load %arg1[%get3A_1128, %get3A_1129] : memref<48x2xi32, #tpu.memory_space<smem>>
    %get3A_1131 = arith.index_cast %get3A_1127 : i32 to index
    %get3A_1132 = arith.constant 0 : index
    %get3A_1133 = arith.constant 0 : index
    %get3A_1134 = vector.load %arg13[%get3A_1131, %get3A_1132, %get3A_1133] : memref<25x256x256xf32, #tpu.memory_space<vmem>>, vector<1x256x128xf32>
    %get3A_1135 = vector.shape_cast %get3A_1134 : vector<1x256x128xf32> to vector<256x128xf32>
    %get3A_1136 = arith.index_cast %get3A_1130 : i32 to index
    %get3A_1137 = arith.constant 0 : index
    %get3A_1138 = arith.constant 128 : index
    %get3A_1139 = vector.load %arg13[%get3A_1136, %get3A_1137, %get3A_1138] : memref<25x256x256xf32, #tpu.memory_space<vmem>>, vector<1x256x128xf32>
    %get3A_1140 = vector.shape_cast %get3A_1139 : vector<1x256x128xf32> to vector<256x128xf32>
    %add3A_1141 = arith.addf %get3A_1135, %get3A_1140 : vector<256x128xf32>
    %max3A_1142 = arith.constant 0.000000e+00 : f32
    %max3A_1143 = vector.broadcast %max3A_1142 : f32 to vector<256x128xf32>
    %max3A_1144 = arith.maximumf %add3A_1141, %max3A_1143 : vector<256x128xf32>
    %dot_general3A_1145 = arith.constant dense<0.000000e+00> : vector<256x64xf32>
    %dot_general3A_1146 = tpu.matmul %max3A_1144, %get3A_989, %dot_general3A_1145 {dimension_numbers = #tpu.dot_dimension_numbers<[1], [0], [0], [1], [0, 0, 1, 1], [], []>, transpose_lhs_hint = false} : vector<256x128xf32>, vector<128x64xf32>, vector<256x64xf32> -> vector<256x64xf32>
    %get3A_1147 = arith.index_cast %get3A_1127 : i32 to index
    %get3A_1148 = arith.constant 0 : index
    %get3A_1149 = arith.constant 0 : index
    %get3A_1150 = vector.load %arg14[%get3A_1147, %get3A_1148, %get3A_1149] : memref<25x256x64xf32, #tpu.memory_space<vmem>>, vector<1x256x64xf32>
    %get3A_1151 = vector.shape_cast %get3A_1150 : vector<1x256x64xf32> to vector<256x64xf32>
    %add3A_1152 = arith.addf %get3A_1151, %dot_general3A_1146 : vector<256x64xf32>
    %swap3A_1153 = arith.index_cast %get3A_1127 : i32 to index
    %swap3A_1154 = arith.constant 0 : index
    %swap3A_1155 = arith.constant 0 : index
    %swap3A_1156 = vector.load %arg14[%swap3A_1153, %swap3A_1154, %swap3A_1155] : memref<25x256x64xf32, #tpu.memory_space<vmem>>, vector<1x256x64xf32>
    %swap3A_1157 = vector.shape_cast %swap3A_1156 : vector<1x256x64xf32> to vector<256x64xf32>
    %swap3A_1158 = vector.shape_cast %add3A_1152 : vector<256x64xf32> to vector<1x256x64xf32>
    tpu.vector_store %arg14[%swap3A_1153, %swap3A_1154, %swap3A_1155], %swap3A_1158 {strides = array<i32>} : memref<25x256x64xf32, #tpu.memory_space<vmem>>, vector<1x256x64xf32>,
    %get3A_1159 = arith.constant 5 : index
    %get3A_1160 = arith.constant 0 : index
    %get3A_1161 = memref.load %arg1[%get3A_1159, %get3A_1160] : memref<48x2xi32, #tpu.memory_space<smem>>
    %get3A_1162 = arith.constant 5 : index
    %get3A_1163 = arith.constant 1 : index
    %get3A_1164 = memref.load %arg1[%get3A_1162, %get3A_1163] : memref<48x2xi32, #tpu.memory_space<smem>>
    %get3A_1165 = arith.index_cast %get3A_1161 : i32 to index
    %get3A_1166 = arith.constant 0 : index
    %get3A_1167 = arith.constant 0 : index
    %get3A_1168 = vector.load %arg13[%get3A_1165, %get3A_1166, %get3A_1167] : memref<25x256x256xf32, #tpu.memory_space<vmem>>, vector<1x256x128xf32>
    %get3A_1169 = vector.shape_cast %get3A_1168 : vector<1x256x128xf32> to vector<256x128xf32>
    %get3A_1170 = arith.index_cast %get3A_1164 : i32 to index
    %get3A_1171 = arith.constant 0 : index
    %get3A_1172 = arith.constant 128 : index
    %get3A_1173 = vector.load %arg13[%get3A_1170, %get3A_1171, %get3A_1172] : memref<25x256x256xf32, #tpu.memory_space<vmem>>, vector<1x256x128xf32>
    %get3A_1174 = vector.shape_cast %get3A_1173 : vector<1x256x128xf32> to vector<256x128xf32>
    %add3A_1175 = arith.addf %get3A_1169, %get3A_1174 : vector<256x128xf32>
    %max3A_1176 = arith.constant 0.000000e+00 : f32
    %max3A_1177 = vector.broadcast %max3A_1176 : f32 to vector<256x128xf32>
    %max3A_1178 = arith.maximumf %add3A_1175, %max3A_1177 : vector<256x128xf32>
    %dot_general3A_1179 = arith.constant dense<0.000000e+00> : vector<256x64xf32>
    %dot_general3A_1180 = tpu.matmul %max3A_1178, %get3A_989, %dot_general3A_1179 {dimension_numbers = #tpu.dot_dimension_numbers<[1], [0], [0], [1], [0, 0, 1, 1], [], []>, transpose_lhs_hint = false} : vector<256x128xf32>, vector<128x64xf32>, vector<256x64xf32> -> vector<256x64xf32>
    %get3A_1181 = arith.index_cast %get3A_1161 : i32 to index
    %get3A_1182 = arith.constant 0 : index
    %get3A_1183 = arith.constant 0 : index
    %get3A_1184 = vector.load %arg14[%get3A_1181, %get3A_1182, %get3A_1183] : memref<25x256x64xf32, #tpu.memory_space<vmem>>, vector<1x256x64xf32>
    %get3A_1185 = vector.shape_cast %get3A_1184 : vector<1x256x64xf32> to vector<256x64xf32>
    %add3A_1186 = arith.addf %get3A_1185, %dot_general3A_1180 : vector<256x64xf32>
    %swap3A_1187 = arith.index_cast %get3A_1161 : i32 to index
    %swap3A_1188 = arith.constant 0 : index
    %swap3A_1189 = arith.constant 0 : index
    %swap3A_1190 = vector.load %arg14[%swap3A_1187, %swap3A_1188, %swap3A_1189] : memref<25x256x64xf32, #tpu.memory_space<vmem>>, vector<1x256x64xf32>
    %swap3A_1191 = vector.shape_cast %swap3A_1190 : vector<1x256x64xf32> to vector<256x64xf32>
    %swap3A_1192 = vector.shape_cast %add3A_1186 : vector<256x64xf32> to vector<1x256x64xf32>
    tpu.vector_store %arg14[%swap3A_1187, %swap3A_1188, %swap3A_1189], %swap3A_1192 {strides = array<i32>} : memref<25x256x64xf32, #tpu.memory_space<vmem>>, vector<1x256x64xf32>,
    %get3A_1193 = arith.constant 6 : index
    %get3A_1194 = arith.constant 0 : index
    %get3A_1195 = memref.load %arg1[%get3A_1193, %get3A_1194] : memref<48x2xi32, #tpu.memory_space<smem>>
    %get3A_1196 = arith.constant 6 : index
    %get3A_1197 = arith.constant 1 : index
    %get3A_1198 = memref.load %arg1[%get3A_1196, %get3A_1197] : memref<48x2xi32, #tpu.memory_space<smem>>
    %get3A_1199 = arith.index_cast %get3A_1195 : i32 to index
    %get3A_1200 = arith.constant 0 : index
    %get3A_1201 = arith.constant 0 : index
    %get3A_1202 = vector.load %arg13[%get3A_1199, %get3A_1200, %get3A_1201] : memref<25x256x256xf32, #tpu.memory_space<vmem>>, vector<1x256x128xf32>
    %get3A_1203 = vector.shape_cast %get3A_1202 : vector<1x256x128xf32> to vector<256x128xf32>
    %get3A_1204 = arith.index_cast %get3A_1198 : i32 to index
    %get3A_1205 = arith.constant 0 : index
    %get3A_1206 = arith.constant 128 : index
    %get3A_1207 = vector.load %arg13[%get3A_1204, %get3A_1205, %get3A_1206] : memref<25x256x256xf32, #tpu.memory_space<vmem>>, vector<1x256x128xf32>
    %get3A_1208 = vector.shape_cast %get3A_1207 : vector<1x256x128xf32> to vector<256x128xf32>
    %add3A_1209 = arith.addf %get3A_1203, %get3A_1208 : vector<256x128xf32>
    %max3A_1210 = arith.constant 0.000000e+00 : f32
    %max3A_1211 = vector.broadcast %max3A_1210 : f32 to vector<256x128xf32>
    %max3A_1212 = arith.maximumf %add3A_1209, %max3A_1211 : vector<256x128xf32>
    %dot_general3A_1213 = arith.constant dense<0.000000e+00> : vector<256x64xf32>
    %dot_general3A_1214 = tpu.matmul %max3A_1212, %get3A_989, %dot_general3A_1213 {dimension_numbers = #tpu.dot_dimension_numbers<[1], [0], [0], [1], [0, 0, 1, 1], [], []>, transpose_lhs_hint = false} : vector<256x128xf32>, vector<128x64xf32>, vector<256x64xf32> -> vector<256x64xf32>
    %get3A_1215 = arith.index_cast %get3A_1195 : i32 to index
    %get3A_1216 = arith.constant 0 : index
    %get3A_1217 = arith.constant 0 : index
    %get3A_1218 = vector.load %arg14[%get3A_1215, %get3A_1216, %get3A_1217] : memref<25x256x64xf32, #tpu.memory_space<vmem>>, vector<1x256x64xf32>
    %get3A_1219 = vector.shape_cast %get3A_1218 : vector<1x256x64xf32> to vector<256x64xf32>
    %add3A_1220 = arith.addf %get3A_1219, %dot_general3A_1214 : vector<256x64xf32>
    %swap3A_1221 = arith.index_cast %get3A_1195 : i32 to index
    %swap3A_1222 = arith.constant 0 : index
    %swap3A_1223 = arith.constant 0 : index
    %swap3A_1224 = vector.load %arg14[%swap3A_1221, %swap3A_1222, %swap3A_1223] : memref<25x256x64xf32, #tpu.memory_space<vmem>>, vector<1x256x64xf32>
    %swap3A_1225 = vector.shape_cast %swap3A_1224 : vector<1x256x64xf32> to vector<256x64xf32>
    %swap3A_1226 = vector.shape_cast %add3A_1220 : vector<256x64xf32> to vector<1x256x64xf32>
    tpu.vector_store %arg14[%swap3A_1221, %swap3A_1222, %swap3A_1223], %swap3A_1226 {strides = array<i32>} : memref<25x256x64xf32, #tpu.memory_space<vmem>>, vector<1x256x64xf32>,
    %get3A_1227 = arith.constant 7 : index
    %get3A_1228 = arith.constant 0 : index
    %get3A_1229 = memref.load %arg1[%get3A_1227, %get3A_1228] : memref<48x2xi32, #tpu.memory_space<smem>>
    %get3A_1230 = arith.constant 7 : index
    %get3A_1231 = arith.constant 1 : index
    %get3A_1232 = memref.load %arg1[%get3A_1230, %get3A_1231] : memref<48x2xi32, #tpu.memory_space<smem>>
    %get3A_1233 = arith.index_cast %get3A_1229 : i32 to index
    %get3A_1234 = arith.constant 0 : index
    %get3A_1235 = arith.constant 0 : index
    %get3A_1236 = vector.load %arg13[%get3A_1233, %get3A_1234, %get3A_1235] : memref<25x256x256xf32, #tpu.memory_space<vmem>>, vector<1x256x128xf32>
    %get3A_1237 = vector.shape_cast %get3A_1236 : vector<1x256x128xf32> to vector<256x128xf32>
    %get3A_1238 = arith.index_cast %get3A_1232 : i32 to index
    %get3A_1239 = arith.constant 0 : index
    %get3A_1240 = arith.constant 128 : index
    %get3A_1241 = vector.load %arg13[%get3A_1238, %get3A_1239, %get3A_1240] : memref<25x256x256xf32, #tpu.memory_space<vmem>>, vector<1x256x128xf32>
    %get3A_1242 = vector.shape_cast %get3A_1241 : vector<1x256x128xf32> to vector<256x128xf32>
    %add3A_1243 = arith.addf %get3A_1237, %get3A_1242 : vector<256x128xf32>
    %max3A_1244 = arith.constant 0.000000e+00 : f32
    %max3A_1245 = vector.broadcast %max3A_1244 : f32 to vector<256x128xf32>
    %max3A_1246 = arith.maximumf %add3A_1243, %max3A_1245 : vector<256x128xf32>
    %dot_general3A_1247 = arith.constant dense<0.000000e+00> : vector<256x64xf32>
    %dot_general3A_1248 = tpu.matmul %max3A_1246, %get3A_989, %dot_general3A_1247 {dimension_numbers = #tpu.dot_dimension_numbers<[1], [0], [0], [1], [0, 0, 1, 1], [], []>, transpose_lhs_hint = false} : vector<256x128xf32>, vector<128x64xf32>, vector<256x64xf32> -> vector<256x64xf32>
    %get3A_1249 = arith.index_cast %get3A_1229 : i32 to index
    %get3A_1250 = arith.constant 0 : index
    %get3A_1251 = arith.constant 0 : index
    %get3A_1252 = vector.load %arg14[%get3A_1249, %get3A_1250, %get3A_1251] : memref<25x256x64xf32, #tpu.memory_space<vmem>>, vector<1x256x64xf32>
    %get3A_1253 = vector.shape_cast %get3A_1252 : vector<1x256x64xf32> to vector<256x64xf32>
    %add3A_1254 = arith.addf %get3A_1253, %dot_general3A_1248 : vector<256x64xf32>
    %swap3A_1255 = arith.index_cast %get3A_1229 : i32 to index
    %swap3A_1256 = arith.constant 0 : index
    %swap3A_1257 = arith.constant 0 : index
    %swap3A_1258 = vector.load %arg14[%swap3A_1255, %swap3A_1256, %swap3A_1257] : memref<25x256x64xf32, #tpu.memory_space<vmem>>, vector<1x256x64xf32>
    %swap3A_1259 = vector.shape_cast %swap3A_1258 : vector<1x256x64xf32> to vector<256x64xf32>
    %swap3A_1260 = vector.shape_cast %add3A_1254 : vector<256x64xf32> to vector<1x256x64xf32>
    tpu.vector_store %arg14[%swap3A_1255, %swap3A_1256, %swap3A_1257], %swap3A_1260 {strides = array<i32>} : memref<25x256x64xf32, #tpu.memory_space<vmem>>, vector<1x256x64xf32>,
    %get3A_1261 = arith.constant 8 : index
    %get3A_1262 = arith.constant 0 : index
    %get3A_1263 = memref.load %arg1[%get3A_1261, %get3A_1262] : memref<48x2xi32, #tpu.memory_space<smem>>
    %get3A_1264 = arith.constant 8 : index
    %get3A_1265 = arith.constant 1 : index
    %get3A_1266 = memref.load %arg1[%get3A_1264, %get3A_1265] : memref<48x2xi32, #tpu.memory_space<smem>>
    %get3A_1267 = arith.index_cast %get3A_1263 : i32 to index
    %get3A_1268 = arith.constant 0 : index
    %get3A_1269 = arith.constant 0 : index
    %get3A_1270 = vector.load %arg13[%get3A_1267, %get3A_1268, %get3A_1269] : memref<25x256x256xf32, #tpu.memory_space<vmem>>, vector<1x256x128xf32>
    %get3A_1271 = vector.shape_cast %get3A_1270 : vector<1x256x128xf32> to vector<256x128xf32>
    %get3A_1272 = arith.index_cast %get3A_1266 : i32 to index
    %get3A_1273 = arith.constant 0 : index
    %get3A_1274 = arith.constant 128 : index
    %get3A_1275 = vector.load %arg13[%get3A_1272, %get3A_1273, %get3A_1274] : memref<25x256x256xf32, #tpu.memory_space<vmem>>, vector<1x256x128xf32>
    %get3A_1276 = vector.shape_cast %get3A_1275 : vector<1x256x128xf32> to vector<256x128xf32>
    %add3A_1277 = arith.addf %get3A_1271, %get3A_1276 : vector<256x128xf32>
    %max3A_1278 = arith.constant 0.000000e+00 : f32
    %max3A_1279 = vector.broadcast %max3A_1278 : f32 to vector<256x128xf32>
    %max3A_1280 = arith.maximumf %add3A_1277, %max3A_1279 : vector<256x128xf32>
    %dot_general3A_1281 = arith.constant dense<0.000000e+00> : vector<256x64xf32>
    %dot_general3A_1282 = tpu.matmul %max3A_1280, %get3A_989, %dot_general3A_1281 {dimension_numbers = #tpu.dot_dimension_numbers<[1], [0], [0], [1], [0, 0, 1, 1], [], []>, transpose_lhs_hint = false} : vector<256x128xf32>, vector<128x64xf32>, vector<256x64xf32> -> vector<256x64xf32>
    %get3A_1283 = arith.index_cast %get3A_1263 : i32 to index
    %get3A_1284 = arith.constant 0 : index
    %get3A_1285 = arith.constant 0 : index
    %get3A_1286 = vector.load %arg14[%get3A_1283, %get3A_1284, %get3A_1285] : memref<25x256x64xf32, #tpu.memory_space<vmem>>, vector<1x256x64xf32>
    %get3A_1287 = vector.shape_cast %get3A_1286 : vector<1x256x64xf32> to vector<256x64xf32>
    %add3A_1288 = arith.addf %get3A_1287, %dot_general3A_1282 : vector<256x64xf32>
    %swap3A_1289 = arith.index_cast %get3A_1263 : i32 to index
    %swap3A_1290 = arith.constant 0 : index
    %swap3A_1291 = arith.constant 0 : index
    %swap3A_1292 = vector.load %arg14[%swap3A_1289, %swap3A_1290, %swap3A_1291] : memref<25x256x64xf32, #tpu.memory_space<vmem>>, vector<1x256x64xf32>
    %swap3A_1293 = vector.shape_cast %swap3A_1292 : vector<1x256x64xf32> to vector<256x64xf32>
    %swap3A_1294 = vector.shape_cast %add3A_1288 : vector<256x64xf32> to vector<1x256x64xf32>
    tpu.vector_store %arg14[%swap3A_1289, %swap3A_1290, %swap3A_1291], %swap3A_1294 {strides = array<i32>} : memref<25x256x64xf32, #tpu.memory_space<vmem>>, vector<1x256x64xf32>,
    %get3A_1295 = arith.constant 9 : index
    %get3A_1296 = arith.constant 0 : index
    %get3A_1297 = memref.load %arg1[%get3A_1295, %get3A_1296] : memref<48x2xi32, #tpu.memory_space<smem>>
    %get3A_1298 = arith.constant 9 : index
    %get3A_1299 = arith.constant 1 : index
    %get3A_1300 = memref.load %arg1[%get3A_1298, %get3A_1299] : memref<48x2xi32, #tpu.memory_space<smem>>
    %get3A_1301 = arith.index_cast %get3A_1297 : i32 to index
    %get3A_1302 = arith.constant 0 : index
    %get3A_1303 = arith.constant 0 : index
    %get3A_1304 = vector.load %arg13[%get3A_1301, %get3A_1302, %get3A_1303] : memref<25x256x256xf32, #tpu.memory_space<vmem>>, vector<1x256x128xf32>
    %get3A_1305 = vector.shape_cast %get3A_1304 : vector<1x256x128xf32> to vector<256x128xf32>
    %get3A_1306 = arith.index_cast %get3A_1300 : i32 to index
    %get3A_1307 = arith.constant 0 : index
    %get3A_1308 = arith.constant 128 : index
    %get3A_1309 = vector.load %arg13[%get3A_1306, %get3A_1307, %get3A_1308] : memref<25x256x256xf32, #tpu.memory_space<vmem>>, vector<1x256x128xf32>
    %get3A_1310 = vector.shape_cast %get3A_1309 : vector<1x256x128xf32> to vector<256x128xf32>
    %add3A_1311 = arith.addf %get3A_1305, %get3A_1310 : vector<256x128xf32>
    %max3A_1312 = arith.constant 0.000000e+00 : f32
    %max3A_1313 = vector.broadcast %max3A_1312 : f32 to vector<256x128xf32>
    %max3A_1314 = arith.maximumf %add3A_1311, %max3A_1313 : vector<256x128xf32>
    %dot_general3A_1315 = arith.constant dense<0.000000e+00> : vector<256x64xf32>
    %dot_general3A_1316 = tpu.matmul %max3A_1314, %get3A_989, %dot_general3A_1315 {dimension_numbers = #tpu.dot_dimension_numbers<[1], [0], [0], [1], [0, 0, 1, 1], [], []>, transpose_lhs_hint = false} : vector<256x128xf32>, vector<128x64xf32>, vector<256x64xf32> -> vector<256x64xf32>
    %get3A_1317 = arith.index_cast %get3A_1297 : i32 to index
    %get3A_1318 = arith.constant 0 : index
    %get3A_1319 = arith.constant 0 : index
    %get3A_1320 = vector.load %arg14[%get3A_1317, %get3A_1318, %get3A_1319] : memref<25x256x64xf32, #tpu.memory_space<vmem>>, vector<1x256x64xf32>
    %get3A_1321 = vector.shape_cast %get3A_1320 : vector<1x256x64xf32> to vector<256x64xf32>
    %add3A_1322 = arith.addf %get3A_1321, %dot_general3A_1316 : vector<256x64xf32>
    %swap3A_1323 = arith.index_cast %get3A_1297 : i32 to index
    %swap3A_1324 = arith.constant 0 : index
    %swap3A_1325 = arith.constant 0 : index
    %swap3A_1326 = vector.load %arg14[%swap3A_1323, %swap3A_1324, %swap3A_1325] : memref<25x256x64xf32, #tpu.memory_space<vmem>>, vector<1x256x64xf32>
    %swap3A_1327 = vector.shape_cast %swap3A_1326 : vector<1x256x64xf32> to vector<256x64xf32>
    %swap3A_1328 = vector.shape_cast %add3A_1322 : vector<256x64xf32> to vector<1x256x64xf32>
    tpu.vector_store %arg14[%swap3A_1323, %swap3A_1324, %swap3A_1325], %swap3A_1328 {strides = array<i32>} : memref<25x256x64xf32, #tpu.memory_space<vmem>>, vector<1x256x64xf32>,
    %get3A_1329 = arith.constant 10 : index
    %get3A_1330 = arith.constant 0 : index
    %get3A_1331 = memref.load %arg1[%get3A_1329, %get3A_1330] : memref<48x2xi32, #tpu.memory_space<smem>>
    %get3A_1332 = arith.constant 10 : index
    %get3A_1333 = arith.constant 1 : index
    %get3A_1334 = memref.load %arg1[%get3A_1332, %get3A_1333] : memref<48x2xi32, #tpu.memory_space<smem>>
    %get3A_1335 = arith.index_cast %get3A_1331 : i32 to index
    %get3A_1336 = arith.constant 0 : index
    %get3A_1337 = arith.constant 0 : index
    %get3A_1338 = vector.load %arg13[%get3A_1335, %get3A_1336, %get3A_1337] : memref<25x256x256xf32, #tpu.memory_space<vmem>>, vector<1x256x128xf32>
    %get3A_1339 = vector.shape_cast %get3A_1338 : vector<1x256x128xf32> to vector<256x128xf32>
    %get3A_1340 = arith.index_cast %get3A_1334 : i32 to index
    %get3A_1341 = arith.constant 0 : index
    %get3A_1342 = arith.constant 128 : index
    %get3A_1343 = vector.load %arg13[%get3A_1340, %get3A_1341, %get3A_1342] : memref<25x256x256xf32, #tpu.memory_space<vmem>>, vector<1x256x128xf32>
    %get3A_1344 = vector.shape_cast %get3A_1343 : vector<1x256x128xf32> to vector<256x128xf32>
    %add3A_1345 = arith.addf %get3A_1339, %get3A_1344 : vector<256x128xf32>
    %max3A_1346 = arith.constant 0.000000e+00 : f32
    %max3A_1347 = vector.broadcast %max3A_1346 : f32 to vector<256x128xf32>
    %max3A_1348 = arith.maximumf %add3A_1345, %max3A_1347 : vector<256x128xf32>
    %dot_general3A_1349 = arith.constant dense<0.000000e+00> : vector<256x64xf32>
    %dot_general3A_1350 = tpu.matmul %max3A_1348, %get3A_989, %dot_general3A_1349 {dimension_numbers = #tpu.dot_dimension_numbers<[1], [0], [0], [1], [0, 0, 1, 1], [], []>, transpose_lhs_hint = false} : vector<256x128xf32>, vector<128x64xf32>, vector<256x64xf32> -> vector<256x64xf32>
    %get3A_1351 = arith.index_cast %get3A_1331 : i32 to index
    %get3A_1352 = arith.constant 0 : index
    %get3A_1353 = arith.constant 0 : index
    %get3A_1354 = vector.load %arg14[%get3A_1351, %get3A_1352, %get3A_1353] : memref<25x256x64xf32, #tpu.memory_space<vmem>>, vector<1x256x64xf32>
    %get3A_1355 = vector.shape_cast %get3A_1354 : vector<1x256x64xf32> to vector<256x64xf32>
    %add3A_1356 = arith.addf %get3A_1355, %dot_general3A_1350 : vector<256x64xf32>
    %swap3A_1357 = arith.index_cast %get3A_1331 : i32 to index
    %swap3A_1358 = arith.constant 0 : index
    %swap3A_1359 = arith.constant 0 : index
    %swap3A_1360 = vector.load %arg14[%swap3A_1357, %swap3A_1358, %swap3A_1359] : memref<25x256x64xf32, #tpu.memory_space<vmem>>, vector<1x256x64xf32>
    %swap3A_1361 = vector.shape_cast %swap3A_1360 : vector<1x256x64xf32> to vector<256x64xf32>
    %swap3A_1362 = vector.shape_cast %add3A_1356 : vector<256x64xf32> to vector<1x256x64xf32>
    tpu.vector_store %arg14[%swap3A_1357, %swap3A_1358, %swap3A_1359], %swap3A_1362 {strides = array<i32>} : memref<25x256x64xf32, #tpu.memory_space<vmem>>, vector<1x256x64xf32>,
    %get3A_1363 = arith.constant 11 : index
    %get3A_1364 = arith.constant 0 : index
    %get3A_1365 = memref.load %arg1[%get3A_1363, %get3A_1364] : memref<48x2xi32, #tpu.memory_space<smem>>
    %get3A_1366 = arith.constant 11 : index
    %get3A_1367 = arith.constant 1 : index
    %get3A_1368 = memref.load %arg1[%get3A_1366, %get3A_1367] : memref<48x2xi32, #tpu.memory_space<smem>>
    %get3A_1369 = arith.index_cast %get3A_1365 : i32 to index
    %get3A_1370 = arith.constant 0 : index
    %get3A_1371 = arith.constant 0 : index
    %get3A_1372 = vector.load %arg13[%get3A_1369, %get3A_1370, %get3A_1371] : memref<25x256x256xf32, #tpu.memory_space<vmem>>, vector<1x256x128xf32>
    %get3A_1373 = vector.shape_cast %get3A_1372 : vector<1x256x128xf32> to vector<256x128xf32>
    %get3A_1374 = arith.index_cast %get3A_1368 : i32 to index
    %get3A_1375 = arith.constant 0 : index
    %get3A_1376 = arith.constant 128 : index
    %get3A_1377 = vector.load %arg13[%get3A_1374, %get3A_1375, %get3A_1376] : memref<25x256x256xf32, #tpu.memory_space<vmem>>, vector<1x256x128xf32>
    %get3A_1378 = vector.shape_cast %get3A_1377 : vector<1x256x128xf32> to vector<256x128xf32>
    %add3A_1379 = arith.addf %get3A_1373, %get3A_1378 : vector<256x128xf32>
    %max3A_1380 = arith.constant 0.000000e+00 : f32
    %max3A_1381 = vector.broadcast %max3A_1380 : f32 to vector<256x128xf32>
    %max3A_1382 = arith.maximumf %add3A_1379, %max3A_1381 : vector<256x128xf32>
    %dot_general3A_1383 = arith.constant dense<0.000000e+00> : vector<256x64xf32>
    %dot_general3A_1384 = tpu.matmul %max3A_1382, %get3A_989, %dot_general3A_1383 {dimension_numbers = #tpu.dot_dimension_numbers<[1], [0], [0], [1], [0, 0, 1, 1], [], []>, transpose_lhs_hint = false} : vector<256x128xf32>, vector<128x64xf32>, vector<256x64xf32> -> vector<256x64xf32>
    %get3A_1385 = arith.index_cast %get3A_1365 : i32 to index
    %get3A_1386 = arith.constant 0 : index
    %get3A_1387 = arith.constant 0 : index
    %get3A_1388 = vector.load %arg14[%get3A_1385, %get3A_1386, %get3A_1387] : memref<25x256x64xf32, #tpu.memory_space<vmem>>, vector<1x256x64xf32>
    %get3A_1389 = vector.shape_cast %get3A_1388 : vector<1x256x64xf32> to vector<256x64xf32>
    %add3A_1390 = arith.addf %get3A_1389, %dot_general3A_1384 : vector<256x64xf32>
    %swap3A_1391 = arith.index_cast %get3A_1365 : i32 to index
    %swap3A_1392 = arith.constant 0 : index
    %swap3A_1393 = arith.constant 0 : index
    %swap3A_1394 = vector.load %arg14[%swap3A_1391, %swap3A_1392, %swap3A_1393] : memref<25x256x64xf32, #tpu.memory_space<vmem>>, vector<1x256x64xf32>
    %swap3A_1395 = vector.shape_cast %swap3A_1394 : vector<1x256x64xf32> to vector<256x64xf32>
    %swap3A_1396 = vector.shape_cast %add3A_1390 : vector<256x64xf32> to vector<1x256x64xf32>
    tpu.vector_store %arg14[%swap3A_1391, %swap3A_1392, %swap3A_1393], %swap3A_1396 {strides = array<i32>} : memref<25x256x64xf32, #tpu.memory_space<vmem>>, vector<1x256x64xf32>,
    %get3A_1397 = arith.constant 12 : index
    %get3A_1398 = arith.constant 0 : index
    %get3A_1399 = memref.load %arg1[%get3A_1397, %get3A_1398] : memref<48x2xi32, #tpu.memory_space<smem>>
    %get3A_1400 = arith.constant 12 : index
    %get3A_1401 = arith.constant 1 : index
    %get3A_1402 = memref.load %arg1[%get3A_1400, %get3A_1401] : memref<48x2xi32, #tpu.memory_space<smem>>
    %get3A_1403 = arith.index_cast %get3A_1399 : i32 to index
    %get3A_1404 = arith.constant 0 : index
    %get3A_1405 = arith.constant 0 : index
    %get3A_1406 = vector.load %arg13[%get3A_1403, %get3A_1404, %get3A_1405] : memref<25x256x256xf32, #tpu.memory_space<vmem>>, vector<1x256x128xf32>
    %get3A_1407 = vector.shape_cast %get3A_1406 : vector<1x256x128xf32> to vector<256x128xf32>
    %get3A_1408 = arith.index_cast %get3A_1402 : i32 to index
    %get3A_1409 = arith.constant 0 : index
    %get3A_1410 = arith.constant 128 : index
    %get3A_1411 = vector.load %arg13[%get3A_1408, %get3A_1409, %get3A_1410] : memref<25x256x256xf32, #tpu.memory_space<vmem>>, vector<1x256x128xf32>
    %get3A_1412 = vector.shape_cast %get3A_1411 : vector<1x256x128xf32> to vector<256x128xf32>
    %add3A_1413 = arith.addf %get3A_1407, %get3A_1412 : vector<256x128xf32>
    %max3A_1414 = arith.constant 0.000000e+00 : f32
    %max3A_1415 = vector.broadcast %max3A_1414 : f32 to vector<256x128xf32>
    %max3A_1416 = arith.maximumf %add3A_1413, %max3A_1415 : vector<256x128xf32>
    %dot_general3A_1417 = arith.constant dense<0.000000e+00> : vector<256x64xf32>
    %dot_general3A_1418 = tpu.matmul %max3A_1416, %get3A_989, %dot_general3A_1417 {dimension_numbers = #tpu.dot_dimension_numbers<[1], [0], [0], [1], [0, 0, 1, 1], [], []>, transpose_lhs_hint = false} : vector<256x128xf32>, vector<128x64xf32>, vector<256x64xf32> -> vector<256x64xf32>
    %get3A_1419 = arith.index_cast %get3A_1399 : i32 to index
    %get3A_1420 = arith.constant 0 : index
    %get3A_1421 = arith.constant 0 : index
    %get3A_1422 = vector.load %arg14[%get3A_1419, %get3A_1420, %get3A_1421] : memref<25x256x64xf32, #tpu.memory_space<vmem>>, vector<1x256x64xf32>
    %get3A_1423 = vector.shape_cast %get3A_1422 : vector<1x256x64xf32> to vector<256x64xf32>
    %add3A_1424 = arith.addf %get3A_1423, %dot_general3A_1418 : vector<256x64xf32>
    %swap3A_1425 = arith.index_cast %get3A_1399 : i32 to index
    %swap3A_1426 = arith.constant 0 : index
    %swap3A_1427 = arith.constant 0 : index
    %swap3A_1428 = vector.load %arg14[%swap3A_1425, %swap3A_1426, %swap3A_1427] : memref<25x256x64xf32, #tpu.memory_space<vmem>>, vector<1x256x64xf32>
    %swap3A_1429 = vector.shape_cast %swap3A_1428 : vector<1x256x64xf32> to vector<256x64xf32>
    %swap3A_1430 = vector.shape_cast %add3A_1424 : vector<256x64xf32> to vector<1x256x64xf32>
    tpu.vector_store %arg14[%swap3A_1425, %swap3A_1426, %swap3A_1427], %swap3A_1430 {strides = array<i32>} : memref<25x256x64xf32, #tpu.memory_space<vmem>>, vector<1x256x64xf32>,
    %get3A_1431 = arith.constant 13 : index
    %get3A_1432 = arith.constant 0 : index
    %get3A_1433 = memref.load %arg1[%get3A_1431, %get3A_1432] : memref<48x2xi32, #tpu.memory_space<smem>>
    %get3A_1434 = arith.constant 13 : index
    %get3A_1435 = arith.constant 1 : index
    %get3A_1436 = memref.load %arg1[%get3A_1434, %get3A_1435] : memref<48x2xi32, #tpu.memory_space<smem>>
    %get3A_1437 = arith.index_cast %get3A_1433 : i32 to index
    %get3A_1438 = arith.constant 0 : index
    %get3A_1439 = arith.constant 0 : index
    %get3A_1440 = vector.load %arg13[%get3A_1437, %get3A_1438, %get3A_1439] : memref<25x256x256xf32, #tpu.memory_space<vmem>>, vector<1x256x128xf32>
    %get3A_1441 = vector.shape_cast %get3A_1440 : vector<1x256x128xf32> to vector<256x128xf32>
    %get3A_1442 = arith.index_cast %get3A_1436 : i32 to index
    %get3A_1443 = arith.constant 0 : index
    %get3A_1444 = arith.constant 128 : index
    %get3A_1445 = vector.load %arg13[%get3A_1442, %get3A_1443, %get3A_1444] : memref<25x256x256xf32, #tpu.memory_space<vmem>>, vector<1x256x128xf32>
    %get3A_1446 = vector.shape_cast %get3A_1445 : vector<1x256x128xf32> to vector<256x128xf32>
    %add3A_1447 = arith.addf %get3A_1441, %get3A_1446 : vector<256x128xf32>
    %max3A_1448 = arith.constant 0.000000e+00 : f32
    %max3A_1449 = vector.broadcast %max3A_1448 : f32 to vector<256x128xf32>
    %max3A_1450 = arith.maximumf %add3A_1447, %max3A_1449 : vector<256x128xf32>
    %dot_general3A_1451 = arith.constant dense<0.000000e+00> : vector<256x64xf32>
    %dot_general3A_1452 = tpu.matmul %max3A_1450, %get3A_989, %dot_general3A_1451 {dimension_numbers = #tpu.dot_dimension_numbers<[1], [0], [0], [1], [0, 0, 1, 1], [], []>, transpose_lhs_hint = false} : vector<256x128xf32>, vector<128x64xf32>, vector<256x64xf32> -> vector<256x64xf32>
    %get3A_1453 = arith.index_cast %get3A_1433 : i32 to index
    %get3A_1454 = arith.constant 0 : index
    %get3A_1455 = arith.constant 0 : index
    %get3A_1456 = vector.load %arg14[%get3A_1453, %get3A_1454, %get3A_1455] : memref<25x256x64xf32, #tpu.memory_space<vmem>>, vector<1x256x64xf32>
    %get3A_1457 = vector.shape_cast %get3A_1456 : vector<1x256x64xf32> to vector<256x64xf32>
    %add3A_1458 = arith.addf %get3A_1457, %dot_general3A_1452 : vector<256x64xf32>
    %swap3A_1459 = arith.index_cast %get3A_1433 : i32 to index
    %swap3A_1460 = arith.constant 0 : index
    %swap3A_1461 = arith.constant 0 : index
    %swap3A_1462 = vector.load %arg14[%swap3A_1459, %swap3A_1460, %swap3A_1461] : memref<25x256x64xf32, #tpu.memory_space<vmem>>, vector<1x256x64xf32>
    %swap3A_1463 = vector.shape_cast %swap3A_1462 : vector<1x256x64xf32> to vector<256x64xf32>
    %swap3A_1464 = vector.shape_cast %add3A_1458 : vector<256x64xf32> to vector<1x256x64xf32>
    tpu.vector_store %arg14[%swap3A_1459, %swap3A_1460, %swap3A_1461], %swap3A_1464 {strides = array<i32>} : memref<25x256x64xf32, #tpu.memory_space<vmem>>, vector<1x256x64xf32>,
    %get3A_1465 = arith.constant 14 : index
    %get3A_1466 = arith.constant 0 : index
    %get3A_1467 = memref.load %arg1[%get3A_1465, %get3A_1466] : memref<48x2xi32, #tpu.memory_space<smem>>
    %get3A_1468 = arith.constant 14 : index
    %get3A_1469 = arith.constant 1 : index
    %get3A_1470 = memref.load %arg1[%get3A_1468, %get3A_1469] : memref<48x2xi32, #tpu.memory_space<smem>>
    %get3A_1471 = arith.index_cast %get3A_1467 : i32 to index
    %get3A_1472 = arith.constant 0 : index
    %get3A_1473 = arith.constant 0 : index
    %get3A_1474 = vector.load %arg13[%get3A_1471, %get3A_1472, %get3A_1473] : memref<25x256x256xf32, #tpu.memory_space<vmem>>, vector<1x256x128xf32>
    %get3A_1475 = vector.shape_cast %get3A_1474 : vector<1x256x128xf32> to vector<256x128xf32>
    %get3A_1476 = arith.index_cast %get3A_1470 : i32 to index
    %get3A_1477 = arith.constant 0 : index
    %get3A_1478 = arith.constant 128 : index
    %get3A_1479 = vector.load %arg13[%get3A_1476, %get3A_1477, %get3A_1478] : memref<25x256x256xf32, #tpu.memory_space<vmem>>, vector<1x256x128xf32>
    %get3A_1480 = vector.shape_cast %get3A_1479 : vector<1x256x128xf32> to vector<256x128xf32>
    %add3A_1481 = arith.addf %get3A_1475, %get3A_1480 : vector<256x128xf32>
    %max3A_1482 = arith.constant 0.000000e+00 : f32
    %max3A_1483 = vector.broadcast %max3A_1482 : f32 to vector<256x128xf32>
    %max3A_1484 = arith.maximumf %add3A_1481, %max3A_1483 : vector<256x128xf32>
    %dot_general3A_1485 = arith.constant dense<0.000000e+00> : vector<256x64xf32>
    %dot_general3A_1486 = tpu.matmul %max3A_1484, %get3A_989, %dot_general3A_1485 {dimension_numbers = #tpu.dot_dimension_numbers<[1], [0], [0], [1], [0, 0, 1, 1], [], []>, transpose_lhs_hint = false} : vector<256x128xf32>, vector<128x64xf32>, vector<256x64xf32> -> vector<256x64xf32>
    %get3A_1487 = arith.index_cast %get3A_1467 : i32 to index
    %get3A_1488 = arith.constant 0 : index
    %get3A_1489 = arith.constant 0 : index
    %get3A_1490 = vector.load %arg14[%get3A_1487, %get3A_1488, %get3A_1489] : memref<25x256x64xf32, #tpu.memory_space<vmem>>, vector<1x256x64xf32>
    %get3A_1491 = vector.shape_cast %get3A_1490 : vector<1x256x64xf32> to vector<256x64xf32>
    %add3A_1492 = arith.addf %get3A_1491, %dot_general3A_1486 : vector<256x64xf32>
    %swap3A_1493 = arith.index_cast %get3A_1467 : i32 to index
    %swap3A_1494 = arith.constant 0 : index
    %swap3A_1495 = arith.constant 0 : index
    %swap3A_1496 = vector.load %arg14[%swap3A_1493, %swap3A_1494, %swap3A_1495] : memref<25x256x64xf32, #tpu.memory_space<vmem>>, vector<1x256x64xf32>
    %swap3A_1497 = vector.shape_cast %swap3A_1496 : vector<1x256x64xf32> to vector<256x64xf32>
    %swap3A_1498 = vector.shape_cast %add3A_1492 : vector<256x64xf32> to vector<1x256x64xf32>
    tpu.vector_store %arg14[%swap3A_1493, %swap3A_1494, %swap3A_1495], %swap3A_1498 {strides = array<i32>} : memref<25x256x64xf32, #tpu.memory_space<vmem>>, vector<1x256x64xf32>,
    %get3A_1499 = arith.constant 15 : index
    %get3A_1500 = arith.constant 0 : index
    %get3A_1501 = memref.load %arg1[%get3A_1499, %get3A_1500] : memref<48x2xi32, #tpu.memory_space<smem>>
    %get3A_1502 = arith.constant 15 : index
    %get3A_1503 = arith.constant 1 : index
    %get3A_1504 = memref.load %arg1[%get3A_1502, %get3A_1503] : memref<48x2xi32, #tpu.memory_space<smem>>
    %get3A_1505 = arith.index_cast %get3A_1501 : i32 to index
    %get3A_1506 = arith.constant 0 : index
    %get3A_1507 = arith.constant 0 : index
    %get3A_1508 = vector.load %arg13[%get3A_1505, %get3A_1506, %get3A_1507] : memref<25x256x256xf32, #tpu.memory_space<vmem>>, vector<1x256x128xf32>
    %get3A_1509 = vector.shape_cast %get3A_1508 : vector<1x256x128xf32> to vector<256x128xf32>
    %get3A_1510 = arith.index_cast %get3A_1504 : i32 to index
    %get3A_1511 = arith.constant 0 : index
    %get3A_1512 = arith.constant 128 : index
    %get3A_1513 = vector.load %arg13[%get3A_1510, %get3A_1511, %get3A_1512] : memref<25x256x256xf32, #tpu.memory_space<vmem>>, vector<1x256x128xf32>
    %get3A_1514 = vector.shape_cast %get3A_1513 : vector<1x256x128xf32> to vector<256x128xf32>
    %add3A_1515 = arith.addf %get3A_1509, %get3A_1514 : vector<256x128xf32>
    %max3A_1516 = arith.constant 0.000000e+00 : f32
    %max3A_1517 = vector.broadcast %max3A_1516 : f32 to vector<256x128xf32>
    %max3A_1518 = arith.maximumf %add3A_1515, %max3A_1517 : vector<256x128xf32>
    %dot_general3A_1519 = arith.constant dense<0.000000e+00> : vector<256x64xf32>
    %dot_general3A_1520 = tpu.matmul %max3A_1518, %get3A_989, %dot_general3A_1519 {dimension_numbers = #tpu.dot_dimension_numbers<[1], [0], [0], [1], [0, 0, 1, 1], [], []>, transpose_lhs_hint = false} : vector<256x128xf32>, vector<128x64xf32>, vector<256x64xf32> -> vector<256x64xf32>
    %get3A_1521 = arith.index_cast %get3A_1501 : i32 to index
    %get3A_1522 = arith.constant 0 : index
    %get3A_1523 = arith.constant 0 : index
    %get3A_1524 = vector.load %arg14[%get3A_1521, %get3A_1522, %get3A_1523] : memref<25x256x64xf32, #tpu.memory_space<vmem>>, vector<1x256x64xf32>
    %get3A_1525 = vector.shape_cast %get3A_1524 : vector<1x256x64xf32> to vector<256x64xf32>
    %add3A_1526 = arith.addf %get3A_1525, %dot_general3A_1520 : vector<256x64xf32>
    %swap3A_1527 = arith.index_cast %get3A_1501 : i32 to index
    %swap3A_1528 = arith.constant 0 : index
    %swap3A_1529 = arith.constant 0 : index
    %swap3A_1530 = vector.load %arg14[%swap3A_1527, %swap3A_1528, %swap3A_1529] : memref<25x256x64xf32, #tpu.memory_space<vmem>>, vector<1x256x64xf32>
    %swap3A_1531 = vector.shape_cast %swap3A_1530 : vector<1x256x64xf32> to vector<256x64xf32>
    %swap3A_1532 = vector.shape_cast %add3A_1526 : vector<256x64xf32> to vector<1x256x64xf32>
    tpu.vector_store %arg14[%swap3A_1527, %swap3A_1528, %swap3A_1529], %swap3A_1532 {strides = array<i32>} : memref<25x256x64xf32, #tpu.memory_space<vmem>>, vector<1x256x64xf32>,
    %get3A_1533 = arith.constant 16 : index
    %get3A_1534 = arith.constant 0 : index
    %get3A_1535 = memref.load %arg1[%get3A_1533, %get3A_1534] : memref<48x2xi32, #tpu.memory_space<smem>>
    %get3A_1536 = arith.constant 16 : index
    %get3A_1537 = arith.constant 1 : index
    %get3A_1538 = memref.load %arg1[%get3A_1536, %get3A_1537] : memref<48x2xi32, #tpu.memory_space<smem>>
    %get3A_1539 = arith.index_cast %get3A_1535 : i32 to index
    %get3A_1540 = arith.constant 0 : index
    %get3A_1541 = arith.constant 0 : index
    %get3A_1542 = vector.load %arg13[%get3A_1539, %get3A_1540, %get3A_1541] : memref<25x256x256xf32, #tpu.memory_space<vmem>>, vector<1x256x128xf32>
    %get3A_1543 = vector.shape_cast %get3A_1542 : vector<1x256x128xf32> to vector<256x128xf32>
    %get3A_1544 = arith.index_cast %get3A_1538 : i32 to index
    %get3A_1545 = arith.constant 0 : index
    %get3A_1546 = arith.constant 128 : index
    %get3A_1547 = vector.load %arg13[%get3A_1544, %get3A_1545, %get3A_1546] : memref<25x256x256xf32, #tpu.memory_space<vmem>>, vector<1x256x128xf32>
    %get3A_1548 = vector.shape_cast %get3A_1547 : vector<1x256x128xf32> to vector<256x128xf32>
    %add3A_1549 = arith.addf %get3A_1543, %get3A_1548 : vector<256x128xf32>
    %max3A_1550 = arith.constant 0.000000e+00 : f32
    %max3A_1551 = vector.broadcast %max3A_1550 : f32 to vector<256x128xf32>
    %max3A_1552 = arith.maximumf %add3A_1549, %max3A_1551 : vector<256x128xf32>
    %dot_general3A_1553 = arith.constant dense<0.000000e+00> : vector<256x64xf32>
    %dot_general3A_1554 = tpu.matmul %max3A_1552, %get3A_989, %dot_general3A_1553 {dimension_numbers = #tpu.dot_dimension_numbers<[1], [0], [0], [1], [0, 0, 1, 1], [], []>, transpose_lhs_hint = false} : vector<256x128xf32>, vector<128x64xf32>, vector<256x64xf32> -> vector<256x64xf32>
    %get3A_1555 = arith.index_cast %get3A_1535 : i32 to index
    %get3A_1556 = arith.constant 0 : index
    %get3A_1557 = arith.constant 0 : index
    %get3A_1558 = vector.load %arg14[%get3A_1555, %get3A_1556, %get3A_1557] : memref<25x256x64xf32, #tpu.memory_space<vmem>>, vector<1x256x64xf32>
    %get3A_1559 = vector.shape_cast %get3A_1558 : vector<1x256x64xf32> to vector<256x64xf32>
    %add3A_1560 = arith.addf %get3A_1559, %dot_general3A_1554 : vector<256x64xf32>
    %swap3A_1561 = arith.index_cast %get3A_1535 : i32 to index
    %swap3A_1562 = arith.constant 0 : index
    %swap3A_1563 = arith.constant 0 : index
    %swap3A_1564 = vector.load %arg14[%swap3A_1561, %swap3A_1562, %swap3A_1563] : memref<25x256x64xf32, #tpu.memory_space<vmem>>, vector<1x256x64xf32>
    %swap3A_1565 = vector.shape_cast %swap3A_1564 : vector<1x256x64xf32> to vector<256x64xf32>
    %swap3A_1566 = vector.shape_cast %add3A_1560 : vector<256x64xf32> to vector<1x256x64xf32>
    tpu.vector_store %arg14[%swap3A_1561, %swap3A_1562, %swap3A_1563], %swap3A_1566 {strides = array<i32>} : memref<25x256x64xf32, #tpu.memory_space<vmem>>, vector<1x256x64xf32>,
    %get3A_1567 = arith.constant 17 : index
    %get3A_1568 = arith.constant 0 : index
    %get3A_1569 = memref.load %arg1[%get3A_1567, %get3A_1568] : memref<48x2xi32, #tpu.memory_space<smem>>
    %get3A_1570 = arith.constant 17 : index
    %get3A_1571 = arith.constant 1 : index
    %get3A_1572 = memref.load %arg1[%get3A_1570, %get3A_1571] : memref<48x2xi32, #tpu.memory_space<smem>>
    %get3A_1573 = arith.index_cast %get3A_1569 : i32 to index
    %get3A_1574 = arith.constant 0 : index
    %get3A_1575 = arith.constant 0 : index
    %get3A_1576 = vector.load %arg13[%get3A_1573, %get3A_1574, %get3A_1575] : memref<25x256x256xf32, #tpu.memory_space<vmem>>, vector<1x256x128xf32>
    %get3A_1577 = vector.shape_cast %get3A_1576 : vector<1x256x128xf32> to vector<256x128xf32>
    %get3A_1578 = arith.index_cast %get3A_1572 : i32 to index
    %get3A_1579 = arith.constant 0 : index
    %get3A_1580 = arith.constant 128 : index
    %get3A_1581 = vector.load %arg13[%get3A_1578, %get3A_1579, %get3A_1580] : memref<25x256x256xf32, #tpu.memory_space<vmem>>, vector<1x256x128xf32>
    %get3A_1582 = vector.shape_cast %get3A_1581 : vector<1x256x128xf32> to vector<256x128xf32>
    %add3A_1583 = arith.addf %get3A_1577, %get3A_1582 : vector<256x128xf32>
    %max3A_1584 = arith.constant 0.000000e+00 : f32
    %max3A_1585 = vector.broadcast %max3A_1584 : f32 to vector<256x128xf32>
    %max3A_1586 = arith.maximumf %add3A_1583, %max3A_1585 : vector<256x128xf32>
    %dot_general3A_1587 = arith.constant dense<0.000000e+00> : vector<256x64xf32>
    %dot_general3A_1588 = tpu.matmul %max3A_1586, %get3A_989, %dot_general3A_1587 {dimension_numbers = #tpu.dot_dimension_numbers<[1], [0], [0], [1], [0, 0, 1, 1], [], []>, transpose_lhs_hint = false} : vector<256x128xf32>, vector<128x64xf32>, vector<256x64xf32> -> vector<256x64xf32>
    %get3A_1589 = arith.index_cast %get3A_1569 : i32 to index
    %get3A_1590 = arith.constant 0 : index
    %get3A_1591 = arith.constant 0 : index
    %get3A_1592 = vector.load %arg14[%get3A_1589, %get3A_1590, %get3A_1591] : memref<25x256x64xf32, #tpu.memory_space<vmem>>, vector<1x256x64xf32>
    %get3A_1593 = vector.shape_cast %get3A_1592 : vector<1x256x64xf32> to vector<256x64xf32>
    %add3A_1594 = arith.addf %get3A_1593, %dot_general3A_1588 : vector<256x64xf32>
    %swap3A_1595 = arith.index_cast %get3A_1569 : i32 to index
    %swap3A_1596 = arith.constant 0 : index
    %swap3A_1597 = arith.constant 0 : index
    %swap3A_1598 = vector.load %arg14[%swap3A_1595, %swap3A_1596, %swap3A_1597] : memref<25x256x64xf32, #tpu.memory_space<vmem>>, vector<1x256x64xf32>
    %swap3A_1599 = vector.shape_cast %swap3A_1598 : vector<1x256x64xf32> to vector<256x64xf32>
    %swap3A_1600 = vector.shape_cast %add3A_1594 : vector<256x64xf32> to vector<1x256x64xf32>
    tpu.vector_store %arg14[%swap3A_1595, %swap3A_1596, %swap3A_1597], %swap3A_1600 {strides = array<i32>} : memref<25x256x64xf32, #tpu.memory_space<vmem>>, vector<1x256x64xf32>,
    %get3A_1601 = arith.constant 18 : index
    %get3A_1602 = arith.constant 0 : index
    %get3A_1603 = memref.load %arg1[%get3A_1601, %get3A_1602] : memref<48x2xi32, #tpu.memory_space<smem>>
    %get3A_1604 = arith.constant 18 : index
    %get3A_1605 = arith.constant 1 : index
    %get3A_1606 = memref.load %arg1[%get3A_1604, %get3A_1605] : memref<48x2xi32, #tpu.memory_space<smem>>
    %get3A_1607 = arith.index_cast %get3A_1603 : i32 to index
    %get3A_1608 = arith.constant 0 : index
    %get3A_1609 = arith.constant 0 : index
    %get3A_1610 = vector.load %arg13[%get3A_1607, %get3A_1608, %get3A_1609] : memref<25x256x256xf32, #tpu.memory_space<vmem>>, vector<1x256x128xf32>
    %get3A_1611 = vector.shape_cast %get3A_1610 : vector<1x256x128xf32> to vector<256x128xf32>
    %get3A_1612 = arith.index_cast %get3A_1606 : i32 to index
    %get3A_1613 = arith.constant 0 : index
    %get3A_1614 = arith.constant 128 : index
    %get3A_1615 = vector.load %arg13[%get3A_1612, %get3A_1613, %get3A_1614] : memref<25x256x256xf32, #tpu.memory_space<vmem>>, vector<1x256x128xf32>
    %get3A_1616 = vector.shape_cast %get3A_1615 : vector<1x256x128xf32> to vector<256x128xf32>
    %add3A_1617 = arith.addf %get3A_1611, %get3A_1616 : vector<256x128xf32>
    %max3A_1618 = arith.constant 0.000000e+00 : f32
    %max3A_1619 = vector.broadcast %max3A_1618 : f32 to vector<256x128xf32>
    %max3A_1620 = arith.maximumf %add3A_1617, %max3A_1619 : vector<256x128xf32>
    %dot_general3A_1621 = arith.constant dense<0.000000e+00> : vector<256x64xf32>
    %dot_general3A_1622 = tpu.matmul %max3A_1620, %get3A_989, %dot_general3A_1621 {dimension_numbers = #tpu.dot_dimension_numbers<[1], [0], [0], [1], [0, 0, 1, 1], [], []>, transpose_lhs_hint = false} : vector<256x128xf32>, vector<128x64xf32>, vector<256x64xf32> -> vector<256x64xf32>
    %get3A_1623 = arith.index_cast %get3A_1603 : i32 to index
    %get3A_1624 = arith.constant 0 : index
    %get3A_1625 = arith.constant 0 : index
    %get3A_1626 = vector.load %arg14[%get3A_1623, %get3A_1624, %get3A_1625] : memref<25x256x64xf32, #tpu.memory_space<vmem>>, vector<1x256x64xf32>
    %get3A_1627 = vector.shape_cast %get3A_1626 : vector<1x256x64xf32> to vector<256x64xf32>
    %add3A_1628 = arith.addf %get3A_1627, %dot_general3A_1622 : vector<256x64xf32>
    %swap3A_1629 = arith.index_cast %get3A_1603 : i32 to index
    %swap3A_1630 = arith.constant 0 : index
    %swap3A_1631 = arith.constant 0 : index
    %swap3A_1632 = vector.load %arg14[%swap3A_1629, %swap3A_1630, %swap3A_1631] : memref<25x256x64xf32, #tpu.memory_space<vmem>>, vector<1x256x64xf32>
    %swap3A_1633 = vector.shape_cast %swap3A_1632 : vector<1x256x64xf32> to vector<256x64xf32>
    %swap3A_1634 = vector.shape_cast %add3A_1628 : vector<256x64xf32> to vector<1x256x64xf32>
    tpu.vector_store %arg14[%swap3A_1629, %swap3A_1630, %swap3A_1631], %swap3A_1634 {strides = array<i32>} : memref<25x256x64xf32, #tpu.memory_space<vmem>>, vector<1x256x64xf32>,
    %get3A_1635 = arith.constant 19 : index
    %get3A_1636 = arith.constant 0 : index
    %get3A_1637 = memref.load %arg1[%get3A_1635, %get3A_1636] : memref<48x2xi32, #tpu.memory_space<smem>>
    %get3A_1638 = arith.constant 19 : index
    %get3A_1639 = arith.constant 1 : index
    %get3A_1640 = memref.load %arg1[%get3A_1638, %get3A_1639] : memref<48x2xi32, #tpu.memory_space<smem>>
    %get3A_1641 = arith.index_cast %get3A_1637 : i32 to index
    %get3A_1642 = arith.constant 0 : index
    %get3A_1643 = arith.constant 0 : index
    %get3A_1644 = vector.load %arg13[%get3A_1641, %get3A_1642, %get3A_1643] : memref<25x256x256xf32, #tpu.memory_space<vmem>>, vector<1x256x128xf32>
    %get3A_1645 = vector.shape_cast %get3A_1644 : vector<1x256x128xf32> to vector<256x128xf32>
    %get3A_1646 = arith.index_cast %get3A_1640 : i32 to index
    %get3A_1647 = arith.constant 0 : index
    %get3A_1648 = arith.constant 128 : index
    %get3A_1649 = vector.load %arg13[%get3A_1646, %get3A_1647, %get3A_1648] : memref<25x256x256xf32, #tpu.memory_space<vmem>>, vector<1x256x128xf32>
    %get3A_1650 = vector.shape_cast %get3A_1649 : vector<1x256x128xf32> to vector<256x128xf32>
    %add3A_1651 = arith.addf %get3A_1645, %get3A_1650 : vector<256x128xf32>
    %max3A_1652 = arith.constant 0.000000e+00 : f32
    %max3A_1653 = vector.broadcast %max3A_1652 : f32 to vector<256x128xf32>
    %max3A_1654 = arith.maximumf %add3A_1651, %max3A_1653 : vector<256x128xf32>
    %dot_general3A_1655 = arith.constant dense<0.000000e+00> : vector<256x64xf32>
    %dot_general3A_1656 = tpu.matmul %max3A_1654, %get3A_989, %dot_general3A_1655 {dimension_numbers = #tpu.dot_dimension_numbers<[1], [0], [0], [1], [0, 0, 1, 1], [], []>, transpose_lhs_hint = false} : vector<256x128xf32>, vector<128x64xf32>, vector<256x64xf32> -> vector<256x64xf32>
    %get3A_1657 = arith.index_cast %get3A_1637 : i32 to index
    %get3A_1658 = arith.constant 0 : index
    %get3A_1659 = arith.constant 0 : index
    %get3A_1660 = vector.load %arg14[%get3A_1657, %get3A_1658, %get3A_1659] : memref<25x256x64xf32, #tpu.memory_space<vmem>>, vector<1x256x64xf32>
    %get3A_1661 = vector.shape_cast %get3A_1660 : vector<1x256x64xf32> to vector<256x64xf32>
    %add3A_1662 = arith.addf %get3A_1661, %dot_general3A_1656 : vector<256x64xf32>
    %swap3A_1663 = arith.index_cast %get3A_1637 : i32 to index
    %swap3A_1664 = arith.constant 0 : index
    %swap3A_1665 = arith.constant 0 : index
    %swap3A_1666 = vector.load %arg14[%swap3A_1663, %swap3A_1664, %swap3A_1665] : memref<25x256x64xf32, #tpu.memory_space<vmem>>, vector<1x256x64xf32>
    %swap3A_1667 = vector.shape_cast %swap3A_1666 : vector<1x256x64xf32> to vector<256x64xf32>
    %swap3A_1668 = vector.shape_cast %add3A_1662 : vector<256x64xf32> to vector<1x256x64xf32>
    tpu.vector_store %arg14[%swap3A_1663, %swap3A_1664, %swap3A_1665], %swap3A_1668 {strides = array<i32>} : memref<25x256x64xf32, #tpu.memory_space<vmem>>, vector<1x256x64xf32>,
    %get3A_1669 = arith.constant 20 : index
    %get3A_1670 = arith.constant 0 : index
    %get3A_1671 = memref.load %arg1[%get3A_1669, %get3A_1670] : memref<48x2xi32, #tpu.memory_space<smem>>
    %get3A_1672 = arith.constant 20 : index
    %get3A_1673 = arith.constant 1 : index
    %get3A_1674 = memref.load %arg1[%get3A_1672, %get3A_1673] : memref<48x2xi32, #tpu.memory_space<smem>>
    %get3A_1675 = arith.index_cast %get3A_1671 : i32 to index
    %get3A_1676 = arith.constant 0 : index
    %get3A_1677 = arith.constant 0 : index
    %get3A_1678 = vector.load %arg13[%get3A_1675, %get3A_1676, %get3A_1677] : memref<25x256x256xf32, #tpu.memory_space<vmem>>, vector<1x256x128xf32>
    %get3A_1679 = vector.shape_cast %get3A_1678 : vector<1x256x128xf32> to vector<256x128xf32>
    %get3A_1680 = arith.index_cast %get3A_1674 : i32 to index
    %get3A_1681 = arith.constant 0 : index
    %get3A_1682 = arith.constant 128 : index
    %get3A_1683 = vector.load %arg13[%get3A_1680, %get3A_1681, %get3A_1682] : memref<25x256x256xf32, #tpu.memory_space<vmem>>, vector<1x256x128xf32>
    %get3A_1684 = vector.shape_cast %get3A_1683 : vector<1x256x128xf32> to vector<256x128xf32>
    %add3A_1685 = arith.addf %get3A_1679, %get3A_1684 : vector<256x128xf32>
    %max3A_1686 = arith.constant 0.000000e+00 : f32
    %max3A_1687 = vector.broadcast %max3A_1686 : f32 to vector<256x128xf32>
    %max3A_1688 = arith.maximumf %add3A_1685, %max3A_1687 : vector<256x128xf32>
    %dot_general3A_1689 = arith.constant dense<0.000000e+00> : vector<256x64xf32>
    %dot_general3A_1690 = tpu.matmul %max3A_1688, %get3A_989, %dot_general3A_1689 {dimension_numbers = #tpu.dot_dimension_numbers<[1], [0], [0], [1], [0, 0, 1, 1], [], []>, transpose_lhs_hint = false} : vector<256x128xf32>, vector<128x64xf32>, vector<256x64xf32> -> vector<256x64xf32>
    %get3A_1691 = arith.index_cast %get3A_1671 : i32 to index
    %get3A_1692 = arith.constant 0 : index
    %get3A_1693 = arith.constant 0 : index
    %get3A_1694 = vector.load %arg14[%get3A_1691, %get3A_1692, %get3A_1693] : memref<25x256x64xf32, #tpu.memory_space<vmem>>, vector<1x256x64xf32>
    %get3A_1695 = vector.shape_cast %get3A_1694 : vector<1x256x64xf32> to vector<256x64xf32>
    %add3A_1696 = arith.addf %get3A_1695, %dot_general3A_1690 : vector<256x64xf32>
    %swap3A_1697 = arith.index_cast %get3A_1671 : i32 to index
    %swap3A_1698 = arith.constant 0 : index
    %swap3A_1699 = arith.constant 0 : index
    %swap3A_1700 = vector.load %arg14[%swap3A_1697, %swap3A_1698, %swap3A_1699] : memref<25x256x64xf32, #tpu.memory_space<vmem>>, vector<1x256x64xf32>
    %swap3A_1701 = vector.shape_cast %swap3A_1700 : vector<1x256x64xf32> to vector<256x64xf32>
    %swap3A_1702 = vector.shape_cast %add3A_1696 : vector<256x64xf32> to vector<1x256x64xf32>
    tpu.vector_store %arg14[%swap3A_1697, %swap3A_1698, %swap3A_1699], %swap3A_1702 {strides = array<i32>} : memref<25x256x64xf32, #tpu.memory_space<vmem>>, vector<1x256x64xf32>,
    %get3A_1703 = arith.constant 21 : index
    %get3A_1704 = arith.constant 0 : index
    %get3A_1705 = memref.load %arg1[%get3A_1703, %get3A_1704] : memref<48x2xi32, #tpu.memory_space<smem>>
    %get3A_1706 = arith.constant 21 : index
    %get3A_1707 = arith.constant 1 : index
    %get3A_1708 = memref.load %arg1[%get3A_1706, %get3A_1707] : memref<48x2xi32, #tpu.memory_space<smem>>
    %get3A_1709 = arith.index_cast %get3A_1705 : i32 to index
    %get3A_1710 = arith.constant 0 : index
    %get3A_1711 = arith.constant 0 : index
    %get3A_1712 = vector.load %arg13[%get3A_1709, %get3A_1710, %get3A_1711] : memref<25x256x256xf32, #tpu.memory_space<vmem>>, vector<1x256x128xf32>
    %get3A_1713 = vector.shape_cast %get3A_1712 : vector<1x256x128xf32> to vector<256x128xf32>
    %get3A_1714 = arith.index_cast %get3A_1708 : i32 to index
    %get3A_1715 = arith.constant 0 : index
    %get3A_1716 = arith.constant 128 : index
    %get3A_1717 = vector.load %arg13[%get3A_1714, %get3A_1715, %get3A_1716] : memref<25x256x256xf32, #tpu.memory_space<vmem>>, vector<1x256x128xf32>
    %get3A_1718 = vector.shape_cast %get3A_1717 : vector<1x256x128xf32> to vector<256x128xf32>
    %add3A_1719 = arith.addf %get3A_1713, %get3A_1718 : vector<256x128xf32>
    %max3A_1720 = arith.constant 0.000000e+00 : f32
    %max3A_1721 = vector.broadcast %max3A_1720 : f32 to vector<256x128xf32>
    %max3A_1722 = arith.maximumf %add3A_1719, %max3A_1721 : vector<256x128xf32>
    %dot_general3A_1723 = arith.constant dense<0.000000e+00> : vector<256x64xf32>
    %dot_general3A_1724 = tpu.matmul %max3A_1722, %get3A_989, %dot_general3A_1723 {dimension_numbers = #tpu.dot_dimension_numbers<[1], [0], [0], [1], [0, 0, 1, 1], [], []>, transpose_lhs_hint = false} : vector<256x128xf32>, vector<128x64xf32>, vector<256x64xf32> -> vector<256x64xf32>
    %get3A_1725 = arith.index_cast %get3A_1705 : i32 to index
    %get3A_1726 = arith.constant 0 : index
    %get3A_1727 = arith.constant 0 : index
    %get3A_1728 = vector.load %arg14[%get3A_1725, %get3A_1726, %get3A_1727] : memref<25x256x64xf32, #tpu.memory_space<vmem>>, vector<1x256x64xf32>
    %get3A_1729 = vector.shape_cast %get3A_1728 : vector<1x256x64xf32> to vector<256x64xf32>
    %add3A_1730 = arith.addf %get3A_1729, %dot_general3A_1724 : vector<256x64xf32>
    %swap3A_1731 = arith.index_cast %get3A_1705 : i32 to index
    %swap3A_1732 = arith.constant 0 : index
    %swap3A_1733 = arith.constant 0 : index
    %swap3A_1734 = vector.load %arg14[%swap3A_1731, %swap3A_1732, %swap3A_1733] : memref<25x256x64xf32, #tpu.memory_space<vmem>>, vector<1x256x64xf32>
    %swap3A_1735 = vector.shape_cast %swap3A_1734 : vector<1x256x64xf32> to vector<256x64xf32>
    %swap3A_1736 = vector.shape_cast %add3A_1730 : vector<256x64xf32> to vector<1x256x64xf32>
    tpu.vector_store %arg14[%swap3A_1731, %swap3A_1732, %swap3A_1733], %swap3A_1736 {strides = array<i32>} : memref<25x256x64xf32, #tpu.memory_space<vmem>>, vector<1x256x64xf32>,
    %get3A_1737 = arith.constant 22 : index
    %get3A_1738 = arith.constant 0 : index
    %get3A_1739 = memref.load %arg1[%get3A_1737, %get3A_1738] : memref<48x2xi32, #tpu.memory_space<smem>>
    %get3A_1740 = arith.constant 22 : index
    %get3A_1741 = arith.constant 1 : index
    %get3A_1742 = memref.load %arg1[%get3A_1740, %get3A_1741] : memref<48x2xi32, #tpu.memory_space<smem>>
    %get3A_1743 = arith.index_cast %get3A_1739 : i32 to index
    %get3A_1744 = arith.constant 0 : index
    %get3A_1745 = arith.constant 0 : index
    %get3A_1746 = vector.load %arg13[%get3A_1743, %get3A_1744, %get3A_1745] : memref<25x256x256xf32, #tpu.memory_space<vmem>>, vector<1x256x128xf32>
    %get3A_1747 = vector.shape_cast %get3A_1746 : vector<1x256x128xf32> to vector<256x128xf32>
    %get3A_1748 = arith.index_cast %get3A_1742 : i32 to index
    %get3A_1749 = arith.constant 0 : index
    %get3A_1750 = arith.constant 128 : index
    %get3A_1751 = vector.load %arg13[%get3A_1748, %get3A_1749, %get3A_1750] : memref<25x256x256xf32, #tpu.memory_space<vmem>>, vector<1x256x128xf32>
    %get3A_1752 = vector.shape_cast %get3A_1751 : vector<1x256x128xf32> to vector<256x128xf32>
    %add3A_1753 = arith.addf %get3A_1747, %get3A_1752 : vector<256x128xf32>
    %max3A_1754 = arith.constant 0.000000e+00 : f32
    %max3A_1755 = vector.broadcast %max3A_1754 : f32 to vector<256x128xf32>
    %max3A_1756 = arith.maximumf %add3A_1753, %max3A_1755 : vector<256x128xf32>
    %dot_general3A_1757 = arith.constant dense<0.000000e+00> : vector<256x64xf32>
    %dot_general3A_1758 = tpu.matmul %max3A_1756, %get3A_989, %dot_general3A_1757 {dimension_numbers = #tpu.dot_dimension_numbers<[1], [0], [0], [1], [0, 0, 1, 1], [], []>, transpose_lhs_hint = false} : vector<256x128xf32>, vector<128x64xf32>, vector<256x64xf32> -> vector<256x64xf32>
    %get3A_1759 = arith.index_cast %get3A_1739 : i32 to index
    %get3A_1760 = arith.constant 0 : index
    %get3A_1761 = arith.constant 0 : index
    %get3A_1762 = vector.load %arg14[%get3A_1759, %get3A_1760, %get3A_1761] : memref<25x256x64xf32, #tpu.memory_space<vmem>>, vector<1x256x64xf32>
    %get3A_1763 = vector.shape_cast %get3A_1762 : vector<1x256x64xf32> to vector<256x64xf32>
    %add3A_1764 = arith.addf %get3A_1763, %dot_general3A_1758 : vector<256x64xf32>
    %swap3A_1765 = arith.index_cast %get3A_1739 : i32 to index
    %swap3A_1766 = arith.constant 0 : index
    %swap3A_1767 = arith.constant 0 : index
    %swap3A_1768 = vector.load %arg14[%swap3A_1765, %swap3A_1766, %swap3A_1767] : memref<25x256x64xf32, #tpu.memory_space<vmem>>, vector<1x256x64xf32>
    %swap3A_1769 = vector.shape_cast %swap3A_1768 : vector<1x256x64xf32> to vector<256x64xf32>
    %swap3A_1770 = vector.shape_cast %add3A_1764 : vector<256x64xf32> to vector<1x256x64xf32>
    tpu.vector_store %arg14[%swap3A_1765, %swap3A_1766, %swap3A_1767], %swap3A_1770 {strides = array<i32>} : memref<25x256x64xf32, #tpu.memory_space<vmem>>, vector<1x256x64xf32>,
    %get3A_1771 = arith.constant 23 : index
    %get3A_1772 = arith.constant 0 : index
    %get3A_1773 = memref.load %arg1[%get3A_1771, %get3A_1772] : memref<48x2xi32, #tpu.memory_space<smem>>
    %get3A_1774 = arith.constant 23 : index
    %get3A_1775 = arith.constant 1 : index
    %get3A_1776 = memref.load %arg1[%get3A_1774, %get3A_1775] : memref<48x2xi32, #tpu.memory_space<smem>>
    %get3A_1777 = arith.index_cast %get3A_1773 : i32 to index
    %get3A_1778 = arith.constant 0 : index
    %get3A_1779 = arith.constant 0 : index
    %get3A_1780 = vector.load %arg13[%get3A_1777, %get3A_1778, %get3A_1779] : memref<25x256x256xf32, #tpu.memory_space<vmem>>, vector<1x256x128xf32>
    %get3A_1781 = vector.shape_cast %get3A_1780 : vector<1x256x128xf32> to vector<256x128xf32>
    %get3A_1782 = arith.index_cast %get3A_1776 : i32 to index
    %get3A_1783 = arith.constant 0 : index
    %get3A_1784 = arith.constant 128 : index
    %get3A_1785 = vector.load %arg13[%get3A_1782, %get3A_1783, %get3A_1784] : memref<25x256x256xf32, #tpu.memory_space<vmem>>, vector<1x256x128xf32>
    %get3A_1786 = vector.shape_cast %get3A_1785 : vector<1x256x128xf32> to vector<256x128xf32>
    %add3A_1787 = arith.addf %get3A_1781, %get3A_1786 : vector<256x128xf32>
    %max3A_1788 = arith.constant 0.000000e+00 : f32
    %max3A_1789 = vector.broadcast %max3A_1788 : f32 to vector<256x128xf32>
    %max3A_1790 = arith.maximumf %add3A_1787, %max3A_1789 : vector<256x128xf32>
    %dot_general3A_1791 = arith.constant dense<0.000000e+00> : vector<256x64xf32>
    %dot_general3A_1792 = tpu.matmul %max3A_1790, %get3A_989, %dot_general3A_1791 {dimension_numbers = #tpu.dot_dimension_numbers<[1], [0], [0], [1], [0, 0, 1, 1], [], []>, transpose_lhs_hint = false} : vector<256x128xf32>, vector<128x64xf32>, vector<256x64xf32> -> vector<256x64xf32>
    %get3A_1793 = arith.index_cast %get3A_1773 : i32 to index
    %get3A_1794 = arith.constant 0 : index
    %get3A_1795 = arith.constant 0 : index
    %get3A_1796 = vector.load %arg14[%get3A_1793, %get3A_1794, %get3A_1795] : memref<25x256x64xf32, #tpu.memory_space<vmem>>, vector<1x256x64xf32>
    %get3A_1797 = vector.shape_cast %get3A_1796 : vector<1x256x64xf32> to vector<256x64xf32>
    %add3A_1798 = arith.addf %get3A_1797, %dot_general3A_1792 : vector<256x64xf32>
    %swap3A_1799 = arith.index_cast %get3A_1773 : i32 to index
    %swap3A_1800 = arith.constant 0 : index
    %swap3A_1801 = arith.constant 0 : index
    %swap3A_1802 = vector.load %arg14[%swap3A_1799, %swap3A_1800, %swap3A_1801] : memref<25x256x64xf32, #tpu.memory_space<vmem>>, vector<1x256x64xf32>
    %swap3A_1803 = vector.shape_cast %swap3A_1802 : vector<1x256x64xf32> to vector<256x64xf32>
    %swap3A_1804 = vector.shape_cast %add3A_1798 : vector<256x64xf32> to vector<1x256x64xf32>
    tpu.vector_store %arg14[%swap3A_1799, %swap3A_1800, %swap3A_1801], %swap3A_1804 {strides = array<i32>} : memref<25x256x64xf32, #tpu.memory_space<vmem>>, vector<1x256x64xf32>,
    %get3A_1805 = arith.constant 24 : index
    %get3A_1806 = arith.constant 0 : index
    %get3A_1807 = memref.load %arg1[%get3A_1805, %get3A_1806] : memref<48x2xi32, #tpu.memory_space<smem>>
    %get3A_1808 = arith.constant 24 : index
    %get3A_1809 = arith.constant 1 : index
    %get3A_1810 = memref.load %arg1[%get3A_1808, %get3A_1809] : memref<48x2xi32, #tpu.memory_space<smem>>
    %get3A_1811 = arith.index_cast %get3A_1807 : i32 to index
    %get3A_1812 = arith.constant 0 : index
    %get3A_1813 = arith.constant 0 : index
    %get3A_1814 = vector.load %arg13[%get3A_1811, %get3A_1812, %get3A_1813] : memref<25x256x256xf32, #tpu.memory_space<vmem>>, vector<1x256x128xf32>
    %get3A_1815 = vector.shape_cast %get3A_1814 : vector<1x256x128xf32> to vector<256x128xf32>
    %get3A_1816 = arith.index_cast %get3A_1810 : i32 to index
    %get3A_1817 = arith.constant 0 : index
    %get3A_1818 = arith.constant 128 : index
    %get3A_1819 = vector.load %arg13[%get3A_1816, %get3A_1817, %get3A_1818] : memref<25x256x256xf32, #tpu.memory_space<vmem>>, vector<1x256x128xf32>
    %get3A_1820 = vector.shape_cast %get3A_1819 : vector<1x256x128xf32> to vector<256x128xf32>
    %add3A_1821 = arith.addf %get3A_1815, %get3A_1820 : vector<256x128xf32>
    %max3A_1822 = arith.constant 0.000000e+00 : f32
    %max3A_1823 = vector.broadcast %max3A_1822 : f32 to vector<256x128xf32>
    %max3A_1824 = arith.maximumf %add3A_1821, %max3A_1823 : vector<256x128xf32>
    %dot_general3A_1825 = arith.constant dense<0.000000e+00> : vector<256x64xf32>
    %dot_general3A_1826 = tpu.matmul %max3A_1824, %get3A_989, %dot_general3A_1825 {dimension_numbers = #tpu.dot_dimension_numbers<[1], [0], [0], [1], [0, 0, 1, 1], [], []>, transpose_lhs_hint = false} : vector<256x128xf32>, vector<128x64xf32>, vector<256x64xf32> -> vector<256x64xf32>
    %get3A_1827 = arith.index_cast %get3A_1807 : i32 to index
    %get3A_1828 = arith.constant 0 : index
    %get3A_1829 = arith.constant 0 : index
    %get3A_1830 = vector.load %arg14[%get3A_1827, %get3A_1828, %get3A_1829] : memref<25x256x64xf32, #tpu.memory_space<vmem>>, vector<1x256x64xf32>
    %get3A_1831 = vector.shape_cast %get3A_1830 : vector<1x256x64xf32> to vector<256x64xf32>
    %add3A_1832 = arith.addf %get3A_1831, %dot_general3A_1826 : vector<256x64xf32>
    %swap3A_1833 = arith.index_cast %get3A_1807 : i32 to index
    %swap3A_1834 = arith.constant 0 : index
    %swap3A_1835 = arith.constant 0 : index
    %swap3A_1836 = vector.load %arg14[%swap3A_1833, %swap3A_1834, %swap3A_1835] : memref<25x256x64xf32, #tpu.memory_space<vmem>>, vector<1x256x64xf32>
    %swap3A_1837 = vector.shape_cast %swap3A_1836 : vector<1x256x64xf32> to vector<256x64xf32>
    %swap3A_1838 = vector.shape_cast %add3A_1832 : vector<256x64xf32> to vector<1x256x64xf32>
    tpu.vector_store %arg14[%swap3A_1833, %swap3A_1834, %swap3A_1835], %swap3A_1838 {strides = array<i32>} : memref<25x256x64xf32, #tpu.memory_space<vmem>>, vector<1x256x64xf32>,
    %get3A_1839 = arith.constant 25 : index
    %get3A_1840 = arith.constant 0 : index
    %get3A_1841 = memref.load %arg1[%get3A_1839, %get3A_1840] : memref<48x2xi32, #tpu.memory_space<smem>>
    %get3A_1842 = arith.constant 25 : index
    %get3A_1843 = arith.constant 1 : index
    %get3A_1844 = memref.load %arg1[%get3A_1842, %get3A_1843] : memref<48x2xi32, #tpu.memory_space<smem>>
    %get3A_1845 = arith.index_cast %get3A_1841 : i32 to index
    %get3A_1846 = arith.constant 0 : index
    %get3A_1847 = arith.constant 0 : index
    %get3A_1848 = vector.load %arg13[%get3A_1845, %get3A_1846, %get3A_1847] : memref<25x256x256xf32, #tpu.memory_space<vmem>>, vector<1x256x128xf32>
    %get3A_1849 = vector.shape_cast %get3A_1848 : vector<1x256x128xf32> to vector<256x128xf32>
    %get3A_1850 = arith.index_cast %get3A_1844 : i32 to index
    %get3A_1851 = arith.constant 0 : index
    %get3A_1852 = arith.constant 128 : index
    %get3A_1853 = vector.load %arg13[%get3A_1850, %get3A_1851, %get3A_1852] : memref<25x256x256xf32, #tpu.memory_space<vmem>>, vector<1x256x128xf32>
    %get3A_1854 = vector.shape_cast %get3A_1853 : vector<1x256x128xf32> to vector<256x128xf32>
    %add3A_1855 = arith.addf %get3A_1849, %get3A_1854 : vector<256x128xf32>
    %max3A_1856 = arith.constant 0.000000e+00 : f32
    %max3A_1857 = vector.broadcast %max3A_1856 : f32 to vector<256x128xf32>
    %max3A_1858 = arith.maximumf %add3A_1855, %max3A_1857 : vector<256x128xf32>
    %dot_general3A_1859 = arith.constant dense<0.000000e+00> : vector<256x64xf32>
    %dot_general3A_1860 = tpu.matmul %max3A_1858, %get3A_989, %dot_general3A_1859 {dimension_numbers = #tpu.dot_dimension_numbers<[1], [0], [0], [1], [0, 0, 1, 1], [], []>, transpose_lhs_hint = false} : vector<256x128xf32>, vector<128x64xf32>, vector<256x64xf32> -> vector<256x64xf32>
    %get3A_1861 = arith.index_cast %get3A_1841 : i32 to index
    %get3A_1862 = arith.constant 0 : index
    %get3A_1863 = arith.constant 0 : index
    %get3A_1864 = vector.load %arg14[%get3A_1861, %get3A_1862, %get3A_1863] : memref<25x256x64xf32, #tpu.memory_space<vmem>>, vector<1x256x64xf32>
    %get3A_1865 = vector.shape_cast %get3A_1864 : vector<1x256x64xf32> to vector<256x64xf32>
    %add3A_1866 = arith.addf %get3A_1865, %dot_general3A_1860 : vector<256x64xf32>
    %swap3A_1867 = arith.index_cast %get3A_1841 : i32 to index
    %swap3A_1868 = arith.constant 0 : index
    %swap3A_1869 = arith.constant 0 : index
    %swap3A_1870 = vector.load %arg14[%swap3A_1867, %swap3A_1868, %swap3A_1869] : memref<25x256x64xf32, #tpu.memory_space<vmem>>, vector<1x256x64xf32>
    %swap3A_1871 = vector.shape_cast %swap3A_1870 : vector<1x256x64xf32> to vector<256x64xf32>
    %swap3A_1872 = vector.shape_cast %add3A_1866 : vector<256x64xf32> to vector<1x256x64xf32>
    tpu.vector_store %arg14[%swap3A_1867, %swap3A_1868, %swap3A_1869], %swap3A_1872 {strides = array<i32>} : memref<25x256x64xf32, #tpu.memory_space<vmem>>, vector<1x256x64xf32>,
    %get3A_1873 = arith.constant 26 : index
    %get3A_1874 = arith.constant 0 : index
    %get3A_1875 = memref.load %arg1[%get3A_1873, %get3A_1874] : memref<48x2xi32, #tpu.memory_space<smem>>
    %get3A_1876 = arith.constant 26 : index
    %get3A_1877 = arith.constant 1 : index
    %get3A_1878 = memref.load %arg1[%get3A_1876, %get3A_1877] : memref<48x2xi32, #tpu.memory_space<smem>>
    %get3A_1879 = arith.index_cast %get3A_1875 : i32 to index
    %get3A_1880 = arith.constant 0 : index
    %get3A_1881 = arith.constant 0 : index
    %get3A_1882 = vector.load %arg13[%get3A_1879, %get3A_1880, %get3A_1881] : memref<25x256x256xf32, #tpu.memory_space<vmem>>, vector<1x256x128xf32>
    %get3A_1883 = vector.shape_cast %get3A_1882 : vector<1x256x128xf32> to vector<256x128xf32>
    %get3A_1884 = arith.index_cast %get3A_1878 : i32 to index
    %get3A_1885 = arith.constant 0 : index
    %get3A_1886 = arith.constant 128 : index
    %get3A_1887 = vector.load %arg13[%get3A_1884, %get3A_1885, %get3A_1886] : memref<25x256x256xf32, #tpu.memory_space<vmem>>, vector<1x256x128xf32>
    %get3A_1888 = vector.shape_cast %get3A_1887 : vector<1x256x128xf32> to vector<256x128xf32>
    %add3A_1889 = arith.addf %get3A_1883, %get3A_1888 : vector<256x128xf32>
    %max3A_1890 = arith.constant 0.000000e+00 : f32
    %max3A_1891 = vector.broadcast %max3A_1890 : f32 to vector<256x128xf32>
    %max3A_1892 = arith.maximumf %add3A_1889, %max3A_1891 : vector<256x128xf32>
    %dot_general3A_1893 = arith.constant dense<0.000000e+00> : vector<256x64xf32>
    %dot_general3A_1894 = tpu.matmul %max3A_1892, %get3A_989, %dot_general3A_1893 {dimension_numbers = #tpu.dot_dimension_numbers<[1], [0], [0], [1], [0, 0, 1, 1], [], []>, transpose_lhs_hint = false} : vector<256x128xf32>, vector<128x64xf32>, vector<256x64xf32> -> vector<256x64xf32>
    %get3A_1895 = arith.index_cast %get3A_1875 : i32 to index
    %get3A_1896 = arith.constant 0 : index
    %get3A_1897 = arith.constant 0 : index
    %get3A_1898 = vector.load %arg14[%get3A_1895, %get3A_1896, %get3A_1897] : memref<25x256x64xf32, #tpu.memory_space<vmem>>, vector<1x256x64xf32>
    %get3A_1899 = vector.shape_cast %get3A_1898 : vector<1x256x64xf32> to vector<256x64xf32>
    %add3A_1900 = arith.addf %get3A_1899, %dot_general3A_1894 : vector<256x64xf32>
    %swap3A_1901 = arith.index_cast %get3A_1875 : i32 to index
    %swap3A_1902 = arith.constant 0 : index
    %swap3A_1903 = arith.constant 0 : index
    %swap3A_1904 = vector.load %arg14[%swap3A_1901, %swap3A_1902, %swap3A_1903] : memref<25x256x64xf32, #tpu.memory_space<vmem>>, vector<1x256x64xf32>
    %swap3A_1905 = vector.shape_cast %swap3A_1904 : vector<1x256x64xf32> to vector<256x64xf32>
    %swap3A_1906 = vector.shape_cast %add3A_1900 : vector<256x64xf32> to vector<1x256x64xf32>
    tpu.vector_store %arg14[%swap3A_1901, %swap3A_1902, %swap3A_1903], %swap3A_1906 {strides = array<i32>} : memref<25x256x64xf32, #tpu.memory_space<vmem>>, vector<1x256x64xf32>,
    %get3A_1907 = arith.constant 27 : index
    %get3A_1908 = arith.constant 0 : index
    %get3A_1909 = memref.load %arg1[%get3A_1907, %get3A_1908] : memref<48x2xi32, #tpu.memory_space<smem>>
    %get3A_1910 = arith.constant 27 : index
    %get3A_1911 = arith.constant 1 : index
    %get3A_1912 = memref.load %arg1[%get3A_1910, %get3A_1911] : memref<48x2xi32, #tpu.memory_space<smem>>
    %get3A_1913 = arith.index_cast %get3A_1909 : i32 to index
    %get3A_1914 = arith.constant 0 : index
    %get3A_1915 = arith.constant 0 : index
    %get3A_1916 = vector.load %arg13[%get3A_1913, %get3A_1914, %get3A_1915] : memref<25x256x256xf32, #tpu.memory_space<vmem>>, vector<1x256x128xf32>
    %get3A_1917 = vector.shape_cast %get3A_1916 : vector<1x256x128xf32> to vector<256x128xf32>
    %get3A_1918 = arith.index_cast %get3A_1912 : i32 to index
    %get3A_1919 = arith.constant 0 : index
    %get3A_1920 = arith.constant 128 : index
    %get3A_1921 = vector.load %arg13[%get3A_1918, %get3A_1919, %get3A_1920] : memref<25x256x256xf32, #tpu.memory_space<vmem>>, vector<1x256x128xf32>
    %get3A_1922 = vector.shape_cast %get3A_1921 : vector<1x256x128xf32> to vector<256x128xf32>
    %add3A_1923 = arith.addf %get3A_1917, %get3A_1922 : vector<256x128xf32>
    %max3A_1924 = arith.constant 0.000000e+00 : f32
    %max3A_1925 = vector.broadcast %max3A_1924 : f32 to vector<256x128xf32>
    %max3A_1926 = arith.maximumf %add3A_1923, %max3A_1925 : vector<256x128xf32>
    %dot_general3A_1927 = arith.constant dense<0.000000e+00> : vector<256x64xf32>
    %dot_general3A_1928 = tpu.matmul %max3A_1926, %get3A_989, %dot_general3A_1927 {dimension_numbers = #tpu.dot_dimension_numbers<[1], [0], [0], [1], [0, 0, 1, 1], [], []>, transpose_lhs_hint = false} : vector<256x128xf32>, vector<128x64xf32>, vector<256x64xf32> -> vector<256x64xf32>
    %get3A_1929 = arith.index_cast %get3A_1909 : i32 to index
    %get3A_1930 = arith.constant 0 : index
    %get3A_1931 = arith.constant 0 : index
    %get3A_1932 = vector.load %arg14[%get3A_1929, %get3A_1930, %get3A_1931] : memref<25x256x64xf32, #tpu.memory_space<vmem>>, vector<1x256x64xf32>
    %get3A_1933 = vector.shape_cast %get3A_1932 : vector<1x256x64xf32> to vector<256x64xf32>
    %add3A_1934 = arith.addf %get3A_1933, %dot_general3A_1928 : vector<256x64xf32>
    %swap3A_1935 = arith.index_cast %get3A_1909 : i32 to index
    %swap3A_1936 = arith.constant 0 : index
    %swap3A_1937 = arith.constant 0 : index
    %swap3A_1938 = vector.load %arg14[%swap3A_1935, %swap3A_1936, %swap3A_1937] : memref<25x256x64xf32, #tpu.memory_space<vmem>>, vector<1x256x64xf32>
    %swap3A_1939 = vector.shape_cast %swap3A_1938 : vector<1x256x64xf32> to vector<256x64xf32>
    %swap3A_1940 = vector.shape_cast %add3A_1934 : vector<256x64xf32> to vector<1x256x64xf32>
    tpu.vector_store %arg14[%swap3A_1935, %swap3A_1936, %swap3A_1937], %swap3A_1940 {strides = array<i32>} : memref<25x256x64xf32, #tpu.memory_space<vmem>>, vector<1x256x64xf32>,
    %get3A_1941 = arith.constant 28 : index
    %get3A_1942 = arith.constant 0 : index
    %get3A_1943 = memref.load %arg1[%get3A_1941, %get3A_1942] : memref<48x2xi32, #tpu.memory_space<smem>>
    %get3A_1944 = arith.constant 28 : index
    %get3A_1945 = arith.constant 1 : index
    %get3A_1946 = memref.load %arg1[%get3A_1944, %get3A_1945] : memref<48x2xi32, #tpu.memory_space<smem>>
    %get3A_1947 = arith.index_cast %get3A_1943 : i32 to index
    %get3A_1948 = arith.constant 0 : index
    %get3A_1949 = arith.constant 0 : index
    %get3A_1950 = vector.load %arg13[%get3A_1947, %get3A_1948, %get3A_1949] : memref<25x256x256xf32, #tpu.memory_space<vmem>>, vector<1x256x128xf32>
    %get3A_1951 = vector.shape_cast %get3A_1950 : vector<1x256x128xf32> to vector<256x128xf32>
    %get3A_1952 = arith.index_cast %get3A_1946 : i32 to index
    %get3A_1953 = arith.constant 0 : index
    %get3A_1954 = arith.constant 128 : index
    %get3A_1955 = vector.load %arg13[%get3A_1952, %get3A_1953, %get3A_1954] : memref<25x256x256xf32, #tpu.memory_space<vmem>>, vector<1x256x128xf32>
    %get3A_1956 = vector.shape_cast %get3A_1955 : vector<1x256x128xf32> to vector<256x128xf32>
    %add3A_1957 = arith.addf %get3A_1951, %get3A_1956 : vector<256x128xf32>
    %max3A_1958 = arith.constant 0.000000e+00 : f32
    %max3A_1959 = vector.broadcast %max3A_1958 : f32 to vector<256x128xf32>
    %max3A_1960 = arith.maximumf %add3A_1957, %max3A_1959 : vector<256x128xf32>
    %dot_general3A_1961 = arith.constant dense<0.000000e+00> : vector<256x64xf32>
    %dot_general3A_1962 = tpu.matmul %max3A_1960, %get3A_989, %dot_general3A_1961 {dimension_numbers = #tpu.dot_dimension_numbers<[1], [0], [0], [1], [0, 0, 1, 1], [], []>, transpose_lhs_hint = false} : vector<256x128xf32>, vector<128x64xf32>, vector<256x64xf32> -> vector<256x64xf32>
    %get3A_1963 = arith.index_cast %get3A_1943 : i32 to index
    %get3A_1964 = arith.constant 0 : index
    %get3A_1965 = arith.constant 0 : index
    %get3A_1966 = vector.load %arg14[%get3A_1963, %get3A_1964, %get3A_1965] : memref<25x256x64xf32, #tpu.memory_space<vmem>>, vector<1x256x64xf32>
    %get3A_1967 = vector.shape_cast %get3A_1966 : vector<1x256x64xf32> to vector<256x64xf32>
    %add3A_1968 = arith.addf %get3A_1967, %dot_general3A_1962 : vector<256x64xf32>
    %swap3A_1969 = arith.index_cast %get3A_1943 : i32 to index
    %swap3A_1970 = arith.constant 0 : index
    %swap3A_1971 = arith.constant 0 : index
    %swap3A_1972 = vector.load %arg14[%swap3A_1969, %swap3A_1970, %swap3A_1971] : memref<25x256x64xf32, #tpu.memory_space<vmem>>, vector<1x256x64xf32>
    %swap3A_1973 = vector.shape_cast %swap3A_1972 : vector<1x256x64xf32> to vector<256x64xf32>
    %swap3A_1974 = vector.shape_cast %add3A_1968 : vector<256x64xf32> to vector<1x256x64xf32>
    tpu.vector_store %arg14[%swap3A_1969, %swap3A_1970, %swap3A_1971], %swap3A_1974 {strides = array<i32>} : memref<25x256x64xf32, #tpu.memory_space<vmem>>, vector<1x256x64xf32>,
    %get3A_1975 = arith.constant 29 : index
    %get3A_1976 = arith.constant 0 : index
    %get3A_1977 = memref.load %arg1[%get3A_1975, %get3A_1976] : memref<48x2xi32, #tpu.memory_space<smem>>
    %get3A_1978 = arith.constant 29 : index
    %get3A_1979 = arith.constant 1 : index
    %get3A_1980 = memref.load %arg1[%get3A_1978, %get3A_1979] : memref<48x2xi32, #tpu.memory_space<smem>>
    %get3A_1981 = arith.index_cast %get3A_1977 : i32 to index
    %get3A_1982 = arith.constant 0 : index
    %get3A_1983 = arith.constant 0 : index
    %get3A_1984 = vector.load %arg13[%get3A_1981, %get3A_1982, %get3A_1983] : memref<25x256x256xf32, #tpu.memory_space<vmem>>, vector<1x256x128xf32>
    %get3A_1985 = vector.shape_cast %get3A_1984 : vector<1x256x128xf32> to vector<256x128xf32>
    %get3A_1986 = arith.index_cast %get3A_1980 : i32 to index
    %get3A_1987 = arith.constant 0 : index
    %get3A_1988 = arith.constant 128 : index
    %get3A_1989 = vector.load %arg13[%get3A_1986, %get3A_1987, %get3A_1988] : memref<25x256x256xf32, #tpu.memory_space<vmem>>, vector<1x256x128xf32>
    %get3A_1990 = vector.shape_cast %get3A_1989 : vector<1x256x128xf32> to vector<256x128xf32>
    %add3A_1991 = arith.addf %get3A_1985, %get3A_1990 : vector<256x128xf32>
    %max3A_1992 = arith.constant 0.000000e+00 : f32
    %max3A_1993 = vector.broadcast %max3A_1992 : f32 to vector<256x128xf32>
    %max3A_1994 = arith.maximumf %add3A_1991, %max3A_1993 : vector<256x128xf32>
    %dot_general3A_1995 = arith.constant dense<0.000000e+00> : vector<256x64xf32>
    %dot_general3A_1996 = tpu.matmul %max3A_1994, %get3A_989, %dot_general3A_1995 {dimension_numbers = #tpu.dot_dimension_numbers<[1], [0], [0], [1], [0, 0, 1, 1], [], []>, transpose_lhs_hint = false} : vector<256x128xf32>, vector<128x64xf32>, vector<256x64xf32> -> vector<256x64xf32>
    %get3A_1997 = arith.index_cast %get3A_1977 : i32 to index
    %get3A_1998 = arith.constant 0 : index
    %get3A_1999 = arith.constant 0 : index
    %get3A_2000 = vector.load %arg14[%get3A_1997, %get3A_1998, %get3A_1999] : memref<25x256x64xf32, #tpu.memory_space<vmem>>, vector<1x256x64xf32>
    %get3A_2001 = vector.shape_cast %get3A_2000 : vector<1x256x64xf32> to vector<256x64xf32>
    %add3A_2002 = arith.addf %get3A_2001, %dot_general3A_1996 : vector<256x64xf32>
    %swap3A_2003 = arith.index_cast %get3A_1977 : i32 to index
    %swap3A_2004 = arith.constant 0 : index
    %swap3A_2005 = arith.constant 0 : index
    %swap3A_2006 = vector.load %arg14[%swap3A_2003, %swap3A_2004, %swap3A_2005] : memref<25x256x64xf32, #tpu.memory_space<vmem>>, vector<1x256x64xf32>
    %swap3A_2007 = vector.shape_cast %swap3A_2006 : vector<1x256x64xf32> to vector<256x64xf32>
    %swap3A_2008 = vector.shape_cast %add3A_2002 : vector<256x64xf32> to vector<1x256x64xf32>
    tpu.vector_store %arg14[%swap3A_2003, %swap3A_2004, %swap3A_2005], %swap3A_2008 {strides = array<i32>} : memref<25x256x64xf32, #tpu.memory_space<vmem>>, vector<1x256x64xf32>,
    %get3A_2009 = arith.constant 30 : index
    %get3A_2010 = arith.constant 0 : index
    %get3A_2011 = memref.load %arg1[%get3A_2009, %get3A_2010] : memref<48x2xi32, #tpu.memory_space<smem>>
    %get3A_2012 = arith.constant 30 : index
    %get3A_2013 = arith.constant 1 : index
    %get3A_2014 = memref.load %arg1[%get3A_2012, %get3A_2013] : memref<48x2xi32, #tpu.memory_space<smem>>
    %get3A_2015 = arith.index_cast %get3A_2011 : i32 to index
    %get3A_2016 = arith.constant 0 : index
    %get3A_2017 = arith.constant 0 : index
    %get3A_2018 = vector.load %arg13[%get3A_2015, %get3A_2016, %get3A_2017] : memref<25x256x256xf32, #tpu.memory_space<vmem>>, vector<1x256x128xf32>
    %get3A_2019 = vector.shape_cast %get3A_2018 : vector<1x256x128xf32> to vector<256x128xf32>
    %get3A_2020 = arith.index_cast %get3A_2014 : i32 to index
    %get3A_2021 = arith.constant 0 : index
    %get3A_2022 = arith.constant 128 : index
    %get3A_2023 = vector.load %arg13[%get3A_2020, %get3A_2021, %get3A_2022] : memref<25x256x256xf32, #tpu.memory_space<vmem>>, vector<1x256x128xf32>
    %get3A_2024 = vector.shape_cast %get3A_2023 : vector<1x256x128xf32> to vector<256x128xf32>
    %add3A_2025 = arith.addf %get3A_2019, %get3A_2024 : vector<256x128xf32>
    %max3A_2026 = arith.constant 0.000000e+00 : f32
    %max3A_2027 = vector.broadcast %max3A_2026 : f32 to vector<256x128xf32>
    %max3A_2028 = arith.maximumf %add3A_2025, %max3A_2027 : vector<256x128xf32>
    %dot_general3A_2029 = arith.constant dense<0.000000e+00> : vector<256x64xf32>
    %dot_general3A_2030 = tpu.matmul %max3A_2028, %get3A_989, %dot_general3A_2029 {dimension_numbers = #tpu.dot_dimension_numbers<[1], [0], [0], [1], [0, 0, 1, 1], [], []>, transpose_lhs_hint = false} : vector<256x128xf32>, vector<128x64xf32>, vector<256x64xf32> -> vector<256x64xf32>
    %get3A_2031 = arith.index_cast %get3A_2011 : i32 to index
    %get3A_2032 = arith.constant 0 : index
    %get3A_2033 = arith.constant 0 : index
    %get3A_2034 = vector.load %arg14[%get3A_2031, %get3A_2032, %get3A_2033] : memref<25x256x64xf32, #tpu.memory_space<vmem>>, vector<1x256x64xf32>
    %get3A_2035 = vector.shape_cast %get3A_2034 : vector<1x256x64xf32> to vector<256x64xf32>
    %add3A_2036 = arith.addf %get3A_2035, %dot_general3A_2030 : vector<256x64xf32>
    %swap3A_2037 = arith.index_cast %get3A_2011 : i32 to index
    %swap3A_2038 = arith.constant 0 : index
    %swap3A_2039 = arith.constant 0 : index
    %swap3A_2040 = vector.load %arg14[%swap3A_2037, %swap3A_2038, %swap3A_2039] : memref<25x256x64xf32, #tpu.memory_space<vmem>>, vector<1x256x64xf32>
    %swap3A_2041 = vector.shape_cast %swap3A_2040 : vector<1x256x64xf32> to vector<256x64xf32>
    %swap3A_2042 = vector.shape_cast %add3A_2036 : vector<256x64xf32> to vector<1x256x64xf32>
    tpu.vector_store %arg14[%swap3A_2037, %swap3A_2038, %swap3A_2039], %swap3A_2042 {strides = array<i32>} : memref<25x256x64xf32, #tpu.memory_space<vmem>>, vector<1x256x64xf32>,
    %get3A_2043 = arith.constant 31 : index
    %get3A_2044 = arith.constant 0 : index
    %get3A_2045 = memref.load %arg1[%get3A_2043, %get3A_2044] : memref<48x2xi32, #tpu.memory_space<smem>>
    %get3A_2046 = arith.constant 31 : index
    %get3A_2047 = arith.constant 1 : index
    %get3A_2048 = memref.load %arg1[%get3A_2046, %get3A_2047] : memref<48x2xi32, #tpu.memory_space<smem>>
    %get3A_2049 = arith.index_cast %get3A_2045 : i32 to index
    %get3A_2050 = arith.constant 0 : index
    %get3A_2051 = arith.constant 0 : index
    %get3A_2052 = vector.load %arg13[%get3A_2049, %get3A_2050, %get3A_2051] : memref<25x256x256xf32, #tpu.memory_space<vmem>>, vector<1x256x128xf32>
    %get3A_2053 = vector.shape_cast %get3A_2052 : vector<1x256x128xf32> to vector<256x128xf32>
    %get3A_2054 = arith.index_cast %get3A_2048 : i32 to index
    %get3A_2055 = arith.constant 0 : index
    %get3A_2056 = arith.constant 128 : index
    %get3A_2057 = vector.load %arg13[%get3A_2054, %get3A_2055, %get3A_2056] : memref<25x256x256xf32, #tpu.memory_space<vmem>>, vector<1x256x128xf32>
    %get3A_2058 = vector.shape_cast %get3A_2057 : vector<1x256x128xf32> to vector<256x128xf32>
    %add3A_2059 = arith.addf %get3A_2053, %get3A_2058 : vector<256x128xf32>
    %max3A_2060 = arith.constant 0.000000e+00 : f32
    %max3A_2061 = vector.broadcast %max3A_2060 : f32 to vector<256x128xf32>
    %max3A_2062 = arith.maximumf %add3A_2059, %max3A_2061 : vector<256x128xf32>
    %dot_general3A_2063 = arith.constant dense<0.000000e+00> : vector<256x64xf32>
    %dot_general3A_2064 = tpu.matmul %max3A_2062, %get3A_989, %dot_general3A_2063 {dimension_numbers = #tpu.dot_dimension_numbers<[1], [0], [0], [1], [0, 0, 1, 1], [], []>, transpose_lhs_hint = false} : vector<256x128xf32>, vector<128x64xf32>, vector<256x64xf32> -> vector<256x64xf32>
    %get3A_2065 = arith.index_cast %get3A_2045 : i32 to index
    %get3A_2066 = arith.constant 0 : index
    %get3A_2067 = arith.constant 0 : index
    %get3A_2068 = vector.load %arg14[%get3A_2065, %get3A_2066, %get3A_2067] : memref<25x256x64xf32, #tpu.memory_space<vmem>>, vector<1x256x64xf32>
    %get3A_2069 = vector.shape_cast %get3A_2068 : vector<1x256x64xf32> to vector<256x64xf32>
    %add3A_2070 = arith.addf %get3A_2069, %dot_general3A_2064 : vector<256x64xf32>
    %swap3A_2071 = arith.index_cast %get3A_2045 : i32 to index
    %swap3A_2072 = arith.constant 0 : index
    %swap3A_2073 = arith.constant 0 : index
    %swap3A_2074 = vector.load %arg14[%swap3A_2071, %swap3A_2072, %swap3A_2073] : memref<25x256x64xf32, #tpu.memory_space<vmem>>, vector<1x256x64xf32>
    %swap3A_2075 = vector.shape_cast %swap3A_2074 : vector<1x256x64xf32> to vector<256x64xf32>
    %swap3A_2076 = vector.shape_cast %add3A_2070 : vector<256x64xf32> to vector<1x256x64xf32>
    tpu.vector_store %arg14[%swap3A_2071, %swap3A_2072, %swap3A_2073], %swap3A_2076 {strides = array<i32>} : memref<25x256x64xf32, #tpu.memory_space<vmem>>, vector<1x256x64xf32>,
    %get3A_2077 = arith.constant 32 : index
    %get3A_2078 = arith.constant 0 : index
    %get3A_2079 = memref.load %arg1[%get3A_2077, %get3A_2078] : memref<48x2xi32, #tpu.memory_space<smem>>
    %get3A_2080 = arith.constant 32 : index
    %get3A_2081 = arith.constant 1 : index
    %get3A_2082 = memref.load %arg1[%get3A_2080, %get3A_2081] : memref<48x2xi32, #tpu.memory_space<smem>>
    %get3A_2083 = arith.index_cast %get3A_2079 : i32 to index
    %get3A_2084 = arith.constant 0 : index
    %get3A_2085 = arith.constant 0 : index
    %get3A_2086 = vector.load %arg13[%get3A_2083, %get3A_2084, %get3A_2085] : memref<25x256x256xf32, #tpu.memory_space<vmem>>, vector<1x256x128xf32>
    %get3A_2087 = vector.shape_cast %get3A_2086 : vector<1x256x128xf32> to vector<256x128xf32>
    %get3A_2088 = arith.index_cast %get3A_2082 : i32 to index
    %get3A_2089 = arith.constant 0 : index
    %get3A_2090 = arith.constant 128 : index
    %get3A_2091 = vector.load %arg13[%get3A_2088, %get3A_2089, %get3A_2090] : memref<25x256x256xf32, #tpu.memory_space<vmem>>, vector<1x256x128xf32>
    %get3A_2092 = vector.shape_cast %get3A_2091 : vector<1x256x128xf32> to vector<256x128xf32>
    %add3A_2093 = arith.addf %get3A_2087, %get3A_2092 : vector<256x128xf32>
    %max3A_2094 = arith.constant 0.000000e+00 : f32
    %max3A_2095 = vector.broadcast %max3A_2094 : f32 to vector<256x128xf32>
    %max3A_2096 = arith.maximumf %add3A_2093, %max3A_2095 : vector<256x128xf32>
    %dot_general3A_2097 = arith.constant dense<0.000000e+00> : vector<256x64xf32>
    %dot_general3A_2098 = tpu.matmul %max3A_2096, %get3A_989, %dot_general3A_2097 {dimension_numbers = #tpu.dot_dimension_numbers<[1], [0], [0], [1], [0, 0, 1, 1], [], []>, transpose_lhs_hint = false} : vector<256x128xf32>, vector<128x64xf32>, vector<256x64xf32> -> vector<256x64xf32>
    %get3A_2099 = arith.index_cast %get3A_2079 : i32 to index
    %get3A_2100 = arith.constant 0 : index
    %get3A_2101 = arith.constant 0 : index
    %get3A_2102 = vector.load %arg14[%get3A_2099, %get3A_2100, %get3A_2101] : memref<25x256x64xf32, #tpu.memory_space<vmem>>, vector<1x256x64xf32>
    %get3A_2103 = vector.shape_cast %get3A_2102 : vector<1x256x64xf32> to vector<256x64xf32>
    %add3A_2104 = arith.addf %get3A_2103, %dot_general3A_2098 : vector<256x64xf32>
    %swap3A_2105 = arith.index_cast %get3A_2079 : i32 to index
    %swap3A_2106 = arith.constant 0 : index
    %swap3A_2107 = arith.constant 0 : index
    %swap3A_2108 = vector.load %arg14[%swap3A_2105, %swap3A_2106, %swap3A_2107] : memref<25x256x64xf32, #tpu.memory_space<vmem>>, vector<1x256x64xf32>
    %swap3A_2109 = vector.shape_cast %swap3A_2108 : vector<1x256x64xf32> to vector<256x64xf32>
    %swap3A_2110 = vector.shape_cast %add3A_2104 : vector<256x64xf32> to vector<1x256x64xf32>
    tpu.vector_store %arg14[%swap3A_2105, %swap3A_2106, %swap3A_2107], %swap3A_2110 {strides = array<i32>} : memref<25x256x64xf32, #tpu.memory_space<vmem>>, vector<1x256x64xf32>,
    %get3A_2111 = arith.constant 33 : index
    %get3A_2112 = arith.constant 0 : index
    %get3A_2113 = memref.load %arg1[%get3A_2111, %get3A_2112] : memref<48x2xi32, #tpu.memory_space<smem>>
    %get3A_2114 = arith.constant 33 : index
    %get3A_2115 = arith.constant 1 : index
    %get3A_2116 = memref.load %arg1[%get3A_2114, %get3A_2115] : memref<48x2xi32, #tpu.memory_space<smem>>
    %get3A_2117 = arith.index_cast %get3A_2113 : i32 to index
    %get3A_2118 = arith.constant 0 : index
    %get3A_2119 = arith.constant 0 : index
    %get3A_2120 = vector.load %arg13[%get3A_2117, %get3A_2118, %get3A_2119] : memref<25x256x256xf32, #tpu.memory_space<vmem>>, vector<1x256x128xf32>
    %get3A_2121 = vector.shape_cast %get3A_2120 : vector<1x256x128xf32> to vector<256x128xf32>
    %get3A_2122 = arith.index_cast %get3A_2116 : i32 to index
    %get3A_2123 = arith.constant 0 : index
    %get3A_2124 = arith.constant 128 : index
    %get3A_2125 = vector.load %arg13[%get3A_2122, %get3A_2123, %get3A_2124] : memref<25x256x256xf32, #tpu.memory_space<vmem>>, vector<1x256x128xf32>
    %get3A_2126 = vector.shape_cast %get3A_2125 : vector<1x256x128xf32> to vector<256x128xf32>
    %add3A_2127 = arith.addf %get3A_2121, %get3A_2126 : vector<256x128xf32>
    %max3A_2128 = arith.constant 0.000000e+00 : f32
    %max3A_2129 = vector.broadcast %max3A_2128 : f32 to vector<256x128xf32>
    %max3A_2130 = arith.maximumf %add3A_2127, %max3A_2129 : vector<256x128xf32>
    %dot_general3A_2131 = arith.constant dense<0.000000e+00> : vector<256x64xf32>
    %dot_general3A_2132 = tpu.matmul %max3A_2130, %get3A_989, %dot_general3A_2131 {dimension_numbers = #tpu.dot_dimension_numbers<[1], [0], [0], [1], [0, 0, 1, 1], [], []>, transpose_lhs_hint = false} : vector<256x128xf32>, vector<128x64xf32>, vector<256x64xf32> -> vector<256x64xf32>
    %get3A_2133 = arith.index_cast %get3A_2113 : i32 to index
    %get3A_2134 = arith.constant 0 : index
    %get3A_2135 = arith.constant 0 : index
    %get3A_2136 = vector.load %arg14[%get3A_2133, %get3A_2134, %get3A_2135] : memref<25x256x64xf32, #tpu.memory_space<vmem>>, vector<1x256x64xf32>
    %get3A_2137 = vector.shape_cast %get3A_2136 : vector<1x256x64xf32> to vector<256x64xf32>
    %add3A_2138 = arith.addf %get3A_2137, %dot_general3A_2132 : vector<256x64xf32>
    %swap3A_2139 = arith.index_cast %get3A_2113 : i32 to index
    %swap3A_2140 = arith.constant 0 : index
    %swap3A_2141 = arith.constant 0 : index
    %swap3A_2142 = vector.load %arg14[%swap3A_2139, %swap3A_2140, %swap3A_2141] : memref<25x256x64xf32, #tpu.memory_space<vmem>>, vector<1x256x64xf32>
    %swap3A_2143 = vector.shape_cast %swap3A_2142 : vector<1x256x64xf32> to vector<256x64xf32>
    %swap3A_2144 = vector.shape_cast %add3A_2138 : vector<256x64xf32> to vector<1x256x64xf32>
    tpu.vector_store %arg14[%swap3A_2139, %swap3A_2140, %swap3A_2141], %swap3A_2144 {strides = array<i32>} : memref<25x256x64xf32, #tpu.memory_space<vmem>>, vector<1x256x64xf32>,
    %get3A_2145 = arith.constant 34 : index
    %get3A_2146 = arith.constant 0 : index
    %get3A_2147 = memref.load %arg1[%get3A_2145, %get3A_2146] : memref<48x2xi32, #tpu.memory_space<smem>>
    %get3A_2148 = arith.constant 34 : index
    %get3A_2149 = arith.constant 1 : index
    %get3A_2150 = memref.load %arg1[%get3A_2148, %get3A_2149] : memref<48x2xi32, #tpu.memory_space<smem>>
    %get3A_2151 = arith.index_cast %get3A_2147 : i32 to index
    %get3A_2152 = arith.constant 0 : index
    %get3A_2153 = arith.constant 0 : index
    %get3A_2154 = vector.load %arg13[%get3A_2151, %get3A_2152, %get3A_2153] : memref<25x256x256xf32, #tpu.memory_space<vmem>>, vector<1x256x128xf32>
    %get3A_2155 = vector.shape_cast %get3A_2154 : vector<1x256x128xf32> to vector<256x128xf32>
    %get3A_2156 = arith.index_cast %get3A_2150 : i32 to index
    %get3A_2157 = arith.constant 0 : index
    %get3A_2158 = arith.constant 128 : index
    %get3A_2159 = vector.load %arg13[%get3A_2156, %get3A_2157, %get3A_2158] : memref<25x256x256xf32, #tpu.memory_space<vmem>>, vector<1x256x128xf32>
    %get3A_2160 = vector.shape_cast %get3A_2159 : vector<1x256x128xf32> to vector<256x128xf32>
    %add3A_2161 = arith.addf %get3A_2155, %get3A_2160 : vector<256x128xf32>
    %max3A_2162 = arith.constant 0.000000e+00 : f32
    %max3A_2163 = vector.broadcast %max3A_2162 : f32 to vector<256x128xf32>
    %max3A_2164 = arith.maximumf %add3A_2161, %max3A_2163 : vector<256x128xf32>
    %dot_general3A_2165 = arith.constant dense<0.000000e+00> : vector<256x64xf32>
    %dot_general3A_2166 = tpu.matmul %max3A_2164, %get3A_989, %dot_general3A_2165 {dimension_numbers = #tpu.dot_dimension_numbers<[1], [0], [0], [1], [0, 0, 1, 1], [], []>, transpose_lhs_hint = false} : vector<256x128xf32>, vector<128x64xf32>, vector<256x64xf32> -> vector<256x64xf32>
    %get3A_2167 = arith.index_cast %get3A_2147 : i32 to index
    %get3A_2168 = arith.constant 0 : index
    %get3A_2169 = arith.constant 0 : index
    %get3A_2170 = vector.load %arg14[%get3A_2167, %get3A_2168, %get3A_2169] : memref<25x256x64xf32, #tpu.memory_space<vmem>>, vector<1x256x64xf32>
    %get3A_2171 = vector.shape_cast %get3A_2170 : vector<1x256x64xf32> to vector<256x64xf32>
    %add3A_2172 = arith.addf %get3A_2171, %dot_general3A_2166 : vector<256x64xf32>
    %swap3A_2173 = arith.index_cast %get3A_2147 : i32 to index
    %swap3A_2174 = arith.constant 0 : index
    %swap3A_2175 = arith.constant 0 : index
    %swap3A_2176 = vector.load %arg14[%swap3A_2173, %swap3A_2174, %swap3A_2175] : memref<25x256x64xf32, #tpu.memory_space<vmem>>, vector<1x256x64xf32>
    %swap3A_2177 = vector.shape_cast %swap3A_2176 : vector<1x256x64xf32> to vector<256x64xf32>
    %swap3A_2178 = vector.shape_cast %add3A_2172 : vector<256x64xf32> to vector<1x256x64xf32>
    tpu.vector_store %arg14[%swap3A_2173, %swap3A_2174, %swap3A_2175], %swap3A_2178 {strides = array<i32>} : memref<25x256x64xf32, #tpu.memory_space<vmem>>, vector<1x256x64xf32>,
    %get3A_2179 = arith.constant 35 : index
    %get3A_2180 = arith.constant 0 : index
    %get3A_2181 = memref.load %arg1[%get3A_2179, %get3A_2180] : memref<48x2xi32, #tpu.memory_space<smem>>
    %get3A_2182 = arith.constant 35 : index
    %get3A_2183 = arith.constant 1 : index
    %get3A_2184 = memref.load %arg1[%get3A_2182, %get3A_2183] : memref<48x2xi32, #tpu.memory_space<smem>>
    %get3A_2185 = arith.index_cast %get3A_2181 : i32 to index
    %get3A_2186 = arith.constant 0 : index
    %get3A_2187 = arith.constant 0 : index
    %get3A_2188 = vector.load %arg13[%get3A_2185, %get3A_2186, %get3A_2187] : memref<25x256x256xf32, #tpu.memory_space<vmem>>, vector<1x256x128xf32>
    %get3A_2189 = vector.shape_cast %get3A_2188 : vector<1x256x128xf32> to vector<256x128xf32>
    %get3A_2190 = arith.index_cast %get3A_2184 : i32 to index
    %get3A_2191 = arith.constant 0 : index
    %get3A_2192 = arith.constant 128 : index
    %get3A_2193 = vector.load %arg13[%get3A_2190, %get3A_2191, %get3A_2192] : memref<25x256x256xf32, #tpu.memory_space<vmem>>, vector<1x256x128xf32>
    %get3A_2194 = vector.shape_cast %get3A_2193 : vector<1x256x128xf32> to vector<256x128xf32>
    %add3A_2195 = arith.addf %get3A_2189, %get3A_2194 : vector<256x128xf32>
    %max3A_2196 = arith.constant 0.000000e+00 : f32
    %max3A_2197 = vector.broadcast %max3A_2196 : f32 to vector<256x128xf32>
    %max3A_2198 = arith.maximumf %add3A_2195, %max3A_2197 : vector<256x128xf32>
    %dot_general3A_2199 = arith.constant dense<0.000000e+00> : vector<256x64xf32>
    %dot_general3A_2200 = tpu.matmul %max3A_2198, %get3A_989, %dot_general3A_2199 {dimension_numbers = #tpu.dot_dimension_numbers<[1], [0], [0], [1], [0, 0, 1, 1], [], []>, transpose_lhs_hint = false} : vector<256x128xf32>, vector<128x64xf32>, vector<256x64xf32> -> vector<256x64xf32>
    %get3A_2201 = arith.index_cast %get3A_2181 : i32 to index
    %get3A_2202 = arith.constant 0 : index
    %get3A_2203 = arith.constant 0 : index
    %get3A_2204 = vector.load %arg14[%get3A_2201, %get3A_2202, %get3A_2203] : memref<25x256x64xf32, #tpu.memory_space<vmem>>, vector<1x256x64xf32>
    %get3A_2205 = vector.shape_cast %get3A_2204 : vector<1x256x64xf32> to vector<256x64xf32>
    %add3A_2206 = arith.addf %get3A_2205, %dot_general3A_2200 : vector<256x64xf32>
    %swap3A_2207 = arith.index_cast %get3A_2181 : i32 to index
    %swap3A_2208 = arith.constant 0 : index
    %swap3A_2209 = arith.constant 0 : index
    %swap3A_2210 = vector.load %arg14[%swap3A_2207, %swap3A_2208, %swap3A_2209] : memref<25x256x64xf32, #tpu.memory_space<vmem>>, vector<1x256x64xf32>
    %swap3A_2211 = vector.shape_cast %swap3A_2210 : vector<1x256x64xf32> to vector<256x64xf32>
    %swap3A_2212 = vector.shape_cast %add3A_2206 : vector<256x64xf32> to vector<1x256x64xf32>
    tpu.vector_store %arg14[%swap3A_2207, %swap3A_2208, %swap3A_2209], %swap3A_2212 {strides = array<i32>} : memref<25x256x64xf32, #tpu.memory_space<vmem>>, vector<1x256x64xf32>,
    %get3A_2213 = arith.constant 36 : index
    %get3A_2214 = arith.constant 0 : index
    %get3A_2215 = memref.load %arg1[%get3A_2213, %get3A_2214] : memref<48x2xi32, #tpu.memory_space<smem>>
    %get3A_2216 = arith.constant 36 : index
    %get3A_2217 = arith.constant 1 : index
    %get3A_2218 = memref.load %arg1[%get3A_2216, %get3A_2217] : memref<48x2xi32, #tpu.memory_space<smem>>
    %get3A_2219 = arith.index_cast %get3A_2215 : i32 to index
    %get3A_2220 = arith.constant 0 : index
    %get3A_2221 = arith.constant 0 : index
    %get3A_2222 = vector.load %arg13[%get3A_2219, %get3A_2220, %get3A_2221] : memref<25x256x256xf32, #tpu.memory_space<vmem>>, vector<1x256x128xf32>
    %get3A_2223 = vector.shape_cast %get3A_2222 : vector<1x256x128xf32> to vector<256x128xf32>
    %get3A_2224 = arith.index_cast %get3A_2218 : i32 to index
    %get3A_2225 = arith.constant 0 : index
    %get3A_2226 = arith.constant 128 : index
    %get3A_2227 = vector.load %arg13[%get3A_2224, %get3A_2225, %get3A_2226] : memref<25x256x256xf32, #tpu.memory_space<vmem>>, vector<1x256x128xf32>
    %get3A_2228 = vector.shape_cast %get3A_2227 : vector<1x256x128xf32> to vector<256x128xf32>
    %add3A_2229 = arith.addf %get3A_2223, %get3A_2228 : vector<256x128xf32>
    %max3A_2230 = arith.constant 0.000000e+00 : f32
    %max3A_2231 = vector.broadcast %max3A_2230 : f32 to vector<256x128xf32>
    %max3A_2232 = arith.maximumf %add3A_2229, %max3A_2231 : vector<256x128xf32>
    %dot_general3A_2233 = arith.constant dense<0.000000e+00> : vector<256x64xf32>
    %dot_general3A_2234 = tpu.matmul %max3A_2232, %get3A_989, %dot_general3A_2233 {dimension_numbers = #tpu.dot_dimension_numbers<[1], [0], [0], [1], [0, 0, 1, 1], [], []>, transpose_lhs_hint = false} : vector<256x128xf32>, vector<128x64xf32>, vector<256x64xf32> -> vector<256x64xf32>
    %get3A_2235 = arith.index_cast %get3A_2215 : i32 to index
    %get3A_2236 = arith.constant 0 : index
    %get3A_2237 = arith.constant 0 : index
    %get3A_2238 = vector.load %arg14[%get3A_2235, %get3A_2236, %get3A_2237] : memref<25x256x64xf32, #tpu.memory_space<vmem>>, vector<1x256x64xf32>
    %get3A_2239 = vector.shape_cast %get3A_2238 : vector<1x256x64xf32> to vector<256x64xf32>
    %add3A_2240 = arith.addf %get3A_2239, %dot_general3A_2234 : vector<256x64xf32>
    %swap3A_2241 = arith.index_cast %get3A_2215 : i32 to index
    %swap3A_2242 = arith.constant 0 : index
    %swap3A_2243 = arith.constant 0 : index
    %swap3A_2244 = vector.load %arg14[%swap3A_2241, %swap3A_2242, %swap3A_2243] : memref<25x256x64xf32, #tpu.memory_space<vmem>>, vector<1x256x64xf32>
    %swap3A_2245 = vector.shape_cast %swap3A_2244 : vector<1x256x64xf32> to vector<256x64xf32>
    %swap3A_2246 = vector.shape_cast %add3A_2240 : vector<256x64xf32> to vector<1x256x64xf32>
    tpu.vector_store %arg14[%swap3A_2241, %swap3A_2242, %swap3A_2243], %swap3A_2246 {strides = array<i32>} : memref<25x256x64xf32, #tpu.memory_space<vmem>>, vector<1x256x64xf32>,
    %get3A_2247 = arith.constant 37 : index
    %get3A_2248 = arith.constant 0 : index
    %get3A_2249 = memref.load %arg1[%get3A_2247, %get3A_2248] : memref<48x2xi32, #tpu.memory_space<smem>>
    %get3A_2250 = arith.constant 37 : index
    %get3A_2251 = arith.constant 1 : index
    %get3A_2252 = memref.load %arg1[%get3A_2250, %get3A_2251] : memref<48x2xi32, #tpu.memory_space<smem>>
    %get3A_2253 = arith.index_cast %get3A_2249 : i32 to index
    %get3A_2254 = arith.constant 0 : index
    %get3A_2255 = arith.constant 0 : index
    %get3A_2256 = vector.load %arg13[%get3A_2253, %get3A_2254, %get3A_2255] : memref<25x256x256xf32, #tpu.memory_space<vmem>>, vector<1x256x128xf32>
    %get3A_2257 = vector.shape_cast %get3A_2256 : vector<1x256x128xf32> to vector<256x128xf32>
    %get3A_2258 = arith.index_cast %get3A_2252 : i32 to index
    %get3A_2259 = arith.constant 0 : index
    %get3A_2260 = arith.constant 128 : index
    %get3A_2261 = vector.load %arg13[%get3A_2258, %get3A_2259, %get3A_2260] : memref<25x256x256xf32, #tpu.memory_space<vmem>>, vector<1x256x128xf32>
    %get3A_2262 = vector.shape_cast %get3A_2261 : vector<1x256x128xf32> to vector<256x128xf32>
    %add3A_2263 = arith.addf %get3A_2257, %get3A_2262 : vector<256x128xf32>
    %max3A_2264 = arith.constant 0.000000e+00 : f32
    %max3A_2265 = vector.broadcast %max3A_2264 : f32 to vector<256x128xf32>
    %max3A_2266 = arith.maximumf %add3A_2263, %max3A_2265 : vector<256x128xf32>
    %dot_general3A_2267 = arith.constant dense<0.000000e+00> : vector<256x64xf32>
    %dot_general3A_2268 = tpu.matmul %max3A_2266, %get3A_989, %dot_general3A_2267 {dimension_numbers = #tpu.dot_dimension_numbers<[1], [0], [0], [1], [0, 0, 1, 1], [], []>, transpose_lhs_hint = false} : vector<256x128xf32>, vector<128x64xf32>, vector<256x64xf32> -> vector<256x64xf32>
    %get3A_2269 = arith.index_cast %get3A_2249 : i32 to index
    %get3A_2270 = arith.constant 0 : index
    %get3A_2271 = arith.constant 0 : index
    %get3A_2272 = vector.load %arg14[%get3A_2269, %get3A_2270, %get3A_2271] : memref<25x256x64xf32, #tpu.memory_space<vmem>>, vector<1x256x64xf32>
    %get3A_2273 = vector.shape_cast %get3A_2272 : vector<1x256x64xf32> to vector<256x64xf32>
    %add3A_2274 = arith.addf %get3A_2273, %dot_general3A_2268 : vector<256x64xf32>
    %swap3A_2275 = arith.index_cast %get3A_2249 : i32 to index
    %swap3A_2276 = arith.constant 0 : index
    %swap3A_2277 = arith.constant 0 : index
    %swap3A_2278 = vector.load %arg14[%swap3A_2275, %swap3A_2276, %swap3A_2277] : memref<25x256x64xf32, #tpu.memory_space<vmem>>, vector<1x256x64xf32>
    %swap3A_2279 = vector.shape_cast %swap3A_2278 : vector<1x256x64xf32> to vector<256x64xf32>
    %swap3A_2280 = vector.shape_cast %add3A_2274 : vector<256x64xf32> to vector<1x256x64xf32>
    tpu.vector_store %arg14[%swap3A_2275, %swap3A_2276, %swap3A_2277], %swap3A_2280 {strides = array<i32>} : memref<25x256x64xf32, #tpu.memory_space<vmem>>, vector<1x256x64xf32>,
    %get3A_2281 = arith.constant 38 : index
    %get3A_2282 = arith.constant 0 : index
    %get3A_2283 = memref.load %arg1[%get3A_2281, %get3A_2282] : memref<48x2xi32, #tpu.memory_space<smem>>
    %get3A_2284 = arith.constant 38 : index
    %get3A_2285 = arith.constant 1 : index
    %get3A_2286 = memref.load %arg1[%get3A_2284, %get3A_2285] : memref<48x2xi32, #tpu.memory_space<smem>>
    %get3A_2287 = arith.index_cast %get3A_2283 : i32 to index
    %get3A_2288 = arith.constant 0 : index
    %get3A_2289 = arith.constant 0 : index
    %get3A_2290 = vector.load %arg13[%get3A_2287, %get3A_2288, %get3A_2289] : memref<25x256x256xf32, #tpu.memory_space<vmem>>, vector<1x256x128xf32>
    %get3A_2291 = vector.shape_cast %get3A_2290 : vector<1x256x128xf32> to vector<256x128xf32>
    %get3A_2292 = arith.index_cast %get3A_2286 : i32 to index
    %get3A_2293 = arith.constant 0 : index
    %get3A_2294 = arith.constant 128 : index
    %get3A_2295 = vector.load %arg13[%get3A_2292, %get3A_2293, %get3A_2294] : memref<25x256x256xf32, #tpu.memory_space<vmem>>, vector<1x256x128xf32>
    %get3A_2296 = vector.shape_cast %get3A_2295 : vector<1x256x128xf32> to vector<256x128xf32>
    %add3A_2297 = arith.addf %get3A_2291, %get3A_2296 : vector<256x128xf32>
    %max3A_2298 = arith.constant 0.000000e+00 : f32
    %max3A_2299 = vector.broadcast %max3A_2298 : f32 to vector<256x128xf32>
    %max3A_2300 = arith.maximumf %add3A_2297, %max3A_2299 : vector<256x128xf32>
    %dot_general3A_2301 = arith.constant dense<0.000000e+00> : vector<256x64xf32>
    %dot_general3A_2302 = tpu.matmul %max3A_2300, %get3A_989, %dot_general3A_2301 {dimension_numbers = #tpu.dot_dimension_numbers<[1], [0], [0], [1], [0, 0, 1, 1], [], []>, transpose_lhs_hint = false} : vector<256x128xf32>, vector<128x64xf32>, vector<256x64xf32> -> vector<256x64xf32>
    %get3A_2303 = arith.index_cast %get3A_2283 : i32 to index
    %get3A_2304 = arith.constant 0 : index
    %get3A_2305 = arith.constant 0 : index
    %get3A_2306 = vector.load %arg14[%get3A_2303, %get3A_2304, %get3A_2305] : memref<25x256x64xf32, #tpu.memory_space<vmem>>, vector<1x256x64xf32>
    %get3A_2307 = vector.shape_cast %get3A_2306 : vector<1x256x64xf32> to vector<256x64xf32>
    %add3A_2308 = arith.addf %get3A_2307, %dot_general3A_2302 : vector<256x64xf32>
    %swap3A_2309 = arith.index_cast %get3A_2283 : i32 to index
    %swap3A_2310 = arith.constant 0 : index
    %swap3A_2311 = arith.constant 0 : index
    %swap3A_2312 = vector.load %arg14[%swap3A_2309, %swap3A_2310, %swap3A_2311] : memref<25x256x64xf32, #tpu.memory_space<vmem>>, vector<1x256x64xf32>
    %swap3A_2313 = vector.shape_cast %swap3A_2312 : vector<1x256x64xf32> to vector<256x64xf32>
    %swap3A_2314 = vector.shape_cast %add3A_2308 : vector<256x64xf32> to vector<1x256x64xf32>
    tpu.vector_store %arg14[%swap3A_2309, %swap3A_2310, %swap3A_2311], %swap3A_2314 {strides = array<i32>} : memref<25x256x64xf32, #tpu.memory_space<vmem>>, vector<1x256x64xf32>,
    %get3A_2315 = arith.constant 39 : index
    %get3A_2316 = arith.constant 0 : index
    %get3A_2317 = memref.load %arg1[%get3A_2315, %get3A_2316] : memref<48x2xi32, #tpu.memory_space<smem>>
    %get3A_2318 = arith.constant 39 : index
    %get3A_2319 = arith.constant 1 : index
    %get3A_2320 = memref.load %arg1[%get3A_2318, %get3A_2319] : memref<48x2xi32, #tpu.memory_space<smem>>
    %get3A_2321 = arith.index_cast %get3A_2317 : i32 to index
    %get3A_2322 = arith.constant 0 : index
    %get3A_2323 = arith.constant 0 : index
    %get3A_2324 = vector.load %arg13[%get3A_2321, %get3A_2322, %get3A_2323] : memref<25x256x256xf32, #tpu.memory_space<vmem>>, vector<1x256x128xf32>
    %get3A_2325 = vector.shape_cast %get3A_2324 : vector<1x256x128xf32> to vector<256x128xf32>
    %get3A_2326 = arith.index_cast %get3A_2320 : i32 to index
    %get3A_2327 = arith.constant 0 : index
    %get3A_2328 = arith.constant 128 : index
    %get3A_2329 = vector.load %arg13[%get3A_2326, %get3A_2327, %get3A_2328] : memref<25x256x256xf32, #tpu.memory_space<vmem>>, vector<1x256x128xf32>
    %get3A_2330 = vector.shape_cast %get3A_2329 : vector<1x256x128xf32> to vector<256x128xf32>
    %add3A_2331 = arith.addf %get3A_2325, %get3A_2330 : vector<256x128xf32>
    %max3A_2332 = arith.constant 0.000000e+00 : f32
    %max3A_2333 = vector.broadcast %max3A_2332 : f32 to vector<256x128xf32>
    %max3A_2334 = arith.maximumf %add3A_2331, %max3A_2333 : vector<256x128xf32>
    %dot_general3A_2335 = arith.constant dense<0.000000e+00> : vector<256x64xf32>
    %dot_general3A_2336 = tpu.matmul %max3A_2334, %get3A_989, %dot_general3A_2335 {dimension_numbers = #tpu.dot_dimension_numbers<[1], [0], [0], [1], [0, 0, 1, 1], [], []>, transpose_lhs_hint = false} : vector<256x128xf32>, vector<128x64xf32>, vector<256x64xf32> -> vector<256x64xf32>
    %get3A_2337 = arith.index_cast %get3A_2317 : i32 to index
    %get3A_2338 = arith.constant 0 : index
    %get3A_2339 = arith.constant 0 : index
    %get3A_2340 = vector.load %arg14[%get3A_2337, %get3A_2338, %get3A_2339] : memref<25x256x64xf32, #tpu.memory_space<vmem>>, vector<1x256x64xf32>
    %get3A_2341 = vector.shape_cast %get3A_2340 : vector<1x256x64xf32> to vector<256x64xf32>
    %add3A_2342 = arith.addf %get3A_2341, %dot_general3A_2336 : vector<256x64xf32>
    %swap3A_2343 = arith.index_cast %get3A_2317 : i32 to index
    %swap3A_2344 = arith.constant 0 : index
    %swap3A_2345 = arith.constant 0 : index
    %swap3A_2346 = vector.load %arg14[%swap3A_2343, %swap3A_2344, %swap3A_2345] : memref<25x256x64xf32, #tpu.memory_space<vmem>>, vector<1x256x64xf32>
    %swap3A_2347 = vector.shape_cast %swap3A_2346 : vector<1x256x64xf32> to vector<256x64xf32>
    %swap3A_2348 = vector.shape_cast %add3A_2342 : vector<256x64xf32> to vector<1x256x64xf32>
    tpu.vector_store %arg14[%swap3A_2343, %swap3A_2344, %swap3A_2345], %swap3A_2348 {strides = array<i32>} : memref<25x256x64xf32, #tpu.memory_space<vmem>>, vector<1x256x64xf32>,
    %get3A_2349 = arith.constant 40 : index
    %get3A_2350 = arith.constant 0 : index
    %get3A_2351 = memref.load %arg1[%get3A_2349, %get3A_2350] : memref<48x2xi32, #tpu.memory_space<smem>>
    %get3A_2352 = arith.constant 40 : index
    %get3A_2353 = arith.constant 1 : index
    %get3A_2354 = memref.load %arg1[%get3A_2352, %get3A_2353] : memref<48x2xi32, #tpu.memory_space<smem>>
    %get3A_2355 = arith.index_cast %get3A_2351 : i32 to index
    %get3A_2356 = arith.constant 0 : index
    %get3A_2357 = arith.constant 0 : index
    %get3A_2358 = vector.load %arg13[%get3A_2355, %get3A_2356, %get3A_2357] : memref<25x256x256xf32, #tpu.memory_space<vmem>>, vector<1x256x128xf32>
    %get3A_2359 = vector.shape_cast %get3A_2358 : vector<1x256x128xf32> to vector<256x128xf32>
    %get3A_2360 = arith.index_cast %get3A_2354 : i32 to index
    %get3A_2361 = arith.constant 0 : index
    %get3A_2362 = arith.constant 128 : index
    %get3A_2363 = vector.load %arg13[%get3A_2360, %get3A_2361, %get3A_2362] : memref<25x256x256xf32, #tpu.memory_space<vmem>>, vector<1x256x128xf32>
    %get3A_2364 = vector.shape_cast %get3A_2363 : vector<1x256x128xf32> to vector<256x128xf32>
    %add3A_2365 = arith.addf %get3A_2359, %get3A_2364 : vector<256x128xf32>
    %max3A_2366 = arith.constant 0.000000e+00 : f32
    %max3A_2367 = vector.broadcast %max3A_2366 : f32 to vector<256x128xf32>
    %max3A_2368 = arith.maximumf %add3A_2365, %max3A_2367 : vector<256x128xf32>
    %dot_general3A_2369 = arith.constant dense<0.000000e+00> : vector<256x64xf32>
    %dot_general3A_2370 = tpu.matmul %max3A_2368, %get3A_989, %dot_general3A_2369 {dimension_numbers = #tpu.dot_dimension_numbers<[1], [0], [0], [1], [0, 0, 1, 1], [], []>, transpose_lhs_hint = false} : vector<256x128xf32>, vector<128x64xf32>, vector<256x64xf32> -> vector<256x64xf32>
    %get3A_2371 = arith.index_cast %get3A_2351 : i32 to index
    %get3A_2372 = arith.constant 0 : index
    %get3A_2373 = arith.constant 0 : index
    %get3A_2374 = vector.load %arg14[%get3A_2371, %get3A_2372, %get3A_2373] : memref<25x256x64xf32, #tpu.memory_space<vmem>>, vector<1x256x64xf32>
    %get3A_2375 = vector.shape_cast %get3A_2374 : vector<1x256x64xf32> to vector<256x64xf32>
    %add3A_2376 = arith.addf %get3A_2375, %dot_general3A_2370 : vector<256x64xf32>
    %swap3A_2377 = arith.index_cast %get3A_2351 : i32 to index
    %swap3A_2378 = arith.constant 0 : index
    %swap3A_2379 = arith.constant 0 : index
    %swap3A_2380 = vector.load %arg14[%swap3A_2377, %swap3A_2378, %swap3A_2379] : memref<25x256x64xf32, #tpu.memory_space<vmem>>, vector<1x256x64xf32>
    %swap3A_2381 = vector.shape_cast %swap3A_2380 : vector<1x256x64xf32> to vector<256x64xf32>
    %swap3A_2382 = vector.shape_cast %add3A_2376 : vector<256x64xf32> to vector<1x256x64xf32>
    tpu.vector_store %arg14[%swap3A_2377, %swap3A_2378, %swap3A_2379], %swap3A_2382 {strides = array<i32>} : memref<25x256x64xf32, #tpu.memory_space<vmem>>, vector<1x256x64xf32>,
    %get3A_2383 = arith.constant 41 : index
    %get3A_2384 = arith.constant 0 : index
    %get3A_2385 = memref.load %arg1[%get3A_2383, %get3A_2384] : memref<48x2xi32, #tpu.memory_space<smem>>
    %get3A_2386 = arith.constant 41 : index
    %get3A_2387 = arith.constant 1 : index
    %get3A_2388 = memref.load %arg1[%get3A_2386, %get3A_2387] : memref<48x2xi32, #tpu.memory_space<smem>>
    %get3A_2389 = arith.index_cast %get3A_2385 : i32 to index
    %get3A_2390 = arith.constant 0 : index
    %get3A_2391 = arith.constant 0 : index
    %get3A_2392 = vector.load %arg13[%get3A_2389, %get3A_2390, %get3A_2391] : memref<25x256x256xf32, #tpu.memory_space<vmem>>, vector<1x256x128xf32>
    %get3A_2393 = vector.shape_cast %get3A_2392 : vector<1x256x128xf32> to vector<256x128xf32>
    %get3A_2394 = arith.index_cast %get3A_2388 : i32 to index
    %get3A_2395 = arith.constant 0 : index
    %get3A_2396 = arith.constant 128 : index
    %get3A_2397 = vector.load %arg13[%get3A_2394, %get3A_2395, %get3A_2396] : memref<25x256x256xf32, #tpu.memory_space<vmem>>, vector<1x256x128xf32>
    %get3A_2398 = vector.shape_cast %get3A_2397 : vector<1x256x128xf32> to vector<256x128xf32>
    %add3A_2399 = arith.addf %get3A_2393, %get3A_2398 : vector<256x128xf32>
    %max3A_2400 = arith.constant 0.000000e+00 : f32
    %max3A_2401 = vector.broadcast %max3A_2400 : f32 to vector<256x128xf32>
    %max3A_2402 = arith.maximumf %add3A_2399, %max3A_2401 : vector<256x128xf32>
    %dot_general3A_2403 = arith.constant dense<0.000000e+00> : vector<256x64xf32>
    %dot_general3A_2404 = tpu.matmul %max3A_2402, %get3A_989, %dot_general3A_2403 {dimension_numbers = #tpu.dot_dimension_numbers<[1], [0], [0], [1], [0, 0, 1, 1], [], []>, transpose_lhs_hint = false} : vector<256x128xf32>, vector<128x64xf32>, vector<256x64xf32> -> vector<256x64xf32>
    %get3A_2405 = arith.index_cast %get3A_2385 : i32 to index
    %get3A_2406 = arith.constant 0 : index
    %get3A_2407 = arith.constant 0 : index
    %get3A_2408 = vector.load %arg14[%get3A_2405, %get3A_2406, %get3A_2407] : memref<25x256x64xf32, #tpu.memory_space<vmem>>, vector<1x256x64xf32>
    %get3A_2409 = vector.shape_cast %get3A_2408 : vector<1x256x64xf32> to vector<256x64xf32>
    %add3A_2410 = arith.addf %get3A_2409, %dot_general3A_2404 : vector<256x64xf32>
    %swap3A_2411 = arith.index_cast %get3A_2385 : i32 to index
    %swap3A_2412 = arith.constant 0 : index
    %swap3A_2413 = arith.constant 0 : index
    %swap3A_2414 = vector.load %arg14[%swap3A_2411, %swap3A_2412, %swap3A_2413] : memref<25x256x64xf32, #tpu.memory_space<vmem>>, vector<1x256x64xf32>
    %swap3A_2415 = vector.shape_cast %swap3A_2414 : vector<1x256x64xf32> to vector<256x64xf32>
    %swap3A_2416 = vector.shape_cast %add3A_2410 : vector<256x64xf32> to vector<1x256x64xf32>
    tpu.vector_store %arg14[%swap3A_2411, %swap3A_2412, %swap3A_2413], %swap3A_2416 {strides = array<i32>} : memref<25x256x64xf32, #tpu.memory_space<vmem>>, vector<1x256x64xf32>,
    %get3A_2417 = arith.constant 42 : index
    %get3A_2418 = arith.constant 0 : index
    %get3A_2419 = memref.load %arg1[%get3A_2417, %get3A_2418] : memref<48x2xi32, #tpu.memory_space<smem>>
    %get3A_2420 = arith.constant 42 : index
    %get3A_2421 = arith.constant 1 : index
    %get3A_2422 = memref.load %arg1[%get3A_2420, %get3A_2421] : memref<48x2xi32, #tpu.memory_space<smem>>
    %get3A_2423 = arith.index_cast %get3A_2419 : i32 to index
    %get3A_2424 = arith.constant 0 : index
    %get3A_2425 = arith.constant 0 : index
    %get3A_2426 = vector.load %arg13[%get3A_2423, %get3A_2424, %get3A_2425] : memref<25x256x256xf32, #tpu.memory_space<vmem>>, vector<1x256x128xf32>
    %get3A_2427 = vector.shape_cast %get3A_2426 : vector<1x256x128xf32> to vector<256x128xf32>
    %get3A_2428 = arith.index_cast %get3A_2422 : i32 to index
    %get3A_2429 = arith.constant 0 : index
    %get3A_2430 = arith.constant 128 : index
    %get3A_2431 = vector.load %arg13[%get3A_2428, %get3A_2429, %get3A_2430] : memref<25x256x256xf32, #tpu.memory_space<vmem>>, vector<1x256x128xf32>
    %get3A_2432 = vector.shape_cast %get3A_2431 : vector<1x256x128xf32> to vector<256x128xf32>
    %add3A_2433 = arith.addf %get3A_2427, %get3A_2432 : vector<256x128xf32>
    %max3A_2434 = arith.constant 0.000000e+00 : f32
    %max3A_2435 = vector.broadcast %max3A_2434 : f32 to vector<256x128xf32>
    %max3A_2436 = arith.maximumf %add3A_2433, %max3A_2435 : vector<256x128xf32>
    %dot_general3A_2437 = arith.constant dense<0.000000e+00> : vector<256x64xf32>
    %dot_general3A_2438 = tpu.matmul %max3A_2436, %get3A_989, %dot_general3A_2437 {dimension_numbers = #tpu.dot_dimension_numbers<[1], [0], [0], [1], [0, 0, 1, 1], [], []>, transpose_lhs_hint = false} : vector<256x128xf32>, vector<128x64xf32>, vector<256x64xf32> -> vector<256x64xf32>
    %get3A_2439 = arith.index_cast %get3A_2419 : i32 to index
    %get3A_2440 = arith.constant 0 : index
    %get3A_2441 = arith.constant 0 : index
    %get3A_2442 = vector.load %arg14[%get3A_2439, %get3A_2440, %get3A_2441] : memref<25x256x64xf32, #tpu.memory_space<vmem>>, vector<1x256x64xf32>
    %get3A_2443 = vector.shape_cast %get3A_2442 : vector<1x256x64xf32> to vector<256x64xf32>
    %add3A_2444 = arith.addf %get3A_2443, %dot_general3A_2438 : vector<256x64xf32>
    %swap3A_2445 = arith.index_cast %get3A_2419 : i32 to index
    %swap3A_2446 = arith.constant 0 : index
    %swap3A_2447 = arith.constant 0 : index
    %swap3A_2448 = vector.load %arg14[%swap3A_2445, %swap3A_2446, %swap3A_2447] : memref<25x256x64xf32, #tpu.memory_space<vmem>>, vector<1x256x64xf32>
    %swap3A_2449 = vector.shape_cast %swap3A_2448 : vector<1x256x64xf32> to vector<256x64xf32>
    %swap3A_2450 = vector.shape_cast %add3A_2444 : vector<256x64xf32> to vector<1x256x64xf32>
    tpu.vector_store %arg14[%swap3A_2445, %swap3A_2446, %swap3A_2447], %swap3A_2450 {strides = array<i32>} : memref<25x256x64xf32, #tpu.memory_space<vmem>>, vector<1x256x64xf32>,
    %get3A_2451 = arith.constant 43 : index
    %get3A_2452 = arith.constant 0 : index
    %get3A_2453 = memref.load %arg1[%get3A_2451, %get3A_2452] : memref<48x2xi32, #tpu.memory_space<smem>>
    %get3A_2454 = arith.constant 43 : index
    %get3A_2455 = arith.constant 1 : index
    %get3A_2456 = memref.load %arg1[%get3A_2454, %get3A_2455] : memref<48x2xi32, #tpu.memory_space<smem>>
    %get3A_2457 = arith.index_cast %get3A_2453 : i32 to index
    %get3A_2458 = arith.constant 0 : index
    %get3A_2459 = arith.constant 0 : index
    %get3A_2460 = vector.load %arg13[%get3A_2457, %get3A_2458, %get3A_2459] : memref<25x256x256xf32, #tpu.memory_space<vmem>>, vector<1x256x128xf32>
    %get3A_2461 = vector.shape_cast %get3A_2460 : vector<1x256x128xf32> to vector<256x128xf32>
    %get3A_2462 = arith.index_cast %get3A_2456 : i32 to index
    %get3A_2463 = arith.constant 0 : index
    %get3A_2464 = arith.constant 128 : index
    %get3A_2465 = vector.load %arg13[%get3A_2462, %get3A_2463, %get3A_2464] : memref<25x256x256xf32, #tpu.memory_space<vmem>>, vector<1x256x128xf32>
    %get3A_2466 = vector.shape_cast %get3A_2465 : vector<1x256x128xf32> to vector<256x128xf32>
    %add3A_2467 = arith.addf %get3A_2461, %get3A_2466 : vector<256x128xf32>
    %max3A_2468 = arith.constant 0.000000e+00 : f32
    %max3A_2469 = vector.broadcast %max3A_2468 : f32 to vector<256x128xf32>
    %max3A_2470 = arith.maximumf %add3A_2467, %max3A_2469 : vector<256x128xf32>
    %dot_general3A_2471 = arith.constant dense<0.000000e+00> : vector<256x64xf32>
    %dot_general3A_2472 = tpu.matmul %max3A_2470, %get3A_989, %dot_general3A_2471 {dimension_numbers = #tpu.dot_dimension_numbers<[1], [0], [0], [1], [0, 0, 1, 1], [], []>, transpose_lhs_hint = false} : vector<256x128xf32>, vector<128x64xf32>, vector<256x64xf32> -> vector<256x64xf32>
    %get3A_2473 = arith.index_cast %get3A_2453 : i32 to index
    %get3A_2474 = arith.constant 0 : index
    %get3A_2475 = arith.constant 0 : index
    %get3A_2476 = vector.load %arg14[%get3A_2473, %get3A_2474, %get3A_2475] : memref<25x256x64xf32, #tpu.memory_space<vmem>>, vector<1x256x64xf32>
    %get3A_2477 = vector.shape_cast %get3A_2476 : vector<1x256x64xf32> to vector<256x64xf32>
    %add3A_2478 = arith.addf %get3A_2477, %dot_general3A_2472 : vector<256x64xf32>
    %swap3A_2479 = arith.index_cast %get3A_2453 : i32 to index
    %swap3A_2480 = arith.constant 0 : index
    %swap3A_2481 = arith.constant 0 : index
    %swap3A_2482 = vector.load %arg14[%swap3A_2479, %swap3A_2480, %swap3A_2481] : memref<25x256x64xf32, #tpu.memory_space<vmem>>, vector<1x256x64xf32>
    %swap3A_2483 = vector.shape_cast %swap3A_2482 : vector<1x256x64xf32> to vector<256x64xf32>
    %swap3A_2484 = vector.shape_cast %add3A_2478 : vector<256x64xf32> to vector<1x256x64xf32>
    tpu.vector_store %arg14[%swap3A_2479, %swap3A_2480, %swap3A_2481], %swap3A_2484 {strides = array<i32>} : memref<25x256x64xf32, #tpu.memory_space<vmem>>, vector<1x256x64xf32>,
    %get3A_2485 = arith.constant 44 : index
    %get3A_2486 = arith.constant 0 : index
    %get3A_2487 = memref.load %arg1[%get3A_2485, %get3A_2486] : memref<48x2xi32, #tpu.memory_space<smem>>
    %get3A_2488 = arith.constant 44 : index
    %get3A_2489 = arith.constant 1 : index
    %get3A_2490 = memref.load %arg1[%get3A_2488, %get3A_2489] : memref<48x2xi32, #tpu.memory_space<smem>>
    %get3A_2491 = arith.index_cast %get3A_2487 : i32 to index
    %get3A_2492 = arith.constant 0 : index
    %get3A_2493 = arith.constant 0 : index
    %get3A_2494 = vector.load %arg13[%get3A_2491, %get3A_2492, %get3A_2493] : memref<25x256x256xf32, #tpu.memory_space<vmem>>, vector<1x256x128xf32>
    %get3A_2495 = vector.shape_cast %get3A_2494 : vector<1x256x128xf32> to vector<256x128xf32>
    %get3A_2496 = arith.index_cast %get3A_2490 : i32 to index
    %get3A_2497 = arith.constant 0 : index
    %get3A_2498 = arith.constant 128 : index
    %get3A_2499 = vector.load %arg13[%get3A_2496, %get3A_2497, %get3A_2498] : memref<25x256x256xf32, #tpu.memory_space<vmem>>, vector<1x256x128xf32>
    %get3A_2500 = vector.shape_cast %get3A_2499 : vector<1x256x128xf32> to vector<256x128xf32>
    %add3A_2501 = arith.addf %get3A_2495, %get3A_2500 : vector<256x128xf32>
    %max3A_2502 = arith.constant 0.000000e+00 : f32
    %max3A_2503 = vector.broadcast %max3A_2502 : f32 to vector<256x128xf32>
    %max3A_2504 = arith.maximumf %add3A_2501, %max3A_2503 : vector<256x128xf32>
    %dot_general3A_2505 = arith.constant dense<0.000000e+00> : vector<256x64xf32>
    %dot_general3A_2506 = tpu.matmul %max3A_2504, %get3A_989, %dot_general3A_2505 {dimension_numbers = #tpu.dot_dimension_numbers<[1], [0], [0], [1], [0, 0, 1, 1], [], []>, transpose_lhs_hint = false} : vector<256x128xf32>, vector<128x64xf32>, vector<256x64xf32> -> vector<256x64xf32>
    %get3A_2507 = arith.index_cast %get3A_2487 : i32 to index
    %get3A_2508 = arith.constant 0 : index
    %get3A_2509 = arith.constant 0 : index
    %get3A_2510 = vector.load %arg14[%get3A_2507, %get3A_2508, %get3A_2509] : memref<25x256x64xf32, #tpu.memory_space<vmem>>, vector<1x256x64xf32>
    %get3A_2511 = vector.shape_cast %get3A_2510 : vector<1x256x64xf32> to vector<256x64xf32>
    %add3A_2512 = arith.addf %get3A_2511, %dot_general3A_2506 : vector<256x64xf32>
    %swap3A_2513 = arith.index_cast %get3A_2487 : i32 to index
    %swap3A_2514 = arith.constant 0 : index
    %swap3A_2515 = arith.constant 0 : index
    %swap3A_2516 = vector.load %arg14[%swap3A_2513, %swap3A_2514, %swap3A_2515] : memref<25x256x64xf32, #tpu.memory_space<vmem>>, vector<1x256x64xf32>
    %swap3A_2517 = vector.shape_cast %swap3A_2516 : vector<1x256x64xf32> to vector<256x64xf32>
    %swap3A_2518 = vector.shape_cast %add3A_2512 : vector<256x64xf32> to vector<1x256x64xf32>
    tpu.vector_store %arg14[%swap3A_2513, %swap3A_2514, %swap3A_2515], %swap3A_2518 {strides = array<i32>} : memref<25x256x64xf32, #tpu.memory_space<vmem>>, vector<1x256x64xf32>,
    %get3A_2519 = arith.constant 45 : index
    %get3A_2520 = arith.constant 0 : index
    %get3A_2521 = memref.load %arg1[%get3A_2519, %get3A_2520] : memref<48x2xi32, #tpu.memory_space<smem>>
    %get3A_2522 = arith.constant 45 : index
    %get3A_2523 = arith.constant 1 : index
    %get3A_2524 = memref.load %arg1[%get3A_2522, %get3A_2523] : memref<48x2xi32, #tpu.memory_space<smem>>
    %get3A_2525 = arith.index_cast %get3A_2521 : i32 to index
    %get3A_2526 = arith.constant 0 : index
    %get3A_2527 = arith.constant 0 : index
    %get3A_2528 = vector.load %arg13[%get3A_2525, %get3A_2526, %get3A_2527] : memref<25x256x256xf32, #tpu.memory_space<vmem>>, vector<1x256x128xf32>
    %get3A_2529 = vector.shape_cast %get3A_2528 : vector<1x256x128xf32> to vector<256x128xf32>
    %get3A_2530 = arith.index_cast %get3A_2524 : i32 to index
    %get3A_2531 = arith.constant 0 : index
    %get3A_2532 = arith.constant 128 : index
    %get3A_2533 = vector.load %arg13[%get3A_2530, %get3A_2531, %get3A_2532] : memref<25x256x256xf32, #tpu.memory_space<vmem>>, vector<1x256x128xf32>
    %get3A_2534 = vector.shape_cast %get3A_2533 : vector<1x256x128xf32> to vector<256x128xf32>
    %add3A_2535 = arith.addf %get3A_2529, %get3A_2534 : vector<256x128xf32>
    %max3A_2536 = arith.constant 0.000000e+00 : f32
    %max3A_2537 = vector.broadcast %max3A_2536 : f32 to vector<256x128xf32>
    %max3A_2538 = arith.maximumf %add3A_2535, %max3A_2537 : vector<256x128xf32>
    %dot_general3A_2539 = arith.constant dense<0.000000e+00> : vector<256x64xf32>
    %dot_general3A_2540 = tpu.matmul %max3A_2538, %get3A_989, %dot_general3A_2539 {dimension_numbers = #tpu.dot_dimension_numbers<[1], [0], [0], [1], [0, 0, 1, 1], [], []>, transpose_lhs_hint = false} : vector<256x128xf32>, vector<128x64xf32>, vector<256x64xf32> -> vector<256x64xf32>
    %get3A_2541 = arith.index_cast %get3A_2521 : i32 to index
    %get3A_2542 = arith.constant 0 : index
    %get3A_2543 = arith.constant 0 : index
    %get3A_2544 = vector.load %arg14[%get3A_2541, %get3A_2542, %get3A_2543] : memref<25x256x64xf32, #tpu.memory_space<vmem>>, vector<1x256x64xf32>
    %get3A_2545 = vector.shape_cast %get3A_2544 : vector<1x256x64xf32> to vector<256x64xf32>
    %add3A_2546 = arith.addf %get3A_2545, %dot_general3A_2540 : vector<256x64xf32>
    %swap3A_2547 = arith.index_cast %get3A_2521 : i32 to index
    %swap3A_2548 = arith.constant 0 : index
    %swap3A_2549 = arith.constant 0 : index
    %swap3A_2550 = vector.load %arg14[%swap3A_2547, %swap3A_2548, %swap3A_2549] : memref<25x256x64xf32, #tpu.memory_space<vmem>>, vector<1x256x64xf32>
    %swap3A_2551 = vector.shape_cast %swap3A_2550 : vector<1x256x64xf32> to vector<256x64xf32>
    %swap3A_2552 = vector.shape_cast %add3A_2546 : vector<256x64xf32> to vector<1x256x64xf32>
    tpu.vector_store %arg14[%swap3A_2547, %swap3A_2548, %swap3A_2549], %swap3A_2552 {strides = array<i32>} : memref<25x256x64xf32, #tpu.memory_space<vmem>>, vector<1x256x64xf32>,
    %get3A_2553 = arith.constant 46 : index
    %get3A_2554 = arith.constant 0 : index
    %get3A_2555 = memref.load %arg1[%get3A_2553, %get3A_2554] : memref<48x2xi32, #tpu.memory_space<smem>>
    %get3A_2556 = arith.constant 46 : index
    %get3A_2557 = arith.constant 1 : index
    %get3A_2558 = memref.load %arg1[%get3A_2556, %get3A_2557] : memref<48x2xi32, #tpu.memory_space<smem>>
    %get3A_2559 = arith.index_cast %get3A_2555 : i32 to index
    %get3A_2560 = arith.constant 0 : index
    %get3A_2561 = arith.constant 0 : index
    %get3A_2562 = vector.load %arg13[%get3A_2559, %get3A_2560, %get3A_2561] : memref<25x256x256xf32, #tpu.memory_space<vmem>>, vector<1x256x128xf32>
    %get3A_2563 = vector.shape_cast %get3A_2562 : vector<1x256x128xf32> to vector<256x128xf32>
    %get3A_2564 = arith.index_cast %get3A_2558 : i32 to index
    %get3A_2565 = arith.constant 0 : index
    %get3A_2566 = arith.constant 128 : index
    %get3A_2567 = vector.load %arg13[%get3A_2564, %get3A_2565, %get3A_2566] : memref<25x256x256xf32, #tpu.memory_space<vmem>>, vector<1x256x128xf32>
    %get3A_2568 = vector.shape_cast %get3A_2567 : vector<1x256x128xf32> to vector<256x128xf32>
    %add3A_2569 = arith.addf %get3A_2563, %get3A_2568 : vector<256x128xf32>
    %max3A_2570 = arith.constant 0.000000e+00 : f32
    %max3A_2571 = vector.broadcast %max3A_2570 : f32 to vector<256x128xf32>
    %max3A_2572 = arith.maximumf %add3A_2569, %max3A_2571 : vector<256x128xf32>
    %dot_general3A_2573 = arith.constant dense<0.000000e+00> : vector<256x64xf32>
    %dot_general3A_2574 = tpu.matmul %max3A_2572, %get3A_989, %dot_general3A_2573 {dimension_numbers = #tpu.dot_dimension_numbers<[1], [0], [0], [1], [0, 0, 1, 1], [], []>, transpose_lhs_hint = false} : vector<256x128xf32>, vector<128x64xf32>, vector<256x64xf32> -> vector<256x64xf32>
    %get3A_2575 = arith.index_cast %get3A_2555 : i32 to index
    %get3A_2576 = arith.constant 0 : index
    %get3A_2577 = arith.constant 0 : index
    %get3A_2578 = vector.load %arg14[%get3A_2575, %get3A_2576, %get3A_2577] : memref<25x256x64xf32, #tpu.memory_space<vmem>>, vector<1x256x64xf32>
    %get3A_2579 = vector.shape_cast %get3A_2578 : vector<1x256x64xf32> to vector<256x64xf32>
    %add3A_2580 = arith.addf %get3A_2579, %dot_general3A_2574 : vector<256x64xf32>
    %swap3A_2581 = arith.index_cast %get3A_2555 : i32 to index
    %swap3A_2582 = arith.constant 0 : index
    %swap3A_2583 = arith.constant 0 : index
    %swap3A_2584 = vector.load %arg14[%swap3A_2581, %swap3A_2582, %swap3A_2583] : memref<25x256x64xf32, #tpu.memory_space<vmem>>, vector<1x256x64xf32>
    %swap3A_2585 = vector.shape_cast %swap3A_2584 : vector<1x256x64xf32> to vector<256x64xf32>
    %swap3A_2586 = vector.shape_cast %add3A_2580 : vector<256x64xf32> to vector<1x256x64xf32>
    tpu.vector_store %arg14[%swap3A_2581, %swap3A_2582, %swap3A_2583], %swap3A_2586 {strides = array<i32>} : memref<25x256x64xf32, #tpu.memory_space<vmem>>, vector<1x256x64xf32>,
    %get3A_2587 = arith.constant 47 : index
    %get3A_2588 = arith.constant 0 : index
    %get3A_2589 = memref.load %arg1[%get3A_2587, %get3A_2588] : memref<48x2xi32, #tpu.memory_space<smem>>
    %get3A_2590 = arith.constant 47 : index
    %get3A_2591 = arith.constant 1 : index
    %get3A_2592 = memref.load %arg1[%get3A_2590, %get3A_2591] : memref<48x2xi32, #tpu.memory_space<smem>>
    %get3A_2593 = arith.index_cast %get3A_2589 : i32 to index
    %get3A_2594 = arith.constant 0 : index
    %get3A_2595 = arith.constant 0 : index
    %get3A_2596 = vector.load %arg13[%get3A_2593, %get3A_2594, %get3A_2595] : memref<25x256x256xf32, #tpu.memory_space<vmem>>, vector<1x256x128xf32>
    %get3A_2597 = vector.shape_cast %get3A_2596 : vector<1x256x128xf32> to vector<256x128xf32>
    %get3A_2598 = arith.index_cast %get3A_2592 : i32 to index
    %get3A_2599 = arith.constant 0 : index
    %get3A_2600 = arith.constant 128 : index
    %get3A_2601 = vector.load %arg13[%get3A_2598, %get3A_2599, %get3A_2600] : memref<25x256x256xf32, #tpu.memory_space<vmem>>, vector<1x256x128xf32>
    %get3A_2602 = vector.shape_cast %get3A_2601 : vector<1x256x128xf32> to vector<256x128xf32>
    %add3A_2603 = arith.addf %get3A_2597, %get3A_2602 : vector<256x128xf32>
    %max3A_2604 = arith.constant 0.000000e+00 : f32
    %max3A_2605 = vector.broadcast %max3A_2604 : f32 to vector<256x128xf32>
    %max3A_2606 = arith.maximumf %add3A_2603, %max3A_2605 : vector<256x128xf32>
    %dot_general3A_2607 = arith.constant dense<0.000000e+00> : vector<256x64xf32>
    %dot_general3A_2608 = tpu.matmul %max3A_2606, %get3A_989, %dot_general3A_2607 {dimension_numbers = #tpu.dot_dimension_numbers<[1], [0], [0], [1], [0, 0, 1, 1], [], []>, transpose_lhs_hint = false} : vector<256x128xf32>, vector<128x64xf32>, vector<256x64xf32> -> vector<256x64xf32>
    %get3A_2609 = arith.index_cast %get3A_2589 : i32 to index
    %get3A_2610 = arith.constant 0 : index
    %get3A_2611 = arith.constant 0 : index
    %get3A_2612 = vector.load %arg14[%get3A_2609, %get3A_2610, %get3A_2611] : memref<25x256x64xf32, #tpu.memory_space<vmem>>, vector<1x256x64xf32>
    %get3A_2613 = vector.shape_cast %get3A_2612 : vector<1x256x64xf32> to vector<256x64xf32>
    %add3A_2614 = arith.addf %get3A_2613, %dot_general3A_2608 : vector<256x64xf32>
    %swap3A_2615 = arith.index_cast %get3A_2589 : i32 to index
    %swap3A_2616 = arith.constant 0 : index
    %swap3A_2617 = arith.constant 0 : index
    %swap3A_2618 = vector.load %arg14[%swap3A_2615, %swap3A_2616, %swap3A_2617] : memref<25x256x64xf32, #tpu.memory_space<vmem>>, vector<1x256x64xf32>
    %swap3A_2619 = vector.shape_cast %swap3A_2618 : vector<1x256x64xf32> to vector<256x64xf32>
    %swap3A_2620 = vector.shape_cast %add3A_2614 : vector<256x64xf32> to vector<1x256x64xf32>
    tpu.vector_store %arg14[%swap3A_2615, %swap3A_2616, %swap3A_2617], %swap3A_2620 {strides = array<i32>} : memref<25x256x64xf32, #tpu.memory_space<vmem>>, vector<1x256x64xf32>,
    %get3A_2621 = arith.constant 0 : index
    %get3A_2622 = arith.constant 0 : index
    %get3A_2623 = vector.load %arg7[%get3A_2621, %get3A_2622] : memref<128x128xf32, #tpu.memory_space<vmem>>, vector<128x128xf32>
    %get3A_2624 = arith.constant 0 : index
    %get3A_2625 = arith.constant 0 : index
    %get3A_2626 = vector.load %arg8[%get3A_2624, %get3A_2625] : memref<1x128xf32, #tpu.memory_space<vmem>>, vector<1x128xf32>
    %get3A_2627 = arith.constant 0 : index
    %get3A_2628 = arith.constant 0 : index
    %get3A_2629 = vector.load %arg9[%get3A_2627, %get3A_2628] : memref<128x64xf32, #tpu.memory_space<vmem>>, vector<128x64xf32>
    %get3A_2630 = arith.constant 0 : index
    %get3A_2631 = arith.constant 0 : index
    %get3A_2632 = vector.load %arg10[%get3A_2630, %get3A_2631] : memref<1x64xf32, #tpu.memory_space<vmem>>, vector<1x64xf32>
    %get3A_2633 = arith.constant 0 : index
    %get3A_2634 = arith.constant 0 : index
    %get3A_2635 = vector.load %arg6[%get3A_2633, %get3A_2634] : memref<1x64xf32, #tpu.memory_space<vmem>>, vector<1x64xf32>
    %get3A_2636 = arith.constant 0 : index
    %get3A_2637 = arith.constant 0 : index
    %get3A_2638 = vector.load %arg11[%get3A_2636, %get3A_2637] : memref<2x64xf32, #tpu.memory_space<vmem>>, vector<1x64xf32>
    %get3A_2639 = arith.constant 1 : index
    %get3A_2640 = arith.constant 0 : index
    %get3A_2641 = vector.load %arg11[%get3A_2639, %get3A_2640] : memref<2x64xf32, #tpu.memory_space<vmem>>, vector<1x64xf32>
    %broadcast_in_dim3A_2642 = arith.constant 1.562500e-02 : f32
    %broadcast_in_dim3A_2643 = vector.broadcast %broadcast_in_dim3A_2642 : f32 to vector<64x64xf32>
    %get3A_2644 = arith.constant 0 : index
    %get3A_2645 = arith.constant 0 : index
    %get3A_2646 = arith.constant 0 : index
    %get3A_2647 = vector.load %arg2[%get3A_2644, %get3A_2645, %get3A_2646] : memref<25x256x64xf32, #tpu.memory_space<vmem>>, vector<1x256x64xf32>
    %get3A_2648 = vector.shape_cast %get3A_2647 : vector<1x256x64xf32> to vector<256x64xf32>
    %get3A_2649 = arith.constant 0 : index
    %get3A_2650 = memref.load %arg15[%get3A_2649] : memref<32xf32, #tpu.memory_space<smem>>
    %max3A_2651 = arith.constant 1.000000e+00 : f32
    %max3A_2652 = arith.maximumf %get3A_2650, %max3A_2651 : f32
    %div3A = arith.constant 1.000000e+00 : f32
    %div3A_2653 = arith.divf %div3A, %max3A_2652 : f32
    %gt3A = arith.constant 0.000000e+00 : f32
    %gt3A_2654 = arith.cmpf ogt, %get3A_2650, %gt3A : f32
    %jit3A = arith.constant 1.000000e+00 : f32
    %jit3A_2655 = arith.constant 0.000000e+00 : f32
    %select_n3A = arith.select %gt3A_2654, %jit3A, %jit3A_2655 : f32
    %get3A_2656 = arith.constant 0 : index
    %get3A_2657 = arith.constant 0 : index
    %get3A_2658 = arith.constant 0 : index
    %get3A_2659 = vector.load %arg14[%get3A_2656, %get3A_2657, %get3A_2658] : memref<25x256x64xf32, #tpu.memory_space<vmem>>, vector<1x256x64xf32>
    %get3A_2660 = vector.shape_cast %get3A_2659 : vector<1x256x64xf32> to vector<256x64xf32>
    %mul3A = vector.broadcast %div3A_2653 : f32 to vector<256x64xf32>
    %mul3A_2661 = arith.mulf %get3A_2660, %mul3A : vector<256x64xf32>
    %add3A_2662 = vector.broadcast %get3A_2635 : vector<1x64xf32> to vector<256x64xf32>
    %add3A_2663 = arith.addf %mul3A_2661, %add3A_2662 : vector<256x64xf32>
    %concatenate3A_2664 = tpu.concatenate %get3A_2648, %add3A_2663 in 1 : vector<256x64xf32>, vector<256x64xf32> -> vector<256x128xf32>
    %dot_general3A_2665 = arith.constant dense<0.000000e+00> : vector<256x128xf32>
    %dot_general3A_2666 = tpu.matmul %concatenate3A_2664, %get3A_2623, %dot_general3A_2665 {dimension_numbers = #tpu.dot_dimension_numbers<[1], [0], [0], [1], [0, 0, 1, 1], [], []>, transpose_lhs_hint = false} : vector<256x128xf32>, vector<128x128xf32>, vector<256x128xf32> -> vector<256x128xf32>
    %add3A_2667 = vector.broadcast %get3A_2626 : vector<1x128xf32> to vector<256x128xf32>
    %add3A_2668 = arith.addf %dot_general3A_2666, %add3A_2667 : vector<256x128xf32>
    %max3A_2669 = arith.constant 0.000000e+00 : f32
    %max3A_2670 = vector.broadcast %max3A_2669 : f32 to vector<256x128xf32>
    %max3A_2671 = arith.maximumf %add3A_2668, %max3A_2670 : vector<256x128xf32>
    %dot_general3A_2672 = arith.constant dense<0.000000e+00> : vector<256x64xf32>
    %dot_general3A_2673 = tpu.matmul %max3A_2671, %get3A_2629, %dot_general3A_2672 {dimension_numbers = #tpu.dot_dimension_numbers<[1], [0], [0], [1], [0, 0, 1, 1], [], []>, transpose_lhs_hint = false} : vector<256x128xf32>, vector<128x64xf32>, vector<256x64xf32> -> vector<256x64xf32>
    %add3A_2674 = vector.broadcast %get3A_2632 : vector<1x64xf32> to vector<256x64xf32>
    %add3A_2675 = arith.addf %dot_general3A_2673, %add3A_2674 : vector<256x64xf32>
    %mul3A_2676 = vector.broadcast %select_n3A : f32 to vector<256x64xf32>
    %mul3A_2677 = arith.mulf %add3A_2675, %mul3A_2676 : vector<256x64xf32>
    %add3A_2678 = arith.addf %get3A_2648, %mul3A_2677 : vector<256x64xf32>
    %dot_general3A_2679 = arith.constant dense<0.000000e+00> : vector<256x64xf32>
    %dot_general3A_2680 = tpu.matmul %add3A_2678, %broadcast_in_dim3A_2643, %dot_general3A_2679 {dimension_numbers = #tpu.dot_dimension_numbers<[1], [0], [0], [1], [0, 0, 1, 1], [], []>, transpose_lhs_hint = false} : vector<256x64xf32>, vector<64x64xf32>, vector<256x64xf32> -> vector<256x64xf32>
    %mul3A_2681 = arith.mulf %add3A_2678, %add3A_2678 : vector<256x64xf32>
    %dot_general3A_2682 = arith.constant dense<0.000000e+00> : vector<256x64xf32>
    %dot_general3A_2683 = tpu.matmul %mul3A_2681, %broadcast_in_dim3A_2643, %dot_general3A_2682 {dimension_numbers = #tpu.dot_dimension_numbers<[1], [0], [0], [1], [0, 0, 1, 1], [], []>, transpose_lhs_hint = false} : vector<256x64xf32>, vector<64x64xf32>, vector<256x64xf32> -> vector<256x64xf32>
    %mul3A_2684 = arith.mulf %dot_general3A_2680, %dot_general3A_2680 : vector<256x64xf32>
    %sub3A = arith.subf %dot_general3A_2683, %mul3A_2684 : vector<256x64xf32>
    %sub3A_2685 = arith.subf %add3A_2678, %dot_general3A_2680 : vector<256x64xf32>
    %add3A_2686 = arith.constant 9.99999974E-6 : f32
    %add3A_2687 = vector.broadcast %add3A_2686 : f32 to vector<256x64xf32>
    %add3A_2688 = arith.addf %sub3A, %add3A_2687 : vector<256x64xf32>
    %rsqrt3A = math.rsqrt %add3A_2688 : vector<256x64xf32>
    %mul3A_2689 = arith.mulf %sub3A_2685, %rsqrt3A : vector<256x64xf32>
    %mul3A_2690 = vector.broadcast %get3A_2638 : vector<1x64xf32> to vector<256x64xf32>
    %mul3A_2691 = arith.mulf %mul3A_2689, %mul3A_2690 : vector<256x64xf32>
    %add3A_2692 = vector.broadcast %get3A_2641 : vector<1x64xf32> to vector<256x64xf32>
    %add3A_2693 = arith.addf %mul3A_2691, %add3A_2692 : vector<256x64xf32>
    %swap3A_2694 = arith.constant 0 : index
    %swap3A_2695 = arith.constant 0 : index
    %swap3A_2696 = arith.constant 0 : index
    %swap3A_2697 = vector.load %arg12[%swap3A_2694, %swap3A_2695, %swap3A_2696] : memref<25x256x64xf32, #tpu.memory_space<vmem>>, vector<1x256x64xf32>
    %swap3A_2698 = vector.shape_cast %swap3A_2697 : vector<1x256x64xf32> to vector<256x64xf32>
    %swap3A_2699 = vector.shape_cast %add3A_2693 : vector<256x64xf32> to vector<1x256x64xf32>
    tpu.vector_store %arg12[%swap3A_2694, %swap3A_2695, %swap3A_2696], %swap3A_2699 {strides = array<i32>} : memref<25x256x64xf32, #tpu.memory_space<vmem>>, vector<1x256x64xf32>,
    %get3A_2700 = arith.constant 1 : index
    %get3A_2701 = arith.constant 0 : index
    %get3A_2702 = arith.constant 0 : index
    %get3A_2703 = vector.load %arg2[%get3A_2700, %get3A_2701, %get3A_2702] : memref<25x256x64xf32, #tpu.memory_space<vmem>>, vector<1x256x64xf32>
    %get3A_2704 = vector.shape_cast %get3A_2703 : vector<1x256x64xf32> to vector<256x64xf32>
    %get3A_2705 = arith.constant 1 : index
    %get3A_2706 = memref.load %arg15[%get3A_2705] : memref<32xf32, #tpu.memory_space<smem>>
    %max3A_2707 = arith.constant 1.000000e+00 : f32
    %max3A_2708 = arith.maximumf %get3A_2706, %max3A_2707 : f32
    %div3A_2709 = arith.constant 1.000000e+00 : f32
    %div3A_2710 = arith.divf %div3A_2709, %max3A_2708 : f32
    %gt3A_2711 = arith.constant 0.000000e+00 : f32
    %gt3A_2712 = arith.cmpf ogt, %get3A_2706, %gt3A_2711 : f32
    %jit3A_2713 = arith.constant 1.000000e+00 : f32
    %jit3A_2714 = arith.constant 0.000000e+00 : f32
    %select_n3A_2715 = arith.select %gt3A_2712, %jit3A_2713, %jit3A_2714 : f32
    %get3A_2716 = arith.constant 1 : index
    %get3A_2717 = arith.constant 0 : index
    %get3A_2718 = arith.constant 0 : index
    %get3A_2719 = vector.load %arg14[%get3A_2716, %get3A_2717, %get3A_2718] : memref<25x256x64xf32, #tpu.memory_space<vmem>>, vector<1x256x64xf32>
    %get3A_2720 = vector.shape_cast %get3A_2719 : vector<1x256x64xf32> to vector<256x64xf32>
    %mul3A_2721 = vector.broadcast %div3A_2710 : f32 to vector<256x64xf32>
    %mul3A_2722 = arith.mulf %get3A_2720, %mul3A_2721 : vector<256x64xf32>
    %add3A_2723 = vector.broadcast %get3A_2635 : vector<1x64xf32> to vector<256x64xf32>
    %add3A_2724 = arith.addf %mul3A_2722, %add3A_2723 : vector<256x64xf32>
    %concatenate3A_2725 = tpu.concatenate %get3A_2704, %add3A_2724 in 1 : vector<256x64xf32>, vector<256x64xf32> -> vector<256x128xf32>
    %dot_general3A_2726 = arith.constant dense<0.000000e+00> : vector<256x128xf32>
    %dot_general3A_2727 = tpu.matmul %concatenate3A_2725, %get3A_2623, %dot_general3A_2726 {dimension_numbers = #tpu.dot_dimension_numbers<[1], [0], [0], [1], [0, 0, 1, 1], [], []>, transpose_lhs_hint = false} : vector<256x128xf32>, vector<128x128xf32>, vector<256x128xf32> -> vector<256x128xf32>
    %add3A_2728 = vector.broadcast %get3A_2626 : vector<1x128xf32> to vector<256x128xf32>
    %add3A_2729 = arith.addf %dot_general3A_2727, %add3A_2728 : vector<256x128xf32>
    %max3A_2730 = arith.constant 0.000000e+00 : f32
    %max3A_2731 = vector.broadcast %max3A_2730 : f32 to vector<256x128xf32>
    %max3A_2732 = arith.maximumf %add3A_2729, %max3A_2731 : vector<256x128xf32>
    %dot_general3A_2733 = arith.constant dense<0.000000e+00> : vector<256x64xf32>
    %dot_general3A_2734 = tpu.matmul %max3A_2732, %get3A_2629, %dot_general3A_2733 {dimension_numbers = #tpu.dot_dimension_numbers<[1], [0], [0], [1], [0, 0, 1, 1], [], []>, transpose_lhs_hint = false} : vector<256x128xf32>, vector<128x64xf32>, vector<256x64xf32> -> vector<256x64xf32>
    %add3A_2735 = vector.broadcast %get3A_2632 : vector<1x64xf32> to vector<256x64xf32>
    %add3A_2736 = arith.addf %dot_general3A_2734, %add3A_2735 : vector<256x64xf32>
    %mul3A_2737 = vector.broadcast %select_n3A_2715 : f32 to vector<256x64xf32>
    %mul3A_2738 = arith.mulf %add3A_2736, %mul3A_2737 : vector<256x64xf32>
    %add3A_2739 = arith.addf %get3A_2704, %mul3A_2738 : vector<256x64xf32>
    %dot_general3A_2740 = arith.constant dense<0.000000e+00> : vector<256x64xf32>
    %dot_general3A_2741 = tpu.matmul %add3A_2739, %broadcast_in_dim3A_2643, %dot_general3A_2740 {dimension_numbers = #tpu.dot_dimension_numbers<[1], [0], [0], [1], [0, 0, 1, 1], [], []>, transpose_lhs_hint = false} : vector<256x64xf32>, vector<64x64xf32>, vector<256x64xf32> -> vector<256x64xf32>
    %mul3A_2742 = arith.mulf %add3A_2739, %add3A_2739 : vector<256x64xf32>
    %dot_general3A_2743 = arith.constant dense<0.000000e+00> : vector<256x64xf32>
    %dot_general3A_2744 = tpu.matmul %mul3A_2742, %broadcast_in_dim3A_2643, %dot_general3A_2743 {dimension_numbers = #tpu.dot_dimension_numbers<[1], [0], [0], [1], [0, 0, 1, 1], [], []>, transpose_lhs_hint = false} : vector<256x64xf32>, vector<64x64xf32>, vector<256x64xf32> -> vector<256x64xf32>
    %mul3A_2745 = arith.mulf %dot_general3A_2741, %dot_general3A_2741 : vector<256x64xf32>
    %sub3A_2746 = arith.subf %dot_general3A_2744, %mul3A_2745 : vector<256x64xf32>
    %sub3A_2747 = arith.subf %add3A_2739, %dot_general3A_2741 : vector<256x64xf32>
    %add3A_2748 = arith.constant 9.99999974E-6 : f32
    %add3A_2749 = vector.broadcast %add3A_2748 : f32 to vector<256x64xf32>
    %add3A_2750 = arith.addf %sub3A_2746, %add3A_2749 : vector<256x64xf32>
    %rsqrt3A_2751 = math.rsqrt %add3A_2750 : vector<256x64xf32>
    %mul3A_2752 = arith.mulf %sub3A_2747, %rsqrt3A_2751 : vector<256x64xf32>
    %mul3A_2753 = vector.broadcast %get3A_2638 : vector<1x64xf32> to vector<256x64xf32>
    %mul3A_2754 = arith.mulf %mul3A_2752, %mul3A_2753 : vector<256x64xf32>
    %add3A_2755 = vector.broadcast %get3A_2641 : vector<1x64xf32> to vector<256x64xf32>
    %add3A_2756 = arith.addf %mul3A_2754, %add3A_2755 : vector<256x64xf32>
    %swap3A_2757 = arith.constant 1 : index
    %swap3A_2758 = arith.constant 0 : index
    %swap3A_2759 = arith.constant 0 : index
    %swap3A_2760 = vector.load %arg12[%swap3A_2757, %swap3A_2758, %swap3A_2759] : memref<25x256x64xf32, #tpu.memory_space<vmem>>, vector<1x256x64xf32>
    %swap3A_2761 = vector.shape_cast %swap3A_2760 : vector<1x256x64xf32> to vector<256x64xf32>
    %swap3A_2762 = vector.shape_cast %add3A_2756 : vector<256x64xf32> to vector<1x256x64xf32>
    tpu.vector_store %arg12[%swap3A_2757, %swap3A_2758, %swap3A_2759], %swap3A_2762 {strides = array<i32>} : memref<25x256x64xf32, #tpu.memory_space<vmem>>, vector<1x256x64xf32>,
    %get3A_2763 = arith.constant 2 : index
    %get3A_2764 = arith.constant 0 : index
    %get3A_2765 = arith.constant 0 : index
    %get3A_2766 = vector.load %arg2[%get3A_2763, %get3A_2764, %get3A_2765] : memref<25x256x64xf32, #tpu.memory_space<vmem>>, vector<1x256x64xf32>
    %get3A_2767 = vector.shape_cast %get3A_2766 : vector<1x256x64xf32> to vector<256x64xf32>
    %get3A_2768 = arith.constant 2 : index
    %get3A_2769 = memref.load %arg15[%get3A_2768] : memref<32xf32, #tpu.memory_space<smem>>
    %max3A_2770 = arith.constant 1.000000e+00 : f32
    %max3A_2771 = arith.maximumf %get3A_2769, %max3A_2770 : f32
    %div3A_2772 = arith.constant 1.000000e+00 : f32
    %div3A_2773 = arith.divf %div3A_2772, %max3A_2771 : f32
    %gt3A_2774 = arith.constant 0.000000e+00 : f32
    %gt3A_2775 = arith.cmpf ogt, %get3A_2769, %gt3A_2774 : f32
    %jit3A_2776 = arith.constant 1.000000e+00 : f32
    %jit3A_2777 = arith.constant 0.000000e+00 : f32
    %select_n3A_2778 = arith.select %gt3A_2775, %jit3A_2776, %jit3A_2777 : f32
    %get3A_2779 = arith.constant 2 : index
    %get3A_2780 = arith.constant 0 : index
    %get3A_2781 = arith.constant 0 : index
    %get3A_2782 = vector.load %arg14[%get3A_2779, %get3A_2780, %get3A_2781] : memref<25x256x64xf32, #tpu.memory_space<vmem>>, vector<1x256x64xf32>
    %get3A_2783 = vector.shape_cast %get3A_2782 : vector<1x256x64xf32> to vector<256x64xf32>
    %mul3A_2784 = vector.broadcast %div3A_2773 : f32 to vector<256x64xf32>
    %mul3A_2785 = arith.mulf %get3A_2783, %mul3A_2784 : vector<256x64xf32>
    %add3A_2786 = vector.broadcast %get3A_2635 : vector<1x64xf32> to vector<256x64xf32>
    %add3A_2787 = arith.addf %mul3A_2785, %add3A_2786 : vector<256x64xf32>
    %concatenate3A_2788 = tpu.concatenate %get3A_2767, %add3A_2787 in 1 : vector<256x64xf32>, vector<256x64xf32> -> vector<256x128xf32>
    %dot_general3A_2789 = arith.constant dense<0.000000e+00> : vector<256x128xf32>
    %dot_general3A_2790 = tpu.matmul %concatenate3A_2788, %get3A_2623, %dot_general3A_2789 {dimension_numbers = #tpu.dot_dimension_numbers<[1], [0], [0], [1], [0, 0, 1, 1], [], []>, transpose_lhs_hint = false} : vector<256x128xf32>, vector<128x128xf32>, vector<256x128xf32> -> vector<256x128xf32>
    %add3A_2791 = vector.broadcast %get3A_2626 : vector<1x128xf32> to vector<256x128xf32>
    %add3A_2792 = arith.addf %dot_general3A_2790, %add3A_2791 : vector<256x128xf32>
    %max3A_2793 = arith.constant 0.000000e+00 : f32
    %max3A_2794 = vector.broadcast %max3A_2793 : f32 to vector<256x128xf32>
    %max3A_2795 = arith.maximumf %add3A_2792, %max3A_2794 : vector<256x128xf32>
    %dot_general3A_2796 = arith.constant dense<0.000000e+00> : vector<256x64xf32>
    %dot_general3A_2797 = tpu.matmul %max3A_2795, %get3A_2629, %dot_general3A_2796 {dimension_numbers = #tpu.dot_dimension_numbers<[1], [0], [0], [1], [0, 0, 1, 1], [], []>, transpose_lhs_hint = false} : vector<256x128xf32>, vector<128x64xf32>, vector<256x64xf32> -> vector<256x64xf32>
    %add3A_2798 = vector.broadcast %get3A_2632 : vector<1x64xf32> to vector<256x64xf32>
    %add3A_2799 = arith.addf %dot_general3A_2797, %add3A_2798 : vector<256x64xf32>
    %mul3A_2800 = vector.broadcast %select_n3A_2778 : f32 to vector<256x64xf32>
    %mul3A_2801 = arith.mulf %add3A_2799, %mul3A_2800 : vector<256x64xf32>
    %add3A_2802 = arith.addf %get3A_2767, %mul3A_2801 : vector<256x64xf32>
    %dot_general3A_2803 = arith.constant dense<0.000000e+00> : vector<256x64xf32>
    %dot_general3A_2804 = tpu.matmul %add3A_2802, %broadcast_in_dim3A_2643, %dot_general3A_2803 {dimension_numbers = #tpu.dot_dimension_numbers<[1], [0], [0], [1], [0, 0, 1, 1], [], []>, transpose_lhs_hint = false} : vector<256x64xf32>, vector<64x64xf32>, vector<256x64xf32> -> vector<256x64xf32>
    %mul3A_2805 = arith.mulf %add3A_2802, %add3A_2802 : vector<256x64xf32>
    %dot_general3A_2806 = arith.constant dense<0.000000e+00> : vector<256x64xf32>
    %dot_general3A_2807 = tpu.matmul %mul3A_2805, %broadcast_in_dim3A_2643, %dot_general3A_2806 {dimension_numbers = #tpu.dot_dimension_numbers<[1], [0], [0], [1], [0, 0, 1, 1], [], []>, transpose_lhs_hint = false} : vector<256x64xf32>, vector<64x64xf32>, vector<256x64xf32> -> vector<256x64xf32>
    %mul3A_2808 = arith.mulf %dot_general3A_2804, %dot_general3A_2804 : vector<256x64xf32>
    %sub3A_2809 = arith.subf %dot_general3A_2807, %mul3A_2808 : vector<256x64xf32>
    %sub3A_2810 = arith.subf %add3A_2802, %dot_general3A_2804 : vector<256x64xf32>
    %add3A_2811 = arith.constant 9.99999974E-6 : f32
    %add3A_2812 = vector.broadcast %add3A_2811 : f32 to vector<256x64xf32>
    %add3A_2813 = arith.addf %sub3A_2809, %add3A_2812 : vector<256x64xf32>
    %rsqrt3A_2814 = math.rsqrt %add3A_2813 : vector<256x64xf32>
    %mul3A_2815 = arith.mulf %sub3A_2810, %rsqrt3A_2814 : vector<256x64xf32>
    %mul3A_2816 = vector.broadcast %get3A_2638 : vector<1x64xf32> to vector<256x64xf32>
    %mul3A_2817 = arith.mulf %mul3A_2815, %mul3A_2816 : vector<256x64xf32>
    %add3A_2818 = vector.broadcast %get3A_2641 : vector<1x64xf32> to vector<256x64xf32>
    %add3A_2819 = arith.addf %mul3A_2817, %add3A_2818 : vector<256x64xf32>
    %swap3A_2820 = arith.constant 2 : index
    %swap3A_2821 = arith.constant 0 : index
    %swap3A_2822 = arith.constant 0 : index
    %swap3A_2823 = vector.load %arg12[%swap3A_2820, %swap3A_2821, %swap3A_2822] : memref<25x256x64xf32, #tpu.memory_space<vmem>>, vector<1x256x64xf32>
    %swap3A_2824 = vector.shape_cast %swap3A_2823 : vector<1x256x64xf32> to vector<256x64xf32>
    %swap3A_2825 = vector.shape_cast %add3A_2819 : vector<256x64xf32> to vector<1x256x64xf32>
    tpu.vector_store %arg12[%swap3A_2820, %swap3A_2821, %swap3A_2822], %swap3A_2825 {strides = array<i32>} : memref<25x256x64xf32, #tpu.memory_space<vmem>>, vector<1x256x64xf32>,
    %get3A_2826 = arith.constant 3 : index
    %get3A_2827 = arith.constant 0 : index
    %get3A_2828 = arith.constant 0 : index
    %get3A_2829 = vector.load %arg2[%get3A_2826, %get3A_2827, %get3A_2828] : memref<25x256x64xf32, #tpu.memory_space<vmem>>, vector<1x256x64xf32>
    %get3A_2830 = vector.shape_cast %get3A_2829 : vector<1x256x64xf32> to vector<256x64xf32>
    %get3A_2831 = arith.constant 3 : index
    %get3A_2832 = memref.load %arg15[%get3A_2831] : memref<32xf32, #tpu.memory_space<smem>>
    %max3A_2833 = arith.constant 1.000000e+00 : f32
    %max3A_2834 = arith.maximumf %get3A_2832, %max3A_2833 : f32
    %div3A_2835 = arith.constant 1.000000e+00 : f32
    %div3A_2836 = arith.divf %div3A_2835, %max3A_2834 : f32
    %gt3A_2837 = arith.constant 0.000000e+00 : f32
    %gt3A_2838 = arith.cmpf ogt, %get3A_2832, %gt3A_2837 : f32
    %jit3A_2839 = arith.constant 1.000000e+00 : f32
    %jit3A_2840 = arith.constant 0.000000e+00 : f32
    %select_n3A_2841 = arith.select %gt3A_2838, %jit3A_2839, %jit3A_2840 : f32
    %get3A_2842 = arith.constant 3 : index
    %get3A_2843 = arith.constant 0 : index
    %get3A_2844 = arith.constant 0 : index
    %get3A_2845 = vector.load %arg14[%get3A_2842, %get3A_2843, %get3A_2844] : memref<25x256x64xf32, #tpu.memory_space<vmem>>, vector<1x256x64xf32>
    %get3A_2846 = vector.shape_cast %get3A_2845 : vector<1x256x64xf32> to vector<256x64xf32>
    %mul3A_2847 = vector.broadcast %div3A_2836 : f32 to vector<256x64xf32>
    %mul3A_2848 = arith.mulf %get3A_2846, %mul3A_2847 : vector<256x64xf32>
    %add3A_2849 = vector.broadcast %get3A_2635 : vector<1x64xf32> to vector<256x64xf32>
    %add3A_2850 = arith.addf %mul3A_2848, %add3A_2849 : vector<256x64xf32>
    %concatenate3A_2851 = tpu.concatenate %get3A_2830, %add3A_2850 in 1 : vector<256x64xf32>, vector<256x64xf32> -> vector<256x128xf32>
    %dot_general3A_2852 = arith.constant dense<0.000000e+00> : vector<256x128xf32>
    %dot_general3A_2853 = tpu.matmul %concatenate3A_2851, %get3A_2623, %dot_general3A_2852 {dimension_numbers = #tpu.dot_dimension_numbers<[1], [0], [0], [1], [0, 0, 1, 1], [], []>, transpose_lhs_hint = false} : vector<256x128xf32>, vector<128x128xf32>, vector<256x128xf32> -> vector<256x128xf32>
    %add3A_2854 = vector.broadcast %get3A_2626 : vector<1x128xf32> to vector<256x128xf32>
    %add3A_2855 = arith.addf %dot_general3A_2853, %add3A_2854 : vector<256x128xf32>
    %max3A_2856 = arith.constant 0.000000e+00 : f32
    %max3A_2857 = vector.broadcast %max3A_2856 : f32 to vector<256x128xf32>
    %max3A_2858 = arith.maximumf %add3A_2855, %max3A_2857 : vector<256x128xf32>
    %dot_general3A_2859 = arith.constant dense<0.000000e+00> : vector<256x64xf32>
    %dot_general3A_2860 = tpu.matmul %max3A_2858, %get3A_2629, %dot_general3A_2859 {dimension_numbers = #tpu.dot_dimension_numbers<[1], [0], [0], [1], [0, 0, 1, 1], [], []>, transpose_lhs_hint = false} : vector<256x128xf32>, vector<128x64xf32>, vector<256x64xf32> -> vector<256x64xf32>
    %add3A_2861 = vector.broadcast %get3A_2632 : vector<1x64xf32> to vector<256x64xf32>
    %add3A_2862 = arith.addf %dot_general3A_2860, %add3A_2861 : vector<256x64xf32>
    %mul3A_2863 = vector.broadcast %select_n3A_2841 : f32 to vector<256x64xf32>
    %mul3A_2864 = arith.mulf %add3A_2862, %mul3A_2863 : vector<256x64xf32>
    %add3A_2865 = arith.addf %get3A_2830, %mul3A_2864 : vector<256x64xf32>
    %dot_general3A_2866 = arith.constant dense<0.000000e+00> : vector<256x64xf32>
    %dot_general3A_2867 = tpu.matmul %add3A_2865, %broadcast_in_dim3A_2643, %dot_general3A_2866 {dimension_numbers = #tpu.dot_dimension_numbers<[1], [0], [0], [1], [0, 0, 1, 1], [], []>, transpose_lhs_hint = false} : vector<256x64xf32>, vector<64x64xf32>, vector<256x64xf32> -> vector<256x64xf32>
    %mul3A_2868 = arith.mulf %add3A_2865, %add3A_2865 : vector<256x64xf32>
    %dot_general3A_2869 = arith.constant dense<0.000000e+00> : vector<256x64xf32>
    %dot_general3A_2870 = tpu.matmul %mul3A_2868, %broadcast_in_dim3A_2643, %dot_general3A_2869 {dimension_numbers = #tpu.dot_dimension_numbers<[1], [0], [0], [1], [0, 0, 1, 1], [], []>, transpose_lhs_hint = false} : vector<256x64xf32>, vector<64x64xf32>, vector<256x64xf32> -> vector<256x64xf32>
    %mul3A_2871 = arith.mulf %dot_general3A_2867, %dot_general3A_2867 : vector<256x64xf32>
    %sub3A_2872 = arith.subf %dot_general3A_2870, %mul3A_2871 : vector<256x64xf32>
    %sub3A_2873 = arith.subf %add3A_2865, %dot_general3A_2867 : vector<256x64xf32>
    %add3A_2874 = arith.constant 9.99999974E-6 : f32
    %add3A_2875 = vector.broadcast %add3A_2874 : f32 to vector<256x64xf32>
    %add3A_2876 = arith.addf %sub3A_2872, %add3A_2875 : vector<256x64xf32>
    %rsqrt3A_2877 = math.rsqrt %add3A_2876 : vector<256x64xf32>
    %mul3A_2878 = arith.mulf %sub3A_2873, %rsqrt3A_2877 : vector<256x64xf32>
    %mul3A_2879 = vector.broadcast %get3A_2638 : vector<1x64xf32> to vector<256x64xf32>
    %mul3A_2880 = arith.mulf %mul3A_2878, %mul3A_2879 : vector<256x64xf32>
    %add3A_2881 = vector.broadcast %get3A_2641 : vector<1x64xf32> to vector<256x64xf32>
    %add3A_2882 = arith.addf %mul3A_2880, %add3A_2881 : vector<256x64xf32>
    %swap3A_2883 = arith.constant 3 : index
    %swap3A_2884 = arith.constant 0 : index
    %swap3A_2885 = arith.constant 0 : index
    %swap3A_2886 = vector.load %arg12[%swap3A_2883, %swap3A_2884, %swap3A_2885] : memref<25x256x64xf32, #tpu.memory_space<vmem>>, vector<1x256x64xf32>
    %swap3A_2887 = vector.shape_cast %swap3A_2886 : vector<1x256x64xf32> to vector<256x64xf32>
    %swap3A_2888 = vector.shape_cast %add3A_2882 : vector<256x64xf32> to vector<1x256x64xf32>
    tpu.vector_store %arg12[%swap3A_2883, %swap3A_2884, %swap3A_2885], %swap3A_2888 {strides = array<i32>} : memref<25x256x64xf32, #tpu.memory_space<vmem>>, vector<1x256x64xf32>,
    %get3A_2889 = arith.constant 4 : index
    %get3A_2890 = arith.constant 0 : index
    %get3A_2891 = arith.constant 0 : index
    %get3A_2892 = vector.load %arg2[%get3A_2889, %get3A_2890, %get3A_2891] : memref<25x256x64xf32, #tpu.memory_space<vmem>>, vector<1x256x64xf32>
    %get3A_2893 = vector.shape_cast %get3A_2892 : vector<1x256x64xf32> to vector<256x64xf32>
    %get3A_2894 = arith.constant 4 : index
    %get3A_2895 = memref.load %arg15[%get3A_2894] : memref<32xf32, #tpu.memory_space<smem>>
    %max3A_2896 = arith.constant 1.000000e+00 : f32
    %max3A_2897 = arith.maximumf %get3A_2895, %max3A_2896 : f32
    %div3A_2898 = arith.constant 1.000000e+00 : f32
    %div3A_2899 = arith.divf %div3A_2898, %max3A_2897 : f32
    %gt3A_2900 = arith.constant 0.000000e+00 : f32
    %gt3A_2901 = arith.cmpf ogt, %get3A_2895, %gt3A_2900 : f32
    %jit3A_2902 = arith.constant 1.000000e+00 : f32
    %jit3A_2903 = arith.constant 0.000000e+00 : f32
    %select_n3A_2904 = arith.select %gt3A_2901, %jit3A_2902, %jit3A_2903 : f32
    %get3A_2905 = arith.constant 4 : index
    %get3A_2906 = arith.constant 0 : index
    %get3A_2907 = arith.constant 0 : index
    %get3A_2908 = vector.load %arg14[%get3A_2905, %get3A_2906, %get3A_2907] : memref<25x256x64xf32, #tpu.memory_space<vmem>>, vector<1x256x64xf32>
    %get3A_2909 = vector.shape_cast %get3A_2908 : vector<1x256x64xf32> to vector<256x64xf32>
    %mul3A_2910 = vector.broadcast %div3A_2899 : f32 to vector<256x64xf32>
    %mul3A_2911 = arith.mulf %get3A_2909, %mul3A_2910 : vector<256x64xf32>
    %add3A_2912 = vector.broadcast %get3A_2635 : vector<1x64xf32> to vector<256x64xf32>
    %add3A_2913 = arith.addf %mul3A_2911, %add3A_2912 : vector<256x64xf32>
    %concatenate3A_2914 = tpu.concatenate %get3A_2893, %add3A_2913 in 1 : vector<256x64xf32>, vector<256x64xf32> -> vector<256x128xf32>
    %dot_general3A_2915 = arith.constant dense<0.000000e+00> : vector<256x128xf32>
    %dot_general3A_2916 = tpu.matmul %concatenate3A_2914, %get3A_2623, %dot_general3A_2915 {dimension_numbers = #tpu.dot_dimension_numbers<[1], [0], [0], [1], [0, 0, 1, 1], [], []>, transpose_lhs_hint = false} : vector<256x128xf32>, vector<128x128xf32>, vector<256x128xf32> -> vector<256x128xf32>
    %add3A_2917 = vector.broadcast %get3A_2626 : vector<1x128xf32> to vector<256x128xf32>
    %add3A_2918 = arith.addf %dot_general3A_2916, %add3A_2917 : vector<256x128xf32>
    %max3A_2919 = arith.constant 0.000000e+00 : f32
    %max3A_2920 = vector.broadcast %max3A_2919 : f32 to vector<256x128xf32>
    %max3A_2921 = arith.maximumf %add3A_2918, %max3A_2920 : vector<256x128xf32>
    %dot_general3A_2922 = arith.constant dense<0.000000e+00> : vector<256x64xf32>
    %dot_general3A_2923 = tpu.matmul %max3A_2921, %get3A_2629, %dot_general3A_2922 {dimension_numbers = #tpu.dot_dimension_numbers<[1], [0], [0], [1], [0, 0, 1, 1], [], []>, transpose_lhs_hint = false} : vector<256x128xf32>, vector<128x64xf32>, vector<256x64xf32> -> vector<256x64xf32>
    %add3A_2924 = vector.broadcast %get3A_2632 : vector<1x64xf32> to vector<256x64xf32>
    %add3A_2925 = arith.addf %dot_general3A_2923, %add3A_2924 : vector<256x64xf32>
    %mul3A_2926 = vector.broadcast %select_n3A_2904 : f32 to vector<256x64xf32>
    %mul3A_2927 = arith.mulf %add3A_2925, %mul3A_2926 : vector<256x64xf32>
    %add3A_2928 = arith.addf %get3A_2893, %mul3A_2927 : vector<256x64xf32>
    %dot_general3A_2929 = arith.constant dense<0.000000e+00> : vector<256x64xf32>
    %dot_general3A_2930 = tpu.matmul %add3A_2928, %broadcast_in_dim3A_2643, %dot_general3A_2929 {dimension_numbers = #tpu.dot_dimension_numbers<[1], [0], [0], [1], [0, 0, 1, 1], [], []>, transpose_lhs_hint = false} : vector<256x64xf32>, vector<64x64xf32>, vector<256x64xf32> -> vector<256x64xf32>
    %mul3A_2931 = arith.mulf %add3A_2928, %add3A_2928 : vector<256x64xf32>
    %dot_general3A_2932 = arith.constant dense<0.000000e+00> : vector<256x64xf32>
    %dot_general3A_2933 = tpu.matmul %mul3A_2931, %broadcast_in_dim3A_2643, %dot_general3A_2932 {dimension_numbers = #tpu.dot_dimension_numbers<[1], [0], [0], [1], [0, 0, 1, 1], [], []>, transpose_lhs_hint = false} : vector<256x64xf32>, vector<64x64xf32>, vector<256x64xf32> -> vector<256x64xf32>
    %mul3A_2934 = arith.mulf %dot_general3A_2930, %dot_general3A_2930 : vector<256x64xf32>
    %sub3A_2935 = arith.subf %dot_general3A_2933, %mul3A_2934 : vector<256x64xf32>
    %sub3A_2936 = arith.subf %add3A_2928, %dot_general3A_2930 : vector<256x64xf32>
    %add3A_2937 = arith.constant 9.99999974E-6 : f32
    %add3A_2938 = vector.broadcast %add3A_2937 : f32 to vector<256x64xf32>
    %add3A_2939 = arith.addf %sub3A_2935, %add3A_2938 : vector<256x64xf32>
    %rsqrt3A_2940 = math.rsqrt %add3A_2939 : vector<256x64xf32>
    %mul3A_2941 = arith.mulf %sub3A_2936, %rsqrt3A_2940 : vector<256x64xf32>
    %mul3A_2942 = vector.broadcast %get3A_2638 : vector<1x64xf32> to vector<256x64xf32>
    %mul3A_2943 = arith.mulf %mul3A_2941, %mul3A_2942 : vector<256x64xf32>
    %add3A_2944 = vector.broadcast %get3A_2641 : vector<1x64xf32> to vector<256x64xf32>
    %add3A_2945 = arith.addf %mul3A_2943, %add3A_2944 : vector<256x64xf32>
    %swap3A_2946 = arith.constant 4 : index
    %swap3A_2947 = arith.constant 0 : index
    %swap3A_2948 = arith.constant 0 : index
    %swap3A_2949 = vector.load %arg12[%swap3A_2946, %swap3A_2947, %swap3A_2948] : memref<25x256x64xf32, #tpu.memory_space<vmem>>, vector<1x256x64xf32>
    %swap3A_2950 = vector.shape_cast %swap3A_2949 : vector<1x256x64xf32> to vector<256x64xf32>
    %swap3A_2951 = vector.shape_cast %add3A_2945 : vector<256x64xf32> to vector<1x256x64xf32>
    tpu.vector_store %arg12[%swap3A_2946, %swap3A_2947, %swap3A_2948], %swap3A_2951 {strides = array<i32>} : memref<25x256x64xf32, #tpu.memory_space<vmem>>, vector<1x256x64xf32>,
    %get3A_2952 = arith.constant 5 : index
    %get3A_2953 = arith.constant 0 : index
    %get3A_2954 = arith.constant 0 : index
    %get3A_2955 = vector.load %arg2[%get3A_2952, %get3A_2953, %get3A_2954] : memref<25x256x64xf32, #tpu.memory_space<vmem>>, vector<1x256x64xf32>
    %get3A_2956 = vector.shape_cast %get3A_2955 : vector<1x256x64xf32> to vector<256x64xf32>
    %get3A_2957 = arith.constant 5 : index
    %get3A_2958 = memref.load %arg15[%get3A_2957] : memref<32xf32, #tpu.memory_space<smem>>
    %max3A_2959 = arith.constant 1.000000e+00 : f32
    %max3A_2960 = arith.maximumf %get3A_2958, %max3A_2959 : f32
    %div3A_2961 = arith.constant 1.000000e+00 : f32
    %div3A_2962 = arith.divf %div3A_2961, %max3A_2960 : f32
    %gt3A_2963 = arith.constant 0.000000e+00 : f32
    %gt3A_2964 = arith.cmpf ogt, %get3A_2958, %gt3A_2963 : f32
    %jit3A_2965 = arith.constant 1.000000e+00 : f32
    %jit3A_2966 = arith.constant 0.000000e+00 : f32
    %select_n3A_2967 = arith.select %gt3A_2964, %jit3A_2965, %jit3A_2966 : f32
    %get3A_2968 = arith.constant 5 : index
    %get3A_2969 = arith.constant 0 : index
    %get3A_2970 = arith.constant 0 : index
    %get3A_2971 = vector.load %arg14[%get3A_2968, %get3A_2969, %get3A_2970] : memref<25x256x64xf32, #tpu.memory_space<vmem>>, vector<1x256x64xf32>
    %get3A_2972 = vector.shape_cast %get3A_2971 : vector<1x256x64xf32> to vector<256x64xf32>
    %mul3A_2973 = vector.broadcast %div3A_2962 : f32 to vector<256x64xf32>
    %mul3A_2974 = arith.mulf %get3A_2972, %mul3A_2973 : vector<256x64xf32>
    %add3A_2975 = vector.broadcast %get3A_2635 : vector<1x64xf32> to vector<256x64xf32>
    %add3A_2976 = arith.addf %mul3A_2974, %add3A_2975 : vector<256x64xf32>
    %concatenate3A_2977 = tpu.concatenate %get3A_2956, %add3A_2976 in 1 : vector<256x64xf32>, vector<256x64xf32> -> vector<256x128xf32>
    %dot_general3A_2978 = arith.constant dense<0.000000e+00> : vector<256x128xf32>
    %dot_general3A_2979 = tpu.matmul %concatenate3A_2977, %get3A_2623, %dot_general3A_2978 {dimension_numbers = #tpu.dot_dimension_numbers<[1], [0], [0], [1], [0, 0, 1, 1], [], []>, transpose_lhs_hint = false} : vector<256x128xf32>, vector<128x128xf32>, vector<256x128xf32> -> vector<256x128xf32>
    %add3A_2980 = vector.broadcast %get3A_2626 : vector<1x128xf32> to vector<256x128xf32>
    %add3A_2981 = arith.addf %dot_general3A_2979, %add3A_2980 : vector<256x128xf32>
    %max3A_2982 = arith.constant 0.000000e+00 : f32
    %max3A_2983 = vector.broadcast %max3A_2982 : f32 to vector<256x128xf32>
    %max3A_2984 = arith.maximumf %add3A_2981, %max3A_2983 : vector<256x128xf32>
    %dot_general3A_2985 = arith.constant dense<0.000000e+00> : vector<256x64xf32>
    %dot_general3A_2986 = tpu.matmul %max3A_2984, %get3A_2629, %dot_general3A_2985 {dimension_numbers = #tpu.dot_dimension_numbers<[1], [0], [0], [1], [0, 0, 1, 1], [], []>, transpose_lhs_hint = false} : vector<256x128xf32>, vector<128x64xf32>, vector<256x64xf32> -> vector<256x64xf32>
    %add3A_2987 = vector.broadcast %get3A_2632 : vector<1x64xf32> to vector<256x64xf32>
    %add3A_2988 = arith.addf %dot_general3A_2986, %add3A_2987 : vector<256x64xf32>
    %mul3A_2989 = vector.broadcast %select_n3A_2967 : f32 to vector<256x64xf32>
    %mul3A_2990 = arith.mulf %add3A_2988, %mul3A_2989 : vector<256x64xf32>
    %add3A_2991 = arith.addf %get3A_2956, %mul3A_2990 : vector<256x64xf32>
    %dot_general3A_2992 = arith.constant dense<0.000000e+00> : vector<256x64xf32>
    %dot_general3A_2993 = tpu.matmul %add3A_2991, %broadcast_in_dim3A_2643, %dot_general3A_2992 {dimension_numbers = #tpu.dot_dimension_numbers<[1], [0], [0], [1], [0, 0, 1, 1], [], []>, transpose_lhs_hint = false} : vector<256x64xf32>, vector<64x64xf32>, vector<256x64xf32> -> vector<256x64xf32>
    %mul3A_2994 = arith.mulf %add3A_2991, %add3A_2991 : vector<256x64xf32>
    %dot_general3A_2995 = arith.constant dense<0.000000e+00> : vector<256x64xf32>
    %dot_general3A_2996 = tpu.matmul %mul3A_2994, %broadcast_in_dim3A_2643, %dot_general3A_2995 {dimension_numbers = #tpu.dot_dimension_numbers<[1], [0], [0], [1], [0, 0, 1, 1], [], []>, transpose_lhs_hint = false} : vector<256x64xf32>, vector<64x64xf32>, vector<256x64xf32> -> vector<256x64xf32>
    %mul3A_2997 = arith.mulf %dot_general3A_2993, %dot_general3A_2993 : vector<256x64xf32>
    %sub3A_2998 = arith.subf %dot_general3A_2996, %mul3A_2997 : vector<256x64xf32>
    %sub3A_2999 = arith.subf %add3A_2991, %dot_general3A_2993 : vector<256x64xf32>
    %add3A_3000 = arith.constant 9.99999974E-6 : f32
    %add3A_3001 = vector.broadcast %add3A_3000 : f32 to vector<256x64xf32>
    %add3A_3002 = arith.addf %sub3A_2998, %add3A_3001 : vector<256x64xf32>
    %rsqrt3A_3003 = math.rsqrt %add3A_3002 : vector<256x64xf32>
    %mul3A_3004 = arith.mulf %sub3A_2999, %rsqrt3A_3003 : vector<256x64xf32>
    %mul3A_3005 = vector.broadcast %get3A_2638 : vector<1x64xf32> to vector<256x64xf32>
    %mul3A_3006 = arith.mulf %mul3A_3004, %mul3A_3005 : vector<256x64xf32>
    %add3A_3007 = vector.broadcast %get3A_2641 : vector<1x64xf32> to vector<256x64xf32>
    %add3A_3008 = arith.addf %mul3A_3006, %add3A_3007 : vector<256x64xf32>
    %swap3A_3009 = arith.constant 5 : index
    %swap3A_3010 = arith.constant 0 : index
    %swap3A_3011 = arith.constant 0 : index
    %swap3A_3012 = vector.load %arg12[%swap3A_3009, %swap3A_3010, %swap3A_3011] : memref<25x256x64xf32, #tpu.memory_space<vmem>>, vector<1x256x64xf32>
    %swap3A_3013 = vector.shape_cast %swap3A_3012 : vector<1x256x64xf32> to vector<256x64xf32>
    %swap3A_3014 = vector.shape_cast %add3A_3008 : vector<256x64xf32> to vector<1x256x64xf32>
    tpu.vector_store %arg12[%swap3A_3009, %swap3A_3010, %swap3A_3011], %swap3A_3014 {strides = array<i32>} : memref<25x256x64xf32, #tpu.memory_space<vmem>>, vector<1x256x64xf32>,
    %get3A_3015 = arith.constant 6 : index
    %get3A_3016 = arith.constant 0 : index
    %get3A_3017 = arith.constant 0 : index
    %get3A_3018 = vector.load %arg2[%get3A_3015, %get3A_3016, %get3A_3017] : memref<25x256x64xf32, #tpu.memory_space<vmem>>, vector<1x256x64xf32>
    %get3A_3019 = vector.shape_cast %get3A_3018 : vector<1x256x64xf32> to vector<256x64xf32>
    %get3A_3020 = arith.constant 6 : index
    %get3A_3021 = memref.load %arg15[%get3A_3020] : memref<32xf32, #tpu.memory_space<smem>>
    %max3A_3022 = arith.constant 1.000000e+00 : f32
    %max3A_3023 = arith.maximumf %get3A_3021, %max3A_3022 : f32
    %div3A_3024 = arith.constant 1.000000e+00 : f32
    %div3A_3025 = arith.divf %div3A_3024, %max3A_3023 : f32
    %gt3A_3026 = arith.constant 0.000000e+00 : f32
    %gt3A_3027 = arith.cmpf ogt, %get3A_3021, %gt3A_3026 : f32
    %jit3A_3028 = arith.constant 1.000000e+00 : f32
    %jit3A_3029 = arith.constant 0.000000e+00 : f32
    %select_n3A_3030 = arith.select %gt3A_3027, %jit3A_3028, %jit3A_3029 : f32
    %get3A_3031 = arith.constant 6 : index
    %get3A_3032 = arith.constant 0 : index
    %get3A_3033 = arith.constant 0 : index
    %get3A_3034 = vector.load %arg14[%get3A_3031, %get3A_3032, %get3A_3033] : memref<25x256x64xf32, #tpu.memory_space<vmem>>, vector<1x256x64xf32>
    %get3A_3035 = vector.shape_cast %get3A_3034 : vector<1x256x64xf32> to vector<256x64xf32>
    %mul3A_3036 = vector.broadcast %div3A_3025 : f32 to vector<256x64xf32>
    %mul3A_3037 = arith.mulf %get3A_3035, %mul3A_3036 : vector<256x64xf32>
    %add3A_3038 = vector.broadcast %get3A_2635 : vector<1x64xf32> to vector<256x64xf32>
    %add3A_3039 = arith.addf %mul3A_3037, %add3A_3038 : vector<256x64xf32>
    %concatenate3A_3040 = tpu.concatenate %get3A_3019, %add3A_3039 in 1 : vector<256x64xf32>, vector<256x64xf32> -> vector<256x128xf32>
    %dot_general3A_3041 = arith.constant dense<0.000000e+00> : vector<256x128xf32>
    %dot_general3A_3042 = tpu.matmul %concatenate3A_3040, %get3A_2623, %dot_general3A_3041 {dimension_numbers = #tpu.dot_dimension_numbers<[1], [0], [0], [1], [0, 0, 1, 1], [], []>, transpose_lhs_hint = false} : vector<256x128xf32>, vector<128x128xf32>, vector<256x128xf32> -> vector<256x128xf32>
    %add3A_3043 = vector.broadcast %get3A_2626 : vector<1x128xf32> to vector<256x128xf32>
    %add3A_3044 = arith.addf %dot_general3A_3042, %add3A_3043 : vector<256x128xf32>
    %max3A_3045 = arith.constant 0.000000e+00 : f32
    %max3A_3046 = vector.broadcast %max3A_3045 : f32 to vector<256x128xf32>
    %max3A_3047 = arith.maximumf %add3A_3044, %max3A_3046 : vector<256x128xf32>
    %dot_general3A_3048 = arith.constant dense<0.000000e+00> : vector<256x64xf32>
    %dot_general3A_3049 = tpu.matmul %max3A_3047, %get3A_2629, %dot_general3A_3048 {dimension_numbers = #tpu.dot_dimension_numbers<[1], [0], [0], [1], [0, 0, 1, 1], [], []>, transpose_lhs_hint = false} : vector<256x128xf32>, vector<128x64xf32>, vector<256x64xf32> -> vector<256x64xf32>
    %add3A_3050 = vector.broadcast %get3A_2632 : vector<1x64xf32> to vector<256x64xf32>
    %add3A_3051 = arith.addf %dot_general3A_3049, %add3A_3050 : vector<256x64xf32>
    %mul3A_3052 = vector.broadcast %select_n3A_3030 : f32 to vector<256x64xf32>
    %mul3A_3053 = arith.mulf %add3A_3051, %mul3A_3052 : vector<256x64xf32>
    %add3A_3054 = arith.addf %get3A_3019, %mul3A_3053 : vector<256x64xf32>
    %dot_general3A_3055 = arith.constant dense<0.000000e+00> : vector<256x64xf32>
    %dot_general3A_3056 = tpu.matmul %add3A_3054, %broadcast_in_dim3A_2643, %dot_general3A_3055 {dimension_numbers = #tpu.dot_dimension_numbers<[1], [0], [0], [1], [0, 0, 1, 1], [], []>, transpose_lhs_hint = false} : vector<256x64xf32>, vector<64x64xf32>, vector<256x64xf32> -> vector<256x64xf32>
    %mul3A_3057 = arith.mulf %add3A_3054, %add3A_3054 : vector<256x64xf32>
    %dot_general3A_3058 = arith.constant dense<0.000000e+00> : vector<256x64xf32>
    %dot_general3A_3059 = tpu.matmul %mul3A_3057, %broadcast_in_dim3A_2643, %dot_general3A_3058 {dimension_numbers = #tpu.dot_dimension_numbers<[1], [0], [0], [1], [0, 0, 1, 1], [], []>, transpose_lhs_hint = false} : vector<256x64xf32>, vector<64x64xf32>, vector<256x64xf32> -> vector<256x64xf32>
    %mul3A_3060 = arith.mulf %dot_general3A_3056, %dot_general3A_3056 : vector<256x64xf32>
    %sub3A_3061 = arith.subf %dot_general3A_3059, %mul3A_3060 : vector<256x64xf32>
    %sub3A_3062 = arith.subf %add3A_3054, %dot_general3A_3056 : vector<256x64xf32>
    %add3A_3063 = arith.constant 9.99999974E-6 : f32
    %add3A_3064 = vector.broadcast %add3A_3063 : f32 to vector<256x64xf32>
    %add3A_3065 = arith.addf %sub3A_3061, %add3A_3064 : vector<256x64xf32>
    %rsqrt3A_3066 = math.rsqrt %add3A_3065 : vector<256x64xf32>
    %mul3A_3067 = arith.mulf %sub3A_3062, %rsqrt3A_3066 : vector<256x64xf32>
    %mul3A_3068 = vector.broadcast %get3A_2638 : vector<1x64xf32> to vector<256x64xf32>
    %mul3A_3069 = arith.mulf %mul3A_3067, %mul3A_3068 : vector<256x64xf32>
    %add3A_3070 = vector.broadcast %get3A_2641 : vector<1x64xf32> to vector<256x64xf32>
    %add3A_3071 = arith.addf %mul3A_3069, %add3A_3070 : vector<256x64xf32>
    %swap3A_3072 = arith.constant 6 : index
    %swap3A_3073 = arith.constant 0 : index
    %swap3A_3074 = arith.constant 0 : index
    %swap3A_3075 = vector.load %arg12[%swap3A_3072, %swap3A_3073, %swap3A_3074] : memref<25x256x64xf32, #tpu.memory_space<vmem>>, vector<1x256x64xf32>
    %swap3A_3076 = vector.shape_cast %swap3A_3075 : vector<1x256x64xf32> to vector<256x64xf32>
    %swap3A_3077 = vector.shape_cast %add3A_3071 : vector<256x64xf32> to vector<1x256x64xf32>
    tpu.vector_store %arg12[%swap3A_3072, %swap3A_3073, %swap3A_3074], %swap3A_3077 {strides = array<i32>} : memref<25x256x64xf32, #tpu.memory_space<vmem>>, vector<1x256x64xf32>,
    %get3A_3078 = arith.constant 7 : index
    %get3A_3079 = arith.constant 0 : index
    %get3A_3080 = arith.constant 0 : index
    %get3A_3081 = vector.load %arg2[%get3A_3078, %get3A_3079, %get3A_3080] : memref<25x256x64xf32, #tpu.memory_space<vmem>>, vector<1x256x64xf32>
    %get3A_3082 = vector.shape_cast %get3A_3081 : vector<1x256x64xf32> to vector<256x64xf32>
    %get3A_3083 = arith.constant 7 : index
    %get3A_3084 = memref.load %arg15[%get3A_3083] : memref<32xf32, #tpu.memory_space<smem>>
    %max3A_3085 = arith.constant 1.000000e+00 : f32
    %max3A_3086 = arith.maximumf %get3A_3084, %max3A_3085 : f32
    %div3A_3087 = arith.constant 1.000000e+00 : f32
    %div3A_3088 = arith.divf %div3A_3087, %max3A_3086 : f32
    %gt3A_3089 = arith.constant 0.000000e+00 : f32
    %gt3A_3090 = arith.cmpf ogt, %get3A_3084, %gt3A_3089 : f32
    %jit3A_3091 = arith.constant 1.000000e+00 : f32
    %jit3A_3092 = arith.constant 0.000000e+00 : f32
    %select_n3A_3093 = arith.select %gt3A_3090, %jit3A_3091, %jit3A_3092 : f32
    %get3A_3094 = arith.constant 7 : index
    %get3A_3095 = arith.constant 0 : index
    %get3A_3096 = arith.constant 0 : index
    %get3A_3097 = vector.load %arg14[%get3A_3094, %get3A_3095, %get3A_3096] : memref<25x256x64xf32, #tpu.memory_space<vmem>>, vector<1x256x64xf32>
    %get3A_3098 = vector.shape_cast %get3A_3097 : vector<1x256x64xf32> to vector<256x64xf32>
    %mul3A_3099 = vector.broadcast %div3A_3088 : f32 to vector<256x64xf32>
    %mul3A_3100 = arith.mulf %get3A_3098, %mul3A_3099 : vector<256x64xf32>
    %add3A_3101 = vector.broadcast %get3A_2635 : vector<1x64xf32> to vector<256x64xf32>
    %add3A_3102 = arith.addf %mul3A_3100, %add3A_3101 : vector<256x64xf32>
    %concatenate3A_3103 = tpu.concatenate %get3A_3082, %add3A_3102 in 1 : vector<256x64xf32>, vector<256x64xf32> -> vector<256x128xf32>
    %dot_general3A_3104 = arith.constant dense<0.000000e+00> : vector<256x128xf32>
    %dot_general3A_3105 = tpu.matmul %concatenate3A_3103, %get3A_2623, %dot_general3A_3104 {dimension_numbers = #tpu.dot_dimension_numbers<[1], [0], [0], [1], [0, 0, 1, 1], [], []>, transpose_lhs_hint = false} : vector<256x128xf32>, vector<128x128xf32>, vector<256x128xf32> -> vector<256x128xf32>
    %add3A_3106 = vector.broadcast %get3A_2626 : vector<1x128xf32> to vector<256x128xf32>
    %add3A_3107 = arith.addf %dot_general3A_3105, %add3A_3106 : vector<256x128xf32>
    %max3A_3108 = arith.constant 0.000000e+00 : f32
    %max3A_3109 = vector.broadcast %max3A_3108 : f32 to vector<256x128xf32>
    %max3A_3110 = arith.maximumf %add3A_3107, %max3A_3109 : vector<256x128xf32>
    %dot_general3A_3111 = arith.constant dense<0.000000e+00> : vector<256x64xf32>
    %dot_general3A_3112 = tpu.matmul %max3A_3110, %get3A_2629, %dot_general3A_3111 {dimension_numbers = #tpu.dot_dimension_numbers<[1], [0], [0], [1], [0, 0, 1, 1], [], []>, transpose_lhs_hint = false} : vector<256x128xf32>, vector<128x64xf32>, vector<256x64xf32> -> vector<256x64xf32>
    %add3A_3113 = vector.broadcast %get3A_2632 : vector<1x64xf32> to vector<256x64xf32>
    %add3A_3114 = arith.addf %dot_general3A_3112, %add3A_3113 : vector<256x64xf32>
    %mul3A_3115 = vector.broadcast %select_n3A_3093 : f32 to vector<256x64xf32>
    %mul3A_3116 = arith.mulf %add3A_3114, %mul3A_3115 : vector<256x64xf32>
    %add3A_3117 = arith.addf %get3A_3082, %mul3A_3116 : vector<256x64xf32>
    %dot_general3A_3118 = arith.constant dense<0.000000e+00> : vector<256x64xf32>
    %dot_general3A_3119 = tpu.matmul %add3A_3117, %broadcast_in_dim3A_2643, %dot_general3A_3118 {dimension_numbers = #tpu.dot_dimension_numbers<[1], [0], [0], [1], [0, 0, 1, 1], [], []>, transpose_lhs_hint = false} : vector<256x64xf32>, vector<64x64xf32>, vector<256x64xf32> -> vector<256x64xf32>
    %mul3A_3120 = arith.mulf %add3A_3117, %add3A_3117 : vector<256x64xf32>
    %dot_general3A_3121 = arith.constant dense<0.000000e+00> : vector<256x64xf32>
    %dot_general3A_3122 = tpu.matmul %mul3A_3120, %broadcast_in_dim3A_2643, %dot_general3A_3121 {dimension_numbers = #tpu.dot_dimension_numbers<[1], [0], [0], [1], [0, 0, 1, 1], [], []>, transpose_lhs_hint = false} : vector<256x64xf32>, vector<64x64xf32>, vector<256x64xf32> -> vector<256x64xf32>
    %mul3A_3123 = arith.mulf %dot_general3A_3119, %dot_general3A_3119 : vector<256x64xf32>
    %sub3A_3124 = arith.subf %dot_general3A_3122, %mul3A_3123 : vector<256x64xf32>
    %sub3A_3125 = arith.subf %add3A_3117, %dot_general3A_3119 : vector<256x64xf32>
    %add3A_3126 = arith.constant 9.99999974E-6 : f32
    %add3A_3127 = vector.broadcast %add3A_3126 : f32 to vector<256x64xf32>
    %add3A_3128 = arith.addf %sub3A_3124, %add3A_3127 : vector<256x64xf32>
    %rsqrt3A_3129 = math.rsqrt %add3A_3128 : vector<256x64xf32>
    %mul3A_3130 = arith.mulf %sub3A_3125, %rsqrt3A_3129 : vector<256x64xf32>
    %mul3A_3131 = vector.broadcast %get3A_2638 : vector<1x64xf32> to vector<256x64xf32>
    %mul3A_3132 = arith.mulf %mul3A_3130, %mul3A_3131 : vector<256x64xf32>
    %add3A_3133 = vector.broadcast %get3A_2641 : vector<1x64xf32> to vector<256x64xf32>
    %add3A_3134 = arith.addf %mul3A_3132, %add3A_3133 : vector<256x64xf32>
    %swap3A_3135 = arith.constant 7 : index
    %swap3A_3136 = arith.constant 0 : index
    %swap3A_3137 = arith.constant 0 : index
    %swap3A_3138 = vector.load %arg12[%swap3A_3135, %swap3A_3136, %swap3A_3137] : memref<25x256x64xf32, #tpu.memory_space<vmem>>, vector<1x256x64xf32>
    %swap3A_3139 = vector.shape_cast %swap3A_3138 : vector<1x256x64xf32> to vector<256x64xf32>
    %swap3A_3140 = vector.shape_cast %add3A_3134 : vector<256x64xf32> to vector<1x256x64xf32>
    tpu.vector_store %arg12[%swap3A_3135, %swap3A_3136, %swap3A_3137], %swap3A_3140 {strides = array<i32>} : memref<25x256x64xf32, #tpu.memory_space<vmem>>, vector<1x256x64xf32>,
    %get3A_3141 = arith.constant 8 : index
    %get3A_3142 = arith.constant 0 : index
    %get3A_3143 = arith.constant 0 : index
    %get3A_3144 = vector.load %arg2[%get3A_3141, %get3A_3142, %get3A_3143] : memref<25x256x64xf32, #tpu.memory_space<vmem>>, vector<1x256x64xf32>
    %get3A_3145 = vector.shape_cast %get3A_3144 : vector<1x256x64xf32> to vector<256x64xf32>
    %get3A_3146 = arith.constant 8 : index
    %get3A_3147 = memref.load %arg15[%get3A_3146] : memref<32xf32, #tpu.memory_space<smem>>
    %max3A_3148 = arith.constant 1.000000e+00 : f32
    %max3A_3149 = arith.maximumf %get3A_3147, %max3A_3148 : f32
    %div3A_3150 = arith.constant 1.000000e+00 : f32
    %div3A_3151 = arith.divf %div3A_3150, %max3A_3149 : f32
    %gt3A_3152 = arith.constant 0.000000e+00 : f32
    %gt3A_3153 = arith.cmpf ogt, %get3A_3147, %gt3A_3152 : f32
    %jit3A_3154 = arith.constant 1.000000e+00 : f32
    %jit3A_3155 = arith.constant 0.000000e+00 : f32
    %select_n3A_3156 = arith.select %gt3A_3153, %jit3A_3154, %jit3A_3155 : f32
    %get3A_3157 = arith.constant 8 : index
    %get3A_3158 = arith.constant 0 : index
    %get3A_3159 = arith.constant 0 : index
    %get3A_3160 = vector.load %arg14[%get3A_3157, %get3A_3158, %get3A_3159] : memref<25x256x64xf32, #tpu.memory_space<vmem>>, vector<1x256x64xf32>
    %get3A_3161 = vector.shape_cast %get3A_3160 : vector<1x256x64xf32> to vector<256x64xf32>
    %mul3A_3162 = vector.broadcast %div3A_3151 : f32 to vector<256x64xf32>
    %mul3A_3163 = arith.mulf %get3A_3161, %mul3A_3162 : vector<256x64xf32>
    %add3A_3164 = vector.broadcast %get3A_2635 : vector<1x64xf32> to vector<256x64xf32>
    %add3A_3165 = arith.addf %mul3A_3163, %add3A_3164 : vector<256x64xf32>
    %concatenate3A_3166 = tpu.concatenate %get3A_3145, %add3A_3165 in 1 : vector<256x64xf32>, vector<256x64xf32> -> vector<256x128xf32>
    %dot_general3A_3167 = arith.constant dense<0.000000e+00> : vector<256x128xf32>
    %dot_general3A_3168 = tpu.matmul %concatenate3A_3166, %get3A_2623, %dot_general3A_3167 {dimension_numbers = #tpu.dot_dimension_numbers<[1], [0], [0], [1], [0, 0, 1, 1], [], []>, transpose_lhs_hint = false} : vector<256x128xf32>, vector<128x128xf32>, vector<256x128xf32> -> vector<256x128xf32>
    %add3A_3169 = vector.broadcast %get3A_2626 : vector<1x128xf32> to vector<256x128xf32>
    %add3A_3170 = arith.addf %dot_general3A_3168, %add3A_3169 : vector<256x128xf32>
    %max3A_3171 = arith.constant 0.000000e+00 : f32
    %max3A_3172 = vector.broadcast %max3A_3171 : f32 to vector<256x128xf32>
    %max3A_3173 = arith.maximumf %add3A_3170, %max3A_3172 : vector<256x128xf32>
    %dot_general3A_3174 = arith.constant dense<0.000000e+00> : vector<256x64xf32>
    %dot_general3A_3175 = tpu.matmul %max3A_3173, %get3A_2629, %dot_general3A_3174 {dimension_numbers = #tpu.dot_dimension_numbers<[1], [0], [0], [1], [0, 0, 1, 1], [], []>, transpose_lhs_hint = false} : vector<256x128xf32>, vector<128x64xf32>, vector<256x64xf32> -> vector<256x64xf32>
    %add3A_3176 = vector.broadcast %get3A_2632 : vector<1x64xf32> to vector<256x64xf32>
    %add3A_3177 = arith.addf %dot_general3A_3175, %add3A_3176 : vector<256x64xf32>
    %mul3A_3178 = vector.broadcast %select_n3A_3156 : f32 to vector<256x64xf32>
    %mul3A_3179 = arith.mulf %add3A_3177, %mul3A_3178 : vector<256x64xf32>
    %add3A_3180 = arith.addf %get3A_3145, %mul3A_3179 : vector<256x64xf32>
    %dot_general3A_3181 = arith.constant dense<0.000000e+00> : vector<256x64xf32>
    %dot_general3A_3182 = tpu.matmul %add3A_3180, %broadcast_in_dim3A_2643, %dot_general3A_3181 {dimension_numbers = #tpu.dot_dimension_numbers<[1], [0], [0], [1], [0, 0, 1, 1], [], []>, transpose_lhs_hint = false} : vector<256x64xf32>, vector<64x64xf32>, vector<256x64xf32> -> vector<256x64xf32>
    %mul3A_3183 = arith.mulf %add3A_3180, %add3A_3180 : vector<256x64xf32>
    %dot_general3A_3184 = arith.constant dense<0.000000e+00> : vector<256x64xf32>
    %dot_general3A_3185 = tpu.matmul %mul3A_3183, %broadcast_in_dim3A_2643, %dot_general3A_3184 {dimension_numbers = #tpu.dot_dimension_numbers<[1], [0], [0], [1], [0, 0, 1, 1], [], []>, transpose_lhs_hint = false} : vector<256x64xf32>, vector<64x64xf32>, vector<256x64xf32> -> vector<256x64xf32>
    %mul3A_3186 = arith.mulf %dot_general3A_3182, %dot_general3A_3182 : vector<256x64xf32>
    %sub3A_3187 = arith.subf %dot_general3A_3185, %mul3A_3186 : vector<256x64xf32>
    %sub3A_3188 = arith.subf %add3A_3180, %dot_general3A_3182 : vector<256x64xf32>
    %add3A_3189 = arith.constant 9.99999974E-6 : f32
    %add3A_3190 = vector.broadcast %add3A_3189 : f32 to vector<256x64xf32>
    %add3A_3191 = arith.addf %sub3A_3187, %add3A_3190 : vector<256x64xf32>
    %rsqrt3A_3192 = math.rsqrt %add3A_3191 : vector<256x64xf32>
    %mul3A_3193 = arith.mulf %sub3A_3188, %rsqrt3A_3192 : vector<256x64xf32>
    %mul3A_3194 = vector.broadcast %get3A_2638 : vector<1x64xf32> to vector<256x64xf32>
    %mul3A_3195 = arith.mulf %mul3A_3193, %mul3A_3194 : vector<256x64xf32>
    %add3A_3196 = vector.broadcast %get3A_2641 : vector<1x64xf32> to vector<256x64xf32>
    %add3A_3197 = arith.addf %mul3A_3195, %add3A_3196 : vector<256x64xf32>
    %swap3A_3198 = arith.constant 8 : index
    %swap3A_3199 = arith.constant 0 : index
    %swap3A_3200 = arith.constant 0 : index
    %swap3A_3201 = vector.load %arg12[%swap3A_3198, %swap3A_3199, %swap3A_3200] : memref<25x256x64xf32, #tpu.memory_space<vmem>>, vector<1x256x64xf32>
    %swap3A_3202 = vector.shape_cast %swap3A_3201 : vector<1x256x64xf32> to vector<256x64xf32>
    %swap3A_3203 = vector.shape_cast %add3A_3197 : vector<256x64xf32> to vector<1x256x64xf32>
    tpu.vector_store %arg12[%swap3A_3198, %swap3A_3199, %swap3A_3200], %swap3A_3203 {strides = array<i32>} : memref<25x256x64xf32, #tpu.memory_space<vmem>>, vector<1x256x64xf32>,
    %get3A_3204 = arith.constant 9 : index
    %get3A_3205 = arith.constant 0 : index
    %get3A_3206 = arith.constant 0 : index
    %get3A_3207 = vector.load %arg2[%get3A_3204, %get3A_3205, %get3A_3206] : memref<25x256x64xf32, #tpu.memory_space<vmem>>, vector<1x256x64xf32>
    %get3A_3208 = vector.shape_cast %get3A_3207 : vector<1x256x64xf32> to vector<256x64xf32>
    %get3A_3209 = arith.constant 9 : index
    %get3A_3210 = memref.load %arg15[%get3A_3209] : memref<32xf32, #tpu.memory_space<smem>>
    %max3A_3211 = arith.constant 1.000000e+00 : f32
    %max3A_3212 = arith.maximumf %get3A_3210, %max3A_3211 : f32
    %div3A_3213 = arith.constant 1.000000e+00 : f32
    %div3A_3214 = arith.divf %div3A_3213, %max3A_3212 : f32
    %gt3A_3215 = arith.constant 0.000000e+00 : f32
    %gt3A_3216 = arith.cmpf ogt, %get3A_3210, %gt3A_3215 : f32
    %jit3A_3217 = arith.constant 1.000000e+00 : f32
    %jit3A_3218 = arith.constant 0.000000e+00 : f32
    %select_n3A_3219 = arith.select %gt3A_3216, %jit3A_3217, %jit3A_3218 : f32
    %get3A_3220 = arith.constant 9 : index
    %get3A_3221 = arith.constant 0 : index
    %get3A_3222 = arith.constant 0 : index
    %get3A_3223 = vector.load %arg14[%get3A_3220, %get3A_3221, %get3A_3222] : memref<25x256x64xf32, #tpu.memory_space<vmem>>, vector<1x256x64xf32>
    %get3A_3224 = vector.shape_cast %get3A_3223 : vector<1x256x64xf32> to vector<256x64xf32>
    %mul3A_3225 = vector.broadcast %div3A_3214 : f32 to vector<256x64xf32>
    %mul3A_3226 = arith.mulf %get3A_3224, %mul3A_3225 : vector<256x64xf32>
    %add3A_3227 = vector.broadcast %get3A_2635 : vector<1x64xf32> to vector<256x64xf32>
    %add3A_3228 = arith.addf %mul3A_3226, %add3A_3227 : vector<256x64xf32>
    %concatenate3A_3229 = tpu.concatenate %get3A_3208, %add3A_3228 in 1 : vector<256x64xf32>, vector<256x64xf32> -> vector<256x128xf32>
    %dot_general3A_3230 = arith.constant dense<0.000000e+00> : vector<256x128xf32>
    %dot_general3A_3231 = tpu.matmul %concatenate3A_3229, %get3A_2623, %dot_general3A_3230 {dimension_numbers = #tpu.dot_dimension_numbers<[1], [0], [0], [1], [0, 0, 1, 1], [], []>, transpose_lhs_hint = false} : vector<256x128xf32>, vector<128x128xf32>, vector<256x128xf32> -> vector<256x128xf32>
    %add3A_3232 = vector.broadcast %get3A_2626 : vector<1x128xf32> to vector<256x128xf32>
    %add3A_3233 = arith.addf %dot_general3A_3231, %add3A_3232 : vector<256x128xf32>
    %max3A_3234 = arith.constant 0.000000e+00 : f32
    %max3A_3235 = vector.broadcast %max3A_3234 : f32 to vector<256x128xf32>
    %max3A_3236 = arith.maximumf %add3A_3233, %max3A_3235 : vector<256x128xf32>
    %dot_general3A_3237 = arith.constant dense<0.000000e+00> : vector<256x64xf32>
    %dot_general3A_3238 = tpu.matmul %max3A_3236, %get3A_2629, %dot_general3A_3237 {dimension_numbers = #tpu.dot_dimension_numbers<[1], [0], [0], [1], [0, 0, 1, 1], [], []>, transpose_lhs_hint = false} : vector<256x128xf32>, vector<128x64xf32>, vector<256x64xf32> -> vector<256x64xf32>
    %add3A_3239 = vector.broadcast %get3A_2632 : vector<1x64xf32> to vector<256x64xf32>
    %add3A_3240 = arith.addf %dot_general3A_3238, %add3A_3239 : vector<256x64xf32>
    %mul3A_3241 = vector.broadcast %select_n3A_3219 : f32 to vector<256x64xf32>
    %mul3A_3242 = arith.mulf %add3A_3240, %mul3A_3241 : vector<256x64xf32>
    %add3A_3243 = arith.addf %get3A_3208, %mul3A_3242 : vector<256x64xf32>
    %dot_general3A_3244 = arith.constant dense<0.000000e+00> : vector<256x64xf32>
    %dot_general3A_3245 = tpu.matmul %add3A_3243, %broadcast_in_dim3A_2643, %dot_general3A_3244 {dimension_numbers = #tpu.dot_dimension_numbers<[1], [0], [0], [1], [0, 0, 1, 1], [], []>, transpose_lhs_hint = false} : vector<256x64xf32>, vector<64x64xf32>, vector<256x64xf32> -> vector<256x64xf32>
    %mul3A_3246 = arith.mulf %add3A_3243, %add3A_3243 : vector<256x64xf32>
    %dot_general3A_3247 = arith.constant dense<0.000000e+00> : vector<256x64xf32>
    %dot_general3A_3248 = tpu.matmul %mul3A_3246, %broadcast_in_dim3A_2643, %dot_general3A_3247 {dimension_numbers = #tpu.dot_dimension_numbers<[1], [0], [0], [1], [0, 0, 1, 1], [], []>, transpose_lhs_hint = false} : vector<256x64xf32>, vector<64x64xf32>, vector<256x64xf32> -> vector<256x64xf32>
    %mul3A_3249 = arith.mulf %dot_general3A_3245, %dot_general3A_3245 : vector<256x64xf32>
    %sub3A_3250 = arith.subf %dot_general3A_3248, %mul3A_3249 : vector<256x64xf32>
    %sub3A_3251 = arith.subf %add3A_3243, %dot_general3A_3245 : vector<256x64xf32>
    %add3A_3252 = arith.constant 9.99999974E-6 : f32
    %add3A_3253 = vector.broadcast %add3A_3252 : f32 to vector<256x64xf32>
    %add3A_3254 = arith.addf %sub3A_3250, %add3A_3253 : vector<256x64xf32>
    %rsqrt3A_3255 = math.rsqrt %add3A_3254 : vector<256x64xf32>
    %mul3A_3256 = arith.mulf %sub3A_3251, %rsqrt3A_3255 : vector<256x64xf32>
    %mul3A_3257 = vector.broadcast %get3A_2638 : vector<1x64xf32> to vector<256x64xf32>
    %mul3A_3258 = arith.mulf %mul3A_3256, %mul3A_3257 : vector<256x64xf32>
    %add3A_3259 = vector.broadcast %get3A_2641 : vector<1x64xf32> to vector<256x64xf32>
    %add3A_3260 = arith.addf %mul3A_3258, %add3A_3259 : vector<256x64xf32>
    %swap3A_3261 = arith.constant 9 : index
    %swap3A_3262 = arith.constant 0 : index
    %swap3A_3263 = arith.constant 0 : index
    %swap3A_3264 = vector.load %arg12[%swap3A_3261, %swap3A_3262, %swap3A_3263] : memref<25x256x64xf32, #tpu.memory_space<vmem>>, vector<1x256x64xf32>
    %swap3A_3265 = vector.shape_cast %swap3A_3264 : vector<1x256x64xf32> to vector<256x64xf32>
    %swap3A_3266 = vector.shape_cast %add3A_3260 : vector<256x64xf32> to vector<1x256x64xf32>
    tpu.vector_store %arg12[%swap3A_3261, %swap3A_3262, %swap3A_3263], %swap3A_3266 {strides = array<i32>} : memref<25x256x64xf32, #tpu.memory_space<vmem>>, vector<1x256x64xf32>,
    %get3A_3267 = arith.constant 10 : index
    %get3A_3268 = arith.constant 0 : index
    %get3A_3269 = arith.constant 0 : index
    %get3A_3270 = vector.load %arg2[%get3A_3267, %get3A_3268, %get3A_3269] : memref<25x256x64xf32, #tpu.memory_space<vmem>>, vector<1x256x64xf32>
    %get3A_3271 = vector.shape_cast %get3A_3270 : vector<1x256x64xf32> to vector<256x64xf32>
    %get3A_3272 = arith.constant 10 : index
    %get3A_3273 = memref.load %arg15[%get3A_3272] : memref<32xf32, #tpu.memory_space<smem>>
    %max3A_3274 = arith.constant 1.000000e+00 : f32
    %max3A_3275 = arith.maximumf %get3A_3273, %max3A_3274 : f32
    %div3A_3276 = arith.constant 1.000000e+00 : f32
    %div3A_3277 = arith.divf %div3A_3276, %max3A_3275 : f32
    %gt3A_3278 = arith.constant 0.000000e+00 : f32
    %gt3A_3279 = arith.cmpf ogt, %get3A_3273, %gt3A_3278 : f32
    %jit3A_3280 = arith.constant 1.000000e+00 : f32
    %jit3A_3281 = arith.constant 0.000000e+00 : f32
    %select_n3A_3282 = arith.select %gt3A_3279, %jit3A_3280, %jit3A_3281 : f32
    %get3A_3283 = arith.constant 10 : index
    %get3A_3284 = arith.constant 0 : index
    %get3A_3285 = arith.constant 0 : index
    %get3A_3286 = vector.load %arg14[%get3A_3283, %get3A_3284, %get3A_3285] : memref<25x256x64xf32, #tpu.memory_space<vmem>>, vector<1x256x64xf32>
    %get3A_3287 = vector.shape_cast %get3A_3286 : vector<1x256x64xf32> to vector<256x64xf32>
    %mul3A_3288 = vector.broadcast %div3A_3277 : f32 to vector<256x64xf32>
    %mul3A_3289 = arith.mulf %get3A_3287, %mul3A_3288 : vector<256x64xf32>
    %add3A_3290 = vector.broadcast %get3A_2635 : vector<1x64xf32> to vector<256x64xf32>
    %add3A_3291 = arith.addf %mul3A_3289, %add3A_3290 : vector<256x64xf32>
    %concatenate3A_3292 = tpu.concatenate %get3A_3271, %add3A_3291 in 1 : vector<256x64xf32>, vector<256x64xf32> -> vector<256x128xf32>
    %dot_general3A_3293 = arith.constant dense<0.000000e+00> : vector<256x128xf32>
    %dot_general3A_3294 = tpu.matmul %concatenate3A_3292, %get3A_2623, %dot_general3A_3293 {dimension_numbers = #tpu.dot_dimension_numbers<[1], [0], [0], [1], [0, 0, 1, 1], [], []>, transpose_lhs_hint = false} : vector<256x128xf32>, vector<128x128xf32>, vector<256x128xf32> -> vector<256x128xf32>
    %add3A_3295 = vector.broadcast %get3A_2626 : vector<1x128xf32> to vector<256x128xf32>
    %add3A_3296 = arith.addf %dot_general3A_3294, %add3A_3295 : vector<256x128xf32>
    %max3A_3297 = arith.constant 0.000000e+00 : f32
    %max3A_3298 = vector.broadcast %max3A_3297 : f32 to vector<256x128xf32>
    %max3A_3299 = arith.maximumf %add3A_3296, %max3A_3298 : vector<256x128xf32>
    %dot_general3A_3300 = arith.constant dense<0.000000e+00> : vector<256x64xf32>
    %dot_general3A_3301 = tpu.matmul %max3A_3299, %get3A_2629, %dot_general3A_3300 {dimension_numbers = #tpu.dot_dimension_numbers<[1], [0], [0], [1], [0, 0, 1, 1], [], []>, transpose_lhs_hint = false} : vector<256x128xf32>, vector<128x64xf32>, vector<256x64xf32> -> vector<256x64xf32>
    %add3A_3302 = vector.broadcast %get3A_2632 : vector<1x64xf32> to vector<256x64xf32>
    %add3A_3303 = arith.addf %dot_general3A_3301, %add3A_3302 : vector<256x64xf32>
    %mul3A_3304 = vector.broadcast %select_n3A_3282 : f32 to vector<256x64xf32>
    %mul3A_3305 = arith.mulf %add3A_3303, %mul3A_3304 : vector<256x64xf32>
    %add3A_3306 = arith.addf %get3A_3271, %mul3A_3305 : vector<256x64xf32>
    %dot_general3A_3307 = arith.constant dense<0.000000e+00> : vector<256x64xf32>
    %dot_general3A_3308 = tpu.matmul %add3A_3306, %broadcast_in_dim3A_2643, %dot_general3A_3307 {dimension_numbers = #tpu.dot_dimension_numbers<[1], [0], [0], [1], [0, 0, 1, 1], [], []>, transpose_lhs_hint = false} : vector<256x64xf32>, vector<64x64xf32>, vector<256x64xf32> -> vector<256x64xf32>
    %mul3A_3309 = arith.mulf %add3A_3306, %add3A_3306 : vector<256x64xf32>
    %dot_general3A_3310 = arith.constant dense<0.000000e+00> : vector<256x64xf32>
    %dot_general3A_3311 = tpu.matmul %mul3A_3309, %broadcast_in_dim3A_2643, %dot_general3A_3310 {dimension_numbers = #tpu.dot_dimension_numbers<[1], [0], [0], [1], [0, 0, 1, 1], [], []>, transpose_lhs_hint = false} : vector<256x64xf32>, vector<64x64xf32>, vector<256x64xf32> -> vector<256x64xf32>
    %mul3A_3312 = arith.mulf %dot_general3A_3308, %dot_general3A_3308 : vector<256x64xf32>
    %sub3A_3313 = arith.subf %dot_general3A_3311, %mul3A_3312 : vector<256x64xf32>
    %sub3A_3314 = arith.subf %add3A_3306, %dot_general3A_3308 : vector<256x64xf32>
    %add3A_3315 = arith.constant 9.99999974E-6 : f32
    %add3A_3316 = vector.broadcast %add3A_3315 : f32 to vector<256x64xf32>
    %add3A_3317 = arith.addf %sub3A_3313, %add3A_3316 : vector<256x64xf32>
    %rsqrt3A_3318 = math.rsqrt %add3A_3317 : vector<256x64xf32>
    %mul3A_3319 = arith.mulf %sub3A_3314, %rsqrt3A_3318 : vector<256x64xf32>
    %mul3A_3320 = vector.broadcast %get3A_2638 : vector<1x64xf32> to vector<256x64xf32>
    %mul3A_3321 = arith.mulf %mul3A_3319, %mul3A_3320 : vector<256x64xf32>
    %add3A_3322 = vector.broadcast %get3A_2641 : vector<1x64xf32> to vector<256x64xf32>
    %add3A_3323 = arith.addf %mul3A_3321, %add3A_3322 : vector<256x64xf32>
    %swap3A_3324 = arith.constant 10 : index
    %swap3A_3325 = arith.constant 0 : index
    %swap3A_3326 = arith.constant 0 : index
    %swap3A_3327 = vector.load %arg12[%swap3A_3324, %swap3A_3325, %swap3A_3326] : memref<25x256x64xf32, #tpu.memory_space<vmem>>, vector<1x256x64xf32>
    %swap3A_3328 = vector.shape_cast %swap3A_3327 : vector<1x256x64xf32> to vector<256x64xf32>
    %swap3A_3329 = vector.shape_cast %add3A_3323 : vector<256x64xf32> to vector<1x256x64xf32>
    tpu.vector_store %arg12[%swap3A_3324, %swap3A_3325, %swap3A_3326], %swap3A_3329 {strides = array<i32>} : memref<25x256x64xf32, #tpu.memory_space<vmem>>, vector<1x256x64xf32>,
    %get3A_3330 = arith.constant 11 : index
    %get3A_3331 = arith.constant 0 : index
    %get3A_3332 = arith.constant 0 : index
    %get3A_3333 = vector.load %arg2[%get3A_3330, %get3A_3331, %get3A_3332] : memref<25x256x64xf32, #tpu.memory_space<vmem>>, vector<1x256x64xf32>
    %get3A_3334 = vector.shape_cast %get3A_3333 : vector<1x256x64xf32> to vector<256x64xf32>
    %get3A_3335 = arith.constant 11 : index
    %get3A_3336 = memref.load %arg15[%get3A_3335] : memref<32xf32, #tpu.memory_space<smem>>
    %max3A_3337 = arith.constant 1.000000e+00 : f32
    %max3A_3338 = arith.maximumf %get3A_3336, %max3A_3337 : f32
    %div3A_3339 = arith.constant 1.000000e+00 : f32
    %div3A_3340 = arith.divf %div3A_3339, %max3A_3338 : f32
    %gt3A_3341 = arith.constant 0.000000e+00 : f32
    %gt3A_3342 = arith.cmpf ogt, %get3A_3336, %gt3A_3341 : f32
    %jit3A_3343 = arith.constant 1.000000e+00 : f32
    %jit3A_3344 = arith.constant 0.000000e+00 : f32
    %select_n3A_3345 = arith.select %gt3A_3342, %jit3A_3343, %jit3A_3344 : f32
    %get3A_3346 = arith.constant 11 : index
    %get3A_3347 = arith.constant 0 : index
    %get3A_3348 = arith.constant 0 : index
    %get3A_3349 = vector.load %arg14[%get3A_3346, %get3A_3347, %get3A_3348] : memref<25x256x64xf32, #tpu.memory_space<vmem>>, vector<1x256x64xf32>
    %get3A_3350 = vector.shape_cast %get3A_3349 : vector<1x256x64xf32> to vector<256x64xf32>
    %mul3A_3351 = vector.broadcast %div3A_3340 : f32 to vector<256x64xf32>
    %mul3A_3352 = arith.mulf %get3A_3350, %mul3A_3351 : vector<256x64xf32>
    %add3A_3353 = vector.broadcast %get3A_2635 : vector<1x64xf32> to vector<256x64xf32>
    %add3A_3354 = arith.addf %mul3A_3352, %add3A_3353 : vector<256x64xf32>
    %concatenate3A_3355 = tpu.concatenate %get3A_3334, %add3A_3354 in 1 : vector<256x64xf32>, vector<256x64xf32> -> vector<256x128xf32>
    %dot_general3A_3356 = arith.constant dense<0.000000e+00> : vector<256x128xf32>
    %dot_general3A_3357 = tpu.matmul %concatenate3A_3355, %get3A_2623, %dot_general3A_3356 {dimension_numbers = #tpu.dot_dimension_numbers<[1], [0], [0], [1], [0, 0, 1, 1], [], []>, transpose_lhs_hint = false} : vector<256x128xf32>, vector<128x128xf32>, vector<256x128xf32> -> vector<256x128xf32>
    %add3A_3358 = vector.broadcast %get3A_2626 : vector<1x128xf32> to vector<256x128xf32>
    %add3A_3359 = arith.addf %dot_general3A_3357, %add3A_3358 : vector<256x128xf32>
    %max3A_3360 = arith.constant 0.000000e+00 : f32
    %max3A_3361 = vector.broadcast %max3A_3360 : f32 to vector<256x128xf32>
    %max3A_3362 = arith.maximumf %add3A_3359, %max3A_3361 : vector<256x128xf32>
    %dot_general3A_3363 = arith.constant dense<0.000000e+00> : vector<256x64xf32>
    %dot_general3A_3364 = tpu.matmul %max3A_3362, %get3A_2629, %dot_general3A_3363 {dimension_numbers = #tpu.dot_dimension_numbers<[1], [0], [0], [1], [0, 0, 1, 1], [], []>, transpose_lhs_hint = false} : vector<256x128xf32>, vector<128x64xf32>, vector<256x64xf32> -> vector<256x64xf32>
    %add3A_3365 = vector.broadcast %get3A_2632 : vector<1x64xf32> to vector<256x64xf32>
    %add3A_3366 = arith.addf %dot_general3A_3364, %add3A_3365 : vector<256x64xf32>
    %mul3A_3367 = vector.broadcast %select_n3A_3345 : f32 to vector<256x64xf32>
    %mul3A_3368 = arith.mulf %add3A_3366, %mul3A_3367 : vector<256x64xf32>
    %add3A_3369 = arith.addf %get3A_3334, %mul3A_3368 : vector<256x64xf32>
    %dot_general3A_3370 = arith.constant dense<0.000000e+00> : vector<256x64xf32>
    %dot_general3A_3371 = tpu.matmul %add3A_3369, %broadcast_in_dim3A_2643, %dot_general3A_3370 {dimension_numbers = #tpu.dot_dimension_numbers<[1], [0], [0], [1], [0, 0, 1, 1], [], []>, transpose_lhs_hint = false} : vector<256x64xf32>, vector<64x64xf32>, vector<256x64xf32> -> vector<256x64xf32>
    %mul3A_3372 = arith.mulf %add3A_3369, %add3A_3369 : vector<256x64xf32>
    %dot_general3A_3373 = arith.constant dense<0.000000e+00> : vector<256x64xf32>
    %dot_general3A_3374 = tpu.matmul %mul3A_3372, %broadcast_in_dim3A_2643, %dot_general3A_3373 {dimension_numbers = #tpu.dot_dimension_numbers<[1], [0], [0], [1], [0, 0, 1, 1], [], []>, transpose_lhs_hint = false} : vector<256x64xf32>, vector<64x64xf32>, vector<256x64xf32> -> vector<256x64xf32>
    %mul3A_3375 = arith.mulf %dot_general3A_3371, %dot_general3A_3371 : vector<256x64xf32>
    %sub3A_3376 = arith.subf %dot_general3A_3374, %mul3A_3375 : vector<256x64xf32>
    %sub3A_3377 = arith.subf %add3A_3369, %dot_general3A_3371 : vector<256x64xf32>
    %add3A_3378 = arith.constant 9.99999974E-6 : f32
    %add3A_3379 = vector.broadcast %add3A_3378 : f32 to vector<256x64xf32>
    %add3A_3380 = arith.addf %sub3A_3376, %add3A_3379 : vector<256x64xf32>
    %rsqrt3A_3381 = math.rsqrt %add3A_3380 : vector<256x64xf32>
    %mul3A_3382 = arith.mulf %sub3A_3377, %rsqrt3A_3381 : vector<256x64xf32>
    %mul3A_3383 = vector.broadcast %get3A_2638 : vector<1x64xf32> to vector<256x64xf32>
    %mul3A_3384 = arith.mulf %mul3A_3382, %mul3A_3383 : vector<256x64xf32>
    %add3A_3385 = vector.broadcast %get3A_2641 : vector<1x64xf32> to vector<256x64xf32>
    %add3A_3386 = arith.addf %mul3A_3384, %add3A_3385 : vector<256x64xf32>
    %swap3A_3387 = arith.constant 11 : index
    %swap3A_3388 = arith.constant 0 : index
    %swap3A_3389 = arith.constant 0 : index
    %swap3A_3390 = vector.load %arg12[%swap3A_3387, %swap3A_3388, %swap3A_3389] : memref<25x256x64xf32, #tpu.memory_space<vmem>>, vector<1x256x64xf32>
    %swap3A_3391 = vector.shape_cast %swap3A_3390 : vector<1x256x64xf32> to vector<256x64xf32>
    %swap3A_3392 = vector.shape_cast %add3A_3386 : vector<256x64xf32> to vector<1x256x64xf32>
    tpu.vector_store %arg12[%swap3A_3387, %swap3A_3388, %swap3A_3389], %swap3A_3392 {strides = array<i32>} : memref<25x256x64xf32, #tpu.memory_space<vmem>>, vector<1x256x64xf32>,
    %get3A_3393 = arith.constant 12 : index
    %get3A_3394 = arith.constant 0 : index
    %get3A_3395 = arith.constant 0 : index
    %get3A_3396 = vector.load %arg2[%get3A_3393, %get3A_3394, %get3A_3395] : memref<25x256x64xf32, #tpu.memory_space<vmem>>, vector<1x256x64xf32>
    %get3A_3397 = vector.shape_cast %get3A_3396 : vector<1x256x64xf32> to vector<256x64xf32>
    %get3A_3398 = arith.constant 12 : index
    %get3A_3399 = memref.load %arg15[%get3A_3398] : memref<32xf32, #tpu.memory_space<smem>>
    %max3A_3400 = arith.constant 1.000000e+00 : f32
    %max3A_3401 = arith.maximumf %get3A_3399, %max3A_3400 : f32
    %div3A_3402 = arith.constant 1.000000e+00 : f32
    %div3A_3403 = arith.divf %div3A_3402, %max3A_3401 : f32
    %gt3A_3404 = arith.constant 0.000000e+00 : f32
    %gt3A_3405 = arith.cmpf ogt, %get3A_3399, %gt3A_3404 : f32
    %jit3A_3406 = arith.constant 1.000000e+00 : f32
    %jit3A_3407 = arith.constant 0.000000e+00 : f32
    %select_n3A_3408 = arith.select %gt3A_3405, %jit3A_3406, %jit3A_3407 : f32
    %get3A_3409 = arith.constant 12 : index
    %get3A_3410 = arith.constant 0 : index
    %get3A_3411 = arith.constant 0 : index
    %get3A_3412 = vector.load %arg14[%get3A_3409, %get3A_3410, %get3A_3411] : memref<25x256x64xf32, #tpu.memory_space<vmem>>, vector<1x256x64xf32>
    %get3A_3413 = vector.shape_cast %get3A_3412 : vector<1x256x64xf32> to vector<256x64xf32>
    %mul3A_3414 = vector.broadcast %div3A_3403 : f32 to vector<256x64xf32>
    %mul3A_3415 = arith.mulf %get3A_3413, %mul3A_3414 : vector<256x64xf32>
    %add3A_3416 = vector.broadcast %get3A_2635 : vector<1x64xf32> to vector<256x64xf32>
    %add3A_3417 = arith.addf %mul3A_3415, %add3A_3416 : vector<256x64xf32>
    %concatenate3A_3418 = tpu.concatenate %get3A_3397, %add3A_3417 in 1 : vector<256x64xf32>, vector<256x64xf32> -> vector<256x128xf32>
    %dot_general3A_3419 = arith.constant dense<0.000000e+00> : vector<256x128xf32>
    %dot_general3A_3420 = tpu.matmul %concatenate3A_3418, %get3A_2623, %dot_general3A_3419 {dimension_numbers = #tpu.dot_dimension_numbers<[1], [0], [0], [1], [0, 0, 1, 1], [], []>, transpose_lhs_hint = false} : vector<256x128xf32>, vector<128x128xf32>, vector<256x128xf32> -> vector<256x128xf32>
    %add3A_3421 = vector.broadcast %get3A_2626 : vector<1x128xf32> to vector<256x128xf32>
    %add3A_3422 = arith.addf %dot_general3A_3420, %add3A_3421 : vector<256x128xf32>
    %max3A_3423 = arith.constant 0.000000e+00 : f32
    %max3A_3424 = vector.broadcast %max3A_3423 : f32 to vector<256x128xf32>
    %max3A_3425 = arith.maximumf %add3A_3422, %max3A_3424 : vector<256x128xf32>
    %dot_general3A_3426 = arith.constant dense<0.000000e+00> : vector<256x64xf32>
    %dot_general3A_3427 = tpu.matmul %max3A_3425, %get3A_2629, %dot_general3A_3426 {dimension_numbers = #tpu.dot_dimension_numbers<[1], [0], [0], [1], [0, 0, 1, 1], [], []>, transpose_lhs_hint = false} : vector<256x128xf32>, vector<128x64xf32>, vector<256x64xf32> -> vector<256x64xf32>
    %add3A_3428 = vector.broadcast %get3A_2632 : vector<1x64xf32> to vector<256x64xf32>
    %add3A_3429 = arith.addf %dot_general3A_3427, %add3A_3428 : vector<256x64xf32>
    %mul3A_3430 = vector.broadcast %select_n3A_3408 : f32 to vector<256x64xf32>
    %mul3A_3431 = arith.mulf %add3A_3429, %mul3A_3430 : vector<256x64xf32>
    %add3A_3432 = arith.addf %get3A_3397, %mul3A_3431 : vector<256x64xf32>
    %dot_general3A_3433 = arith.constant dense<0.000000e+00> : vector<256x64xf32>
    %dot_general3A_3434 = tpu.matmul %add3A_3432, %broadcast_in_dim3A_2643, %dot_general3A_3433 {dimension_numbers = #tpu.dot_dimension_numbers<[1], [0], [0], [1], [0, 0, 1, 1], [], []>, transpose_lhs_hint = false} : vector<256x64xf32>, vector<64x64xf32>, vector<256x64xf32> -> vector<256x64xf32>
    %mul3A_3435 = arith.mulf %add3A_3432, %add3A_3432 : vector<256x64xf32>
    %dot_general3A_3436 = arith.constant dense<0.000000e+00> : vector<256x64xf32>
    %dot_general3A_3437 = tpu.matmul %mul3A_3435, %broadcast_in_dim3A_2643, %dot_general3A_3436 {dimension_numbers = #tpu.dot_dimension_numbers<[1], [0], [0], [1], [0, 0, 1, 1], [], []>, transpose_lhs_hint = false} : vector<256x64xf32>, vector<64x64xf32>, vector<256x64xf32> -> vector<256x64xf32>
    %mul3A_3438 = arith.mulf %dot_general3A_3434, %dot_general3A_3434 : vector<256x64xf32>
    %sub3A_3439 = arith.subf %dot_general3A_3437, %mul3A_3438 : vector<256x64xf32>
    %sub3A_3440 = arith.subf %add3A_3432, %dot_general3A_3434 : vector<256x64xf32>
    %add3A_3441 = arith.constant 9.99999974E-6 : f32
    %add3A_3442 = vector.broadcast %add3A_3441 : f32 to vector<256x64xf32>
    %add3A_3443 = arith.addf %sub3A_3439, %add3A_3442 : vector<256x64xf32>
    %rsqrt3A_3444 = math.rsqrt %add3A_3443 : vector<256x64xf32>
    %mul3A_3445 = arith.mulf %sub3A_3440, %rsqrt3A_3444 : vector<256x64xf32>
    %mul3A_3446 = vector.broadcast %get3A_2638 : vector<1x64xf32> to vector<256x64xf32>
    %mul3A_3447 = arith.mulf %mul3A_3445, %mul3A_3446 : vector<256x64xf32>
    %add3A_3448 = vector.broadcast %get3A_2641 : vector<1x64xf32> to vector<256x64xf32>
    %add3A_3449 = arith.addf %mul3A_3447, %add3A_3448 : vector<256x64xf32>
    %swap3A_3450 = arith.constant 12 : index
    %swap3A_3451 = arith.constant 0 : index
    %swap3A_3452 = arith.constant 0 : index
    %swap3A_3453 = vector.load %arg12[%swap3A_3450, %swap3A_3451, %swap3A_3452] : memref<25x256x64xf32, #tpu.memory_space<vmem>>, vector<1x256x64xf32>
    %swap3A_3454 = vector.shape_cast %swap3A_3453 : vector<1x256x64xf32> to vector<256x64xf32>
    %swap3A_3455 = vector.shape_cast %add3A_3449 : vector<256x64xf32> to vector<1x256x64xf32>
    tpu.vector_store %arg12[%swap3A_3450, %swap3A_3451, %swap3A_3452], %swap3A_3455 {strides = array<i32>} : memref<25x256x64xf32, #tpu.memory_space<vmem>>, vector<1x256x64xf32>,
    %get3A_3456 = arith.constant 13 : index
    %get3A_3457 = arith.constant 0 : index
    %get3A_3458 = arith.constant 0 : index
    %get3A_3459 = vector.load %arg2[%get3A_3456, %get3A_3457, %get3A_3458] : memref<25x256x64xf32, #tpu.memory_space<vmem>>, vector<1x256x64xf32>
    %get3A_3460 = vector.shape_cast %get3A_3459 : vector<1x256x64xf32> to vector<256x64xf32>
    %get3A_3461 = arith.constant 13 : index
    %get3A_3462 = memref.load %arg15[%get3A_3461] : memref<32xf32, #tpu.memory_space<smem>>
    %max3A_3463 = arith.constant 1.000000e+00 : f32
    %max3A_3464 = arith.maximumf %get3A_3462, %max3A_3463 : f32
    %div3A_3465 = arith.constant 1.000000e+00 : f32
    %div3A_3466 = arith.divf %div3A_3465, %max3A_3464 : f32
    %gt3A_3467 = arith.constant 0.000000e+00 : f32
    %gt3A_3468 = arith.cmpf ogt, %get3A_3462, %gt3A_3467 : f32
    %jit3A_3469 = arith.constant 1.000000e+00 : f32
    %jit3A_3470 = arith.constant 0.000000e+00 : f32
    %select_n3A_3471 = arith.select %gt3A_3468, %jit3A_3469, %jit3A_3470 : f32
    %get3A_3472 = arith.constant 13 : index
    %get3A_3473 = arith.constant 0 : index
    %get3A_3474 = arith.constant 0 : index
    %get3A_3475 = vector.load %arg14[%get3A_3472, %get3A_3473, %get3A_3474] : memref<25x256x64xf32, #tpu.memory_space<vmem>>, vector<1x256x64xf32>
    %get3A_3476 = vector.shape_cast %get3A_3475 : vector<1x256x64xf32> to vector<256x64xf32>
    %mul3A_3477 = vector.broadcast %div3A_3466 : f32 to vector<256x64xf32>
    %mul3A_3478 = arith.mulf %get3A_3476, %mul3A_3477 : vector<256x64xf32>
    %add3A_3479 = vector.broadcast %get3A_2635 : vector<1x64xf32> to vector<256x64xf32>
    %add3A_3480 = arith.addf %mul3A_3478, %add3A_3479 : vector<256x64xf32>
    %concatenate3A_3481 = tpu.concatenate %get3A_3460, %add3A_3480 in 1 : vector<256x64xf32>, vector<256x64xf32> -> vector<256x128xf32>
    %dot_general3A_3482 = arith.constant dense<0.000000e+00> : vector<256x128xf32>
    %dot_general3A_3483 = tpu.matmul %concatenate3A_3481, %get3A_2623, %dot_general3A_3482 {dimension_numbers = #tpu.dot_dimension_numbers<[1], [0], [0], [1], [0, 0, 1, 1], [], []>, transpose_lhs_hint = false} : vector<256x128xf32>, vector<128x128xf32>, vector<256x128xf32> -> vector<256x128xf32>
    %add3A_3484 = vector.broadcast %get3A_2626 : vector<1x128xf32> to vector<256x128xf32>
    %add3A_3485 = arith.addf %dot_general3A_3483, %add3A_3484 : vector<256x128xf32>
    %max3A_3486 = arith.constant 0.000000e+00 : f32
    %max3A_3487 = vector.broadcast %max3A_3486 : f32 to vector<256x128xf32>
    %max3A_3488 = arith.maximumf %add3A_3485, %max3A_3487 : vector<256x128xf32>
    %dot_general3A_3489 = arith.constant dense<0.000000e+00> : vector<256x64xf32>
    %dot_general3A_3490 = tpu.matmul %max3A_3488, %get3A_2629, %dot_general3A_3489 {dimension_numbers = #tpu.dot_dimension_numbers<[1], [0], [0], [1], [0, 0, 1, 1], [], []>, transpose_lhs_hint = false} : vector<256x128xf32>, vector<128x64xf32>, vector<256x64xf32> -> vector<256x64xf32>
    %add3A_3491 = vector.broadcast %get3A_2632 : vector<1x64xf32> to vector<256x64xf32>
    %add3A_3492 = arith.addf %dot_general3A_3490, %add3A_3491 : vector<256x64xf32>
    %mul3A_3493 = vector.broadcast %select_n3A_3471 : f32 to vector<256x64xf32>
    %mul3A_3494 = arith.mulf %add3A_3492, %mul3A_3493 : vector<256x64xf32>
    %add3A_3495 = arith.addf %get3A_3460, %mul3A_3494 : vector<256x64xf32>
    %dot_general3A_3496 = arith.constant dense<0.000000e+00> : vector<256x64xf32>
    %dot_general3A_3497 = tpu.matmul %add3A_3495, %broadcast_in_dim3A_2643, %dot_general3A_3496 {dimension_numbers = #tpu.dot_dimension_numbers<[1], [0], [0], [1], [0, 0, 1, 1], [], []>, transpose_lhs_hint = false} : vector<256x64xf32>, vector<64x64xf32>, vector<256x64xf32> -> vector<256x64xf32>
    %mul3A_3498 = arith.mulf %add3A_3495, %add3A_3495 : vector<256x64xf32>
    %dot_general3A_3499 = arith.constant dense<0.000000e+00> : vector<256x64xf32>
    %dot_general3A_3500 = tpu.matmul %mul3A_3498, %broadcast_in_dim3A_2643, %dot_general3A_3499 {dimension_numbers = #tpu.dot_dimension_numbers<[1], [0], [0], [1], [0, 0, 1, 1], [], []>, transpose_lhs_hint = false} : vector<256x64xf32>, vector<64x64xf32>, vector<256x64xf32> -> vector<256x64xf32>
    %mul3A_3501 = arith.mulf %dot_general3A_3497, %dot_general3A_3497 : vector<256x64xf32>
    %sub3A_3502 = arith.subf %dot_general3A_3500, %mul3A_3501 : vector<256x64xf32>
    %sub3A_3503 = arith.subf %add3A_3495, %dot_general3A_3497 : vector<256x64xf32>
    %add3A_3504 = arith.constant 9.99999974E-6 : f32
    %add3A_3505 = vector.broadcast %add3A_3504 : f32 to vector<256x64xf32>
    %add3A_3506 = arith.addf %sub3A_3502, %add3A_3505 : vector<256x64xf32>
    %rsqrt3A_3507 = math.rsqrt %add3A_3506 : vector<256x64xf32>
    %mul3A_3508 = arith.mulf %sub3A_3503, %rsqrt3A_3507 : vector<256x64xf32>
    %mul3A_3509 = vector.broadcast %get3A_2638 : vector<1x64xf32> to vector<256x64xf32>
    %mul3A_3510 = arith.mulf %mul3A_3508, %mul3A_3509 : vector<256x64xf32>
    %add3A_3511 = vector.broadcast %get3A_2641 : vector<1x64xf32> to vector<256x64xf32>
    %add3A_3512 = arith.addf %mul3A_3510, %add3A_3511 : vector<256x64xf32>
    %swap3A_3513 = arith.constant 13 : index
    %swap3A_3514 = arith.constant 0 : index
    %swap3A_3515 = arith.constant 0 : index
    %swap3A_3516 = vector.load %arg12[%swap3A_3513, %swap3A_3514, %swap3A_3515] : memref<25x256x64xf32, #tpu.memory_space<vmem>>, vector<1x256x64xf32>
    %swap3A_3517 = vector.shape_cast %swap3A_3516 : vector<1x256x64xf32> to vector<256x64xf32>
    %swap3A_3518 = vector.shape_cast %add3A_3512 : vector<256x64xf32> to vector<1x256x64xf32>
    tpu.vector_store %arg12[%swap3A_3513, %swap3A_3514, %swap3A_3515], %swap3A_3518 {strides = array<i32>} : memref<25x256x64xf32, #tpu.memory_space<vmem>>, vector<1x256x64xf32>,
    %get3A_3519 = arith.constant 14 : index
    %get3A_3520 = arith.constant 0 : index
    %get3A_3521 = arith.constant 0 : index
    %get3A_3522 = vector.load %arg2[%get3A_3519, %get3A_3520, %get3A_3521] : memref<25x256x64xf32, #tpu.memory_space<vmem>>, vector<1x256x64xf32>
    %get3A_3523 = vector.shape_cast %get3A_3522 : vector<1x256x64xf32> to vector<256x64xf32>
    %get3A_3524 = arith.constant 14 : index
    %get3A_3525 = memref.load %arg15[%get3A_3524] : memref<32xf32, #tpu.memory_space<smem>>
    %max3A_3526 = arith.constant 1.000000e+00 : f32
    %max3A_3527 = arith.maximumf %get3A_3525, %max3A_3526 : f32
    %div3A_3528 = arith.constant 1.000000e+00 : f32
    %div3A_3529 = arith.divf %div3A_3528, %max3A_3527 : f32
    %gt3A_3530 = arith.constant 0.000000e+00 : f32
    %gt3A_3531 = arith.cmpf ogt, %get3A_3525, %gt3A_3530 : f32
    %jit3A_3532 = arith.constant 1.000000e+00 : f32
    %jit3A_3533 = arith.constant 0.000000e+00 : f32
    %select_n3A_3534 = arith.select %gt3A_3531, %jit3A_3532, %jit3A_3533 : f32
    %get3A_3535 = arith.constant 14 : index
    %get3A_3536 = arith.constant 0 : index
    %get3A_3537 = arith.constant 0 : index
    %get3A_3538 = vector.load %arg14[%get3A_3535, %get3A_3536, %get3A_3537] : memref<25x256x64xf32, #tpu.memory_space<vmem>>, vector<1x256x64xf32>
    %get3A_3539 = vector.shape_cast %get3A_3538 : vector<1x256x64xf32> to vector<256x64xf32>
    %mul3A_3540 = vector.broadcast %div3A_3529 : f32 to vector<256x64xf32>
    %mul3A_3541 = arith.mulf %get3A_3539, %mul3A_3540 : vector<256x64xf32>
    %add3A_3542 = vector.broadcast %get3A_2635 : vector<1x64xf32> to vector<256x64xf32>
    %add3A_3543 = arith.addf %mul3A_3541, %add3A_3542 : vector<256x64xf32>
    %concatenate3A_3544 = tpu.concatenate %get3A_3523, %add3A_3543 in 1 : vector<256x64xf32>, vector<256x64xf32> -> vector<256x128xf32>
    %dot_general3A_3545 = arith.constant dense<0.000000e+00> : vector<256x128xf32>
    %dot_general3A_3546 = tpu.matmul %concatenate3A_3544, %get3A_2623, %dot_general3A_3545 {dimension_numbers = #tpu.dot_dimension_numbers<[1], [0], [0], [1], [0, 0, 1, 1], [], []>, transpose_lhs_hint = false} : vector<256x128xf32>, vector<128x128xf32>, vector<256x128xf32> -> vector<256x128xf32>
    %add3A_3547 = vector.broadcast %get3A_2626 : vector<1x128xf32> to vector<256x128xf32>
    %add3A_3548 = arith.addf %dot_general3A_3546, %add3A_3547 : vector<256x128xf32>
    %max3A_3549 = arith.constant 0.000000e+00 : f32
    %max3A_3550 = vector.broadcast %max3A_3549 : f32 to vector<256x128xf32>
    %max3A_3551 = arith.maximumf %add3A_3548, %max3A_3550 : vector<256x128xf32>
    %dot_general3A_3552 = arith.constant dense<0.000000e+00> : vector<256x64xf32>
    %dot_general3A_3553 = tpu.matmul %max3A_3551, %get3A_2629, %dot_general3A_3552 {dimension_numbers = #tpu.dot_dimension_numbers<[1], [0], [0], [1], [0, 0, 1, 1], [], []>, transpose_lhs_hint = false} : vector<256x128xf32>, vector<128x64xf32>, vector<256x64xf32> -> vector<256x64xf32>
    %add3A_3554 = vector.broadcast %get3A_2632 : vector<1x64xf32> to vector<256x64xf32>
    %add3A_3555 = arith.addf %dot_general3A_3553, %add3A_3554 : vector<256x64xf32>
    %mul3A_3556 = vector.broadcast %select_n3A_3534 : f32 to vector<256x64xf32>
    %mul3A_3557 = arith.mulf %add3A_3555, %mul3A_3556 : vector<256x64xf32>
    %add3A_3558 = arith.addf %get3A_3523, %mul3A_3557 : vector<256x64xf32>
    %dot_general3A_3559 = arith.constant dense<0.000000e+00> : vector<256x64xf32>
    %dot_general3A_3560 = tpu.matmul %add3A_3558, %broadcast_in_dim3A_2643, %dot_general3A_3559 {dimension_numbers = #tpu.dot_dimension_numbers<[1], [0], [0], [1], [0, 0, 1, 1], [], []>, transpose_lhs_hint = false} : vector<256x64xf32>, vector<64x64xf32>, vector<256x64xf32> -> vector<256x64xf32>
    %mul3A_3561 = arith.mulf %add3A_3558, %add3A_3558 : vector<256x64xf32>
    %dot_general3A_3562 = arith.constant dense<0.000000e+00> : vector<256x64xf32>
    %dot_general3A_3563 = tpu.matmul %mul3A_3561, %broadcast_in_dim3A_2643, %dot_general3A_3562 {dimension_numbers = #tpu.dot_dimension_numbers<[1], [0], [0], [1], [0, 0, 1, 1], [], []>, transpose_lhs_hint = false} : vector<256x64xf32>, vector<64x64xf32>, vector<256x64xf32> -> vector<256x64xf32>
    %mul3A_3564 = arith.mulf %dot_general3A_3560, %dot_general3A_3560 : vector<256x64xf32>
    %sub3A_3565 = arith.subf %dot_general3A_3563, %mul3A_3564 : vector<256x64xf32>
    %sub3A_3566 = arith.subf %add3A_3558, %dot_general3A_3560 : vector<256x64xf32>
    %add3A_3567 = arith.constant 9.99999974E-6 : f32
    %add3A_3568 = vector.broadcast %add3A_3567 : f32 to vector<256x64xf32>
    %add3A_3569 = arith.addf %sub3A_3565, %add3A_3568 : vector<256x64xf32>
    %rsqrt3A_3570 = math.rsqrt %add3A_3569 : vector<256x64xf32>
    %mul3A_3571 = arith.mulf %sub3A_3566, %rsqrt3A_3570 : vector<256x64xf32>
    %mul3A_3572 = vector.broadcast %get3A_2638 : vector<1x64xf32> to vector<256x64xf32>
    %mul3A_3573 = arith.mulf %mul3A_3571, %mul3A_3572 : vector<256x64xf32>
    %add3A_3574 = vector.broadcast %get3A_2641 : vector<1x64xf32> to vector<256x64xf32>
    %add3A_3575 = arith.addf %mul3A_3573, %add3A_3574 : vector<256x64xf32>
    %swap3A_3576 = arith.constant 14 : index
    %swap3A_3577 = arith.constant 0 : index
    %swap3A_3578 = arith.constant 0 : index
    %swap3A_3579 = vector.load %arg12[%swap3A_3576, %swap3A_3577, %swap3A_3578] : memref<25x256x64xf32, #tpu.memory_space<vmem>>, vector<1x256x64xf32>
    %swap3A_3580 = vector.shape_cast %swap3A_3579 : vector<1x256x64xf32> to vector<256x64xf32>
    %swap3A_3581 = vector.shape_cast %add3A_3575 : vector<256x64xf32> to vector<1x256x64xf32>
    tpu.vector_store %arg12[%swap3A_3576, %swap3A_3577, %swap3A_3578], %swap3A_3581 {strides = array<i32>} : memref<25x256x64xf32, #tpu.memory_space<vmem>>, vector<1x256x64xf32>,
    %get3A_3582 = arith.constant 15 : index
    %get3A_3583 = arith.constant 0 : index
    %get3A_3584 = arith.constant 0 : index
    %get3A_3585 = vector.load %arg2[%get3A_3582, %get3A_3583, %get3A_3584] : memref<25x256x64xf32, #tpu.memory_space<vmem>>, vector<1x256x64xf32>
    %get3A_3586 = vector.shape_cast %get3A_3585 : vector<1x256x64xf32> to vector<256x64xf32>
    %get3A_3587 = arith.constant 15 : index
    %get3A_3588 = memref.load %arg15[%get3A_3587] : memref<32xf32, #tpu.memory_space<smem>>
    %max3A_3589 = arith.constant 1.000000e+00 : f32
    %max3A_3590 = arith.maximumf %get3A_3588, %max3A_3589 : f32
    %div3A_3591 = arith.constant 1.000000e+00 : f32
    %div3A_3592 = arith.divf %div3A_3591, %max3A_3590 : f32
    %gt3A_3593 = arith.constant 0.000000e+00 : f32
    %gt3A_3594 = arith.cmpf ogt, %get3A_3588, %gt3A_3593 : f32
    %jit3A_3595 = arith.constant 1.000000e+00 : f32
    %jit3A_3596 = arith.constant 0.000000e+00 : f32
    %select_n3A_3597 = arith.select %gt3A_3594, %jit3A_3595, %jit3A_3596 : f32
    %get3A_3598 = arith.constant 15 : index
    %get3A_3599 = arith.constant 0 : index
    %get3A_3600 = arith.constant 0 : index
    %get3A_3601 = vector.load %arg14[%get3A_3598, %get3A_3599, %get3A_3600] : memref<25x256x64xf32, #tpu.memory_space<vmem>>, vector<1x256x64xf32>
    %get3A_3602 = vector.shape_cast %get3A_3601 : vector<1x256x64xf32> to vector<256x64xf32>
    %mul3A_3603 = vector.broadcast %div3A_3592 : f32 to vector<256x64xf32>
    %mul3A_3604 = arith.mulf %get3A_3602, %mul3A_3603 : vector<256x64xf32>
    %add3A_3605 = vector.broadcast %get3A_2635 : vector<1x64xf32> to vector<256x64xf32>
    %add3A_3606 = arith.addf %mul3A_3604, %add3A_3605 : vector<256x64xf32>
    %concatenate3A_3607 = tpu.concatenate %get3A_3586, %add3A_3606 in 1 : vector<256x64xf32>, vector<256x64xf32> -> vector<256x128xf32>
    %dot_general3A_3608 = arith.constant dense<0.000000e+00> : vector<256x128xf32>
    %dot_general3A_3609 = tpu.matmul %concatenate3A_3607, %get3A_2623, %dot_general3A_3608 {dimension_numbers = #tpu.dot_dimension_numbers<[1], [0], [0], [1], [0, 0, 1, 1], [], []>, transpose_lhs_hint = false} : vector<256x128xf32>, vector<128x128xf32>, vector<256x128xf32> -> vector<256x128xf32>
    %add3A_3610 = vector.broadcast %get3A_2626 : vector<1x128xf32> to vector<256x128xf32>
    %add3A_3611 = arith.addf %dot_general3A_3609, %add3A_3610 : vector<256x128xf32>
    %max3A_3612 = arith.constant 0.000000e+00 : f32
    %max3A_3613 = vector.broadcast %max3A_3612 : f32 to vector<256x128xf32>
    %max3A_3614 = arith.maximumf %add3A_3611, %max3A_3613 : vector<256x128xf32>
    %dot_general3A_3615 = arith.constant dense<0.000000e+00> : vector<256x64xf32>
    %dot_general3A_3616 = tpu.matmul %max3A_3614, %get3A_2629, %dot_general3A_3615 {dimension_numbers = #tpu.dot_dimension_numbers<[1], [0], [0], [1], [0, 0, 1, 1], [], []>, transpose_lhs_hint = false} : vector<256x128xf32>, vector<128x64xf32>, vector<256x64xf32> -> vector<256x64xf32>
    %add3A_3617 = vector.broadcast %get3A_2632 : vector<1x64xf32> to vector<256x64xf32>
    %add3A_3618 = arith.addf %dot_general3A_3616, %add3A_3617 : vector<256x64xf32>
    %mul3A_3619 = vector.broadcast %select_n3A_3597 : f32 to vector<256x64xf32>
    %mul3A_3620 = arith.mulf %add3A_3618, %mul3A_3619 : vector<256x64xf32>
    %add3A_3621 = arith.addf %get3A_3586, %mul3A_3620 : vector<256x64xf32>
    %dot_general3A_3622 = arith.constant dense<0.000000e+00> : vector<256x64xf32>
    %dot_general3A_3623 = tpu.matmul %add3A_3621, %broadcast_in_dim3A_2643, %dot_general3A_3622 {dimension_numbers = #tpu.dot_dimension_numbers<[1], [0], [0], [1], [0, 0, 1, 1], [], []>, transpose_lhs_hint = false} : vector<256x64xf32>, vector<64x64xf32>, vector<256x64xf32> -> vector<256x64xf32>
    %mul3A_3624 = arith.mulf %add3A_3621, %add3A_3621 : vector<256x64xf32>
    %dot_general3A_3625 = arith.constant dense<0.000000e+00> : vector<256x64xf32>
    %dot_general3A_3626 = tpu.matmul %mul3A_3624, %broadcast_in_dim3A_2643, %dot_general3A_3625 {dimension_numbers = #tpu.dot_dimension_numbers<[1], [0], [0], [1], [0, 0, 1, 1], [], []>, transpose_lhs_hint = false} : vector<256x64xf32>, vector<64x64xf32>, vector<256x64xf32> -> vector<256x64xf32>
    %mul3A_3627 = arith.mulf %dot_general3A_3623, %dot_general3A_3623 : vector<256x64xf32>
    %sub3A_3628 = arith.subf %dot_general3A_3626, %mul3A_3627 : vector<256x64xf32>
    %sub3A_3629 = arith.subf %add3A_3621, %dot_general3A_3623 : vector<256x64xf32>
    %add3A_3630 = arith.constant 9.99999974E-6 : f32
    %add3A_3631 = vector.broadcast %add3A_3630 : f32 to vector<256x64xf32>
    %add3A_3632 = arith.addf %sub3A_3628, %add3A_3631 : vector<256x64xf32>
    %rsqrt3A_3633 = math.rsqrt %add3A_3632 : vector<256x64xf32>
    %mul3A_3634 = arith.mulf %sub3A_3629, %rsqrt3A_3633 : vector<256x64xf32>
    %mul3A_3635 = vector.broadcast %get3A_2638 : vector<1x64xf32> to vector<256x64xf32>
    %mul3A_3636 = arith.mulf %mul3A_3634, %mul3A_3635 : vector<256x64xf32>
    %add3A_3637 = vector.broadcast %get3A_2641 : vector<1x64xf32> to vector<256x64xf32>
    %add3A_3638 = arith.addf %mul3A_3636, %add3A_3637 : vector<256x64xf32>
    %swap3A_3639 = arith.constant 15 : index
    %swap3A_3640 = arith.constant 0 : index
    %swap3A_3641 = arith.constant 0 : index
    %swap3A_3642 = vector.load %arg12[%swap3A_3639, %swap3A_3640, %swap3A_3641] : memref<25x256x64xf32, #tpu.memory_space<vmem>>, vector<1x256x64xf32>
    %swap3A_3643 = vector.shape_cast %swap3A_3642 : vector<1x256x64xf32> to vector<256x64xf32>
    %swap3A_3644 = vector.shape_cast %add3A_3638 : vector<256x64xf32> to vector<1x256x64xf32>
    tpu.vector_store %arg12[%swap3A_3639, %swap3A_3640, %swap3A_3641], %swap3A_3644 {strides = array<i32>} : memref<25x256x64xf32, #tpu.memory_space<vmem>>, vector<1x256x64xf32>,
    %get3A_3645 = arith.constant 16 : index
    %get3A_3646 = arith.constant 0 : index
    %get3A_3647 = arith.constant 0 : index
    %get3A_3648 = vector.load %arg2[%get3A_3645, %get3A_3646, %get3A_3647] : memref<25x256x64xf32, #tpu.memory_space<vmem>>, vector<1x256x64xf32>
    %get3A_3649 = vector.shape_cast %get3A_3648 : vector<1x256x64xf32> to vector<256x64xf32>
    %get3A_3650 = arith.constant 16 : index
    %get3A_3651 = memref.load %arg15[%get3A_3650] : memref<32xf32, #tpu.memory_space<smem>>
    %max3A_3652 = arith.constant 1.000000e+00 : f32
    %max3A_3653 = arith.maximumf %get3A_3651, %max3A_3652 : f32
    %div3A_3654 = arith.constant 1.000000e+00 : f32
    %div3A_3655 = arith.divf %div3A_3654, %max3A_3653 : f32
    %gt3A_3656 = arith.constant 0.000000e+00 : f32
    %gt3A_3657 = arith.cmpf ogt, %get3A_3651, %gt3A_3656 : f32
    %jit3A_3658 = arith.constant 1.000000e+00 : f32
    %jit3A_3659 = arith.constant 0.000000e+00 : f32
    %select_n3A_3660 = arith.select %gt3A_3657, %jit3A_3658, %jit3A_3659 : f32
    %get3A_3661 = arith.constant 16 : index
    %get3A_3662 = arith.constant 0 : index
    %get3A_3663 = arith.constant 0 : index
    %get3A_3664 = vector.load %arg14[%get3A_3661, %get3A_3662, %get3A_3663] : memref<25x256x64xf32, #tpu.memory_space<vmem>>, vector<1x256x64xf32>
    %get3A_3665 = vector.shape_cast %get3A_3664 : vector<1x256x64xf32> to vector<256x64xf32>
    %mul3A_3666 = vector.broadcast %div3A_3655 : f32 to vector<256x64xf32>
    %mul3A_3667 = arith.mulf %get3A_3665, %mul3A_3666 : vector<256x64xf32>
    %add3A_3668 = vector.broadcast %get3A_2635 : vector<1x64xf32> to vector<256x64xf32>
    %add3A_3669 = arith.addf %mul3A_3667, %add3A_3668 : vector<256x64xf32>
    %concatenate3A_3670 = tpu.concatenate %get3A_3649, %add3A_3669 in 1 : vector<256x64xf32>, vector<256x64xf32> -> vector<256x128xf32>
    %dot_general3A_3671 = arith.constant dense<0.000000e+00> : vector<256x128xf32>
    %dot_general3A_3672 = tpu.matmul %concatenate3A_3670, %get3A_2623, %dot_general3A_3671 {dimension_numbers = #tpu.dot_dimension_numbers<[1], [0], [0], [1], [0, 0, 1, 1], [], []>, transpose_lhs_hint = false} : vector<256x128xf32>, vector<128x128xf32>, vector<256x128xf32> -> vector<256x128xf32>
    %add3A_3673 = vector.broadcast %get3A_2626 : vector<1x128xf32> to vector<256x128xf32>
    %add3A_3674 = arith.addf %dot_general3A_3672, %add3A_3673 : vector<256x128xf32>
    %max3A_3675 = arith.constant 0.000000e+00 : f32
    %max3A_3676 = vector.broadcast %max3A_3675 : f32 to vector<256x128xf32>
    %max3A_3677 = arith.maximumf %add3A_3674, %max3A_3676 : vector<256x128xf32>
    %dot_general3A_3678 = arith.constant dense<0.000000e+00> : vector<256x64xf32>
    %dot_general3A_3679 = tpu.matmul %max3A_3677, %get3A_2629, %dot_general3A_3678 {dimension_numbers = #tpu.dot_dimension_numbers<[1], [0], [0], [1], [0, 0, 1, 1], [], []>, transpose_lhs_hint = false} : vector<256x128xf32>, vector<128x64xf32>, vector<256x64xf32> -> vector<256x64xf32>
    %add3A_3680 = vector.broadcast %get3A_2632 : vector<1x64xf32> to vector<256x64xf32>
    %add3A_3681 = arith.addf %dot_general3A_3679, %add3A_3680 : vector<256x64xf32>
    %mul3A_3682 = vector.broadcast %select_n3A_3660 : f32 to vector<256x64xf32>
    %mul3A_3683 = arith.mulf %add3A_3681, %mul3A_3682 : vector<256x64xf32>
    %add3A_3684 = arith.addf %get3A_3649, %mul3A_3683 : vector<256x64xf32>
    %dot_general3A_3685 = arith.constant dense<0.000000e+00> : vector<256x64xf32>
    %dot_general3A_3686 = tpu.matmul %add3A_3684, %broadcast_in_dim3A_2643, %dot_general3A_3685 {dimension_numbers = #tpu.dot_dimension_numbers<[1], [0], [0], [1], [0, 0, 1, 1], [], []>, transpose_lhs_hint = false} : vector<256x64xf32>, vector<64x64xf32>, vector<256x64xf32> -> vector<256x64xf32>
    %mul3A_3687 = arith.mulf %add3A_3684, %add3A_3684 : vector<256x64xf32>
    %dot_general3A_3688 = arith.constant dense<0.000000e+00> : vector<256x64xf32>
    %dot_general3A_3689 = tpu.matmul %mul3A_3687, %broadcast_in_dim3A_2643, %dot_general3A_3688 {dimension_numbers = #tpu.dot_dimension_numbers<[1], [0], [0], [1], [0, 0, 1, 1], [], []>, transpose_lhs_hint = false} : vector<256x64xf32>, vector<64x64xf32>, vector<256x64xf32> -> vector<256x64xf32>
    %mul3A_3690 = arith.mulf %dot_general3A_3686, %dot_general3A_3686 : vector<256x64xf32>
    %sub3A_3691 = arith.subf %dot_general3A_3689, %mul3A_3690 : vector<256x64xf32>
    %sub3A_3692 = arith.subf %add3A_3684, %dot_general3A_3686 : vector<256x64xf32>
    %add3A_3693 = arith.constant 9.99999974E-6 : f32
    %add3A_3694 = vector.broadcast %add3A_3693 : f32 to vector<256x64xf32>
    %add3A_3695 = arith.addf %sub3A_3691, %add3A_3694 : vector<256x64xf32>
    %rsqrt3A_3696 = math.rsqrt %add3A_3695 : vector<256x64xf32>
    %mul3A_3697 = arith.mulf %sub3A_3692, %rsqrt3A_3696 : vector<256x64xf32>
    %mul3A_3698 = vector.broadcast %get3A_2638 : vector<1x64xf32> to vector<256x64xf32>
    %mul3A_3699 = arith.mulf %mul3A_3697, %mul3A_3698 : vector<256x64xf32>
    %add3A_3700 = vector.broadcast %get3A_2641 : vector<1x64xf32> to vector<256x64xf32>
    %add3A_3701 = arith.addf %mul3A_3699, %add3A_3700 : vector<256x64xf32>
    %swap3A_3702 = arith.constant 16 : index
    %swap3A_3703 = arith.constant 0 : index
    %swap3A_3704 = arith.constant 0 : index
    %swap3A_3705 = vector.load %arg12[%swap3A_3702, %swap3A_3703, %swap3A_3704] : memref<25x256x64xf32, #tpu.memory_space<vmem>>, vector<1x256x64xf32>
    %swap3A_3706 = vector.shape_cast %swap3A_3705 : vector<1x256x64xf32> to vector<256x64xf32>
    %swap3A_3707 = vector.shape_cast %add3A_3701 : vector<256x64xf32> to vector<1x256x64xf32>
    tpu.vector_store %arg12[%swap3A_3702, %swap3A_3703, %swap3A_3704], %swap3A_3707 {strides = array<i32>} : memref<25x256x64xf32, #tpu.memory_space<vmem>>, vector<1x256x64xf32>,
    %get3A_3708 = arith.constant 17 : index
    %get3A_3709 = arith.constant 0 : index
    %get3A_3710 = arith.constant 0 : index
    %get3A_3711 = vector.load %arg2[%get3A_3708, %get3A_3709, %get3A_3710] : memref<25x256x64xf32, #tpu.memory_space<vmem>>, vector<1x256x64xf32>
    %get3A_3712 = vector.shape_cast %get3A_3711 : vector<1x256x64xf32> to vector<256x64xf32>
    %get3A_3713 = arith.constant 17 : index
    %get3A_3714 = memref.load %arg15[%get3A_3713] : memref<32xf32, #tpu.memory_space<smem>>
    %max3A_3715 = arith.constant 1.000000e+00 : f32
    %max3A_3716 = arith.maximumf %get3A_3714, %max3A_3715 : f32
    %div3A_3717 = arith.constant 1.000000e+00 : f32
    %div3A_3718 = arith.divf %div3A_3717, %max3A_3716 : f32
    %gt3A_3719 = arith.constant 0.000000e+00 : f32
    %gt3A_3720 = arith.cmpf ogt, %get3A_3714, %gt3A_3719 : f32
    %jit3A_3721 = arith.constant 1.000000e+00 : f32
    %jit3A_3722 = arith.constant 0.000000e+00 : f32
    %select_n3A_3723 = arith.select %gt3A_3720, %jit3A_3721, %jit3A_3722 : f32
    %get3A_3724 = arith.constant 17 : index
    %get3A_3725 = arith.constant 0 : index
    %get3A_3726 = arith.constant 0 : index
    %get3A_3727 = vector.load %arg14[%get3A_3724, %get3A_3725, %get3A_3726] : memref<25x256x64xf32, #tpu.memory_space<vmem>>, vector<1x256x64xf32>
    %get3A_3728 = vector.shape_cast %get3A_3727 : vector<1x256x64xf32> to vector<256x64xf32>
    %mul3A_3729 = vector.broadcast %div3A_3718 : f32 to vector<256x64xf32>
    %mul3A_3730 = arith.mulf %get3A_3728, %mul3A_3729 : vector<256x64xf32>
    %add3A_3731 = vector.broadcast %get3A_2635 : vector<1x64xf32> to vector<256x64xf32>
    %add3A_3732 = arith.addf %mul3A_3730, %add3A_3731 : vector<256x64xf32>
    %concatenate3A_3733 = tpu.concatenate %get3A_3712, %add3A_3732 in 1 : vector<256x64xf32>, vector<256x64xf32> -> vector<256x128xf32>
    %dot_general3A_3734 = arith.constant dense<0.000000e+00> : vector<256x128xf32>
    %dot_general3A_3735 = tpu.matmul %concatenate3A_3733, %get3A_2623, %dot_general3A_3734 {dimension_numbers = #tpu.dot_dimension_numbers<[1], [0], [0], [1], [0, 0, 1, 1], [], []>, transpose_lhs_hint = false} : vector<256x128xf32>, vector<128x128xf32>, vector<256x128xf32> -> vector<256x128xf32>
    %add3A_3736 = vector.broadcast %get3A_2626 : vector<1x128xf32> to vector<256x128xf32>
    %add3A_3737 = arith.addf %dot_general3A_3735, %add3A_3736 : vector<256x128xf32>
    %max3A_3738 = arith.constant 0.000000e+00 : f32
    %max3A_3739 = vector.broadcast %max3A_3738 : f32 to vector<256x128xf32>
    %max3A_3740 = arith.maximumf %add3A_3737, %max3A_3739 : vector<256x128xf32>
    %dot_general3A_3741 = arith.constant dense<0.000000e+00> : vector<256x64xf32>
    %dot_general3A_3742 = tpu.matmul %max3A_3740, %get3A_2629, %dot_general3A_3741 {dimension_numbers = #tpu.dot_dimension_numbers<[1], [0], [0], [1], [0, 0, 1, 1], [], []>, transpose_lhs_hint = false} : vector<256x128xf32>, vector<128x64xf32>, vector<256x64xf32> -> vector<256x64xf32>
    %add3A_3743 = vector.broadcast %get3A_2632 : vector<1x64xf32> to vector<256x64xf32>
    %add3A_3744 = arith.addf %dot_general3A_3742, %add3A_3743 : vector<256x64xf32>
    %mul3A_3745 = vector.broadcast %select_n3A_3723 : f32 to vector<256x64xf32>
    %mul3A_3746 = arith.mulf %add3A_3744, %mul3A_3745 : vector<256x64xf32>
    %add3A_3747 = arith.addf %get3A_3712, %mul3A_3746 : vector<256x64xf32>
    %dot_general3A_3748 = arith.constant dense<0.000000e+00> : vector<256x64xf32>
    %dot_general3A_3749 = tpu.matmul %add3A_3747, %broadcast_in_dim3A_2643, %dot_general3A_3748 {dimension_numbers = #tpu.dot_dimension_numbers<[1], [0], [0], [1], [0, 0, 1, 1], [], []>, transpose_lhs_hint = false} : vector<256x64xf32>, vector<64x64xf32>, vector<256x64xf32> -> vector<256x64xf32>
    %mul3A_3750 = arith.mulf %add3A_3747, %add3A_3747 : vector<256x64xf32>
    %dot_general3A_3751 = arith.constant dense<0.000000e+00> : vector<256x64xf32>
    %dot_general3A_3752 = tpu.matmul %mul3A_3750, %broadcast_in_dim3A_2643, %dot_general3A_3751 {dimension_numbers = #tpu.dot_dimension_numbers<[1], [0], [0], [1], [0, 0, 1, 1], [], []>, transpose_lhs_hint = false} : vector<256x64xf32>, vector<64x64xf32>, vector<256x64xf32> -> vector<256x64xf32>
    %mul3A_3753 = arith.mulf %dot_general3A_3749, %dot_general3A_3749 : vector<256x64xf32>
    %sub3A_3754 = arith.subf %dot_general3A_3752, %mul3A_3753 : vector<256x64xf32>
    %sub3A_3755 = arith.subf %add3A_3747, %dot_general3A_3749 : vector<256x64xf32>
    %add3A_3756 = arith.constant 9.99999974E-6 : f32
    %add3A_3757 = vector.broadcast %add3A_3756 : f32 to vector<256x64xf32>
    %add3A_3758 = arith.addf %sub3A_3754, %add3A_3757 : vector<256x64xf32>
    %rsqrt3A_3759 = math.rsqrt %add3A_3758 : vector<256x64xf32>
    %mul3A_3760 = arith.mulf %sub3A_3755, %rsqrt3A_3759 : vector<256x64xf32>
    %mul3A_3761 = vector.broadcast %get3A_2638 : vector<1x64xf32> to vector<256x64xf32>
    %mul3A_3762 = arith.mulf %mul3A_3760, %mul3A_3761 : vector<256x64xf32>
    %add3A_3763 = vector.broadcast %get3A_2641 : vector<1x64xf32> to vector<256x64xf32>
    %add3A_3764 = arith.addf %mul3A_3762, %add3A_3763 : vector<256x64xf32>
    %swap3A_3765 = arith.constant 17 : index
    %swap3A_3766 = arith.constant 0 : index
    %swap3A_3767 = arith.constant 0 : index
    %swap3A_3768 = vector.load %arg12[%swap3A_3765, %swap3A_3766, %swap3A_3767] : memref<25x256x64xf32, #tpu.memory_space<vmem>>, vector<1x256x64xf32>
    %swap3A_3769 = vector.shape_cast %swap3A_3768 : vector<1x256x64xf32> to vector<256x64xf32>
    %swap3A_3770 = vector.shape_cast %add3A_3764 : vector<256x64xf32> to vector<1x256x64xf32>
    tpu.vector_store %arg12[%swap3A_3765, %swap3A_3766, %swap3A_3767], %swap3A_3770 {strides = array<i32>} : memref<25x256x64xf32, #tpu.memory_space<vmem>>, vector<1x256x64xf32>,
    %get3A_3771 = arith.constant 18 : index
    %get3A_3772 = arith.constant 0 : index
    %get3A_3773 = arith.constant 0 : index
    %get3A_3774 = vector.load %arg2[%get3A_3771, %get3A_3772, %get3A_3773] : memref<25x256x64xf32, #tpu.memory_space<vmem>>, vector<1x256x64xf32>
    %get3A_3775 = vector.shape_cast %get3A_3774 : vector<1x256x64xf32> to vector<256x64xf32>
    %get3A_3776 = arith.constant 18 : index
    %get3A_3777 = memref.load %arg15[%get3A_3776] : memref<32xf32, #tpu.memory_space<smem>>
    %max3A_3778 = arith.constant 1.000000e+00 : f32
    %max3A_3779 = arith.maximumf %get3A_3777, %max3A_3778 : f32
    %div3A_3780 = arith.constant 1.000000e+00 : f32
    %div3A_3781 = arith.divf %div3A_3780, %max3A_3779 : f32
    %gt3A_3782 = arith.constant 0.000000e+00 : f32
    %gt3A_3783 = arith.cmpf ogt, %get3A_3777, %gt3A_3782 : f32
    %jit3A_3784 = arith.constant 1.000000e+00 : f32
    %jit3A_3785 = arith.constant 0.000000e+00 : f32
    %select_n3A_3786 = arith.select %gt3A_3783, %jit3A_3784, %jit3A_3785 : f32
    %get3A_3787 = arith.constant 18 : index
    %get3A_3788 = arith.constant 0 : index
    %get3A_3789 = arith.constant 0 : index
    %get3A_3790 = vector.load %arg14[%get3A_3787, %get3A_3788, %get3A_3789] : memref<25x256x64xf32, #tpu.memory_space<vmem>>, vector<1x256x64xf32>
    %get3A_3791 = vector.shape_cast %get3A_3790 : vector<1x256x64xf32> to vector<256x64xf32>
    %mul3A_3792 = vector.broadcast %div3A_3781 : f32 to vector<256x64xf32>
    %mul3A_3793 = arith.mulf %get3A_3791, %mul3A_3792 : vector<256x64xf32>
    %add3A_3794 = vector.broadcast %get3A_2635 : vector<1x64xf32> to vector<256x64xf32>
    %add3A_3795 = arith.addf %mul3A_3793, %add3A_3794 : vector<256x64xf32>
    %concatenate3A_3796 = tpu.concatenate %get3A_3775, %add3A_3795 in 1 : vector<256x64xf32>, vector<256x64xf32> -> vector<256x128xf32>
    %dot_general3A_3797 = arith.constant dense<0.000000e+00> : vector<256x128xf32>
    %dot_general3A_3798 = tpu.matmul %concatenate3A_3796, %get3A_2623, %dot_general3A_3797 {dimension_numbers = #tpu.dot_dimension_numbers<[1], [0], [0], [1], [0, 0, 1, 1], [], []>, transpose_lhs_hint = false} : vector<256x128xf32>, vector<128x128xf32>, vector<256x128xf32> -> vector<256x128xf32>
    %add3A_3799 = vector.broadcast %get3A_2626 : vector<1x128xf32> to vector<256x128xf32>
    %add3A_3800 = arith.addf %dot_general3A_3798, %add3A_3799 : vector<256x128xf32>
    %max3A_3801 = arith.constant 0.000000e+00 : f32
    %max3A_3802 = vector.broadcast %max3A_3801 : f32 to vector<256x128xf32>
    %max3A_3803 = arith.maximumf %add3A_3800, %max3A_3802 : vector<256x128xf32>
    %dot_general3A_3804 = arith.constant dense<0.000000e+00> : vector<256x64xf32>
    %dot_general3A_3805 = tpu.matmul %max3A_3803, %get3A_2629, %dot_general3A_3804 {dimension_numbers = #tpu.dot_dimension_numbers<[1], [0], [0], [1], [0, 0, 1, 1], [], []>, transpose_lhs_hint = false} : vector<256x128xf32>, vector<128x64xf32>, vector<256x64xf32> -> vector<256x64xf32>
    %add3A_3806 = vector.broadcast %get3A_2632 : vector<1x64xf32> to vector<256x64xf32>
    %add3A_3807 = arith.addf %dot_general3A_3805, %add3A_3806 : vector<256x64xf32>
    %mul3A_3808 = vector.broadcast %select_n3A_3786 : f32 to vector<256x64xf32>
    %mul3A_3809 = arith.mulf %add3A_3807, %mul3A_3808 : vector<256x64xf32>
    %add3A_3810 = arith.addf %get3A_3775, %mul3A_3809 : vector<256x64xf32>
    %dot_general3A_3811 = arith.constant dense<0.000000e+00> : vector<256x64xf32>
    %dot_general3A_3812 = tpu.matmul %add3A_3810, %broadcast_in_dim3A_2643, %dot_general3A_3811 {dimension_numbers = #tpu.dot_dimension_numbers<[1], [0], [0], [1], [0, 0, 1, 1], [], []>, transpose_lhs_hint = false} : vector<256x64xf32>, vector<64x64xf32>, vector<256x64xf32> -> vector<256x64xf32>
    %mul3A_3813 = arith.mulf %add3A_3810, %add3A_3810 : vector<256x64xf32>
    %dot_general3A_3814 = arith.constant dense<0.000000e+00> : vector<256x64xf32>
    %dot_general3A_3815 = tpu.matmul %mul3A_3813, %broadcast_in_dim3A_2643, %dot_general3A_3814 {dimension_numbers = #tpu.dot_dimension_numbers<[1], [0], [0], [1], [0, 0, 1, 1], [], []>, transpose_lhs_hint = false} : vector<256x64xf32>, vector<64x64xf32>, vector<256x64xf32> -> vector<256x64xf32>
    %mul3A_3816 = arith.mulf %dot_general3A_3812, %dot_general3A_3812 : vector<256x64xf32>
    %sub3A_3817 = arith.subf %dot_general3A_3815, %mul3A_3816 : vector<256x64xf32>
    %sub3A_3818 = arith.subf %add3A_3810, %dot_general3A_3812 : vector<256x64xf32>
    %add3A_3819 = arith.constant 9.99999974E-6 : f32
    %add3A_3820 = vector.broadcast %add3A_3819 : f32 to vector<256x64xf32>
    %add3A_3821 = arith.addf %sub3A_3817, %add3A_3820 : vector<256x64xf32>
    %rsqrt3A_3822 = math.rsqrt %add3A_3821 : vector<256x64xf32>
    %mul3A_3823 = arith.mulf %sub3A_3818, %rsqrt3A_3822 : vector<256x64xf32>
    %mul3A_3824 = vector.broadcast %get3A_2638 : vector<1x64xf32> to vector<256x64xf32>
    %mul3A_3825 = arith.mulf %mul3A_3823, %mul3A_3824 : vector<256x64xf32>
    %add3A_3826 = vector.broadcast %get3A_2641 : vector<1x64xf32> to vector<256x64xf32>
    %add3A_3827 = arith.addf %mul3A_3825, %add3A_3826 : vector<256x64xf32>
    %swap3A_3828 = arith.constant 18 : index
    %swap3A_3829 = arith.constant 0 : index
    %swap3A_3830 = arith.constant 0 : index
    %swap3A_3831 = vector.load %arg12[%swap3A_3828, %swap3A_3829, %swap3A_3830] : memref<25x256x64xf32, #tpu.memory_space<vmem>>, vector<1x256x64xf32>
    %swap3A_3832 = vector.shape_cast %swap3A_3831 : vector<1x256x64xf32> to vector<256x64xf32>
    %swap3A_3833 = vector.shape_cast %add3A_3827 : vector<256x64xf32> to vector<1x256x64xf32>
    tpu.vector_store %arg12[%swap3A_3828, %swap3A_3829, %swap3A_3830], %swap3A_3833 {strides = array<i32>} : memref<25x256x64xf32, #tpu.memory_space<vmem>>, vector<1x256x64xf32>,
    %get3A_3834 = arith.constant 19 : index
    %get3A_3835 = arith.constant 0 : index
    %get3A_3836 = arith.constant 0 : index
    %get3A_3837 = vector.load %arg2[%get3A_3834, %get3A_3835, %get3A_3836] : memref<25x256x64xf32, #tpu.memory_space<vmem>>, vector<1x256x64xf32>
    %get3A_3838 = vector.shape_cast %get3A_3837 : vector<1x256x64xf32> to vector<256x64xf32>
    %get3A_3839 = arith.constant 19 : index
    %get3A_3840 = memref.load %arg15[%get3A_3839] : memref<32xf32, #tpu.memory_space<smem>>
    %max3A_3841 = arith.constant 1.000000e+00 : f32
    %max3A_3842 = arith.maximumf %get3A_3840, %max3A_3841 : f32
    %div3A_3843 = arith.constant 1.000000e+00 : f32
    %div3A_3844 = arith.divf %div3A_3843, %max3A_3842 : f32
    %gt3A_3845 = arith.constant 0.000000e+00 : f32
    %gt3A_3846 = arith.cmpf ogt, %get3A_3840, %gt3A_3845 : f32
    %jit3A_3847 = arith.constant 1.000000e+00 : f32
    %jit3A_3848 = arith.constant 0.000000e+00 : f32
    %select_n3A_3849 = arith.select %gt3A_3846, %jit3A_3847, %jit3A_3848 : f32
    %get3A_3850 = arith.constant 19 : index
    %get3A_3851 = arith.constant 0 : index
    %get3A_3852 = arith.constant 0 : index
    %get3A_3853 = vector.load %arg14[%get3A_3850, %get3A_3851, %get3A_3852] : memref<25x256x64xf32, #tpu.memory_space<vmem>>, vector<1x256x64xf32>
    %get3A_3854 = vector.shape_cast %get3A_3853 : vector<1x256x64xf32> to vector<256x64xf32>
    %mul3A_3855 = vector.broadcast %div3A_3844 : f32 to vector<256x64xf32>
    %mul3A_3856 = arith.mulf %get3A_3854, %mul3A_3855 : vector<256x64xf32>
    %add3A_3857 = vector.broadcast %get3A_2635 : vector<1x64xf32> to vector<256x64xf32>
    %add3A_3858 = arith.addf %mul3A_3856, %add3A_3857 : vector<256x64xf32>
    %concatenate3A_3859 = tpu.concatenate %get3A_3838, %add3A_3858 in 1 : vector<256x64xf32>, vector<256x64xf32> -> vector<256x128xf32>
    %dot_general3A_3860 = arith.constant dense<0.000000e+00> : vector<256x128xf32>
    %dot_general3A_3861 = tpu.matmul %concatenate3A_3859, %get3A_2623, %dot_general3A_3860 {dimension_numbers = #tpu.dot_dimension_numbers<[1], [0], [0], [1], [0, 0, 1, 1], [], []>, transpose_lhs_hint = false} : vector<256x128xf32>, vector<128x128xf32>, vector<256x128xf32> -> vector<256x128xf32>
    %add3A_3862 = vector.broadcast %get3A_2626 : vector<1x128xf32> to vector<256x128xf32>
    %add3A_3863 = arith.addf %dot_general3A_3861, %add3A_3862 : vector<256x128xf32>
    %max3A_3864 = arith.constant 0.000000e+00 : f32
    %max3A_3865 = vector.broadcast %max3A_3864 : f32 to vector<256x128xf32>
    %max3A_3866 = arith.maximumf %add3A_3863, %max3A_3865 : vector<256x128xf32>
    %dot_general3A_3867 = arith.constant dense<0.000000e+00> : vector<256x64xf32>
    %dot_general3A_3868 = tpu.matmul %max3A_3866, %get3A_2629, %dot_general3A_3867 {dimension_numbers = #tpu.dot_dimension_numbers<[1], [0], [0], [1], [0, 0, 1, 1], [], []>, transpose_lhs_hint = false} : vector<256x128xf32>, vector<128x64xf32>, vector<256x64xf32> -> vector<256x64xf32>
    %add3A_3869 = vector.broadcast %get3A_2632 : vector<1x64xf32> to vector<256x64xf32>
    %add3A_3870 = arith.addf %dot_general3A_3868, %add3A_3869 : vector<256x64xf32>
    %mul3A_3871 = vector.broadcast %select_n3A_3849 : f32 to vector<256x64xf32>
    %mul3A_3872 = arith.mulf %add3A_3870, %mul3A_3871 : vector<256x64xf32>
    %add3A_3873 = arith.addf %get3A_3838, %mul3A_3872 : vector<256x64xf32>
    %dot_general3A_3874 = arith.constant dense<0.000000e+00> : vector<256x64xf32>
    %dot_general3A_3875 = tpu.matmul %add3A_3873, %broadcast_in_dim3A_2643, %dot_general3A_3874 {dimension_numbers = #tpu.dot_dimension_numbers<[1], [0], [0], [1], [0, 0, 1, 1], [], []>, transpose_lhs_hint = false} : vector<256x64xf32>, vector<64x64xf32>, vector<256x64xf32> -> vector<256x64xf32>
    %mul3A_3876 = arith.mulf %add3A_3873, %add3A_3873 : vector<256x64xf32>
    %dot_general3A_3877 = arith.constant dense<0.000000e+00> : vector<256x64xf32>
    %dot_general3A_3878 = tpu.matmul %mul3A_3876, %broadcast_in_dim3A_2643, %dot_general3A_3877 {dimension_numbers = #tpu.dot_dimension_numbers<[1], [0], [0], [1], [0, 0, 1, 1], [], []>, transpose_lhs_hint = false} : vector<256x64xf32>, vector<64x64xf32>, vector<256x64xf32> -> vector<256x64xf32>
    %mul3A_3879 = arith.mulf %dot_general3A_3875, %dot_general3A_3875 : vector<256x64xf32>
    %sub3A_3880 = arith.subf %dot_general3A_3878, %mul3A_3879 : vector<256x64xf32>
    %sub3A_3881 = arith.subf %add3A_3873, %dot_general3A_3875 : vector<256x64xf32>
    %add3A_3882 = arith.constant 9.99999974E-6 : f32
    %add3A_3883 = vector.broadcast %add3A_3882 : f32 to vector<256x64xf32>
    %add3A_3884 = arith.addf %sub3A_3880, %add3A_3883 : vector<256x64xf32>
    %rsqrt3A_3885 = math.rsqrt %add3A_3884 : vector<256x64xf32>
    %mul3A_3886 = arith.mulf %sub3A_3881, %rsqrt3A_3885 : vector<256x64xf32>
    %mul3A_3887 = vector.broadcast %get3A_2638 : vector<1x64xf32> to vector<256x64xf32>
    %mul3A_3888 = arith.mulf %mul3A_3886, %mul3A_3887 : vector<256x64xf32>
    %add3A_3889 = vector.broadcast %get3A_2641 : vector<1x64xf32> to vector<256x64xf32>
    %add3A_3890 = arith.addf %mul3A_3888, %add3A_3889 : vector<256x64xf32>
    %swap3A_3891 = arith.constant 19 : index
    %swap3A_3892 = arith.constant 0 : index
    %swap3A_3893 = arith.constant 0 : index
    %swap3A_3894 = vector.load %arg12[%swap3A_3891, %swap3A_3892, %swap3A_3893] : memref<25x256x64xf32, #tpu.memory_space<vmem>>, vector<1x256x64xf32>
    %swap3A_3895 = vector.shape_cast %swap3A_3894 : vector<1x256x64xf32> to vector<256x64xf32>
    %swap3A_3896 = vector.shape_cast %add3A_3890 : vector<256x64xf32> to vector<1x256x64xf32>
    tpu.vector_store %arg12[%swap3A_3891, %swap3A_3892, %swap3A_3893], %swap3A_3896 {strides = array<i32>} : memref<25x256x64xf32, #tpu.memory_space<vmem>>, vector<1x256x64xf32>,
    %get3A_3897 = arith.constant 20 : index
    %get3A_3898 = arith.constant 0 : index
    %get3A_3899 = arith.constant 0 : index
    %get3A_3900 = vector.load %arg2[%get3A_3897, %get3A_3898, %get3A_3899] : memref<25x256x64xf32, #tpu.memory_space<vmem>>, vector<1x256x64xf32>
    %get3A_3901 = vector.shape_cast %get3A_3900 : vector<1x256x64xf32> to vector<256x64xf32>
    %get3A_3902 = arith.constant 20 : index
    %get3A_3903 = memref.load %arg15[%get3A_3902] : memref<32xf32, #tpu.memory_space<smem>>
    %max3A_3904 = arith.constant 1.000000e+00 : f32
    %max3A_3905 = arith.maximumf %get3A_3903, %max3A_3904 : f32
    %div3A_3906 = arith.constant 1.000000e+00 : f32
    %div3A_3907 = arith.divf %div3A_3906, %max3A_3905 : f32
    %gt3A_3908 = arith.constant 0.000000e+00 : f32
    %gt3A_3909 = arith.cmpf ogt, %get3A_3903, %gt3A_3908 : f32
    %jit3A_3910 = arith.constant 1.000000e+00 : f32
    %jit3A_3911 = arith.constant 0.000000e+00 : f32
    %select_n3A_3912 = arith.select %gt3A_3909, %jit3A_3910, %jit3A_3911 : f32
    %get3A_3913 = arith.constant 20 : index
    %get3A_3914 = arith.constant 0 : index
    %get3A_3915 = arith.constant 0 : index
    %get3A_3916 = vector.load %arg14[%get3A_3913, %get3A_3914, %get3A_3915] : memref<25x256x64xf32, #tpu.memory_space<vmem>>, vector<1x256x64xf32>
    %get3A_3917 = vector.shape_cast %get3A_3916 : vector<1x256x64xf32> to vector<256x64xf32>
    %mul3A_3918 = vector.broadcast %div3A_3907 : f32 to vector<256x64xf32>
    %mul3A_3919 = arith.mulf %get3A_3917, %mul3A_3918 : vector<256x64xf32>
    %add3A_3920 = vector.broadcast %get3A_2635 : vector<1x64xf32> to vector<256x64xf32>
    %add3A_3921 = arith.addf %mul3A_3919, %add3A_3920 : vector<256x64xf32>
    %concatenate3A_3922 = tpu.concatenate %get3A_3901, %add3A_3921 in 1 : vector<256x64xf32>, vector<256x64xf32> -> vector<256x128xf32>
    %dot_general3A_3923 = arith.constant dense<0.000000e+00> : vector<256x128xf32>
    %dot_general3A_3924 = tpu.matmul %concatenate3A_3922, %get3A_2623, %dot_general3A_3923 {dimension_numbers = #tpu.dot_dimension_numbers<[1], [0], [0], [1], [0, 0, 1, 1], [], []>, transpose_lhs_hint = false} : vector<256x128xf32>, vector<128x128xf32>, vector<256x128xf32> -> vector<256x128xf32>
    %add3A_3925 = vector.broadcast %get3A_2626 : vector<1x128xf32> to vector<256x128xf32>
    %add3A_3926 = arith.addf %dot_general3A_3924, %add3A_3925 : vector<256x128xf32>
    %max3A_3927 = arith.constant 0.000000e+00 : f32
    %max3A_3928 = vector.broadcast %max3A_3927 : f32 to vector<256x128xf32>
    %max3A_3929 = arith.maximumf %add3A_3926, %max3A_3928 : vector<256x128xf32>
    %dot_general3A_3930 = arith.constant dense<0.000000e+00> : vector<256x64xf32>
    %dot_general3A_3931 = tpu.matmul %max3A_3929, %get3A_2629, %dot_general3A_3930 {dimension_numbers = #tpu.dot_dimension_numbers<[1], [0], [0], [1], [0, 0, 1, 1], [], []>, transpose_lhs_hint = false} : vector<256x128xf32>, vector<128x64xf32>, vector<256x64xf32> -> vector<256x64xf32>
    %add3A_3932 = vector.broadcast %get3A_2632 : vector<1x64xf32> to vector<256x64xf32>
    %add3A_3933 = arith.addf %dot_general3A_3931, %add3A_3932 : vector<256x64xf32>
    %mul3A_3934 = vector.broadcast %select_n3A_3912 : f32 to vector<256x64xf32>
    %mul3A_3935 = arith.mulf %add3A_3933, %mul3A_3934 : vector<256x64xf32>
    %add3A_3936 = arith.addf %get3A_3901, %mul3A_3935 : vector<256x64xf32>
    %dot_general3A_3937 = arith.constant dense<0.000000e+00> : vector<256x64xf32>
    %dot_general3A_3938 = tpu.matmul %add3A_3936, %broadcast_in_dim3A_2643, %dot_general3A_3937 {dimension_numbers = #tpu.dot_dimension_numbers<[1], [0], [0], [1], [0, 0, 1, 1], [], []>, transpose_lhs_hint = false} : vector<256x64xf32>, vector<64x64xf32>, vector<256x64xf32> -> vector<256x64xf32>
    %mul3A_3939 = arith.mulf %add3A_3936, %add3A_3936 : vector<256x64xf32>
    %dot_general3A_3940 = arith.constant dense<0.000000e+00> : vector<256x64xf32>
    %dot_general3A_3941 = tpu.matmul %mul3A_3939, %broadcast_in_dim3A_2643, %dot_general3A_3940 {dimension_numbers = #tpu.dot_dimension_numbers<[1], [0], [0], [1], [0, 0, 1, 1], [], []>, transpose_lhs_hint = false} : vector<256x64xf32>, vector<64x64xf32>, vector<256x64xf32> -> vector<256x64xf32>
    %mul3A_3942 = arith.mulf %dot_general3A_3938, %dot_general3A_3938 : vector<256x64xf32>
    %sub3A_3943 = arith.subf %dot_general3A_3941, %mul3A_3942 : vector<256x64xf32>
    %sub3A_3944 = arith.subf %add3A_3936, %dot_general3A_3938 : vector<256x64xf32>
    %add3A_3945 = arith.constant 9.99999974E-6 : f32
    %add3A_3946 = vector.broadcast %add3A_3945 : f32 to vector<256x64xf32>
    %add3A_3947 = arith.addf %sub3A_3943, %add3A_3946 : vector<256x64xf32>
    %rsqrt3A_3948 = math.rsqrt %add3A_3947 : vector<256x64xf32>
    %mul3A_3949 = arith.mulf %sub3A_3944, %rsqrt3A_3948 : vector<256x64xf32>
    %mul3A_3950 = vector.broadcast %get3A_2638 : vector<1x64xf32> to vector<256x64xf32>
    %mul3A_3951 = arith.mulf %mul3A_3949, %mul3A_3950 : vector<256x64xf32>
    %add3A_3952 = vector.broadcast %get3A_2641 : vector<1x64xf32> to vector<256x64xf32>
    %add3A_3953 = arith.addf %mul3A_3951, %add3A_3952 : vector<256x64xf32>
    %swap3A_3954 = arith.constant 20 : index
    %swap3A_3955 = arith.constant 0 : index
    %swap3A_3956 = arith.constant 0 : index
    %swap3A_3957 = vector.load %arg12[%swap3A_3954, %swap3A_3955, %swap3A_3956] : memref<25x256x64xf32, #tpu.memory_space<vmem>>, vector<1x256x64xf32>
    %swap3A_3958 = vector.shape_cast %swap3A_3957 : vector<1x256x64xf32> to vector<256x64xf32>
    %swap3A_3959 = vector.shape_cast %add3A_3953 : vector<256x64xf32> to vector<1x256x64xf32>
    tpu.vector_store %arg12[%swap3A_3954, %swap3A_3955, %swap3A_3956], %swap3A_3959 {strides = array<i32>} : memref<25x256x64xf32, #tpu.memory_space<vmem>>, vector<1x256x64xf32>,
    %get3A_3960 = arith.constant 21 : index
    %get3A_3961 = arith.constant 0 : index
    %get3A_3962 = arith.constant 0 : index
    %get3A_3963 = vector.load %arg2[%get3A_3960, %get3A_3961, %get3A_3962] : memref<25x256x64xf32, #tpu.memory_space<vmem>>, vector<1x256x64xf32>
    %get3A_3964 = vector.shape_cast %get3A_3963 : vector<1x256x64xf32> to vector<256x64xf32>
    %get3A_3965 = arith.constant 21 : index
    %get3A_3966 = memref.load %arg15[%get3A_3965] : memref<32xf32, #tpu.memory_space<smem>>
    %max3A_3967 = arith.constant 1.000000e+00 : f32
    %max3A_3968 = arith.maximumf %get3A_3966, %max3A_3967 : f32
    %div3A_3969 = arith.constant 1.000000e+00 : f32
    %div3A_3970 = arith.divf %div3A_3969, %max3A_3968 : f32
    %gt3A_3971 = arith.constant 0.000000e+00 : f32
    %gt3A_3972 = arith.cmpf ogt, %get3A_3966, %gt3A_3971 : f32
    %jit3A_3973 = arith.constant 1.000000e+00 : f32
    %jit3A_3974 = arith.constant 0.000000e+00 : f32
    %select_n3A_3975 = arith.select %gt3A_3972, %jit3A_3973, %jit3A_3974 : f32
    %get3A_3976 = arith.constant 21 : index
    %get3A_3977 = arith.constant 0 : index
    %get3A_3978 = arith.constant 0 : index
    %get3A_3979 = vector.load %arg14[%get3A_3976, %get3A_3977, %get3A_3978] : memref<25x256x64xf32, #tpu.memory_space<vmem>>, vector<1x256x64xf32>
    %get3A_3980 = vector.shape_cast %get3A_3979 : vector<1x256x64xf32> to vector<256x64xf32>
    %mul3A_3981 = vector.broadcast %div3A_3970 : f32 to vector<256x64xf32>
    %mul3A_3982 = arith.mulf %get3A_3980, %mul3A_3981 : vector<256x64xf32>
    %add3A_3983 = vector.broadcast %get3A_2635 : vector<1x64xf32> to vector<256x64xf32>
    %add3A_3984 = arith.addf %mul3A_3982, %add3A_3983 : vector<256x64xf32>
    %concatenate3A_3985 = tpu.concatenate %get3A_3964, %add3A_3984 in 1 : vector<256x64xf32>, vector<256x64xf32> -> vector<256x128xf32>
    %dot_general3A_3986 = arith.constant dense<0.000000e+00> : vector<256x128xf32>
    %dot_general3A_3987 = tpu.matmul %concatenate3A_3985, %get3A_2623, %dot_general3A_3986 {dimension_numbers = #tpu.dot_dimension_numbers<[1], [0], [0], [1], [0, 0, 1, 1], [], []>, transpose_lhs_hint = false} : vector<256x128xf32>, vector<128x128xf32>, vector<256x128xf32> -> vector<256x128xf32>
    %add3A_3988 = vector.broadcast %get3A_2626 : vector<1x128xf32> to vector<256x128xf32>
    %add3A_3989 = arith.addf %dot_general3A_3987, %add3A_3988 : vector<256x128xf32>
    %max3A_3990 = arith.constant 0.000000e+00 : f32
    %max3A_3991 = vector.broadcast %max3A_3990 : f32 to vector<256x128xf32>
    %max3A_3992 = arith.maximumf %add3A_3989, %max3A_3991 : vector<256x128xf32>
    %dot_general3A_3993 = arith.constant dense<0.000000e+00> : vector<256x64xf32>
    %dot_general3A_3994 = tpu.matmul %max3A_3992, %get3A_2629, %dot_general3A_3993 {dimension_numbers = #tpu.dot_dimension_numbers<[1], [0], [0], [1], [0, 0, 1, 1], [], []>, transpose_lhs_hint = false} : vector<256x128xf32>, vector<128x64xf32>, vector<256x64xf32> -> vector<256x64xf32>
    %add3A_3995 = vector.broadcast %get3A_2632 : vector<1x64xf32> to vector<256x64xf32>
    %add3A_3996 = arith.addf %dot_general3A_3994, %add3A_3995 : vector<256x64xf32>
    %mul3A_3997 = vector.broadcast %select_n3A_3975 : f32 to vector<256x64xf32>
    %mul3A_3998 = arith.mulf %add3A_3996, %mul3A_3997 : vector<256x64xf32>
    %add3A_3999 = arith.addf %get3A_3964, %mul3A_3998 : vector<256x64xf32>
    %dot_general3A_4000 = arith.constant dense<0.000000e+00> : vector<256x64xf32>
    %dot_general3A_4001 = tpu.matmul %add3A_3999, %broadcast_in_dim3A_2643, %dot_general3A_4000 {dimension_numbers = #tpu.dot_dimension_numbers<[1], [0], [0], [1], [0, 0, 1, 1], [], []>, transpose_lhs_hint = false} : vector<256x64xf32>, vector<64x64xf32>, vector<256x64xf32> -> vector<256x64xf32>
    %mul3A_4002 = arith.mulf %add3A_3999, %add3A_3999 : vector<256x64xf32>
    %dot_general3A_4003 = arith.constant dense<0.000000e+00> : vector<256x64xf32>
    %dot_general3A_4004 = tpu.matmul %mul3A_4002, %broadcast_in_dim3A_2643, %dot_general3A_4003 {dimension_numbers = #tpu.dot_dimension_numbers<[1], [0], [0], [1], [0, 0, 1, 1], [], []>, transpose_lhs_hint = false} : vector<256x64xf32>, vector<64x64xf32>, vector<256x64xf32> -> vector<256x64xf32>
    %mul3A_4005 = arith.mulf %dot_general3A_4001, %dot_general3A_4001 : vector<256x64xf32>
    %sub3A_4006 = arith.subf %dot_general3A_4004, %mul3A_4005 : vector<256x64xf32>
    %sub3A_4007 = arith.subf %add3A_3999, %dot_general3A_4001 : vector<256x64xf32>
    %add3A_4008 = arith.constant 9.99999974E-6 : f32
    %add3A_4009 = vector.broadcast %add3A_4008 : f32 to vector<256x64xf32>
    %add3A_4010 = arith.addf %sub3A_4006, %add3A_4009 : vector<256x64xf32>
    %rsqrt3A_4011 = math.rsqrt %add3A_4010 : vector<256x64xf32>
    %mul3A_4012 = arith.mulf %sub3A_4007, %rsqrt3A_4011 : vector<256x64xf32>
    %mul3A_4013 = vector.broadcast %get3A_2638 : vector<1x64xf32> to vector<256x64xf32>
    %mul3A_4014 = arith.mulf %mul3A_4012, %mul3A_4013 : vector<256x64xf32>
    %add3A_4015 = vector.broadcast %get3A_2641 : vector<1x64xf32> to vector<256x64xf32>
    %add3A_4016 = arith.addf %mul3A_4014, %add3A_4015 : vector<256x64xf32>
    %swap3A_4017 = arith.constant 21 : index
    %swap3A_4018 = arith.constant 0 : index
    %swap3A_4019 = arith.constant 0 : index
    %swap3A_4020 = vector.load %arg12[%swap3A_4017, %swap3A_4018, %swap3A_4019] : memref<25x256x64xf32, #tpu.memory_space<vmem>>, vector<1x256x64xf32>
    %swap3A_4021 = vector.shape_cast %swap3A_4020 : vector<1x256x64xf32> to vector<256x64xf32>
    %swap3A_4022 = vector.shape_cast %add3A_4016 : vector<256x64xf32> to vector<1x256x64xf32>
    tpu.vector_store %arg12[%swap3A_4017, %swap3A_4018, %swap3A_4019], %swap3A_4022 {strides = array<i32>} : memref<25x256x64xf32, #tpu.memory_space<vmem>>, vector<1x256x64xf32>,
    %get3A_4023 = arith.constant 22 : index
    %get3A_4024 = arith.constant 0 : index
    %get3A_4025 = arith.constant 0 : index
    %get3A_4026 = vector.load %arg2[%get3A_4023, %get3A_4024, %get3A_4025] : memref<25x256x64xf32, #tpu.memory_space<vmem>>, vector<1x256x64xf32>
    %get3A_4027 = vector.shape_cast %get3A_4026 : vector<1x256x64xf32> to vector<256x64xf32>
    %get3A_4028 = arith.constant 22 : index
    %get3A_4029 = memref.load %arg15[%get3A_4028] : memref<32xf32, #tpu.memory_space<smem>>
    %max3A_4030 = arith.constant 1.000000e+00 : f32
    %max3A_4031 = arith.maximumf %get3A_4029, %max3A_4030 : f32
    %div3A_4032 = arith.constant 1.000000e+00 : f32
    %div3A_4033 = arith.divf %div3A_4032, %max3A_4031 : f32
    %gt3A_4034 = arith.constant 0.000000e+00 : f32
    %gt3A_4035 = arith.cmpf ogt, %get3A_4029, %gt3A_4034 : f32
    %jit3A_4036 = arith.constant 1.000000e+00 : f32
    %jit3A_4037 = arith.constant 0.000000e+00 : f32
    %select_n3A_4038 = arith.select %gt3A_4035, %jit3A_4036, %jit3A_4037 : f32
    %get3A_4039 = arith.constant 22 : index
    %get3A_4040 = arith.constant 0 : index
    %get3A_4041 = arith.constant 0 : index
    %get3A_4042 = vector.load %arg14[%get3A_4039, %get3A_4040, %get3A_4041] : memref<25x256x64xf32, #tpu.memory_space<vmem>>, vector<1x256x64xf32>
    %get3A_4043 = vector.shape_cast %get3A_4042 : vector<1x256x64xf32> to vector<256x64xf32>
    %mul3A_4044 = vector.broadcast %div3A_4033 : f32 to vector<256x64xf32>
    %mul3A_4045 = arith.mulf %get3A_4043, %mul3A_4044 : vector<256x64xf32>
    %add3A_4046 = vector.broadcast %get3A_2635 : vector<1x64xf32> to vector<256x64xf32>
    %add3A_4047 = arith.addf %mul3A_4045, %add3A_4046 : vector<256x64xf32>
    %concatenate3A_4048 = tpu.concatenate %get3A_4027, %add3A_4047 in 1 : vector<256x64xf32>, vector<256x64xf32> -> vector<256x128xf32>
    %dot_general3A_4049 = arith.constant dense<0.000000e+00> : vector<256x128xf32>
    %dot_general3A_4050 = tpu.matmul %concatenate3A_4048, %get3A_2623, %dot_general3A_4049 {dimension_numbers = #tpu.dot_dimension_numbers<[1], [0], [0], [1], [0, 0, 1, 1], [], []>, transpose_lhs_hint = false} : vector<256x128xf32>, vector<128x128xf32>, vector<256x128xf32> -> vector<256x128xf32>
    %add3A_4051 = vector.broadcast %get3A_2626 : vector<1x128xf32> to vector<256x128xf32>
    %add3A_4052 = arith.addf %dot_general3A_4050, %add3A_4051 : vector<256x128xf32>
    %max3A_4053 = arith.constant 0.000000e+00 : f32
    %max3A_4054 = vector.broadcast %max3A_4053 : f32 to vector<256x128xf32>
    %max3A_4055 = arith.maximumf %add3A_4052, %max3A_4054 : vector<256x128xf32>
    %dot_general3A_4056 = arith.constant dense<0.000000e+00> : vector<256x64xf32>
    %dot_general3A_4057 = tpu.matmul %max3A_4055, %get3A_2629, %dot_general3A_4056 {dimension_numbers = #tpu.dot_dimension_numbers<[1], [0], [0], [1], [0, 0, 1, 1], [], []>, transpose_lhs_hint = false} : vector<256x128xf32>, vector<128x64xf32>, vector<256x64xf32> -> vector<256x64xf32>
    %add3A_4058 = vector.broadcast %get3A_2632 : vector<1x64xf32> to vector<256x64xf32>
    %add3A_4059 = arith.addf %dot_general3A_4057, %add3A_4058 : vector<256x64xf32>
    %mul3A_4060 = vector.broadcast %select_n3A_4038 : f32 to vector<256x64xf32>
    %mul3A_4061 = arith.mulf %add3A_4059, %mul3A_4060 : vector<256x64xf32>
    %add3A_4062 = arith.addf %get3A_4027, %mul3A_4061 : vector<256x64xf32>
    %dot_general3A_4063 = arith.constant dense<0.000000e+00> : vector<256x64xf32>
    %dot_general3A_4064 = tpu.matmul %add3A_4062, %broadcast_in_dim3A_2643, %dot_general3A_4063 {dimension_numbers = #tpu.dot_dimension_numbers<[1], [0], [0], [1], [0, 0, 1, 1], [], []>, transpose_lhs_hint = false} : vector<256x64xf32>, vector<64x64xf32>, vector<256x64xf32> -> vector<256x64xf32>
    %mul3A_4065 = arith.mulf %add3A_4062, %add3A_4062 : vector<256x64xf32>
    %dot_general3A_4066 = arith.constant dense<0.000000e+00> : vector<256x64xf32>
    %dot_general3A_4067 = tpu.matmul %mul3A_4065, %broadcast_in_dim3A_2643, %dot_general3A_4066 {dimension_numbers = #tpu.dot_dimension_numbers<[1], [0], [0], [1], [0, 0, 1, 1], [], []>, transpose_lhs_hint = false} : vector<256x64xf32>, vector<64x64xf32>, vector<256x64xf32> -> vector<256x64xf32>
    %mul3A_4068 = arith.mulf %dot_general3A_4064, %dot_general3A_4064 : vector<256x64xf32>
    %sub3A_4069 = arith.subf %dot_general3A_4067, %mul3A_4068 : vector<256x64xf32>
    %sub3A_4070 = arith.subf %add3A_4062, %dot_general3A_4064 : vector<256x64xf32>
    %add3A_4071 = arith.constant 9.99999974E-6 : f32
    %add3A_4072 = vector.broadcast %add3A_4071 : f32 to vector<256x64xf32>
    %add3A_4073 = arith.addf %sub3A_4069, %add3A_4072 : vector<256x64xf32>
    %rsqrt3A_4074 = math.rsqrt %add3A_4073 : vector<256x64xf32>
    %mul3A_4075 = arith.mulf %sub3A_4070, %rsqrt3A_4074 : vector<256x64xf32>
    %mul3A_4076 = vector.broadcast %get3A_2638 : vector<1x64xf32> to vector<256x64xf32>
    %mul3A_4077 = arith.mulf %mul3A_4075, %mul3A_4076 : vector<256x64xf32>
    %add3A_4078 = vector.broadcast %get3A_2641 : vector<1x64xf32> to vector<256x64xf32>
    %add3A_4079 = arith.addf %mul3A_4077, %add3A_4078 : vector<256x64xf32>
    %swap3A_4080 = arith.constant 22 : index
    %swap3A_4081 = arith.constant 0 : index
    %swap3A_4082 = arith.constant 0 : index
    %swap3A_4083 = vector.load %arg12[%swap3A_4080, %swap3A_4081, %swap3A_4082] : memref<25x256x64xf32, #tpu.memory_space<vmem>>, vector<1x256x64xf32>
    %swap3A_4084 = vector.shape_cast %swap3A_4083 : vector<1x256x64xf32> to vector<256x64xf32>
    %swap3A_4085 = vector.shape_cast %add3A_4079 : vector<256x64xf32> to vector<1x256x64xf32>
    tpu.vector_store %arg12[%swap3A_4080, %swap3A_4081, %swap3A_4082], %swap3A_4085 {strides = array<i32>} : memref<25x256x64xf32, #tpu.memory_space<vmem>>, vector<1x256x64xf32>,
    %get3A_4086 = arith.constant 23 : index
    %get3A_4087 = arith.constant 0 : index
    %get3A_4088 = arith.constant 0 : index
    %get3A_4089 = vector.load %arg2[%get3A_4086, %get3A_4087, %get3A_4088] : memref<25x256x64xf32, #tpu.memory_space<vmem>>, vector<1x256x64xf32>
    %get3A_4090 = vector.shape_cast %get3A_4089 : vector<1x256x64xf32> to vector<256x64xf32>
    %get3A_4091 = arith.constant 23 : index
    %get3A_4092 = memref.load %arg15[%get3A_4091] : memref<32xf32, #tpu.memory_space<smem>>
    %max3A_4093 = arith.constant 1.000000e+00 : f32
    %max3A_4094 = arith.maximumf %get3A_4092, %max3A_4093 : f32
    %div3A_4095 = arith.constant 1.000000e+00 : f32
    %div3A_4096 = arith.divf %div3A_4095, %max3A_4094 : f32
    %gt3A_4097 = arith.constant 0.000000e+00 : f32
    %gt3A_4098 = arith.cmpf ogt, %get3A_4092, %gt3A_4097 : f32
    %jit3A_4099 = arith.constant 1.000000e+00 : f32
    %jit3A_4100 = arith.constant 0.000000e+00 : f32
    %select_n3A_4101 = arith.select %gt3A_4098, %jit3A_4099, %jit3A_4100 : f32
    %get3A_4102 = arith.constant 23 : index
    %get3A_4103 = arith.constant 0 : index
    %get3A_4104 = arith.constant 0 : index
    %get3A_4105 = vector.load %arg14[%get3A_4102, %get3A_4103, %get3A_4104] : memref<25x256x64xf32, #tpu.memory_space<vmem>>, vector<1x256x64xf32>
    %get3A_4106 = vector.shape_cast %get3A_4105 : vector<1x256x64xf32> to vector<256x64xf32>
    %mul3A_4107 = vector.broadcast %div3A_4096 : f32 to vector<256x64xf32>
    %mul3A_4108 = arith.mulf %get3A_4106, %mul3A_4107 : vector<256x64xf32>
    %add3A_4109 = vector.broadcast %get3A_2635 : vector<1x64xf32> to vector<256x64xf32>
    %add3A_4110 = arith.addf %mul3A_4108, %add3A_4109 : vector<256x64xf32>
    %concatenate3A_4111 = tpu.concatenate %get3A_4090, %add3A_4110 in 1 : vector<256x64xf32>, vector<256x64xf32> -> vector<256x128xf32>
    %dot_general3A_4112 = arith.constant dense<0.000000e+00> : vector<256x128xf32>
    %dot_general3A_4113 = tpu.matmul %concatenate3A_4111, %get3A_2623, %dot_general3A_4112 {dimension_numbers = #tpu.dot_dimension_numbers<[1], [0], [0], [1], [0, 0, 1, 1], [], []>, transpose_lhs_hint = false} : vector<256x128xf32>, vector<128x128xf32>, vector<256x128xf32> -> vector<256x128xf32>
    %add3A_4114 = vector.broadcast %get3A_2626 : vector<1x128xf32> to vector<256x128xf32>
    %add3A_4115 = arith.addf %dot_general3A_4113, %add3A_4114 : vector<256x128xf32>
    %max3A_4116 = arith.constant 0.000000e+00 : f32
    %max3A_4117 = vector.broadcast %max3A_4116 : f32 to vector<256x128xf32>
    %max3A_4118 = arith.maximumf %add3A_4115, %max3A_4117 : vector<256x128xf32>
    %dot_general3A_4119 = arith.constant dense<0.000000e+00> : vector<256x64xf32>
    %dot_general3A_4120 = tpu.matmul %max3A_4118, %get3A_2629, %dot_general3A_4119 {dimension_numbers = #tpu.dot_dimension_numbers<[1], [0], [0], [1], [0, 0, 1, 1], [], []>, transpose_lhs_hint = false} : vector<256x128xf32>, vector<128x64xf32>, vector<256x64xf32> -> vector<256x64xf32>
    %add3A_4121 = vector.broadcast %get3A_2632 : vector<1x64xf32> to vector<256x64xf32>
    %add3A_4122 = arith.addf %dot_general3A_4120, %add3A_4121 : vector<256x64xf32>
    %mul3A_4123 = vector.broadcast %select_n3A_4101 : f32 to vector<256x64xf32>
    %mul3A_4124 = arith.mulf %add3A_4122, %mul3A_4123 : vector<256x64xf32>
    %add3A_4125 = arith.addf %get3A_4090, %mul3A_4124 : vector<256x64xf32>
    %dot_general3A_4126 = arith.constant dense<0.000000e+00> : vector<256x64xf32>
    %dot_general3A_4127 = tpu.matmul %add3A_4125, %broadcast_in_dim3A_2643, %dot_general3A_4126 {dimension_numbers = #tpu.dot_dimension_numbers<[1], [0], [0], [1], [0, 0, 1, 1], [], []>, transpose_lhs_hint = false} : vector<256x64xf32>, vector<64x64xf32>, vector<256x64xf32> -> vector<256x64xf32>
    %mul3A_4128 = arith.mulf %add3A_4125, %add3A_4125 : vector<256x64xf32>
    %dot_general3A_4129 = arith.constant dense<0.000000e+00> : vector<256x64xf32>
    %dot_general3A_4130 = tpu.matmul %mul3A_4128, %broadcast_in_dim3A_2643, %dot_general3A_4129 {dimension_numbers = #tpu.dot_dimension_numbers<[1], [0], [0], [1], [0, 0, 1, 1], [], []>, transpose_lhs_hint = false} : vector<256x64xf32>, vector<64x64xf32>, vector<256x64xf32> -> vector<256x64xf32>
    %mul3A_4131 = arith.mulf %dot_general3A_4127, %dot_general3A_4127 : vector<256x64xf32>
    %sub3A_4132 = arith.subf %dot_general3A_4130, %mul3A_4131 : vector<256x64xf32>
    %sub3A_4133 = arith.subf %add3A_4125, %dot_general3A_4127 : vector<256x64xf32>
    %add3A_4134 = arith.constant 9.99999974E-6 : f32
    %add3A_4135 = vector.broadcast %add3A_4134 : f32 to vector<256x64xf32>
    %add3A_4136 = arith.addf %sub3A_4132, %add3A_4135 : vector<256x64xf32>
    %rsqrt3A_4137 = math.rsqrt %add3A_4136 : vector<256x64xf32>
    %mul3A_4138 = arith.mulf %sub3A_4133, %rsqrt3A_4137 : vector<256x64xf32>
    %mul3A_4139 = vector.broadcast %get3A_2638 : vector<1x64xf32> to vector<256x64xf32>
    %mul3A_4140 = arith.mulf %mul3A_4138, %mul3A_4139 : vector<256x64xf32>
    %add3A_4141 = vector.broadcast %get3A_2641 : vector<1x64xf32> to vector<256x64xf32>
    %add3A_4142 = arith.addf %mul3A_4140, %add3A_4141 : vector<256x64xf32>
    %swap3A_4143 = arith.constant 23 : index
    %swap3A_4144 = arith.constant 0 : index
    %swap3A_4145 = arith.constant 0 : index
    %swap3A_4146 = vector.load %arg12[%swap3A_4143, %swap3A_4144, %swap3A_4145] : memref<25x256x64xf32, #tpu.memory_space<vmem>>, vector<1x256x64xf32>
    %swap3A_4147 = vector.shape_cast %swap3A_4146 : vector<1x256x64xf32> to vector<256x64xf32>
    %swap3A_4148 = vector.shape_cast %add3A_4142 : vector<256x64xf32> to vector<1x256x64xf32>
    tpu.vector_store %arg12[%swap3A_4143, %swap3A_4144, %swap3A_4145], %swap3A_4148 {strides = array<i32>} : memref<25x256x64xf32, #tpu.memory_space<vmem>>, vector<1x256x64xf32>,
    %get3A_4149 = arith.constant 24 : index
    %get3A_4150 = arith.constant 0 : index
    %get3A_4151 = arith.constant 0 : index
    %get3A_4152 = vector.load %arg2[%get3A_4149, %get3A_4150, %get3A_4151] : memref<25x256x64xf32, #tpu.memory_space<vmem>>, vector<1x256x64xf32>
    %get3A_4153 = vector.shape_cast %get3A_4152 : vector<1x256x64xf32> to vector<256x64xf32>
    %get3A_4154 = arith.constant 24 : index
    %get3A_4155 = memref.load %arg15[%get3A_4154] : memref<32xf32, #tpu.memory_space<smem>>
    %max3A_4156 = arith.constant 1.000000e+00 : f32
    %max3A_4157 = arith.maximumf %get3A_4155, %max3A_4156 : f32
    %div3A_4158 = arith.constant 1.000000e+00 : f32
    %div3A_4159 = arith.divf %div3A_4158, %max3A_4157 : f32
    %gt3A_4160 = arith.constant 0.000000e+00 : f32
    %gt3A_4161 = arith.cmpf ogt, %get3A_4155, %gt3A_4160 : f32
    %jit3A_4162 = arith.constant 1.000000e+00 : f32
    %jit3A_4163 = arith.constant 0.000000e+00 : f32
    %select_n3A_4164 = arith.select %gt3A_4161, %jit3A_4162, %jit3A_4163 : f32
    %get3A_4165 = arith.constant 24 : index
    %get3A_4166 = arith.constant 0 : index
    %get3A_4167 = arith.constant 0 : index
    %get3A_4168 = vector.load %arg14[%get3A_4165, %get3A_4166, %get3A_4167] : memref<25x256x64xf32, #tpu.memory_space<vmem>>, vector<1x256x64xf32>
    %get3A_4169 = vector.shape_cast %get3A_4168 : vector<1x256x64xf32> to vector<256x64xf32>
    %mul3A_4170 = vector.broadcast %div3A_4159 : f32 to vector<256x64xf32>
    %mul3A_4171 = arith.mulf %get3A_4169, %mul3A_4170 : vector<256x64xf32>
    %add3A_4172 = vector.broadcast %get3A_2635 : vector<1x64xf32> to vector<256x64xf32>
    %add3A_4173 = arith.addf %mul3A_4171, %add3A_4172 : vector<256x64xf32>
    %concatenate3A_4174 = tpu.concatenate %get3A_4153, %add3A_4173 in 1 : vector<256x64xf32>, vector<256x64xf32> -> vector<256x128xf32>
    %dot_general3A_4175 = arith.constant dense<0.000000e+00> : vector<256x128xf32>
    %dot_general3A_4176 = tpu.matmul %concatenate3A_4174, %get3A_2623, %dot_general3A_4175 {dimension_numbers = #tpu.dot_dimension_numbers<[1], [0], [0], [1], [0, 0, 1, 1], [], []>, transpose_lhs_hint = false} : vector<256x128xf32>, vector<128x128xf32>, vector<256x128xf32> -> vector<256x128xf32>
    %add3A_4177 = vector.broadcast %get3A_2626 : vector<1x128xf32> to vector<256x128xf32>
    %add3A_4178 = arith.addf %dot_general3A_4176, %add3A_4177 : vector<256x128xf32>
    %max3A_4179 = arith.constant 0.000000e+00 : f32
    %max3A_4180 = vector.broadcast %max3A_4179 : f32 to vector<256x128xf32>
    %max3A_4181 = arith.maximumf %add3A_4178, %max3A_4180 : vector<256x128xf32>
    %dot_general3A_4182 = arith.constant dense<0.000000e+00> : vector<256x64xf32>
    %dot_general3A_4183 = tpu.matmul %max3A_4181, %get3A_2629, %dot_general3A_4182 {dimension_numbers = #tpu.dot_dimension_numbers<[1], [0], [0], [1], [0, 0, 1, 1], [], []>, transpose_lhs_hint = false} : vector<256x128xf32>, vector<128x64xf32>, vector<256x64xf32> -> vector<256x64xf32>
    %add3A_4184 = vector.broadcast %get3A_2632 : vector<1x64xf32> to vector<256x64xf32>
    %add3A_4185 = arith.addf %dot_general3A_4183, %add3A_4184 : vector<256x64xf32>
    %mul3A_4186 = vector.broadcast %select_n3A_4164 : f32 to vector<256x64xf32>
    %mul3A_4187 = arith.mulf %add3A_4185, %mul3A_4186 : vector<256x64xf32>
    %add3A_4188 = arith.addf %get3A_4153, %mul3A_4187 : vector<256x64xf32>
    %dot_general3A_4189 = arith.constant dense<0.000000e+00> : vector<256x64xf32>
    %dot_general3A_4190 = tpu.matmul %add3A_4188, %broadcast_in_dim3A_2643, %dot_general3A_4189 {dimension_numbers = #tpu.dot_dimension_numbers<[1], [0], [0], [1], [0, 0, 1, 1], [], []>, transpose_lhs_hint = false} : vector<256x64xf32>, vector<64x64xf32>, vector<256x64xf32> -> vector<256x64xf32>
    %mul3A_4191 = arith.mulf %add3A_4188, %add3A_4188 : vector<256x64xf32>
    %dot_general3A_4192 = arith.constant dense<0.000000e+00> : vector<256x64xf32>
    %dot_general3A_4193 = tpu.matmul %mul3A_4191, %broadcast_in_dim3A_2643, %dot_general3A_4192 {dimension_numbers = #tpu.dot_dimension_numbers<[1], [0], [0], [1], [0, 0, 1, 1], [], []>, transpose_lhs_hint = false} : vector<256x64xf32>, vector<64x64xf32>, vector<256x64xf32> -> vector<256x64xf32>
    %mul3A_4194 = arith.mulf %dot_general3A_4190, %dot_general3A_4190 : vector<256x64xf32>
    %sub3A_4195 = arith.subf %dot_general3A_4193, %mul3A_4194 : vector<256x64xf32>
    %sub3A_4196 = arith.subf %add3A_4188, %dot_general3A_4190 : vector<256x64xf32>
    %add3A_4197 = arith.constant 9.99999974E-6 : f32
    %add3A_4198 = vector.broadcast %add3A_4197 : f32 to vector<256x64xf32>
    %add3A_4199 = arith.addf %sub3A_4195, %add3A_4198 : vector<256x64xf32>
    %rsqrt3A_4200 = math.rsqrt %add3A_4199 : vector<256x64xf32>
    %mul3A_4201 = arith.mulf %sub3A_4196, %rsqrt3A_4200 : vector<256x64xf32>
    %mul3A_4202 = vector.broadcast %get3A_2638 : vector<1x64xf32> to vector<256x64xf32>
    %mul3A_4203 = arith.mulf %mul3A_4201, %mul3A_4202 : vector<256x64xf32>
    %add3A_4204 = vector.broadcast %get3A_2641 : vector<1x64xf32> to vector<256x64xf32>
    %add3A_4205 = arith.addf %mul3A_4203, %add3A_4204 : vector<256x64xf32>
    %swap3A_4206 = arith.constant 24 : index
    %swap3A_4207 = arith.constant 0 : index
    %swap3A_4208 = arith.constant 0 : index
    %swap3A_4209 = vector.load %arg12[%swap3A_4206, %swap3A_4207, %swap3A_4208] : memref<25x256x64xf32, #tpu.memory_space<vmem>>, vector<1x256x64xf32>
    %swap3A_4210 = vector.shape_cast %swap3A_4209 : vector<1x256x64xf32> to vector<256x64xf32>
    %swap3A_4211 = vector.shape_cast %add3A_4205 : vector<256x64xf32> to vector<1x256x64xf32>
    tpu.vector_store %arg12[%swap3A_4206, %swap3A_4207, %swap3A_4208], %swap3A_4211 {strides = array<i32>} : memref<25x256x64xf32, #tpu.memory_space<vmem>>, vector<1x256x64xf32>,
    return
  }
  func.func @transform_0(%arg0: i32, %arg1: memref<48x2xi32, #tpu.memory_space<smem>>) -> (i32, i32, i32) {
    %c0_i32 = arith.constant 0 : i32
    %c0_i32_0 = arith.constant 0 : i32
    %c0_i32_1 = arith.constant 0 : i32
    return %c0_i32, %arg0, %c0_i32_0 : i32, i32, i32
  }
  func.func @transform_1(%arg0: i32, %arg1: memref<48x2xi32, #tpu.memory_space<smem>>) -> (i32, i32, i32) {
    %c0_i32 = arith.constant 0 : i32
    %c0_i32_0 = arith.constant 0 : i32
    %c0_i32_1 = arith.constant 0 : i32
    return %c0_i32, %arg0, %c0_i32_0 : i32, i32, i32
  }
  func.func @transform_2(%arg0: i32, %arg1: memref<48x2xi32, #tpu.memory_space<smem>>) -> (i32, i32) {
    %c0_i32 = arith.constant 0 : i32
    %c0_i32_0 = arith.constant 0 : i32
    %c0_i32_1 = arith.constant 0 : i32
    return %c0_i32, %c0_i32_0 : i32, i32
  }
  func.func @transform_3(%arg0: i32, %arg1: memref<48x2xi32, #tpu.memory_space<smem>>) -> (i32, i32) {
    %c0_i32 = arith.constant 0 : i32
    %c0_i32_0 = arith.constant 0 : i32
    %c0_i32_1 = arith.constant 0 : i32
    return %c0_i32, %c0_i32_0 : i32, i32
  }
  func.func @transform_4(%arg0: i32, %arg1: memref<48x2xi32, #tpu.memory_space<smem>>) -> (i32, i32) {
    %c0_i32 = arith.constant 0 : i32
    %c0_i32_0 = arith.constant 0 : i32
    %c0_i32_1 = arith.constant 0 : i32
    return %c0_i32, %c0_i32_0 : i32, i32
  }
  func.func @transform_5(%arg0: i32, %arg1: memref<48x2xi32, #tpu.memory_space<smem>>) -> (i32, i32) {
    %c0_i32 = arith.constant 0 : i32
    %c0_i32_0 = arith.constant 0 : i32
    %c0_i32_1 = arith.constant 0 : i32
    return %c0_i32, %c0_i32_0 : i32, i32
  }
  func.func @transform_6(%arg0: i32, %arg1: memref<48x2xi32, #tpu.memory_space<smem>>) -> (i32, i32) {
    %c0_i32 = arith.constant 0 : i32
    %c0_i32_0 = arith.constant 0 : i32
    %c0_i32_1 = arith.constant 0 : i32
    return %c0_i32, %c0_i32_0 : i32, i32
  }
  func.func @transform_7(%arg0: i32, %arg1: memref<48x2xi32, #tpu.memory_space<smem>>) -> (i32, i32) {
    %c0_i32 = arith.constant 0 : i32
    %c0_i32_0 = arith.constant 0 : i32
    %c0_i32_1 = arith.constant 0 : i32
    return %c0_i32, %c0_i32_0 : i32, i32
  }
  func.func @transform_8(%arg0: i32, %arg1: memref<48x2xi32, #tpu.memory_space<smem>>) -> (i32, i32) {
    %c0_i32 = arith.constant 0 : i32
    %c0_i32_0 = arith.constant 0 : i32
    %c0_i32_1 = arith.constant 0 : i32
    return %c0_i32, %c0_i32_0 : i32, i32
  }
  func.func @transform_9(%arg0: i32, %arg1: memref<48x2xi32, #tpu.memory_space<smem>>) -> (i32, i32) {
    %c0_i32 = arith.constant 0 : i32
    %c0_i32_0 = arith.constant 0 : i32
    %c0_i32_1 = arith.constant 0 : i32
    return %c0_i32, %c0_i32_0 : i32, i32
  }
  func.func @transform_10(%arg0: i32, %arg1: memref<48x2xi32, #tpu.memory_space<smem>>) -> (i32, i32, i32) {
    %c0_i32 = arith.constant 0 : i32
    %c0_i32_0 = arith.constant 0 : i32
    %c0_i32_1 = arith.constant 0 : i32
    return %c0_i32, %arg0, %c0_i32_0 : i32, i32, i32
  }
}

</mosaic_0001>

<sc_bundles>
// kernel: sparse-core-data-format-call.cloned.1.call-start
scs
called_computation_lowered:
.L_overlay_start_0:
0x0: {  	s2 =	sld [smem:$0x3FD9]  }
0x1: {  	s3 =	sld [smem:$0x3FFE];
	_ =	sdelay $0x1  }
0x2: {  	s1 =	srdreg.scid  }
0x3: {  	s0 =	sand.u32 $0x1, s1  }
0x4: {  	s18 =	sshll.u32 s0, $0xA;
	s2 =	sadd.s32 s3, s2  }
0x5: {  	s2 =	sadd.s32 s2, s18  }
0x6: {  	[smem:$0x3FBB] =	sst s2  }
0x7: {  	_ = 	snop  }
0x8: {  	s2 =	sld [smem:$0x3FD0];
	(tm) =	ssettm $0x1  }
0x9: {  	s19 =	sld [smem:$0x3FFB];
	_ =	sdelay $0x3  }
0xa: {  	_ =	strace s19  }
0xb: {  	s3 =	sld [smem:$0x3FFC];
	_ =	sdelay $0x3  }
0xc: {  	_ =	strace s3  }
0xd: {  	s3 =	sld [smem:$0x3FFD];
	_ =	sdelay $0x3  }
0xe: {  	_ =	strace s3  }
0xf: {  	_ =	strace $0x8FFFFFFF  }
0x10: {  	s20 =	sld [smem:$0x3FDB];
	_ =	sdelay $0x1  }
0x11: {  	s4 =	simm.s32 $_scs_section_size  }
0x12: {  	s5 =	simm.s32 $_size__tile_overlayer_lowered;
	s6 =	simm.s32 $_tile_overlayer_lowered  }
0x13: {  	s23 =	simm.s32 $0x1BFF;
	s22 =	sshll.u32 s6, $0x1;
	s3 =	sadd.s32 s4, s20  }
0x14: {  	s7 =	simm.s32 $0x0;
	s21 =	sshll.u32 s5, $0x1;
	s5 =	sadd.s32 s22, s3  }
0x15: {  	[timem:s7], [sflag:s23] =	dma.local [hbm:s5], s21  }
0x16: {  	_ =	swait.ge [sflag:s23], s21  }
0x17: {  	s4 =	ssub.s32 $0x0, s21;
	[sflag:s23] =	ssyncset.done $0x0  }
0x18: {  	[sflag:s23] =	ssyncadd.s32 s4;
	_ =	sdelay $0x1  }
0x19: {  	s24 =	simm.s32 $0x1B8B  }
0x1a: {  	_ =	swait.ge [sflag:s24], $0x1  }
0x1b: {  	[sflag:s24] =	ssyncset.done $0x0  }
0x1c: {  	s26 =	simm.s32 $0x1B8E;
	s25 =	sld [smem:$0x3FFE];
	[sflag:s24] =	ssyncadd.s32 $0xFFFFFFFF  }
0x1d: {  	s27 =	simm.s32 $execute0_lowered;
	[smem:$0x3FD2] =	sst s26  }
0x1e: {  	s5 =	sshll.u32 s27, $0x1;
	_ =	strace $0x80000046;
	[dreg:$0x1] =	wrdreg $0xFFFFFFFF  }
0x1f: {  	s28 =	simm.s32 $_size_execute0_lowered;
	s3 =	sadd.s32 s3, s5;
	[dreg:$0x0] =	wrdreg $0x0  }
0x20: {  	s5 =	sshll.u32 s28, $0x1;
	[dreg:$0x2] =	wrdreg s3  }
0x21: {  	[dreg:$0x3] =	wrdreg s5  }
0x22: {  	[dreg:$0x4] =	wrdreg $0xC0  }
0x23: {  	_ =	task [dreg:s7], $0x5FFFF  }
0x24: {  	[dreg:$0x1] =	wrdreg $0xFFFFFFFF  }
0x25: {  	[dreg:$0x0] =	wrdreg $0x60  }
0x26: {  	[dreg:$0x2] =	wrdreg s25  }
0x27: {  	[dreg:$0x3] =	wrdreg s2  }
0x28: {  	[dreg:$0x4] =	wrdreg $0x9  }
0x29: {  	_ =	task.clear_ibuf [dreg:s7], $0x5FFFF;
	_ =	strace $0x90000046  }
0x2a: {  	s29 =	simm.s32 $0x9;
	_ =	strace $0x80000048  }
0x2b: {  	_ =	swait.ge [sflag:s29], $0x1  }
0x2c: {  	[sflag:s29] =	ssyncadd.s32 $0xFFFFFFFF  }
0x2d: {  	_ =	strace $0x90000048  }
0x2e: {  	_ =	sfence  }
0x2f: {  	s30 =	sld [smem:$0x0];
	_ =	sdelay $0x2  }
0x30: {  	s31 =	sshll.u32 s1, $0xD;
	s1 =	sshrl.u32 s1, $0x2  }
0x31: {  	s3 =	sand.u32 $0x4000, s31;
	s1 =	sadd.s32 s1, s30  }
0x32: {  	s0 =	sor.u32 s3, s0;
	s1 =	sshll.u32 s1, $0x11  }
0x33: {  	s0 =	sor.u32 s1, s0  }
0x34: {  	s0 =	sadd.s32 $0x8F2B, s0  }
0x35: {  	[sflag:s0] =	ssyncadd.remote.s32 $0x1  }
0x36: {  	_ =	sfence.sel $0xFFFF  }
0x37: {  	[dreg:$0x0] =	wrdreg $0xFFFFFFFF;
	(pc) =	sbr.abs _section_cstart, $3  }
0x38: {  	[dreg:$0x1] =	wrdreg $0xFFFFFFFF  }
0x39: {  	_ =	task.clear_ibuf [dreg:s7], $0x2FFFF;
	_ =	strace $0x9FFFFFFF  }
0x3a: {  	(tm) =	ssettm $0x7FFFFFFF  }
0x3b: {  	_ =	shalt  }
tec
execute0_lowered:
.L_overlay_start_1:
0x0: {  	(tag) =	ssettag $0x1  }
0x1: {  	s0 =	srdreg.scid  }
0x2: {  	s1 =	sshll.u32 s0, $0x4  }
0x3: {  	s0 =	stileid.u32;
	s1 =	sand.u32 $0x10, s1  }
0x4: {  	s1 =	sor.u32 s0, s1  }
0x5: {  	s6 =	rddreg [dreg:$0x0];
	s4 =	simm.s32 $0x1;
	s2 =	sshll.u32 s1, $0x7  }
0x6: {  	s7 =	simm.s32 $0x2;
	s12 =	simm.s32 $0x0;
	s1 =	ssub.s32 $0x4000, s2  }
0x7: {  	s8 =	simm.s32 $0x20000;
	s13 =	simm.s32 $0x0;
	s3 =	sand.u32 $0xF80, s1  }
0x8: {  	s10 =	simm.s32 $0x0;
	s5 =	sshrl.u32 s1, $0xC;
	p0 =	sne.s32 s3, $0x0  }
.Ltmp0:
0x9: {  	s1 =	rddreg [dreg:$0x2];
	s4 =	simm.s32 @!p0 $0x0;
	(pc) =	sbr.rel .LBB1_1-.Ltmp0, $4  }
0xa: {  	s11 =	simm.s32 $0x0;
	s3 =	rddreg [dreg:$0x1];
	s5 =	sadd.s32 s4, s5  }
0xb: {  	_ =	strace $0x80000047;
	s4 =	simm.s32 $0x1;
	s5 =	smul.u32 $0x19, s5  }
0xc: {  	s6 =	sadd.s32 $0xC81C00, s6;
	s9 =	smov.u32 s2;
	[sflag:s4] =	ssyncpa.u1 $0x0  }
0xd: {  	p0 =	por $0x0, $0x0;
	[sflag:s7] =	ssyncpa.u1 $0x0;
	s7 =	sadd.s32 $0x1, s5  }
.LBB1_4:
0xe: {  	s16 =	sshll.u32 s12, $0x3;
	s17 =	sand.u32 $0x78, s12  }
0xf: {  	s13 =	sshll.u32 s13, $0x11;
	s30 =	sand.u32 $0x1F800, s12;
	s16 =	sand.u32 $0x3C00, s16  }
0x10: {  	[tilespmem:s15+$0x810 ss:$0x81] =	vst.msk $0xffff, v2;
	s31 =	sand.u32 $0x7, s12;
	s13 =	sadd.s32 s3, s13;
	s16 =	sor.u32 s17, s16  }
0x11: {  	[tilespmem:s15+$0x1020 ss:$0x81] =	vst.msk $0xffff, v0;
	s12 =	sshll.u32 s31, $0x12;
	s13 =	sadd.s32 s30, s13;
	s16 =	sshrl.u32 s16, $0x3  }
0x12: {  	[tilespmem:s15+$0x0 ss:$0x81] =	vst.msk $0xffff, v1;
	s12 =	sor.u32 $0x400, s12;
	s13 =	sadd.s32 s16, s13  }
0x13: {  	[hbm4b:s13+s12] =	stream.strided.scatter [tilespmem:s14], [sflag:$0x2], $0x2000, s8, s12, $0x20;
	[tilespmem:$0x8080] =	vst v63  }
.LBB1_5:
0x14: {  	s14 =	sadd.s32 $0x1000, s9  }
0x15: {  	s12 =	simm.s32 $0x1;
	p2 =	sgt.s32 s14, $0x3FFF  }
0x16: {  	s12 =	simm.s32 @!p2 $0x0  }
0x17: {  	s16 =	sadd.s32 s12, s10  }
0x18: {  	s14 =	smov.u32 @p2 s2;
	p2 =	sgt.s32 s16, $0x18  }
0x19: {  	s16 =	simm.s32 @p2 $0x0;
	p2 =	sne.s32 s11, s7  }
.Ltmp1:
0x1a: {  	p1 =	slt.u32 s11, $0x2;
	(pc) =	sbr.rel @!p2 .LBB1_6-.Ltmp1, $4  }
0x1b: {  	s15 =	simm.s32 @!p1 $0x2  }
0x1c: {  	s13 =	smov.u32 s10;
	p0 =	por !p0, !p0;
	_ =	swait.ge @!p1 [sflag:s15], $0x2000  }
0x1d: {  	[sflag:s15] =	ssyncset.done @!p1 $0x0;
	s12 =	smov.u32 s9;
	s9 =	smov.u32 s14  }
0x1e: {  	[sflag:s15] =	ssyncadd.s32 @!p1 $0xFFFFE000;
	s11 =	sadd.s32 $0x1, s11;
	s10 =	smov.u32 s16  }
.LBB1_1:
0x1f: {  	p1 =	sge.u32 s11, s5  }
0x20: {  	s31 =	sadd.s32 $0xFFFFFFFF, s11;
	s14 =	sxor.u32 @!p1 $0xFFFFFFFF, s11  }
0x21: {  	s15 =	sshll.u32 @!p1 s10, $0x12;
	s16 =	sshll.u32 @!p1 s9, $0x4;
	s17 =	simm.s32 @!p1 $0x80  }
0x22: {  	s14 =	sshll.u32 @!p1 s14, $0xD;
	s16 =	sand.u32 @!p1 $0x3FFF0, s16;
	s15 =	sadd.s32 @!p1 s6, s15  }
0x23: {  	s14 =	sand.u32 @!p1 $0x2000, s14;
	s15 =	sadd.s32 @!p1 s16, s15;
	s16 =	simm.s32 @!p1 $0x40  }
0x24: {  	[tilespmem:s14], [sflag:$0x1] =	stream.strided.gather @!p1 [hbm4b:s15+s16], $0x2000, s17, s16, $0x38;
	[tilespmem:$0x8080] =	vst v63  }
0x25: {  	p1 =	sge.u32 s31, s5  }
.Ltmp2:
0x26: {  	_ = 	snop;
	(pc) =	sbr.rel @p1 .LBB1_5-.Ltmp2, $1  }
0x27: {  	_ =	sdelay $0x3  }
0x28: {  	s14 =	simm.s32 $0x1  }
0x29: {  	_ =	swait.ge [sflag:s4], $0x2000;
	s14 =	simm.s32 @!p0 $0x0  }
0x2a: {  	[sflag:s4] =	ssyncset.done $0x0;
	s15 =	sshll.u32 s14, $0xD  }
0x2b: {  	[sflag:s4] =	ssyncadd.s32 $0xFFFFE000;
	s18 =	sor.u32 $0x20, s15  }
0x2c: {  	s14 =	smul.u32 $0x8100, s14;
	v3 =	vld [tilespmem:s18+$0x10]  }
0x2d: {  	s30 =	sand.u32 $0x1, s11;
	v2 =	vld [tilespmem:s18+$0xFFFFFFF0]  }
0x2e: {  	s15 =	smul.u32 $0x8100, s30;
	s14 =	sshrl.u32 s14, $0x2;
	v0 =	vld [tilespmem:s18+$0x0]  }
0x2f: {  	v1 =	vld [tilespmem:s18+$0xFFFFFFE0];
	s16 =	sor.u32 $0x4000, s14  }
0x30: {  	s31 =	sshrl.u32 s15, $0x2;
	s15 =	sadd.s32 $0x0, s16  }
0x31: {  	s17 =	simm.s32 $0x4;
	s18 =	sadd.s32 $0x40, s18;
	s14 =	sor.u32 $0x4000, s31;
	[tilespmem:s15+$0x1830 ss:$0x81] =	vst.msk $0xffff, v3  }
.LBB1_3:
0x32: {  	v3 =	vld [tilespmem:s18+$0x10];
	p1 =	sne.s32 s17, $0x1FC;
	[tilespmem:s15+$0x810 ss:$0x81] =	vst.msk $0xffff, v2;
	s19 =	smov.u32 s17;
	s17 =	sadd.s32 $0x4, s17  }
.Ltmp3:
0x33: {  	v2 =	vld [tilespmem:s18+$0xFFFFFFF0];
	[tilespmem:s15+$0x1020 ss:$0x81] =	vst.msk $0xffff, v0;
	(pc) =	sbr.rel @p1 .LBB1_3-.Ltmp3, $4  }
0x34: {  	v0 =	vld [tilespmem:s18+$0x0];
	[tilespmem:s15+$0x0 ss:$0x81] =	vst.msk $0xffff, v1  }
0x35: {  	s15 =	sshra.s32 s19, $0x2;
	v1 =	vld [tilespmem:s18+$0xFFFFFFE0]  }
0x36: {  	s15 =	sadd.s32 s15, s16  }
0x37: {  	s18 =	sadd.s32 $0x40, s18;
	[tilespmem:s15+$0x1830 ss:$0x81] =	vst.msk $0xffff, v3  }
.Ltmp4:
0x38: {  	_ = 	snop;
	(pc) =	sbr.rel .LBB1_4-.Ltmp4, $1  }
0x39: {  	_ =	sdelay $0x3  }
.LBB1_6:
0x3a: {  	_ =	sfence.sel $0x180000  }
0x3b: {  	s2 =	simm.s32 $0x1;
	[bflag:$0x0] =	sbarrier.arrive $0xFFFF  }
0x3c: {  	s31 =	simm.s32 $0x2;
	[sflag:s2] =	ssyncpa.u1 $0x1  }
0x3d: {  	[sflag:s31] =	ssyncpa.u1 $0x1  }
0x3e: {  	p0 =	sne.s32 s0, $0x0;
	_ =	strace $0x90000047  }
0x3f: {  	s0 =	sadd.s32 @!p0 $0x100000, s1;
	[bflag:$0x2] =	sbarrier.arrive $0xFFFF  }
0x40: {  	[sflag:s0] =	ssyncadd.tile.s32 @!p0 $0x1;
	_ =	shalt  }
.Lfunc_end1:
_tile_overlayer_lowered:
.L_overlay_start_2:
0x41: {  	(tag) =	ssettag $0x2  }
0x42: {  	s0 =	rddreg [dreg:$0x0];
	s2 =	stileid.u32  }
0x43: {  	s1 =	rddreg [dreg:$0x1];
	p0 =	sne.s32 s2, $0x0  }
0x44: {  	s3 =	rddreg [dreg:$0x2];
	[bflag:$0x3] =	sbarrier.arrive $0xFFFF;
	s2 =	simm.s32 @!p0 $0x1C01  }
0x45: {  	[timem:s3], [sflag:s2] =	dma.local @!p0 [hbm:s0], s1  }
0x46: {  	s0 =	simm.s32 @!p0 $0x1  }
0x47: {  	_ =	swait.ge @!p0 [sflag:s0], s1  }
0x48: {  	s1 =	ssub.s32 @!p0 $0x0, s1;
	[sflag:s0] =	ssyncset.done @!p0 $0x0  }
0x49: {  	[sflag:s0] =	ssyncadd.s32 @!p0 s1  }
0x4a: {  	[bflag:$0x3] =	sbarrier.arrive $0xFFFF  }
0x4b: {  	_ =	shalt  }

</sc_bundles>
